<compile_context>
chip_gen: v7x
topology: tpu7x:2x2x1
jax: 0.10.2.dev20260603
libtpu: 0.0.44.dev20260713+nightly
codegen_flags: <defaults>
</compile_context>

<pallas_src>
import functools

import jax
import jax.numpy as jnp
import numpy as np
from jax import lax
from jax.experimental import pallas as pl
from jax.experimental.pallas import tpu as pltpu
from jax.experimental.pallas import tpu_sc as plsc

_CROP_H = 7
_CROP_W = 7
_S = _CROP_H * _CROP_W

_B, _C, _H, _W = 4, 256, 224, 224
_HW = _H * _W
_NBOX = 2000
_NP = 2048
_SP = 64

_NC, _NS = 2, 16
_NW = _NC * _NS
_BPW = _NP // _NW
_OSZ = _C * _S

_HWB = 3584



def _transpose_in_body(x_ref, o_ref):
    o_ref[0] = x_ref[0].T


def _make_table(image):
    img3 = image.reshape(_B, _C, _HW)
    t = pl.pallas_call(
        _transpose_in_body,
        grid=(_B, _HW // _HWB),
        in_specs=[pl.BlockSpec((1, _C, _HWB), lambda b, h: (b, 0, h))],
        out_specs=pl.BlockSpec((1, _HWB, _C), lambda b, h: (b, h, 0)),
        out_shape=jax.ShapeDtypeStruct((_B, _HW, _C), jnp.float32),
    )(img3)
    return t.reshape(_B * _HW, _C)



_IW = 208


def _coord_parts(boxes, ss):
    y1 = boxes[:, 0:1]
    x1 = boxes[:, 1:2]
    y2 = boxes[:, 2:3]
    x2 = boxes[:, 3:4]
    i = (ss // _CROP_W).astype(jnp.float32)
    j = (ss % _CROP_W).astype(jnp.float32)
    ys = y1 * (_H - 1) + i * ((y2 - y1) * (_H - 1) / (_CROP_H - 1))
    xs = x1 * (_W - 1) + j * ((x2 - x1) * (_W - 1) / (_CROP_W - 1))
    oy = (ys < 0) | (ys > (_H - 1))
    ox = (xs < 0) | (xs > (_W - 1))
    y0f = jnp.floor(ys)
    x0f = jnp.floor(xs)
    yl = ys - y0f
    xl = xs - x0f
    y0i = jnp.clip(y0f, 0, _H - 1).astype(jnp.int32)
    y1i = jnp.clip(y0f + 1, 0, _H - 1).astype(jnp.int32)
    x0i = jnp.clip(x0f, 0, _W - 1).astype(jnp.int32)
    x1i = jnp.clip(x0f + 1, 0, _W - 1).astype(jnp.int32)
    return y0i, y1i, x0i, x1i, yl, xl, oy, ox


_IR = 8
_WR = 32
_IBLK = 1024
_WBLK = 4096


def _coords_idx_body(boxes_ref, bidx_ref, oi_ref):
    boxes = boxes_ref[...]
    r = lax.broadcasted_iota(jnp.int32, (_IBLK, 128), 0)
    l = lax.broadcasted_iota(jnp.int32, (_IBLK, 128), 1)
    c = (r % _IR) * 128 + l
    sc = c // 4
    kc = c % 4
    y0i, y1i, x0i, x1i, _, _, _, _ = _coord_parts(boxes, sc)
    yi = jnp.where(kc >= 2, y1i, y0i)
    xi = jnp.where(kc % 2 == 1, x1i, x0i)
    base = bidx_ref[:, 0:1] * _HW
    oi_ref[...] = base + yi * _W + xi


def _coords_w_body(boxes_ref, ow_ref):
    boxes = boxes_ref[...]
    r = lax.broadcasted_iota(jnp.int32, (_WBLK, 128), 0)
    l = lax.broadcasted_iota(jnp.int32, (_WBLK, 128), 1)
    q = (r % _WR) * 128 + l
    sq = q // 64
    kq = (q % 64) // 16
    _, _, _, _, yl, xl, oy, ox = _coord_parts(boxes, sq)
    vf = jnp.where(~oy & ~ox & (sq < _S), 1.0, 0.0).astype(jnp.float32)
    wy = jnp.where(kq >= 2, yl, 1.0 - yl)
    wx = jnp.where(kq % 2 == 1, xl, 1.0 - xl)
    ow_ref[...] = wy * wx * vf


def _coords(boxes_p, bidx_p):
    boxes8 = jnp.repeat(boxes_p, _IR, axis=0)
    bidx8 = jnp.repeat(bidx_p, _IR, axis=0)
    boxes32 = jnp.repeat(boxes_p, _WR, axis=0)
    idx2 = pl.pallas_call(
        _coords_idx_body,
        grid=(_NP * _IR // _IBLK,),
        in_specs=[pl.BlockSpec((_IBLK, 4), lambda n: (n, 0)),
                  pl.BlockSpec((_IBLK, 128), lambda n: (n, 0))],
        out_specs=pl.BlockSpec((_IBLK, 128), lambda n: (n, 0)),
        out_shape=jax.ShapeDtypeStruct((_NP * _IR, 128), jnp.int32),
    )(boxes8, bidx8)
    w2 = pl.pallas_call(
        _coords_w_body,
        grid=(_NP * _WR // _WBLK,),
        in_specs=[pl.BlockSpec((_WBLK, 4), lambda n: (n, 0))],
        out_specs=pl.BlockSpec((_WBLK, 128), lambda n: (n, 0)),
        out_shape=jax.ShapeDtypeStruct((_NP * _WR, 128), jnp.float32),
    )(boxes32)
    return idx2, w2



_MESH = plsc.VectorSubcoreMesh(
    core_axis_name="c", subcore_axis_name="s", num_cores=_NC, num_subcores=_NS
)

_LANE = np.arange(16, dtype=np.int32)


def _sc_gather(table, idx4, w4):
    @functools.partial(
        pl.kernel,
        out_type=jax.ShapeDtypeStruct((_NBOX, 56, _C), jnp.float32),
        mesh=_MESH,
        scratch_types=(
            [pltpu.VMEM((_IR, 128), jnp.int32) for _ in range(2)]
            + [pltpu.VMEM((_WR, 128), jnp.float32) for _ in range(2)]
            + [pltpu.VMEM((200, _C), jnp.float32) for _ in range(2)]
            + [pltpu.VMEM((56, _C), jnp.float32)]
            + [pltpu.SemaphoreType.DMA for _ in range(5)]
        ),
    )
    def k(idx4_h, w4_h, table_h, out_h,
          is0, is1, ws0, ws1, ra, rb, ob,
          isem0, isem1, gsem0, gsem1, osem):
        wid = lax.axis_index("s") * _NC + lax.axis_index("c")
        base_box = wid * _BPW
        rsl = (ra, rb)
        isl = (is0, is1)
        wsl = (ws0, ws1)
        isem = (isem0, isem1)
        gsem = (gsem0, gsem1)

        def issue_ixw(b, slot):
            nb = base_box + b
            pltpu.async_copy(
                idx4_h.at[pl.ds(nb * _IR, _IR)], isl[slot], isem[slot])
            pltpu.async_copy(
                w4_h.at[pl.ds(nb * _WR, _WR)], wsl[slot], isem[slot])

        def wait_ixw(slot):
            pltpu.make_async_copy(
                idx4_h.at[pl.ds(0, _IR)], isl[slot], isem[slot]).wait()
            pltpu.make_async_copy(
                w4_h.at[pl.ds(0, _WR)], wsl[slot], isem[slot]).wait()

        def issue_gathers(slot):
            pltpu.async_copy(
                table_h.at[isl[slot].at[0]],
                rsl[slot].at[pl.ds(0, 128)], gsem[slot])
            pltpu.async_copy(
                table_h.at[isl[slot].at[1, pl.ds(0, 72)]],
                rsl[slot].at[pl.ds(128, 72)], gsem[slot])

        def wait_gathers(slot):
            pltpu.make_async_copy(
                table_h.at[isl[slot].at[0]],
                rsl[slot].at[pl.ds(0, 128)], gsem[slot]).wait()
            pltpu.make_async_copy(
                table_h.at[isl[slot].at[1, pl.ds(0, 72)]],
                rsl[slot].at[pl.ds(128, 72)], gsem[slot]).wait()

        def issue_flush(nb):
            pltpu.async_copy(ob, out_h.at[nb], osem)

        def wait_flush():
            pltpu.make_async_copy(ob, out_h.at[0], osem).wait()

        def compute_box(slot):
            rr = rsl[slot]
            ww = wsl[slot]

            @plsc.parallel_loop(0, _S, 1, unroll=4)
            def _(s):
                r0 = 4 * s
                wr = s // 2
                wc = (s % 2) * 64
                a0 = ww[wr, pl.ds(wc, 16)]
                a1 = ww[wr, pl.ds(wc + 16, 16)]
                a2 = ww[wr, pl.ds(wc + 32, 16)]
                a3 = ww[wr, pl.ds(wc + 48, 16)]
                for cc in range(_C // 16):
                    sl = pl.ds(cc * 16, 16)
                    ob[s, sl] = (
                        rr[r0, sl] * a0 + rr[r0 + 1, sl] * a1
                        + rr[r0 + 2, sl] * a2 + rr[r0 + 3, sl] * a3)

        issue_ixw(0, 0)
        wait_ixw(0)
        issue_gathers(0)
        issue_ixw(1, 1)

        def body(b, carry):
            nb = base_box + b

            def half(par):
                @pl.when(b < _BPW - 1)
                def _():
                    wait_ixw(1 - par)
                    issue_gathers(1 - par)
                wait_gathers(par)

                @pl.when((b >= 1) & (nb - 1 < _NBOX))
                def _():
                    wait_flush()
                compute_box(par)

                @pl.when(nb < _NBOX)
                def _():
                    issue_flush(nb)

                @pl.when(b < _BPW - 2)
                def _():
                    issue_ixw(b + 2, par)

            @pl.when(b % 2 == 0)
            def _():
                half(0)

            @pl.when(b % 2 == 1)
            def _():
                half(1)

            return carry

        lax.fori_loop(0, _BPW, body, 0)

        @pl.when(base_box + _BPW - 1 < _NBOX)
        def _():
            wait_flush()

    return k(idx4, w4, table)



_NBLK = 8
_EYE = np.eye(_S, dtype=np.float32)


def _final_body(x_ref, eye_ref, o_ref):
    eye = eye_ref[...]
    for n in range(_NBLK):
        o_ref[n] = lax.dot_general(
            x_ref[n], eye, (((0,), (0,)), ((), ())),
            precision=lax.Precision.HIGHEST,
            preferred_element_type=jnp.float32)


def _final(out3):
    return pl.pallas_call(
        _final_body,
        grid=(_NBOX // _NBLK,),
        in_specs=[pl.BlockSpec((_NBLK, _S, _C), lambda n: (n, 0, 0)),
                  pl.BlockSpec((_S, _S), lambda n: (0, 0))],
        out_specs=pl.BlockSpec((_NBLK, _C, _S), lambda n: (n, 0, 0)),
        out_shape=jax.ShapeDtypeStruct((_NBOX, _C, _S), jnp.float32),
    )(out3, jnp.asarray(_EYE))


def kernel(image, boxes, box_indices):
    table = _make_table(image)
    boxes_p = jnp.pad(boxes, ((0, _NP - _NBOX), (0, 0)))
    bidx_p = jnp.broadcast_to(
        jnp.pad(box_indices.astype(jnp.int32), (0, _NP - _NBOX))[:, None],
        (_NP, 128),
    )
    idx4, w4 = _coords(boxes_p, bidx_p)
    out_sc = _sc_gather(table, idx4, w4)
    out3 = out_sc[:, :_S].reshape(_NBOX, _CROP_H, _CROP_W, _C)
    return jnp.transpose(out3, (0, 3, 1, 2))

# --- scband reference (transcript-rebuilt; emitter-appended) ---
"""Pipeline reference for scband-crop-and-resize-592705487147 (READ-ONLY COPY).

The authoritative reference and input builder live on the scoring server;
editing this copy changes nothing except your own understanding.
"""

import jax, jax.numpy as jnp
import numpy as np

CROP_H = 7
CROP_W = 7
EXTRAP = 0.0


def setup_inputs(seed: int = 0) -> dict:
    key = jax.random.key(seed)
    k1, k2, k3 = jax.random.split(key, 3)
    image = jax.random.normal(k1, (4, 256, 224, 224), dtype=jnp.float32)
    boxes = jax.random.uniform(k2, (2000, 4), dtype=jnp.float32)
    box_indices = jax.random.randint(k3, (2000,), 0, 4).astype(jnp.int32)
    return {"image": image, "boxes": boxes, "box_indices": box_indices}


def reference(image, boxes, box_indices):
    # TF-style crop_and_resize with normalized box coords (y1, x1, y2, x2),
    # bilinear sampling, extrapolation_value outside the image.
    B, C, H, W = image.shape
    y1 = boxes[:, 0]
    x1 = boxes[:, 1]
    y2 = boxes[:, 2]
    x2 = boxes[:, 3]
    hs = jnp.arange(CROP_H, dtype=jnp.float32)
    ws = jnp.arange(CROP_W, dtype=jnp.float32)
    # sample coordinates in source image space: [N, crop_h], [N, crop_w]
    ys = y1[:, None] * (H - 1) + hs[None, :] * ((y2 - y1) * (H - 1) / (CROP_H - 1))[:, None]
    xs = x1[:, None] * (W - 1) + ws[None, :] * ((x2 - x1) * (W - 1) / (CROP_W - 1))[:, None]
    out_y = (ys < 0) | (ys > (H - 1))
    out_x = (xs < 0) | (xs > (W - 1))
    y0f = jnp.floor(ys)
    x0f = jnp.floor(xs)
    y_lerp = ys - y0f
    x_lerp = xs - x0f
    y0i = jnp.clip(y0f, 0, H - 1).astype(jnp.int32)
    y1i = jnp.clip(y0f + 1, 0, H - 1).astype(jnp.int32)
    x0i = jnp.clip(x0f, 0, W - 1).astype(jnp.int32)
    x1i = jnp.clip(x0f + 1, 0, W - 1).astype(jnp.int32)
    b = box_indices.astype(jnp.int32)

    def gather(yi, xi):
        # advanced indices at dims 0, 2, 3 with a slice at dim 1 ->
        # result [N, crop_h, crop_w, C]
        return image[b[:, None, None], :, yi[:, :, None], xi[:, None, :]]

    v00 = gather(y0i, x0i)
    v01 = gather(y0i, x1i)
    v10 = gather(y1i, x0i)
    v11 = gather(y1i, x1i)
    xl = x_lerp[:, None, :, None]
    yl = y_lerp[:, :, None, None]
    top = v00 + (v01 - v00) * xl
    bot = v10 + (v11 - v10) * xl
    val = top + (bot - top) * yl
    invalid = (out_y[:, :, None] | out_x[:, None, :])[..., None]
    val = jnp.where(invalid, jnp.float32(EXTRAP), val)
    # [N, crop_h, crop_w, C] -> [N, C, crop_h, crop_w]
    return jnp.transpose(val, (0, 3, 1, 2))

if __name__ == "__main__":
    import jax
    _d = setup_inputs()
    print(jax.jit(kernel)(*tuple(_d.values())))

</pallas_src>

<mosaic_0001>
#map = affine_map<(d0, d1) -> (0, 0)>
#map1 = affine_map<(d0, d1) -> (0, 0, 0)>
module attributes {stable_mosaic.version = 14 : i64} {
  func.func @k(%arg0: i32, %arg1: i32, %arg2: memref<16384x128xi32, #tpu.memory_space<hbm>>, %arg3: memref<65536x128xf32, #tpu.memory_space<hbm>>, %arg4: memref<200704x256xf32, #tpu.memory_space<hbm>>, %arg5: memref<2000x56x256xf32, #tpu.memory_space<hbm>>, %arg6: memref<8x128xi32, #tpu.memory_space<vmem>>, %arg7: memref<8x128xi32, #tpu.memory_space<vmem>>, %arg8: memref<32x128xf32, #tpu.memory_space<vmem>>, %arg9: memref<32x128xf32, #tpu.memory_space<vmem>>, %arg10: memref<200x256xf32, #tpu.memory_space<vmem>>, %arg11: memref<200x256xf32, #tpu.memory_space<vmem>>, %arg12: memref<56x256xf32, #tpu.memory_space<vmem>>, %arg13: memref<!tpu.dma_semaphore, #tpu.memory_space<semaphore_mem>>, %arg14: memref<!tpu.dma_semaphore, #tpu.memory_space<semaphore_mem>>, %arg15: memref<!tpu.dma_semaphore, #tpu.memory_space<semaphore_mem>>, %arg16: memref<!tpu.dma_semaphore, #tpu.memory_space<semaphore_mem>>, %arg17: memref<!tpu.dma_semaphore, #tpu.memory_space<semaphore_mem>>) attributes {dimension_semantics = [#tpu.dimension_semantics<core_parallel>, #tpu.dimension_semantics<subcore_parallel>], iteration_bounds = array<i64: 2, 16>, scalar_prefetch = 0 : i64, scratch_operands = 12 : i64, tpu.core_type = #tpu.core_type<sc_vector_subcore>, window_params = [{transform_indices = #map}, {transform_indices = #map}, {transform_indices = #map}, {transform_indices = #map1}]} {
    %mul3A = arith.constant 2 : i32
    %mul3A_0 = arith.muli %arg1, %mul3A : i32
    %add3A = arith.addi %mul3A_0, %arg0 : i32
    %mul3A_1 = arith.constant 64 : i32
    %mul3A_2 = arith.muli %add3A, %mul3A_1 : i32
    %add3A_3 = arith.constant 0 : i32
    %add3A_4 = arith.addi %mul3A_2, %add3A_3 : i32
    %mul3A_5 = arith.constant 8 : i32
    %mul3A_6 = arith.muli %add3A_4, %mul3A_5 : i32
    %dma_start3A = arith.constant 0 : i32
    %dma_start3A_7 = tpu.memref_slice %arg2[%mul3A_6, %dma_start3A] : memref<16384x128xi32, #tpu.memory_space<hbm>> -> memref<8x128xi32, #tpu.memory_space<hbm>>
    %dma_start3A_8 = arith.constant 0 : i32
    %dma_start3A_9 = tpu.memref_slice %arg2[%mul3A_6, %dma_start3A_8] : memref<16384x128xi32, #tpu.memory_space<hbm>> -> memref<8x128xi32, #tpu.memory_space<hbm>>
    tpu.enqueue_dma source(%dma_start3A_9 : memref<8x128xi32, #tpu.memory_space<hbm>>) target(%arg6 : memref<8x128xi32, #tpu.memory_space<vmem>>) target_semaphore(%arg13 : memref<!tpu.dma_semaphore, #tpu.memory_space<semaphore_mem>>)
    %mul3A_10 = arith.constant 32 : i32
    %mul3A_11 = arith.muli %add3A_4, %mul3A_10 : i32
    %dma_start3A_12 = arith.constant 0 : i32
    %dma_start3A_13 = tpu.memref_slice %arg3[%mul3A_11, %dma_start3A_12] : memref<65536x128xf32, #tpu.memory_space<hbm>> -> memref<32x128xf32, #tpu.memory_space<hbm>>
    %dma_start3A_14 = arith.constant 0 : i32
    %dma_start3A_15 = tpu.memref_slice %arg3[%mul3A_11, %dma_start3A_14] : memref<65536x128xf32, #tpu.memory_space<hbm>> -> memref<32x128xf32, #tpu.memory_space<hbm>>
    tpu.enqueue_dma source(%dma_start3A_15 : memref<32x128xf32, #tpu.memory_space<hbm>>) target(%arg8 : memref<32x128xf32, #tpu.memory_space<vmem>>) target_semaphore(%arg13 : memref<!tpu.dma_semaphore, #tpu.memory_space<semaphore_mem>>)
    %dma_wait3A = arith.constant 0 : i32
    %dma_wait3A_16 = arith.constant 0 : i32
    %dma_wait3A_17 = tpu.memref_slice %arg2[%dma_wait3A, %dma_wait3A_16] : memref<16384x128xi32, #tpu.memory_space<hbm>> -> memref<8x128xi32, #tpu.memory_space<hbm>>
    %dma_wait3A_18 = arith.constant 0 : i32
    %dma_wait3A_19 = arith.constant 0 : i32
    %dma_wait3A_20 = tpu.memref_slice %arg2[%dma_wait3A_18, %dma_wait3A_19] : memref<16384x128xi32, #tpu.memory_space<hbm>> -> memref<8x128xi32, #tpu.memory_space<hbm>>
    tpu.wait_dma2 semaphore(%arg13 : memref<!tpu.dma_semaphore, #tpu.memory_space<semaphore_mem>>) src(%dma_wait3A_20 : memref<8x128xi32, #tpu.memory_space<hbm>>) dst(%arg6 : memref<8x128xi32, #tpu.memory_space<vmem>>)
    %dma_wait3A_21 = arith.constant 0 : i32
    %dma_wait3A_22 = arith.constant 0 : i32
    %dma_wait3A_23 = tpu.memref_slice %arg3[%dma_wait3A_21, %dma_wait3A_22] : memref<65536x128xf32, #tpu.memory_space<hbm>> -> memref<32x128xf32, #tpu.memory_space<hbm>>
    %dma_wait3A_24 = arith.constant 0 : i32
    %dma_wait3A_25 = arith.constant 0 : i32
    %dma_wait3A_26 = tpu.memref_slice %arg3[%dma_wait3A_24, %dma_wait3A_25] : memref<65536x128xf32, #tpu.memory_space<hbm>> -> memref<32x128xf32, #tpu.memory_space<hbm>>
    tpu.wait_dma2 semaphore(%arg13 : memref<!tpu.dma_semaphore, #tpu.memory_space<semaphore_mem>>) src(%dma_wait3A_26 : memref<32x128xf32, #tpu.memory_space<hbm>>) dst(%arg8 : memref<32x128xf32, #tpu.memory_space<vmem>>)
    %dma_start3A_27 = arith.constant 0 : i32
    %dma_start3A_28 = arith.constant 0 : i32
    %dma_start3A_29 = arith.constant 0 : i32
    %dma_start3A_30 = tpu.memref_slice %arg10[%dma_start3A_28, %dma_start3A_29] : memref<200x256xf32, #tpu.memory_space<vmem>> -> memref<128x256xf32, #tpu.memory_space<vmem>>
    %dma_start3A_31 = arith.constant 0 : i32
    %dma_start3A_32 = tpu.memref_slice %arg6[%dma_start3A_27, %dma_start3A_31] : memref<8x128xi32, #tpu.memory_space<vmem>> -> memref<1x128xi32, #tpu.memory_space<vmem>>
    %dma_start3A_33 = tpu.memref_squeeze %dma_start3A_32 : memref<1x128xi32, #tpu.memory_space<vmem>> -> memref<128xi32, #tpu.memory_space<vmem>>
    %dma_start3A_34 = arith.constant 0 : i32
    %dma_start3A_35 = arith.constant 0 : i32
    %dma_start3A_36 = tpu.memref_slice %arg4[%dma_start3A_34, %dma_start3A_35] : memref<200704x256xf32, #tpu.memory_space<hbm>> -> memref<200704x256xf32, #tpu.memory_space<hbm>>
    tpu.enqueue_indirect_dma source(%dma_start3A_36 : memref<200704x256xf32, #tpu.memory_space<hbm>>) target(%dma_start3A_30 : memref<128x256xf32, #tpu.memory_space<vmem>>) offsets(%dma_start3A_33 : memref<128xi32, #tpu.memory_space<vmem>>) semaphore(%arg15 : memref<!tpu.dma_semaphore, #tpu.memory_space<semaphore_mem>>)
    %dma_start3A_37 = arith.constant 1 : i32
    %dma_start3A_38 = arith.constant 128 : i32
    %dma_start3A_39 = arith.constant 0 : i32
    %dma_start3A_40 = tpu.memref_slice %arg10[%dma_start3A_38, %dma_start3A_39] : memref<200x256xf32, #tpu.memory_space<vmem>> -> memref<72x256xf32, #tpu.memory_space<vmem>>
    %dma_start3A_41 = arith.constant 0 : i32
    %dma_start3A_42 = tpu.memref_slice %arg6[%dma_start3A_37, %dma_start3A_41] : memref<8x128xi32, #tpu.memory_space<vmem>> -> memref<1x72xi32, #tpu.memory_space<vmem>>
    %dma_start3A_43 = tpu.memref_squeeze %dma_start3A_42 : memref<1x72xi32, #tpu.memory_space<vmem>> -> memref<72xi32, #tpu.memory_space<vmem>>
    %dma_start3A_44 = arith.constant 0 : i32
    %dma_start3A_45 = arith.constant 0 : i32
    %dma_start3A_46 = tpu.memref_slice %arg4[%dma_start3A_44, %dma_start3A_45] : memref<200704x256xf32, #tpu.memory_space<hbm>> -> memref<200704x256xf32, #tpu.memory_space<hbm>>
    tpu.enqueue_indirect_dma source(%dma_start3A_46 : memref<200704x256xf32, #tpu.memory_space<hbm>>) target(%dma_start3A_40 : memref<72x256xf32, #tpu.memory_space<vmem>>) offsets(%dma_start3A_43 : memref<72xi32, #tpu.memory_space<vmem>>) semaphore(%arg15 : memref<!tpu.dma_semaphore, #tpu.memory_space<semaphore_mem>>)
    %add3A_47 = arith.constant 1 : i32
    %add3A_48 = arith.addi %mul3A_2, %add3A_47 : i32
    %mul3A_49 = arith.constant 8 : i32
    %mul3A_50 = arith.muli %add3A_48, %mul3A_49 : i32
    %dma_start3A_51 = arith.constant 0 : i32
    %dma_start3A_52 = tpu.memref_slice %arg2[%mul3A_50, %dma_start3A_51] : memref<16384x128xi32, #tpu.memory_space<hbm>> -> memref<8x128xi32, #tpu.memory_space<hbm>>
    %dma_start3A_53 = arith.constant 0 : i32
    %dma_start3A_54 = tpu.memref_slice %arg2[%mul3A_50, %dma_start3A_53] : memref<16384x128xi32, #tpu.memory_space<hbm>> -> memref<8x128xi32, #tpu.memory_space<hbm>>
    tpu.enqueue_dma source(%dma_start3A_54 : memref<8x128xi32, #tpu.memory_space<hbm>>) target(%arg7 : memref<8x128xi32, #tpu.memory_space<vmem>>) target_semaphore(%arg14 : memref<!tpu.dma_semaphore, #tpu.memory_space<semaphore_mem>>)
    %mul3A_55 = arith.constant 32 : i32
    %mul3A_56 = arith.muli %add3A_48, %mul3A_55 : i32
    %dma_start3A_57 = arith.constant 0 : i32
    %dma_start3A_58 = tpu.memref_slice %arg3[%mul3A_56, %dma_start3A_57] : memref<65536x128xf32, #tpu.memory_space<hbm>> -> memref<32x128xf32, #tpu.memory_space<hbm>>
    %dma_start3A_59 = arith.constant 0 : i32
    %dma_start3A_60 = tpu.memref_slice %arg3[%mul3A_56, %dma_start3A_59] : memref<65536x128xf32, #tpu.memory_space<hbm>> -> memref<32x128xf32, #tpu.memory_space<hbm>>
    tpu.enqueue_dma source(%dma_start3A_60 : memref<32x128xf32, #tpu.memory_space<hbm>>) target(%arg9 : memref<32x128xf32, #tpu.memory_space<vmem>>) target_semaphore(%arg14 : memref<!tpu.dma_semaphore, #tpu.memory_space<semaphore_mem>>)
    %scan3A = arith.constant 0 : i32
    %scan3A_61 = arith.constant 0 : i32
    %scan3A_62 = arith.constant 64 : i32
    %scan3A_63 = arith.addi %scan3A_61, %scan3A_62 : i32
    %scan3A_64 = arith.constant 1 : i32
    scf.for %scan3A_71 = %scan3A_61 to %scan3A_63 step %scan3A_64  : i32 {
      %add3A_72 = arith.addi %mul3A_2, %scan3A_71 : i32
      %jit3A = arith.constant 2 : i32
      %eq3A = arith.constant 0 : i32
      %eq3A_73 = arith.cmpi eq, %jit3A, %eq3A : i32
      %jit3A_74 = arith.constant 1 : i32
      %select_n3A = arith.select %eq3A_73, %jit3A_74, %jit3A : i32
      %rem3A = arith.remsi %scan3A_71, %select_n3A : i32
      %ne3A = arith.constant 0 : i32
      %ne3A_75 = arith.cmpi ne, %rem3A, %ne3A : i32
      %lt3A_76 = arith.constant 0 : i32
      %lt3A_77 = arith.cmpi slt, %rem3A, %lt3A_76 : i32
      %lt3A_78 = arith.constant 0 : i32
      %lt3A_79 = arith.cmpi slt, %select_n3A, %lt3A_78 : i32
      %ne3A_80 = arith.xori %lt3A_77, %lt3A_79 : i1
      %and3A = arith.andi %ne3A_80, %ne3A_75 : i1
      %add3A_81 = arith.addi %rem3A, %select_n3A : i32
      %select_n3A_82 = arith.select %and3A, %add3A_81, %rem3A : i32
      %eq3A_83 = arith.constant 0 : i32
      %eq3A_84 = arith.cmpi eq, %select_n3A_82, %eq3A_83 : i32
      %convert_element_type3A_85 = arith.extui %eq3A_84 : i1 to i32
      %cond3A_86 = arith.constant 0 : i32
      %cond3A_87 = arith.cmpi ne, %convert_element_type3A_85, %cond3A_86 : i32
      scf.if %cond3A_87 {
        %lt3A_109 = arith.constant 63 : i32
        %lt3A_110 = arith.cmpi slt, %scan3A_71, %lt3A_109 : i32
        %convert_element_type3A_111 = arith.extui %lt3A_110 : i1 to i32
        %cond3A_112 = arith.constant 0 : i32
        %cond3A_113 = arith.cmpi ne, %convert_element_type3A_111, %cond3A_112 : i32
        scf.if %cond3A_113 {
          %dma_wait3A_155 = arith.constant 0 : i32
          %dma_wait3A_156 = arith.constant 0 : i32
          %dma_wait3A_157 = tpu.memref_slice %arg2[%dma_wait3A_155, %dma_wait3A_156] : memref<16384x128xi32, #tpu.memory_space<hbm>> -> memref<8x128xi32, #tpu.memory_space<hbm>>
          %dma_wait3A_158 = arith.constant 0 : i32
          %dma_wait3A_159 = arith.constant 0 : i32
          %dma_wait3A_160 = tpu.memref_slice %arg2[%dma_wait3A_158, %dma_wait3A_159] : memref<16384x128xi32, #tpu.memory_space<hbm>> -> memref<8x128xi32, #tpu.memory_space<hbm>>
          tpu.wait_dma2 semaphore(%arg14 : memref<!tpu.dma_semaphore, #tpu.memory_space<semaphore_mem>>) src(%dma_wait3A_160 : memref<8x128xi32, #tpu.memory_space<hbm>>) dst(%arg7 : memref<8x128xi32, #tpu.memory_space<vmem>>)
          %dma_wait3A_161 = arith.constant 0 : i32
          %dma_wait3A_162 = arith.constant 0 : i32
          %dma_wait3A_163 = tpu.memref_slice %arg3[%dma_wait3A_161, %dma_wait3A_162] : memref<65536x128xf32, #tpu.memory_space<hbm>> -> memref<32x128xf32, #tpu.memory_space<hbm>>
          %dma_wait3A_164 = arith.constant 0 : i32
          %dma_wait3A_165 = arith.constant 0 : i32
          %dma_wait3A_166 = tpu.memref_slice %arg3[%dma_wait3A_164, %dma_wait3A_165] : memref<65536x128xf32, #tpu.memory_space<hbm>> -> memref<32x128xf32, #tpu.memory_space<hbm>>
          tpu.wait_dma2 semaphore(%arg14 : memref<!tpu.dma_semaphore, #tpu.memory_space<semaphore_mem>>) src(%dma_wait3A_166 : memref<32x128xf32, #tpu.memory_space<hbm>>) dst(%arg9 : memref<32x128xf32, #tpu.memory_space<vmem>>)
          %dma_start3A_167 = arith.constant 0 : i32
          %dma_start3A_168 = arith.constant 0 : i32
          %dma_start3A_169 = arith.constant 0 : i32
          %dma_start3A_170 = tpu.memref_slice %arg11[%dma_start3A_168, %dma_start3A_169] : memref<200x256xf32, #tpu.memory_space<vmem>> -> memref<128x256xf32, #tpu.memory_space<vmem>>
          %dma_start3A_171 = arith.constant 0 : i32
          %dma_start3A_172 = tpu.memref_slice %arg7[%dma_start3A_167, %dma_start3A_171] : memref<8x128xi32, #tpu.memory_space<vmem>> -> memref<1x128xi32, #tpu.memory_space<vmem>>
          %dma_start3A_173 = tpu.memref_squeeze %dma_start3A_172 : memref<1x128xi32, #tpu.memory_space<vmem>> -> memref<128xi32, #tpu.memory_space<vmem>>
          %dma_start3A_174 = arith.constant 0 : i32
          %dma_start3A_175 = arith.constant 0 : i32
          %dma_start3A_176 = tpu.memref_slice %arg4[%dma_start3A_174, %dma_start3A_175] : memref<200704x256xf32, #tpu.memory_space<hbm>> -> memref<200704x256xf32, #tpu.memory_space<hbm>>
          tpu.enqueue_indirect_dma source(%dma_start3A_176 : memref<200704x256xf32, #tpu.memory_space<hbm>>) target(%dma_start3A_170 : memref<128x256xf32, #tpu.memory_space<vmem>>) offsets(%dma_start3A_173 : memref<128xi32, #tpu.memory_space<vmem>>) semaphore(%arg16 : memref<!tpu.dma_semaphore, #tpu.memory_space<semaphore_mem>>)
          %dma_start3A_177 = arith.constant 1 : i32
          %dma_start3A_178 = arith.constant 128 : i32
          %dma_start3A_179 = arith.constant 0 : i32
          %dma_start3A_180 = tpu.memref_slice %arg11[%dma_start3A_178, %dma_start3A_179] : memref<200x256xf32, #tpu.memory_space<vmem>> -> memref<72x256xf32, #tpu.memory_space<vmem>>
          %dma_start3A_181 = arith.constant 0 : i32
          %dma_start3A_182 = tpu.memref_slice %arg7[%dma_start3A_177, %dma_start3A_181] : memref<8x128xi32, #tpu.memory_space<vmem>> -> memref<1x72xi32, #tpu.memory_space<vmem>>
          %dma_start3A_183 = tpu.memref_squeeze %dma_start3A_182 : memref<1x72xi32, #tpu.memory_space<vmem>> -> memref<72xi32, #tpu.memory_space<vmem>>
          %dma_start3A_184 = arith.constant 0 : i32
          %dma_start3A_185 = arith.constant 0 : i32
          %dma_start3A_186 = tpu.memref_slice %arg4[%dma_start3A_184, %dma_start3A_185] : memref<200704x256xf32, #tpu.memory_space<hbm>> -> memref<200704x256xf32, #tpu.memory_space<hbm>>
          tpu.enqueue_indirect_dma source(%dma_start3A_186 : memref<200704x256xf32, #tpu.memory_space<hbm>>) target(%dma_start3A_180 : memref<72x256xf32, #tpu.memory_space<vmem>>) offsets(%dma_start3A_183 : memref<72xi32, #tpu.memory_space<vmem>>) semaphore(%arg16 : memref<!tpu.dma_semaphore, #tpu.memory_space<semaphore_mem>>)
        } else {
        }
        %dma_wait3A_114 = arith.constant 0 : i32
        %dma_wait3A_115 = arith.constant 0 : i32
        %dma_wait3A_116 = arith.constant 0 : i32
        %dma_wait3A_117 = tpu.memref_slice %arg10[%dma_wait3A_115, %dma_wait3A_116] : memref<200x256xf32, #tpu.memory_space<vmem>> -> memref<128x256xf32, #tpu.memory_space<vmem>>
        %dma_wait3A_118 = arith.constant 0 : i32
        %dma_wait3A_119 = tpu.memref_slice %arg6[%dma_wait3A_114, %dma_wait3A_118] : memref<8x128xi32, #tpu.memory_space<vmem>> -> memref<1x128xi32, #tpu.memory_space<vmem>>
        %dma_wait3A_120 = tpu.memref_squeeze %dma_wait3A_119 : memref<1x128xi32, #tpu.memory_space<vmem>> -> memref<128xi32, #tpu.memory_space<vmem>>
        %dma_wait3A_121 = arith.constant 0 : i32
        %dma_wait3A_122 = arith.constant 0 : i32
        %dma_wait3A_123 = tpu.memref_slice %arg4[%dma_wait3A_121, %dma_wait3A_122] : memref<200704x256xf32, #tpu.memory_space<hbm>> -> memref<200704x256xf32, #tpu.memory_space<hbm>>
        tpu.wait_indirect_dma semaphore(%arg15 : memref<!tpu.dma_semaphore, #tpu.memory_space<semaphore_mem>>) src(%dma_wait3A_123 : memref<200704x256xf32, #tpu.memory_space<hbm>>) dst(%dma_wait3A_117 : memref<128x256xf32, #tpu.memory_space<vmem>>)
        %dma_wait3A_124 = arith.constant 1 : i32
        %dma_wait3A_125 = arith.constant 128 : i32
        %dma_wait3A_126 = arith.constant 0 : i32
        %dma_wait3A_127 = tpu.memref_slice %arg10[%dma_wait3A_125, %dma_wait3A_126] : memref<200x256xf32, #tpu.memory_space<vmem>> -> memref<72x256xf32, #tpu.memory_space<vmem>>
        %dma_wait3A_128 = arith.constant 0 : i32
        %dma_wait3A_129 = tpu.memref_slice %arg6[%dma_wait3A_124, %dma_wait3A_128] : memref<8x128xi32, #tpu.memory_space<vmem>> -> memref<1x72xi32, #tpu.memory_space<vmem>>
        %dma_wait3A_130 = tpu.memref_squeeze %dma_wait3A_129 : memref<1x72xi32, #tpu.memory_space<vmem>> -> memref<72xi32, #tpu.memory_space<vmem>>
        %dma_wait3A_131 = arith.constant 0 : i32
        %dma_wait3A_132 = arith.constant 0 : i32
        %dma_wait3A_133 = tpu.memref_slice %arg4[%dma_wait3A_131, %dma_wait3A_132] : memref<200704x256xf32, #tpu.memory_space<hbm>> -> memref<200704x256xf32, #tpu.memory_space<hbm>>
        tpu.wait_indirect_dma semaphore(%arg15 : memref<!tpu.dma_semaphore, #tpu.memory_space<semaphore_mem>>) src(%dma_wait3A_133 : memref<200704x256xf32, #tpu.memory_space<hbm>>) dst(%dma_wait3A_127 : memref<72x256xf32, #tpu.memory_space<vmem>>)
        %ge3A = arith.constant 1 : i32
        %ge3A_134 = arith.cmpi sge, %scan3A_71, %ge3A : i32
        %sub3A_135 = arith.constant 1 : i32
        %sub3A_136 = arith.subi %add3A_72, %sub3A_135 : i32
        %lt3A_137 = arith.constant 2000 : i32
        %lt3A_138 = arith.cmpi slt, %sub3A_136, %lt3A_137 : i32
        %and3A_139 = arith.andi %ge3A_134, %lt3A_138 : i1
        %convert_element_type3A_140 = arith.extui %and3A_139 : i1 to i32
        %cond3A_141 = arith.constant 0 : i32
        %cond3A_142 = arith.cmpi ne, %convert_element_type3A_140, %cond3A_141 : i32
        scf.if %cond3A_142 {
          %dma_wait3A_155 = arith.constant 0 : i32
          %dma_wait3A_156 = arith.constant 0 : i32
          %dma_wait3A_157 = arith.constant 0 : i32
          %dma_wait3A_158 = tpu.memref_slice %arg5[%dma_wait3A_155, %dma_wait3A_156, %dma_wait3A_157] : memref<2000x56x256xf32, #tpu.memory_space<hbm>> -> memref<1x56x256xf32, #tpu.memory_space<hbm>>
          %dma_wait3A_159 = tpu.memref_squeeze %dma_wait3A_158 : memref<1x56x256xf32, #tpu.memory_space<hbm>> -> memref<56x256xf32, #tpu.memory_space<hbm>>
          %dma_wait3A_160 = arith.constant 0 : i32
          %dma_wait3A_161 = arith.constant 0 : i32
          %dma_wait3A_162 = tpu.memref_slice %arg5[%dma_wait3A_155, %dma_wait3A_160, %dma_wait3A_161] : memref<2000x56x256xf32, #tpu.memory_space<hbm>> -> memref<1x56x256xf32, #tpu.memory_space<hbm>>
          %dma_wait3A_163 = tpu.memref_squeeze %dma_wait3A_162 : memref<1x56x256xf32, #tpu.memory_space<hbm>> -> memref<56x256xf32, #tpu.memory_space<hbm>>
          tpu.wait_dma2 semaphore(%arg17 : memref<!tpu.dma_semaphore, #tpu.memory_space<semaphore_mem>>) src(%arg12 : memref<56x256xf32, #tpu.memory_space<vmem>>) dst(%dma_wait3A_163 : memref<56x256xf32, #tpu.memory_space<hbm>>)
        } else {
        }
        %parallel_loop3A = arith.constant 0 : i32
        %parallel_loop3A_143 = arith.constant 49 : i32
        %parallel_loop3A_144 = arith.constant 1 : i32
        scf.for %parallel_loop3A_155 = %parallel_loop3A to %parallel_loop3A_143 step %parallel_loop3A_144  : i32 {
          %parallel_loop3A_156 = arith.constant 4 : i32
          %parallel_loop3A_157 = arith.muli %parallel_loop3A_156, %parallel_loop3A_155 : i32
          %parallel_loop3A_158 = arith.constant 2 : i32
          %parallel_loop3A_159 = arith.divsi %parallel_loop3A_155, %parallel_loop3A_158 : i32
          %parallel_loop3A_160 = arith.constant 0 : i32
          %parallel_loop3A_161 = arith.cmpi sgt, %parallel_loop3A_155, %parallel_loop3A_160 : i32
          %parallel_loop3A_162 = arith.extui %parallel_loop3A_161 : i1 to i32
          %parallel_loop3A_163 = arith.constant 0 : i32
          %parallel_loop3A_164 = arith.cmpi slt, %parallel_loop3A_155, %parallel_loop3A_163 : i32
          %parallel_loop3A_165 = arith.extui %parallel_loop3A_164 : i1 to i32
          %parallel_loop3A_166 = arith.subi %parallel_loop3A_162, %parallel_loop3A_165 : i32
          %parallel_loop3A_167 = arith.constant 0 : i32
          %parallel_loop3A_168 = arith.cmpi sgt, %parallel_loop3A_158, %parallel_loop3A_167 : i32
          %parallel_loop3A_169 = arith.extui %parallel_loop3A_168 : i1 to i32
          %parallel_loop3A_170 = arith.constant 0 : i32
          %parallel_loop3A_171 = arith.cmpi slt, %parallel_loop3A_158, %parallel_loop3A_170 : i32
          %parallel_loop3A_172 = arith.extui %parallel_loop3A_171 : i1 to i32
          %parallel_loop3A_173 = arith.subi %parallel_loop3A_169, %parallel_loop3A_172 : i32
          %parallel_loop3A_174 = arith.cmpi ne, %parallel_loop3A_166, %parallel_loop3A_173 : i32
          %parallel_loop3A_175 = arith.remsi %parallel_loop3A_155, %parallel_loop3A_158 : i32
          %parallel_loop3A_176 = arith.constant 0 : i32
          %parallel_loop3A_177 = arith.cmpi ne, %parallel_loop3A_175, %parallel_loop3A_176 : i32
          %parallel_loop3A_178 = arith.andi %parallel_loop3A_174, %parallel_loop3A_177 : i1
          %parallel_loop3A_179 = arith.constant 1 : i32
          %parallel_loop3A_180 = arith.subi %parallel_loop3A_159, %parallel_loop3A_179 : i32
          %parallel_loop3A_181 = arith.select %parallel_loop3A_178, %parallel_loop3A_180, %parallel_loop3A_159 : i32
          %parallel_loop3A_182 = arith.constant 2 : i32
          %parallel_loop3A_183 = arith.constant 0 : i32
          %parallel_loop3A_184 = arith.cmpi eq, %parallel_loop3A_182, %parallel_loop3A_183 : i32
          %parallel_loop3A_185 = arith.constant 1 : i32
          %parallel_loop3A_186 = arith.select %parallel_loop3A_184, %parallel_loop3A_185, %parallel_loop3A_182 : i32
          %parallel_loop3A_187 = arith.remsi %parallel_loop3A_155, %parallel_loop3A_186 : i32
          %parallel_loop3A_188 = arith.constant 0 : i32
          %parallel_loop3A_189 = arith.cmpi ne, %parallel_loop3A_187, %parallel_loop3A_188 : i32
          %parallel_loop3A_190 = arith.constant 0 : i32
          %parallel_loop3A_191 = arith.cmpi slt, %parallel_loop3A_187, %parallel_loop3A_190 : i32
          %parallel_loop3A_192 = arith.constant 0 : i32
          %parallel_loop3A_193 = arith.cmpi slt, %parallel_loop3A_186, %parallel_loop3A_192 : i32
          %parallel_loop3A_194 = arith.xori %parallel_loop3A_191, %parallel_loop3A_193 : i1
          %parallel_loop3A_195 = arith.andi %parallel_loop3A_194, %parallel_loop3A_189 : i1
          %parallel_loop3A_196 = arith.addi %parallel_loop3A_187, %parallel_loop3A_186 : i32
          %parallel_loop3A_197 = arith.select %parallel_loop3A_195, %parallel_loop3A_196, %parallel_loop3A_187 : i32
          %parallel_loop3A_198 = arith.constant 64 : i32
          %parallel_loop3A_199 = arith.muli %parallel_loop3A_197, %parallel_loop3A_198 : i32
          %parallel_loop3A_200 = arith.index_cast %parallel_loop3A_181 : i32 to index
          %parallel_loop3A_201 = arith.index_cast %parallel_loop3A_199 : i32 to index
          %parallel_loop3A_202 = tpu.vector_load %arg8[%parallel_loop3A_200, %parallel_loop3A_201] {strides = array<i32>} : memref<32x128xf32, #tpu.memory_space<vmem>>, vector<1x16xf32>,
          %parallel_loop3A_203 = vector.shape_cast %parallel_loop3A_202 : vector<1x16xf32> to vector<16xf32>
          %parallel_loop3A_204 = arith.constant 16 : i32
          %parallel_loop3A_205 = arith.addi %parallel_loop3A_199, %parallel_loop3A_204 : i32
          %parallel_loop3A_206 = arith.index_cast %parallel_loop3A_181 : i32 to index
          %parallel_loop3A_207 = arith.index_cast %parallel_loop3A_205 : i32 to index
          %parallel_loop3A_208 = tpu.vector_load %arg8[%parallel_loop3A_206, %parallel_loop3A_207] {strides = array<i32>} : memref<32x128xf32, #tpu.memory_space<vmem>>, vector<1x16xf32>,
          %parallel_loop3A_209 = vector.shape_cast %parallel_loop3A_208 : vector<1x16xf32> to vector<16xf32>
          %parallel_loop3A_210 = arith.constant 32 : i32
          %parallel_loop3A_211 = arith.addi %parallel_loop3A_199, %parallel_loop3A_210 : i32
          %parallel_loop3A_212 = arith.index_cast %parallel_loop3A_181 : i32 to index
          %parallel_loop3A_213 = arith.index_cast %parallel_loop3A_211 : i32 to index
          %parallel_loop3A_214 = tpu.vector_load %arg8[%parallel_loop3A_212, %parallel_loop3A_213] {strides = array<i32>} : memref<32x128xf32, #tpu.memory_space<vmem>>, vector<1x16xf32>,
          %parallel_loop3A_215 = vector.shape_cast %parallel_loop3A_214 : vector<1x16xf32> to vector<16xf32>
          %parallel_loop3A_216 = arith.constant 48 : i32
          %parallel_loop3A_217 = arith.addi %parallel_loop3A_199, %parallel_loop3A_216 : i32
          %parallel_loop3A_218 = arith.index_cast %parallel_loop3A_181 : i32 to index
          %parallel_loop3A_219 = arith.index_cast %parallel_loop3A_217 : i32 to index
          %parallel_loop3A_220 = tpu.vector_load %arg8[%parallel_loop3A_218, %parallel_loop3A_219] {strides = array<i32>} : memref<32x128xf32, #tpu.memory_space<vmem>>, vector<1x16xf32>,
          %parallel_loop3A_221 = vector.shape_cast %parallel_loop3A_220 : vector<1x16xf32> to vector<16xf32>
          %parallel_loop3A_222 = arith.index_cast %parallel_loop3A_157 : i32 to index
          %parallel_loop3A_223 = arith.constant 0 : index
          %parallel_loop3A_224 = tpu.vector_load %arg10[%parallel_loop3A_222, %parallel_loop3A_223] {strides = array<i32>} : memref<200x256xf32, #tpu.memory_space<vmem>>, vector<1x16xf32>,
          %parallel_loop3A_225 = vector.shape_cast %parallel_loop3A_224 : vector<1x16xf32> to vector<16xf32>
          %parallel_loop3A_226 = arith.mulf %parallel_loop3A_225, %parallel_loop3A_203 : vector<16xf32>
          %parallel_loop3A_227 = arith.constant 1 : i32
          %parallel_loop3A_228 = arith.addi %parallel_loop3A_157, %parallel_loop3A_227 : i32
          %parallel_loop3A_229 = arith.index_cast %parallel_loop3A_228 : i32 to index
          %parallel_loop3A_230 = arith.constant 0 : index
          %parallel_loop3A_231 = tpu.vector_load %arg10[%parallel_loop3A_229, %parallel_loop3A_230] {strides = array<i32>} : memref<200x256xf32, #tpu.memory_space<vmem>>, vector<1x16xf32>,
          %parallel_loop3A_232 = vector.shape_cast %parallel_loop3A_231 : vector<1x16xf32> to vector<16xf32>
          %parallel_loop3A_233 = arith.mulf %parallel_loop3A_232, %parallel_loop3A_209 : vector<16xf32>
          %parallel_loop3A_234 = arith.addf %parallel_loop3A_226, %parallel_loop3A_233 : vector<16xf32>
          %parallel_loop3A_235 = arith.constant 2 : i32
          %parallel_loop3A_236 = arith.addi %parallel_loop3A_157, %parallel_loop3A_235 : i32
          %parallel_loop3A_237 = arith.index_cast %parallel_loop3A_236 : i32 to index
          %parallel_loop3A_238 = arith.constant 0 : index
          %parallel_loop3A_239 = tpu.vector_load %arg10[%parallel_loop3A_237, %parallel_loop3A_238] {strides = array<i32>} : memref<200x256xf32, #tpu.memory_space<vmem>>, vector<1x16xf32>,
          %parallel_loop3A_240 = vector.shape_cast %parallel_loop3A_239 : vector<1x16xf32> to vector<16xf32>
          %parallel_loop3A_241 = arith.mulf %parallel_loop3A_240, %parallel_loop3A_215 : vector<16xf32>
          %parallel_loop3A_242 = arith.addf %parallel_loop3A_234, %parallel_loop3A_241 : vector<16xf32>
          %parallel_loop3A_243 = arith.constant 3 : i32
          %parallel_loop3A_244 = arith.addi %parallel_loop3A_157, %parallel_loop3A_243 : i32
          %parallel_loop3A_245 = arith.index_cast %parallel_loop3A_244 : i32 to index
          %parallel_loop3A_246 = arith.constant 0 : index
          %parallel_loop3A_247 = tpu.vector_load %arg10[%parallel_loop3A_245, %parallel_loop3A_246] {strides = array<i32>} : memref<200x256xf32, #tpu.memory_space<vmem>>, vector<1x16xf32>,
          %parallel_loop3A_248 = vector.shape_cast %parallel_loop3A_247 : vector<1x16xf32> to vector<16xf32>
          %parallel_loop3A_249 = arith.mulf %parallel_loop3A_248, %parallel_loop3A_221 : vector<16xf32>
          %parallel_loop3A_250 = arith.addf %parallel_loop3A_242, %parallel_loop3A_249 : vector<16xf32>
          %parallel_loop3A_251 = arith.index_cast %parallel_loop3A_155 : i32 to index
          %parallel_loop3A_252 = arith.constant 0 : index
          %parallel_loop3A_253 = tpu.vector_load %arg12[%parallel_loop3A_251, %parallel_loop3A_252] {strides = array<i32>} : memref<56x256xf32, #tpu.memory_space<vmem>>, vector<1x16xf32>,
          %parallel_loop3A_254 = vector.shape_cast %parallel_loop3A_253 : vector<1x16xf32> to vector<16xf32>
          %parallel_loop3A_255 = vector.shape_cast %parallel_loop3A_250 : vector<16xf32> to vector<1x16xf32>
          tpu.vector_store %arg12[%parallel_loop3A_251, %parallel_loop3A_252], %parallel_loop3A_255 {strides = array<i32>} : memref<56x256xf32, #tpu.memory_space<vmem>>, vector<1x16xf32>,
          %parallel_loop3A_256 = arith.index_cast %parallel_loop3A_157 : i32 to index
          %parallel_loop3A_257 = arith.constant 16 : index
          %parallel_loop3A_258 = tpu.vector_load %arg10[%parallel_loop3A_256, %parallel_loop3A_257] {strides = array<i32>} : memref<200x256xf32, #tpu.memory_space<vmem>>, vector<1x16xf32>,
          %parallel_loop3A_259 = vector.shape_cast %parallel_loop3A_258 : vector<1x16xf32> to vector<16xf32>
          %parallel_loop3A_260 = arith.mulf %parallel_loop3A_259, %parallel_loop3A_203 : vector<16xf32>
          %parallel_loop3A_261 = arith.constant 1 : i32
          %parallel_loop3A_262 = arith.addi %parallel_loop3A_157, %parallel_loop3A_261 : i32
          %parallel_loop3A_263 = arith.index_cast %parallel_loop3A_262 : i32 to index
          %parallel_loop3A_264 = arith.constant 16 : index
          %parallel_loop3A_265 = tpu.vector_load %arg10[%parallel_loop3A_263, %parallel_loop3A_264] {strides = array<i32>} : memref<200x256xf32, #tpu.memory_space<vmem>>, vector<1x16xf32>,
          %parallel_loop3A_266 = vector.shape_cast %parallel_loop3A_265 : vector<1x16xf32> to vector<16xf32>
          %parallel_loop3A_267 = arith.mulf %parallel_loop3A_266, %parallel_loop3A_209 : vector<16xf32>
          %parallel_loop3A_268 = arith.addf %parallel_loop3A_260, %parallel_loop3A_267 : vector<16xf32>
          %parallel_loop3A_269 = arith.constant 2 : i32
          %parallel_loop3A_270 = arith.addi %parallel_loop3A_157, %parallel_loop3A_269 : i32
          %parallel_loop3A_271 = arith.index_cast %parallel_loop3A_270 : i32 to index
          %parallel_loop3A_272 = arith.constant 16 : index
          %parallel_loop3A_273 = tpu.vector_load %arg10[%parallel_loop3A_271, %parallel_loop3A_272] {strides = array<i32>} : memref<200x256xf32, #tpu.memory_space<vmem>>, vector<1x16xf32>,
          %parallel_loop3A_274 = vector.shape_cast %parallel_loop3A_273 : vector<1x16xf32> to vector<16xf32>
          %parallel_loop3A_275 = arith.mulf %parallel_loop3A_274, %parallel_loop3A_215 : vector<16xf32>
          %parallel_loop3A_276 = arith.addf %parallel_loop3A_268, %parallel_loop3A_275 : vector<16xf32>
          %parallel_loop3A_277 = arith.constant 3 : i32
          %parallel_loop3A_278 = arith.addi %parallel_loop3A_157, %parallel_loop3A_277 : i32
          %parallel_loop3A_279 = arith.index_cast %parallel_loop3A_278 : i32 to index
          %parallel_loop3A_280 = arith.constant 16 : index
          %parallel_loop3A_281 = tpu.vector_load %arg10[%parallel_loop3A_279, %parallel_loop3A_280] {strides = array<i32>} : memref<200x256xf32, #tpu.memory_space<vmem>>, vector<1x16xf32>,
          %parallel_loop3A_282 = vector.shape_cast %parallel_loop3A_281 : vector<1x16xf32> to vector<16xf32>
          %parallel_loop3A_283 = arith.mulf %parallel_loop3A_282, %parallel_loop3A_221 : vector<16xf32>
          %parallel_loop3A_284 = arith.addf %parallel_loop3A_276, %parallel_loop3A_283 : vector<16xf32>
          %parallel_loop3A_285 = arith.index_cast %parallel_loop3A_155 : i32 to index
          %parallel_loop3A_286 = arith.constant 16 : index
          %parallel_loop3A_287 = tpu.vector_load %arg12[%parallel_loop3A_285, %parallel_loop3A_286] {strides = array<i32>} : memref<56x256xf32, #tpu.memory_space<vmem>>, vector<1x16xf32>,
          %parallel_loop3A_288 = vector.shape_cast %parallel_loop3A_287 : vector<1x16xf32> to vector<16xf32>
          %parallel_loop3A_289 = vector.shape_cast %parallel_loop3A_284 : vector<16xf32> to vector<1x16xf32>
          tpu.vector_store %arg12[%parallel_loop3A_285, %parallel_loop3A_286], %parallel_loop3A_289 {strides = array<i32>} : memref<56x256xf32, #tpu.memory_space<vmem>>, vector<1x16xf32>,
          %parallel_loop3A_290 = arith.index_cast %parallel_loop3A_157 : i32 to index
          %parallel_loop3A_291 = arith.constant 32 : index
          %parallel_loop3A_292 = tpu.vector_load %arg10[%parallel_loop3A_290, %parallel_loop3A_291] {strides = array<i32>} : memref<200x256xf32, #tpu.memory_space<vmem>>, vector<1x16xf32>,
          %parallel_loop3A_293 = vector.shape_cast %parallel_loop3A_292 : vector<1x16xf32> to vector<16xf32>
          %parallel_loop3A_294 = arith.mulf %parallel_loop3A_293, %parallel_loop3A_203 : vector<16xf32>
          %parallel_loop3A_295 = arith.constant 1 : i32
          %parallel_loop3A_296 = arith.addi %parallel_loop3A_157, %parallel_loop3A_295 : i32
          %parallel_loop3A_297 = arith.index_cast %parallel_loop3A_296 : i32 to index
          %parallel_loop3A_298 = arith.constant 32 : index
          %parallel_loop3A_299 = tpu.vector_load %arg10[%parallel_loop3A_297, %parallel_loop3A_298] {strides = array<i32>} : memref<200x256xf32, #tpu.memory_space<vmem>>, vector<1x16xf32>,
          %parallel_loop3A_300 = vector.shape_cast %parallel_loop3A_299 : vector<1x16xf32> to vector<16xf32>
          %parallel_loop3A_301 = arith.mulf %parallel_loop3A_300, %parallel_loop3A_209 : vector<16xf32>
          %parallel_loop3A_302 = arith.addf %parallel_loop3A_294, %parallel_loop3A_301 : vector<16xf32>
          %parallel_loop3A_303 = arith.constant 2 : i32
          %parallel_loop3A_304 = arith.addi %parallel_loop3A_157, %parallel_loop3A_303 : i32
          %parallel_loop3A_305 = arith.index_cast %parallel_loop3A_304 : i32 to index
          %parallel_loop3A_306 = arith.constant 32 : index
          %parallel_loop3A_307 = tpu.vector_load %arg10[%parallel_loop3A_305, %parallel_loop3A_306] {strides = array<i32>} : memref<200x256xf32, #tpu.memory_space<vmem>>, vector<1x16xf32>,
          %parallel_loop3A_308 = vector.shape_cast %parallel_loop3A_307 : vector<1x16xf32> to vector<16xf32>
          %parallel_loop3A_309 = arith.mulf %parallel_loop3A_308, %parallel_loop3A_215 : vector<16xf32>
          %parallel_loop3A_310 = arith.addf %parallel_loop3A_302, %parallel_loop3A_309 : vector<16xf32>
          %parallel_loop3A_311 = arith.constant 3 : i32
          %parallel_loop3A_312 = arith.addi %parallel_loop3A_157, %parallel_loop3A_311 : i32
          %parallel_loop3A_313 = arith.index_cast %parallel_loop3A_312 : i32 to index
          %parallel_loop3A_314 = arith.constant 32 : index
          %parallel_loop3A_315 = tpu.vector_load %arg10[%parallel_loop3A_313, %parallel_loop3A_314] {strides = array<i32>} : memref<200x256xf32, #tpu.memory_space<vmem>>, vector<1x16xf32>,
          %parallel_loop3A_316 = vector.shape_cast %parallel_loop3A_315 : vector<1x16xf32> to vector<16xf32>
          %parallel_loop3A_317 = arith.mulf %parallel_loop3A_316, %parallel_loop3A_221 : vector<16xf32>
          %parallel_loop3A_318 = arith.addf %parallel_loop3A_310, %parallel_loop3A_317 : vector<16xf32>
          %parallel_loop3A_319 = arith.index_cast %parallel_loop3A_155 : i32 to index
          %parallel_loop3A_320 = arith.constant 32 : index
          %parallel_loop3A_321 = tpu.vector_load %arg12[%parallel_loop3A_319, %parallel_loop3A_320] {strides = array<i32>} : memref<56x256xf32, #tpu.memory_space<vmem>>, vector<1x16xf32>,
          %parallel_loop3A_322 = vector.shape_cast %parallel_loop3A_321 : vector<1x16xf32> to vector<16xf32>
          %parallel_loop3A_323 = vector.shape_cast %parallel_loop3A_318 : vector<16xf32> to vector<1x16xf32>
          tpu.vector_store %arg12[%parallel_loop3A_319, %parallel_loop3A_320], %parallel_loop3A_323 {strides = array<i32>} : memref<56x256xf32, #tpu.memory_space<vmem>>, vector<1x16xf32>,
          %parallel_loop3A_324 = arith.index_cast %parallel_loop3A_157 : i32 to index
          %parallel_loop3A_325 = arith.constant 48 : index
          %parallel_loop3A_326 = tpu.vector_load %arg10[%parallel_loop3A_324, %parallel_loop3A_325] {strides = array<i32>} : memref<200x256xf32, #tpu.memory_space<vmem>>, vector<1x16xf32>,
          %parallel_loop3A_327 = vector.shape_cast %parallel_loop3A_326 : vector<1x16xf32> to vector<16xf32>
          %parallel_loop3A_328 = arith.mulf %parallel_loop3A_327, %parallel_loop3A_203 : vector<16xf32>
          %parallel_loop3A_329 = arith.constant 1 : i32
          %parallel_loop3A_330 = arith.addi %parallel_loop3A_157, %parallel_loop3A_329 : i32
          %parallel_loop3A_331 = arith.index_cast %parallel_loop3A_330 : i32 to index
          %parallel_loop3A_332 = arith.constant 48 : index
          %parallel_loop3A_333 = tpu.vector_load %arg10[%parallel_loop3A_331, %parallel_loop3A_332] {strides = array<i32>} : memref<200x256xf32, #tpu.memory_space<vmem>>, vector<1x16xf32>,
          %parallel_loop3A_334 = vector.shape_cast %parallel_loop3A_333 : vector<1x16xf32> to vector<16xf32>
          %parallel_loop3A_335 = arith.mulf %parallel_loop3A_334, %parallel_loop3A_209 : vector<16xf32>
          %parallel_loop3A_336 = arith.addf %parallel_loop3A_328, %parallel_loop3A_335 : vector<16xf32>
          %parallel_loop3A_337 = arith.constant 2 : i32
          %parallel_loop3A_338 = arith.addi %parallel_loop3A_157, %parallel_loop3A_337 : i32
          %parallel_loop3A_339 = arith.index_cast %parallel_loop3A_338 : i32 to index
          %parallel_loop3A_340 = arith.constant 48 : index
          %parallel_loop3A_341 = tpu.vector_load %arg10[%parallel_loop3A_339, %parallel_loop3A_340] {strides = array<i32>} : memref<200x256xf32, #tpu.memory_space<vmem>>, vector<1x16xf32>,
          %parallel_loop3A_342 = vector.shape_cast %parallel_loop3A_341 : vector<1x16xf32> to vector<16xf32>
          %parallel_loop3A_343 = arith.mulf %parallel_loop3A_342, %parallel_loop3A_215 : vector<16xf32>
          %parallel_loop3A_344 = arith.addf %parallel_loop3A_336, %parallel_loop3A_343 : vector<16xf32>
          %parallel_loop3A_345 = arith.constant 3 : i32
          %parallel_loop3A_346 = arith.addi %parallel_loop3A_157, %parallel_loop3A_345 : i32
          %parallel_loop3A_347 = arith.index_cast %parallel_loop3A_346 : i32 to index
          %parallel_loop3A_348 = arith.constant 48 : index
          %parallel_loop3A_349 = tpu.vector_load %arg10[%parallel_loop3A_347, %parallel_loop3A_348] {strides = array<i32>} : memref<200x256xf32, #tpu.memory_space<vmem>>, vector<1x16xf32>,
          %parallel_loop3A_350 = vector.shape_cast %parallel_loop3A_349 : vector<1x16xf32> to vector<16xf32>
          %parallel_loop3A_351 = arith.mulf %parallel_loop3A_350, %parallel_loop3A_221 : vector<16xf32>
          %parallel_loop3A_352 = arith.addf %parallel_loop3A_344, %parallel_loop3A_351 : vector<16xf32>
          %parallel_loop3A_353 = arith.index_cast %parallel_loop3A_155 : i32 to index
          %parallel_loop3A_354 = arith.constant 48 : index
          %parallel_loop3A_355 = tpu.vector_load %arg12[%parallel_loop3A_353, %parallel_loop3A_354] {strides = array<i32>} : memref<56x256xf32, #tpu.memory_space<vmem>>, vector<1x16xf32>,
          %parallel_loop3A_356 = vector.shape_cast %parallel_loop3A_355 : vector<1x16xf32> to vector<16xf32>
          %parallel_loop3A_357 = vector.shape_cast %parallel_loop3A_352 : vector<16xf32> to vector<1x16xf32>
          tpu.vector_store %arg12[%parallel_loop3A_353, %parallel_loop3A_354], %parallel_loop3A_357 {strides = array<i32>} : memref<56x256xf32, #tpu.memory_space<vmem>>, vector<1x16xf32>,
          %parallel_loop3A_358 = arith.index_cast %parallel_loop3A_157 : i32 to index
          %parallel_loop3A_359 = arith.constant 64 : index
          %parallel_loop3A_360 = tpu.vector_load %arg10[%parallel_loop3A_358, %parallel_loop3A_359] {strides = array<i32>} : memref<200x256xf32, #tpu.memory_space<vmem>>, vector<1x16xf32>,
          %parallel_loop3A_361 = vector.shape_cast %parallel_loop3A_360 : vector<1x16xf32> to vector<16xf32>
          %parallel_loop3A_362 = arith.mulf %parallel_loop3A_361, %parallel_loop3A_203 : vector<16xf32>
          %parallel_loop3A_363 = arith.constant 1 : i32
          %parallel_loop3A_364 = arith.addi %parallel_loop3A_157, %parallel_loop3A_363 : i32
          %parallel_loop3A_365 = arith.index_cast %parallel_loop3A_364 : i32 to index
          %parallel_loop3A_366 = arith.constant 64 : index
          %parallel_loop3A_367 = tpu.vector_load %arg10[%parallel_loop3A_365, %parallel_loop3A_366] {strides = array<i32>} : memref<200x256xf32, #tpu.memory_space<vmem>>, vector<1x16xf32>,
          %parallel_loop3A_368 = vector.shape_cast %parallel_loop3A_367 : vector<1x16xf32> to vector<16xf32>
          %parallel_loop3A_369 = arith.mulf %parallel_loop3A_368, %parallel_loop3A_209 : vector<16xf32>
          %parallel_loop3A_370 = arith.addf %parallel_loop3A_362, %parallel_loop3A_369 : vector<16xf32>
          %parallel_loop3A_371 = arith.constant 2 : i32
          %parallel_loop3A_372 = arith.addi %parallel_loop3A_157, %parallel_loop3A_371 : i32
          %parallel_loop3A_373 = arith.index_cast %parallel_loop3A_372 : i32 to index
          %parallel_loop3A_374 = arith.constant 64 : index
          %parallel_loop3A_375 = tpu.vector_load %arg10[%parallel_loop3A_373, %parallel_loop3A_374] {strides = array<i32>} : memref<200x256xf32, #tpu.memory_space<vmem>>, vector<1x16xf32>,
          %parallel_loop3A_376 = vector.shape_cast %parallel_loop3A_375 : vector<1x16xf32> to vector<16xf32>
          %parallel_loop3A_377 = arith.mulf %parallel_loop3A_376, %parallel_loop3A_215 : vector<16xf32>
          %parallel_loop3A_378 = arith.addf %parallel_loop3A_370, %parallel_loop3A_377 : vector<16xf32>
          %parallel_loop3A_379 = arith.constant 3 : i32
          %parallel_loop3A_380 = arith.addi %parallel_loop3A_157, %parallel_loop3A_379 : i32
          %parallel_loop3A_381 = arith.index_cast %parallel_loop3A_380 : i32 to index
          %parallel_loop3A_382 = arith.constant 64 : index
          %parallel_loop3A_383 = tpu.vector_load %arg10[%parallel_loop3A_381, %parallel_loop3A_382] {strides = array<i32>} : memref<200x256xf32, #tpu.memory_space<vmem>>, vector<1x16xf32>,
          %parallel_loop3A_384 = vector.shape_cast %parallel_loop3A_383 : vector<1x16xf32> to vector<16xf32>
          %parallel_loop3A_385 = arith.mulf %parallel_loop3A_384, %parallel_loop3A_221 : vector<16xf32>
          %parallel_loop3A_386 = arith.addf %parallel_loop3A_378, %parallel_loop3A_385 : vector<16xf32>
          %parallel_loop3A_387 = arith.index_cast %parallel_loop3A_155 : i32 to index
          %parallel_loop3A_388 = arith.constant 64 : index
          %parallel_loop3A_389 = tpu.vector_load %arg12[%parallel_loop3A_387, %parallel_loop3A_388] {strides = array<i32>} : memref<56x256xf32, #tpu.memory_space<vmem>>, vector<1x16xf32>,
          %parallel_loop3A_390 = vector.shape_cast %parallel_loop3A_389 : vector<1x16xf32> to vector<16xf32>
          %parallel_loop3A_391 = vector.shape_cast %parallel_loop3A_386 : vector<16xf32> to vector<1x16xf32>
          tpu.vector_store %arg12[%parallel_loop3A_387, %parallel_loop3A_388], %parallel_loop3A_391 {strides = array<i32>} : memref<56x256xf32, #tpu.memory_space<vmem>>, vector<1x16xf32>,
          %parallel_loop3A_392 = arith.index_cast %parallel_loop3A_157 : i32 to index
          %parallel_loop3A_393 = arith.constant 80 : index
          %parallel_loop3A_394 = tpu.vector_load %arg10[%parallel_loop3A_392, %parallel_loop3A_393] {strides = array<i32>} : memref<200x256xf32, #tpu.memory_space<vmem>>, vector<1x16xf32>,
          %parallel_loop3A_395 = vector.shape_cast %parallel_loop3A_394 : vector<1x16xf32> to vector<16xf32>
          %parallel_loop3A_396 = arith.mulf %parallel_loop3A_395, %parallel_loop3A_203 : vector<16xf32>
          %parallel_loop3A_397 = arith.constant 1 : i32
          %parallel_loop3A_398 = arith.addi %parallel_loop3A_157, %parallel_loop3A_397 : i32
          %parallel_loop3A_399 = arith.index_cast %parallel_loop3A_398 : i32 to index
          %parallel_loop3A_400 = arith.constant 80 : index
          %parallel_loop3A_401 = tpu.vector_load %arg10[%parallel_loop3A_399, %parallel_loop3A_400] {strides = array<i32>} : memref<200x256xf32, #tpu.memory_space<vmem>>, vector<1x16xf32>,
          %parallel_loop3A_402 = vector.shape_cast %parallel_loop3A_401 : vector<1x16xf32> to vector<16xf32>
          %parallel_loop3A_403 = arith.mulf %parallel_loop3A_402, %parallel_loop3A_209 : vector<16xf32>
          %parallel_loop3A_404 = arith.addf %parallel_loop3A_396, %parallel_loop3A_403 : vector<16xf32>
          %parallel_loop3A_405 = arith.constant 2 : i32
          %parallel_loop3A_406 = arith.addi %parallel_loop3A_157, %parallel_loop3A_405 : i32
          %parallel_loop3A_407 = arith.index_cast %parallel_loop3A_406 : i32 to index
          %parallel_loop3A_408 = arith.constant 80 : index
          %parallel_loop3A_409 = tpu.vector_load %arg10[%parallel_loop3A_407, %parallel_loop3A_408] {strides = array<i32>} : memref<200x256xf32, #tpu.memory_space<vmem>>, vector<1x16xf32>,
          %parallel_loop3A_410 = vector.shape_cast %parallel_loop3A_409 : vector<1x16xf32> to vector<16xf32>
          %parallel_loop3A_411 = arith.mulf %parallel_loop3A_410, %parallel_loop3A_215 : vector<16xf32>
          %parallel_loop3A_412 = arith.addf %parallel_loop3A_404, %parallel_loop3A_411 : vector<16xf32>
          %parallel_loop3A_413 = arith.constant 3 : i32
          %parallel_loop3A_414 = arith.addi %parallel_loop3A_157, %parallel_loop3A_413 : i32
          %parallel_loop3A_415 = arith.index_cast %parallel_loop3A_414 : i32 to index
          %parallel_loop3A_416 = arith.constant 80 : index
          %parallel_loop3A_417 = tpu.vector_load %arg10[%parallel_loop3A_415, %parallel_loop3A_416] {strides = array<i32>} : memref<200x256xf32, #tpu.memory_space<vmem>>, vector<1x16xf32>,
          %parallel_loop3A_418 = vector.shape_cast %parallel_loop3A_417 : vector<1x16xf32> to vector<16xf32>
          %parallel_loop3A_419 = arith.mulf %parallel_loop3A_418, %parallel_loop3A_221 : vector<16xf32>
          %parallel_loop3A_420 = arith.addf %parallel_loop3A_412, %parallel_loop3A_419 : vector<16xf32>
          %parallel_loop3A_421 = arith.index_cast %parallel_loop3A_155 : i32 to index
          %parallel_loop3A_422 = arith.constant 80 : index
          %parallel_loop3A_423 = tpu.vector_load %arg12[%parallel_loop3A_421, %parallel_loop3A_422] {strides = array<i32>} : memref<56x256xf32, #tpu.memory_space<vmem>>, vector<1x16xf32>,
          %parallel_loop3A_424 = vector.shape_cast %parallel_loop3A_423 : vector<1x16xf32> to vector<16xf32>
          %parallel_loop3A_425 = vector.shape_cast %parallel_loop3A_420 : vector<16xf32> to vector<1x16xf32>
          tpu.vector_store %arg12[%parallel_loop3A_421, %parallel_loop3A_422], %parallel_loop3A_425 {strides = array<i32>} : memref<56x256xf32, #tpu.memory_space<vmem>>, vector<1x16xf32>,
          %parallel_loop3A_426 = arith.index_cast %parallel_loop3A_157 : i32 to index
          %parallel_loop3A_427 = arith.constant 96 : index
          %parallel_loop3A_428 = tpu.vector_load %arg10[%parallel_loop3A_426, %parallel_loop3A_427] {strides = array<i32>} : memref<200x256xf32, #tpu.memory_space<vmem>>, vector<1x16xf32>,
          %parallel_loop3A_429 = vector.shape_cast %parallel_loop3A_428 : vector<1x16xf32> to vector<16xf32>
          %parallel_loop3A_430 = arith.mulf %parallel_loop3A_429, %parallel_loop3A_203 : vector<16xf32>
          %parallel_loop3A_431 = arith.constant 1 : i32
          %parallel_loop3A_432 = arith.addi %parallel_loop3A_157, %parallel_loop3A_431 : i32
          %parallel_loop3A_433 = arith.index_cast %parallel_loop3A_432 : i32 to index
          %parallel_loop3A_434 = arith.constant 96 : index
          %parallel_loop3A_435 = tpu.vector_load %arg10[%parallel_loop3A_433, %parallel_loop3A_434] {strides = array<i32>} : memref<200x256xf32, #tpu.memory_space<vmem>>, vector<1x16xf32>,
          %parallel_loop3A_436 = vector.shape_cast %parallel_loop3A_435 : vector<1x16xf32> to vector<16xf32>
          %parallel_loop3A_437 = arith.mulf %parallel_loop3A_436, %parallel_loop3A_209 : vector<16xf32>
          %parallel_loop3A_438 = arith.addf %parallel_loop3A_430, %parallel_loop3A_437 : vector<16xf32>
          %parallel_loop3A_439 = arith.constant 2 : i32
          %parallel_loop3A_440 = arith.addi %parallel_loop3A_157, %parallel_loop3A_439 : i32
          %parallel_loop3A_441 = arith.index_cast %parallel_loop3A_440 : i32 to index
          %parallel_loop3A_442 = arith.constant 96 : index
          %parallel_loop3A_443 = tpu.vector_load %arg10[%parallel_loop3A_441, %parallel_loop3A_442] {strides = array<i32>} : memref<200x256xf32, #tpu.memory_space<vmem>>, vector<1x16xf32>,
          %parallel_loop3A_444 = vector.shape_cast %parallel_loop3A_443 : vector<1x16xf32> to vector<16xf32>
          %parallel_loop3A_445 = arith.mulf %parallel_loop3A_444, %parallel_loop3A_215 : vector<16xf32>
          %parallel_loop3A_446 = arith.addf %parallel_loop3A_438, %parallel_loop3A_445 : vector<16xf32>
          %parallel_loop3A_447 = arith.constant 3 : i32
          %parallel_loop3A_448 = arith.addi %parallel_loop3A_157, %parallel_loop3A_447 : i32
          %parallel_loop3A_449 = arith.index_cast %parallel_loop3A_448 : i32 to index
          %parallel_loop3A_450 = arith.constant 96 : index
          %parallel_loop3A_451 = tpu.vector_load %arg10[%parallel_loop3A_449, %parallel_loop3A_450] {strides = array<i32>} : memref<200x256xf32, #tpu.memory_space<vmem>>, vector<1x16xf32>,
          %parallel_loop3A_452 = vector.shape_cast %parallel_loop3A_451 : vector<1x16xf32> to vector<16xf32>
          %parallel_loop3A_453 = arith.mulf %parallel_loop3A_452, %parallel_loop3A_221 : vector<16xf32>
          %parallel_loop3A_454 = arith.addf %parallel_loop3A_446, %parallel_loop3A_453 : vector<16xf32>
          %parallel_loop3A_455 = arith.index_cast %parallel_loop3A_155 : i32 to index
          %parallel_loop3A_456 = arith.constant 96 : index
          %parallel_loop3A_457 = tpu.vector_load %arg12[%parallel_loop3A_455, %parallel_loop3A_456] {strides = array<i32>} : memref<56x256xf32, #tpu.memory_space<vmem>>, vector<1x16xf32>,
          %parallel_loop3A_458 = vector.shape_cast %parallel_loop3A_457 : vector<1x16xf32> to vector<16xf32>
          %parallel_loop3A_459 = vector.shape_cast %parallel_loop3A_454 : vector<16xf32> to vector<1x16xf32>
          tpu.vector_store %arg12[%parallel_loop3A_455, %parallel_loop3A_456], %parallel_loop3A_459 {strides = array<i32>} : memref<56x256xf32, #tpu.memory_space<vmem>>, vector<1x16xf32>,
          %parallel_loop3A_460 = arith.index_cast %parallel_loop3A_157 : i32 to index
          %parallel_loop3A_461 = arith.constant 112 : index
          %parallel_loop3A_462 = tpu.vector_load %arg10[%parallel_loop3A_460, %parallel_loop3A_461] {strides = array<i32>} : memref<200x256xf32, #tpu.memory_space<vmem>>, vector<1x16xf32>,
          %parallel_loop3A_463 = vector.shape_cast %parallel_loop3A_462 : vector<1x16xf32> to vector<16xf32>
          %parallel_loop3A_464 = arith.mulf %parallel_loop3A_463, %parallel_loop3A_203 : vector<16xf32>
          %parallel_loop3A_465 = arith.constant 1 : i32
          %parallel_loop3A_466 = arith.addi %parallel_loop3A_157, %parallel_loop3A_465 : i32
          %parallel_loop3A_467 = arith.index_cast %parallel_loop3A_466 : i32 to index
          %parallel_loop3A_468 = arith.constant 112 : index
          %parallel_loop3A_469 = tpu.vector_load %arg10[%parallel_loop3A_467, %parallel_loop3A_468] {strides = array<i32>} : memref<200x256xf32, #tpu.memory_space<vmem>>, vector<1x16xf32>,
          %parallel_loop3A_470 = vector.shape_cast %parallel_loop3A_469 : vector<1x16xf32> to vector<16xf32>
          %parallel_loop3A_471 = arith.mulf %parallel_loop3A_470, %parallel_loop3A_209 : vector<16xf32>
          %parallel_loop3A_472 = arith.addf %parallel_loop3A_464, %parallel_loop3A_471 : vector<16xf32>
          %parallel_loop3A_473 = arith.constant 2 : i32
          %parallel_loop3A_474 = arith.addi %parallel_loop3A_157, %parallel_loop3A_473 : i32
          %parallel_loop3A_475 = arith.index_cast %parallel_loop3A_474 : i32 to index
          %parallel_loop3A_476 = arith.constant 112 : index
          %parallel_loop3A_477 = tpu.vector_load %arg10[%parallel_loop3A_475, %parallel_loop3A_476] {strides = array<i32>} : memref<200x256xf32, #tpu.memory_space<vmem>>, vector<1x16xf32>,
          %parallel_loop3A_478 = vector.shape_cast %parallel_loop3A_477 : vector<1x16xf32> to vector<16xf32>
          %parallel_loop3A_479 = arith.mulf %parallel_loop3A_478, %parallel_loop3A_215 : vector<16xf32>
          %parallel_loop3A_480 = arith.addf %parallel_loop3A_472, %parallel_loop3A_479 : vector<16xf32>
          %parallel_loop3A_481 = arith.constant 3 : i32
          %parallel_loop3A_482 = arith.addi %parallel_loop3A_157, %parallel_loop3A_481 : i32
          %parallel_loop3A_483 = arith.index_cast %parallel_loop3A_482 : i32 to index
          %parallel_loop3A_484 = arith.constant 112 : index
          %parallel_loop3A_485 = tpu.vector_load %arg10[%parallel_loop3A_483, %parallel_loop3A_484] {strides = array<i32>} : memref<200x256xf32, #tpu.memory_space<vmem>>, vector<1x16xf32>,
          %parallel_loop3A_486 = vector.shape_cast %parallel_loop3A_485 : vector<1x16xf32> to vector<16xf32>
          %parallel_loop3A_487 = arith.mulf %parallel_loop3A_486, %parallel_loop3A_221 : vector<16xf32>
          %parallel_loop3A_488 = arith.addf %parallel_loop3A_480, %parallel_loop3A_487 : vector<16xf32>
          %parallel_loop3A_489 = arith.index_cast %parallel_loop3A_155 : i32 to index
          %parallel_loop3A_490 = arith.constant 112 : index
          %parallel_loop3A_491 = tpu.vector_load %arg12[%parallel_loop3A_489, %parallel_loop3A_490] {strides = array<i32>} : memref<56x256xf32, #tpu.memory_space<vmem>>, vector<1x16xf32>,
          %parallel_loop3A_492 = vector.shape_cast %parallel_loop3A_491 : vector<1x16xf32> to vector<16xf32>
          %parallel_loop3A_493 = vector.shape_cast %parallel_loop3A_488 : vector<16xf32> to vector<1x16xf32>
          tpu.vector_store %arg12[%parallel_loop3A_489, %parallel_loop3A_490], %parallel_loop3A_493 {strides = array<i32>} : memref<56x256xf32, #tpu.memory_space<vmem>>, vector<1x16xf32>,
          %parallel_loop3A_494 = arith.index_cast %parallel_loop3A_157 : i32 to index
          %parallel_loop3A_495 = arith.constant 128 : index
          %parallel_loop3A_496 = tpu.vector_load %arg10[%parallel_loop3A_494, %parallel_loop3A_495] {strides = array<i32>} : memref<200x256xf32, #tpu.memory_space<vmem>>, vector<1x16xf32>,
          %parallel_loop3A_497 = vector.shape_cast %parallel_loop3A_496 : vector<1x16xf32> to vector<16xf32>
          %parallel_loop3A_498 = arith.mulf %parallel_loop3A_497, %parallel_loop3A_203 : vector<16xf32>
          %parallel_loop3A_499 = arith.constant 1 : i32
          %parallel_loop3A_500 = arith.addi %parallel_loop3A_157, %parallel_loop3A_499 : i32
          %parallel_loop3A_501 = arith.index_cast %parallel_loop3A_500 : i32 to index
          %parallel_loop3A_502 = arith.constant 128 : index
          %parallel_loop3A_503 = tpu.vector_load %arg10[%parallel_loop3A_501, %parallel_loop3A_502] {strides = array<i32>} : memref<200x256xf32, #tpu.memory_space<vmem>>, vector<1x16xf32>,
          %parallel_loop3A_504 = vector.shape_cast %parallel_loop3A_503 : vector<1x16xf32> to vector<16xf32>
          %parallel_loop3A_505 = arith.mulf %parallel_loop3A_504, %parallel_loop3A_209 : vector<16xf32>
          %parallel_loop3A_506 = arith.addf %parallel_loop3A_498, %parallel_loop3A_505 : vector<16xf32>
          %parallel_loop3A_507 = arith.constant 2 : i32
          %parallel_loop3A_508 = arith.addi %parallel_loop3A_157, %parallel_loop3A_507 : i32
          %parallel_loop3A_509 = arith.index_cast %parallel_loop3A_508 : i32 to index
          %parallel_loop3A_510 = arith.constant 128 : index
          %parallel_loop3A_511 = tpu.vector_load %arg10[%parallel_loop3A_509, %parallel_loop3A_510] {strides = array<i32>} : memref<200x256xf32, #tpu.memory_space<vmem>>, vector<1x16xf32>,
          %parallel_loop3A_512 = vector.shape_cast %parallel_loop3A_511 : vector<1x16xf32> to vector<16xf32>
          %parallel_loop3A_513 = arith.mulf %parallel_loop3A_512, %parallel_loop3A_215 : vector<16xf32>
          %parallel_loop3A_514 = arith.addf %parallel_loop3A_506, %parallel_loop3A_513 : vector<16xf32>
          %parallel_loop3A_515 = arith.constant 3 : i32
          %parallel_loop3A_516 = arith.addi %parallel_loop3A_157, %parallel_loop3A_515 : i32
          %parallel_loop3A_517 = arith.index_cast %parallel_loop3A_516 : i32 to index
          %parallel_loop3A_518 = arith.constant 128 : index
          %parallel_loop3A_519 = tpu.vector_load %arg10[%parallel_loop3A_517, %parallel_loop3A_518] {strides = array<i32>} : memref<200x256xf32, #tpu.memory_space<vmem>>, vector<1x16xf32>,
          %parallel_loop3A_520 = vector.shape_cast %parallel_loop3A_519 : vector<1x16xf32> to vector<16xf32>
          %parallel_loop3A_521 = arith.mulf %parallel_loop3A_520, %parallel_loop3A_221 : vector<16xf32>
          %parallel_loop3A_522 = arith.addf %parallel_loop3A_514, %parallel_loop3A_521 : vector<16xf32>
          %parallel_loop3A_523 = arith.index_cast %parallel_loop3A_155 : i32 to index
          %parallel_loop3A_524 = arith.constant 128 : index
          %parallel_loop3A_525 = tpu.vector_load %arg12[%parallel_loop3A_523, %parallel_loop3A_524] {strides = array<i32>} : memref<56x256xf32, #tpu.memory_space<vmem>>, vector<1x16xf32>,
          %parallel_loop3A_526 = vector.shape_cast %parallel_loop3A_525 : vector<1x16xf32> to vector<16xf32>
          %parallel_loop3A_527 = vector.shape_cast %parallel_loop3A_522 : vector<16xf32> to vector<1x16xf32>
          tpu.vector_store %arg12[%parallel_loop3A_523, %parallel_loop3A_524], %parallel_loop3A_527 {strides = array<i32>} : memref<56x256xf32, #tpu.memory_space<vmem>>, vector<1x16xf32>,
          %parallel_loop3A_528 = arith.index_cast %parallel_loop3A_157 : i32 to index
          %parallel_loop3A_529 = arith.constant 144 : index
          %parallel_loop3A_530 = tpu.vector_load %arg10[%parallel_loop3A_528, %parallel_loop3A_529] {strides = array<i32>} : memref<200x256xf32, #tpu.memory_space<vmem>>, vector<1x16xf32>,
          %parallel_loop3A_531 = vector.shape_cast %parallel_loop3A_530 : vector<1x16xf32> to vector<16xf32>
          %parallel_loop3A_532 = arith.mulf %parallel_loop3A_531, %parallel_loop3A_203 : vector<16xf32>
          %parallel_loop3A_533 = arith.constant 1 : i32
          %parallel_loop3A_534 = arith.addi %parallel_loop3A_157, %parallel_loop3A_533 : i32
          %parallel_loop3A_535 = arith.index_cast %parallel_loop3A_534 : i32 to index
          %parallel_loop3A_536 = arith.constant 144 : index
          %parallel_loop3A_537 = tpu.vector_load %arg10[%parallel_loop3A_535, %parallel_loop3A_536] {strides = array<i32>} : memref<200x256xf32, #tpu.memory_space<vmem>>, vector<1x16xf32>,
          %parallel_loop3A_538 = vector.shape_cast %parallel_loop3A_537 : vector<1x16xf32> to vector<16xf32>
          %parallel_loop3A_539 = arith.mulf %parallel_loop3A_538, %parallel_loop3A_209 : vector<16xf32>
          %parallel_loop3A_540 = arith.addf %parallel_loop3A_532, %parallel_loop3A_539 : vector<16xf32>
          %parallel_loop3A_541 = arith.constant 2 : i32
          %parallel_loop3A_542 = arith.addi %parallel_loop3A_157, %parallel_loop3A_541 : i32
          %parallel_loop3A_543 = arith.index_cast %parallel_loop3A_542 : i32 to index
          %parallel_loop3A_544 = arith.constant 144 : index
          %parallel_loop3A_545 = tpu.vector_load %arg10[%parallel_loop3A_543, %parallel_loop3A_544] {strides = array<i32>} : memref<200x256xf32, #tpu.memory_space<vmem>>, vector<1x16xf32>,
          %parallel_loop3A_546 = vector.shape_cast %parallel_loop3A_545 : vector<1x16xf32> to vector<16xf32>
          %parallel_loop3A_547 = arith.mulf %parallel_loop3A_546, %parallel_loop3A_215 : vector<16xf32>
          %parallel_loop3A_548 = arith.addf %parallel_loop3A_540, %parallel_loop3A_547 : vector<16xf32>
          %parallel_loop3A_549 = arith.constant 3 : i32
          %parallel_loop3A_550 = arith.addi %parallel_loop3A_157, %parallel_loop3A_549 : i32
          %parallel_loop3A_551 = arith.index_cast %parallel_loop3A_550 : i32 to index
          %parallel_loop3A_552 = arith.constant 144 : index
          %parallel_loop3A_553 = tpu.vector_load %arg10[%parallel_loop3A_551, %parallel_loop3A_552] {strides = array<i32>} : memref<200x256xf32, #tpu.memory_space<vmem>>, vector<1x16xf32>,
          %parallel_loop3A_554 = vector.shape_cast %parallel_loop3A_553 : vector<1x16xf32> to vector<16xf32>
          %parallel_loop3A_555 = arith.mulf %parallel_loop3A_554, %parallel_loop3A_221 : vector<16xf32>
          %parallel_loop3A_556 = arith.addf %parallel_loop3A_548, %parallel_loop3A_555 : vector<16xf32>
          %parallel_loop3A_557 = arith.index_cast %parallel_loop3A_155 : i32 to index
          %parallel_loop3A_558 = arith.constant 144 : index
          %parallel_loop3A_559 = tpu.vector_load %arg12[%parallel_loop3A_557, %parallel_loop3A_558] {strides = array<i32>} : memref<56x256xf32, #tpu.memory_space<vmem>>, vector<1x16xf32>,
          %parallel_loop3A_560 = vector.shape_cast %parallel_loop3A_559 : vector<1x16xf32> to vector<16xf32>
          %parallel_loop3A_561 = vector.shape_cast %parallel_loop3A_556 : vector<16xf32> to vector<1x16xf32>
          tpu.vector_store %arg12[%parallel_loop3A_557, %parallel_loop3A_558], %parallel_loop3A_561 {strides = array<i32>} : memref<56x256xf32, #tpu.memory_space<vmem>>, vector<1x16xf32>,
          %parallel_loop3A_562 = arith.index_cast %parallel_loop3A_157 : i32 to index
          %parallel_loop3A_563 = arith.constant 160 : index
          %parallel_loop3A_564 = tpu.vector_load %arg10[%parallel_loop3A_562, %parallel_loop3A_563] {strides = array<i32>} : memref<200x256xf32, #tpu.memory_space<vmem>>, vector<1x16xf32>,
          %parallel_loop3A_565 = vector.shape_cast %parallel_loop3A_564 : vector<1x16xf32> to vector<16xf32>
          %parallel_loop3A_566 = arith.mulf %parallel_loop3A_565, %parallel_loop3A_203 : vector<16xf32>
          %parallel_loop3A_567 = arith.constant 1 : i32
          %parallel_loop3A_568 = arith.addi %parallel_loop3A_157, %parallel_loop3A_567 : i32
          %parallel_loop3A_569 = arith.index_cast %parallel_loop3A_568 : i32 to index
          %parallel_loop3A_570 = arith.constant 160 : index
          %parallel_loop3A_571 = tpu.vector_load %arg10[%parallel_loop3A_569, %parallel_loop3A_570] {strides = array<i32>} : memref<200x256xf32, #tpu.memory_space<vmem>>, vector<1x16xf32>,
          %parallel_loop3A_572 = vector.shape_cast %parallel_loop3A_571 : vector<1x16xf32> to vector<16xf32>
          %parallel_loop3A_573 = arith.mulf %parallel_loop3A_572, %parallel_loop3A_209 : vector<16xf32>
          %parallel_loop3A_574 = arith.addf %parallel_loop3A_566, %parallel_loop3A_573 : vector<16xf32>
          %parallel_loop3A_575 = arith.constant 2 : i32
          %parallel_loop3A_576 = arith.addi %parallel_loop3A_157, %parallel_loop3A_575 : i32
          %parallel_loop3A_577 = arith.index_cast %parallel_loop3A_576 : i32 to index
          %parallel_loop3A_578 = arith.constant 160 : index
          %parallel_loop3A_579 = tpu.vector_load %arg10[%parallel_loop3A_577, %parallel_loop3A_578] {strides = array<i32>} : memref<200x256xf32, #tpu.memory_space<vmem>>, vector<1x16xf32>,
          %parallel_loop3A_580 = vector.shape_cast %parallel_loop3A_579 : vector<1x16xf32> to vector<16xf32>
          %parallel_loop3A_581 = arith.mulf %parallel_loop3A_580, %parallel_loop3A_215 : vector<16xf32>
          %parallel_loop3A_582 = arith.addf %parallel_loop3A_574, %parallel_loop3A_581 : vector<16xf32>
          %parallel_loop3A_583 = arith.constant 3 : i32
          %parallel_loop3A_584 = arith.addi %parallel_loop3A_157, %parallel_loop3A_583 : i32
          %parallel_loop3A_585 = arith.index_cast %parallel_loop3A_584 : i32 to index
          %parallel_loop3A_586 = arith.constant 160 : index
          %parallel_loop3A_587 = tpu.vector_load %arg10[%parallel_loop3A_585, %parallel_loop3A_586] {strides = array<i32>} : memref<200x256xf32, #tpu.memory_space<vmem>>, vector<1x16xf32>,
          %parallel_loop3A_588 = vector.shape_cast %parallel_loop3A_587 : vector<1x16xf32> to vector<16xf32>
          %parallel_loop3A_589 = arith.mulf %parallel_loop3A_588, %parallel_loop3A_221 : vector<16xf32>
          %parallel_loop3A_590 = arith.addf %parallel_loop3A_582, %parallel_loop3A_589 : vector<16xf32>
          %parallel_loop3A_591 = arith.index_cast %parallel_loop3A_155 : i32 to index
          %parallel_loop3A_592 = arith.constant 160 : index
          %parallel_loop3A_593 = tpu.vector_load %arg12[%parallel_loop3A_591, %parallel_loop3A_592] {strides = array<i32>} : memref<56x256xf32, #tpu.memory_space<vmem>>, vector<1x16xf32>,
          %parallel_loop3A_594 = vector.shape_cast %parallel_loop3A_593 : vector<1x16xf32> to vector<16xf32>
          %parallel_loop3A_595 = vector.shape_cast %parallel_loop3A_590 : vector<16xf32> to vector<1x16xf32>
          tpu.vector_store %arg12[%parallel_loop3A_591, %parallel_loop3A_592], %parallel_loop3A_595 {strides = array<i32>} : memref<56x256xf32, #tpu.memory_space<vmem>>, vector<1x16xf32>,
          %parallel_loop3A_596 = arith.index_cast %parallel_loop3A_157 : i32 to index
          %parallel_loop3A_597 = arith.constant 176 : index
          %parallel_loop3A_598 = tpu.vector_load %arg10[%parallel_loop3A_596, %parallel_loop3A_597] {strides = array<i32>} : memref<200x256xf32, #tpu.memory_space<vmem>>, vector<1x16xf32>,
          %parallel_loop3A_599 = vector.shape_cast %parallel_loop3A_598 : vector<1x16xf32> to vector<16xf32>
          %parallel_loop3A_600 = arith.mulf %parallel_loop3A_599, %parallel_loop3A_203 : vector<16xf32>
          %parallel_loop3A_601 = arith.constant 1 : i32
          %parallel_loop3A_602 = arith.addi %parallel_loop3A_157, %parallel_loop3A_601 : i32
          %parallel_loop3A_603 = arith.index_cast %parallel_loop3A_602 : i32 to index
          %parallel_loop3A_604 = arith.constant 176 : index
          %parallel_loop3A_605 = tpu.vector_load %arg10[%parallel_loop3A_603, %parallel_loop3A_604] {strides = array<i32>} : memref<200x256xf32, #tpu.memory_space<vmem>>, vector<1x16xf32>,
          %parallel_loop3A_606 = vector.shape_cast %parallel_loop3A_605 : vector<1x16xf32> to vector<16xf32>
          %parallel_loop3A_607 = arith.mulf %parallel_loop3A_606, %parallel_loop3A_209 : vector<16xf32>
          %parallel_loop3A_608 = arith.addf %parallel_loop3A_600, %parallel_loop3A_607 : vector<16xf32>
          %parallel_loop3A_609 = arith.constant 2 : i32
          %parallel_loop3A_610 = arith.addi %parallel_loop3A_157, %parallel_loop3A_609 : i32
          %parallel_loop3A_611 = arith.index_cast %parallel_loop3A_610 : i32 to index
          %parallel_loop3A_612 = arith.constant 176 : index
          %parallel_loop3A_613 = tpu.vector_load %arg10[%parallel_loop3A_611, %parallel_loop3A_612] {strides = array<i32>} : memref<200x256xf32, #tpu.memory_space<vmem>>, vector<1x16xf32>,
          %parallel_loop3A_614 = vector.shape_cast %parallel_loop3A_613 : vector<1x16xf32> to vector<16xf32>
          %parallel_loop3A_615 = arith.mulf %parallel_loop3A_614, %parallel_loop3A_215 : vector<16xf32>
          %parallel_loop3A_616 = arith.addf %parallel_loop3A_608, %parallel_loop3A_615 : vector<16xf32>
          %parallel_loop3A_617 = arith.constant 3 : i32
          %parallel_loop3A_618 = arith.addi %parallel_loop3A_157, %parallel_loop3A_617 : i32
          %parallel_loop3A_619 = arith.index_cast %parallel_loop3A_618 : i32 to index
          %parallel_loop3A_620 = arith.constant 176 : index
          %parallel_loop3A_621 = tpu.vector_load %arg10[%parallel_loop3A_619, %parallel_loop3A_620] {strides = array<i32>} : memref<200x256xf32, #tpu.memory_space<vmem>>, vector<1x16xf32>,
          %parallel_loop3A_622 = vector.shape_cast %parallel_loop3A_621 : vector<1x16xf32> to vector<16xf32>
          %parallel_loop3A_623 = arith.mulf %parallel_loop3A_622, %parallel_loop3A_221 : vector<16xf32>
          %parallel_loop3A_624 = arith.addf %parallel_loop3A_616, %parallel_loop3A_623 : vector<16xf32>
          %parallel_loop3A_625 = arith.index_cast %parallel_loop3A_155 : i32 to index
          %parallel_loop3A_626 = arith.constant 176 : index
          %parallel_loop3A_627 = tpu.vector_load %arg12[%parallel_loop3A_625, %parallel_loop3A_626] {strides = array<i32>} : memref<56x256xf32, #tpu.memory_space<vmem>>, vector<1x16xf32>,
          %parallel_loop3A_628 = vector.shape_cast %parallel_loop3A_627 : vector<1x16xf32> to vector<16xf32>
          %parallel_loop3A_629 = vector.shape_cast %parallel_loop3A_624 : vector<16xf32> to vector<1x16xf32>
          tpu.vector_store %arg12[%parallel_loop3A_625, %parallel_loop3A_626], %parallel_loop3A_629 {strides = array<i32>} : memref<56x256xf32, #tpu.memory_space<vmem>>, vector<1x16xf32>,
          %parallel_loop3A_630 = arith.index_cast %parallel_loop3A_157 : i32 to index
          %parallel_loop3A_631 = arith.constant 192 : index
          %parallel_loop3A_632 = tpu.vector_load %arg10[%parallel_loop3A_630, %parallel_loop3A_631] {strides = array<i32>} : memref<200x256xf32, #tpu.memory_space<vmem>>, vector<1x16xf32>,
          %parallel_loop3A_633 = vector.shape_cast %parallel_loop3A_632 : vector<1x16xf32> to vector<16xf32>
          %parallel_loop3A_634 = arith.mulf %parallel_loop3A_633, %parallel_loop3A_203 : vector<16xf32>
          %parallel_loop3A_635 = arith.constant 1 : i32
          %parallel_loop3A_636 = arith.addi %parallel_loop3A_157, %parallel_loop3A_635 : i32
          %parallel_loop3A_637 = arith.index_cast %parallel_loop3A_636 : i32 to index
          %parallel_loop3A_638 = arith.constant 192 : index
          %parallel_loop3A_639 = tpu.vector_load %arg10[%parallel_loop3A_637, %parallel_loop3A_638] {strides = array<i32>} : memref<200x256xf32, #tpu.memory_space<vmem>>, vector<1x16xf32>,
          %parallel_loop3A_640 = vector.shape_cast %parallel_loop3A_639 : vector<1x16xf32> to vector<16xf32>
          %parallel_loop3A_641 = arith.mulf %parallel_loop3A_640, %parallel_loop3A_209 : vector<16xf32>
          %parallel_loop3A_642 = arith.addf %parallel_loop3A_634, %parallel_loop3A_641 : vector<16xf32>
          %parallel_loop3A_643 = arith.constant 2 : i32
          %parallel_loop3A_644 = arith.addi %parallel_loop3A_157, %parallel_loop3A_643 : i32
          %parallel_loop3A_645 = arith.index_cast %parallel_loop3A_644 : i32 to index
          %parallel_loop3A_646 = arith.constant 192 : index
          %parallel_loop3A_647 = tpu.vector_load %arg10[%parallel_loop3A_645, %parallel_loop3A_646] {strides = array<i32>} : memref<200x256xf32, #tpu.memory_space<vmem>>, vector<1x16xf32>,
          %parallel_loop3A_648 = vector.shape_cast %parallel_loop3A_647 : vector<1x16xf32> to vector<16xf32>
          %parallel_loop3A_649 = arith.mulf %parallel_loop3A_648, %parallel_loop3A_215 : vector<16xf32>
          %parallel_loop3A_650 = arith.addf %parallel_loop3A_642, %parallel_loop3A_649 : vector<16xf32>
          %parallel_loop3A_651 = arith.constant 3 : i32
          %parallel_loop3A_652 = arith.addi %parallel_loop3A_157, %parallel_loop3A_651 : i32
          %parallel_loop3A_653 = arith.index_cast %parallel_loop3A_652 : i32 to index
          %parallel_loop3A_654 = arith.constant 192 : index
          %parallel_loop3A_655 = tpu.vector_load %arg10[%parallel_loop3A_653, %parallel_loop3A_654] {strides = array<i32>} : memref<200x256xf32, #tpu.memory_space<vmem>>, vector<1x16xf32>,
          %parallel_loop3A_656 = vector.shape_cast %parallel_loop3A_655 : vector<1x16xf32> to vector<16xf32>
          %parallel_loop3A_657 = arith.mulf %parallel_loop3A_656, %parallel_loop3A_221 : vector<16xf32>
          %parallel_loop3A_658 = arith.addf %parallel_loop3A_650, %parallel_loop3A_657 : vector<16xf32>
          %parallel_loop3A_659 = arith.index_cast %parallel_loop3A_155 : i32 to index
          %parallel_loop3A_660 = arith.constant 192 : index
          %parallel_loop3A_661 = tpu.vector_load %arg12[%parallel_loop3A_659, %parallel_loop3A_660] {strides = array<i32>} : memref<56x256xf32, #tpu.memory_space<vmem>>, vector<1x16xf32>,
          %parallel_loop3A_662 = vector.shape_cast %parallel_loop3A_661 : vector<1x16xf32> to vector<16xf32>
          %parallel_loop3A_663 = vector.shape_cast %parallel_loop3A_658 : vector<16xf32> to vector<1x16xf32>
          tpu.vector_store %arg12[%parallel_loop3A_659, %parallel_loop3A_660], %parallel_loop3A_663 {strides = array<i32>} : memref<56x256xf32, #tpu.memory_space<vmem>>, vector<1x16xf32>,
          %parallel_loop3A_664 = arith.index_cast %parallel_loop3A_157 : i32 to index
          %parallel_loop3A_665 = arith.constant 208 : index
          %parallel_loop3A_666 = tpu.vector_load %arg10[%parallel_loop3A_664, %parallel_loop3A_665] {strides = array<i32>} : memref<200x256xf32, #tpu.memory_space<vmem>>, vector<1x16xf32>,
          %parallel_loop3A_667 = vector.shape_cast %parallel_loop3A_666 : vector<1x16xf32> to vector<16xf32>
          %parallel_loop3A_668 = arith.mulf %parallel_loop3A_667, %parallel_loop3A_203 : vector<16xf32>
          %parallel_loop3A_669 = arith.constant 1 : i32
          %parallel_loop3A_670 = arith.addi %parallel_loop3A_157, %parallel_loop3A_669 : i32
          %parallel_loop3A_671 = arith.index_cast %parallel_loop3A_670 : i32 to index
          %parallel_loop3A_672 = arith.constant 208 : index
          %parallel_loop3A_673 = tpu.vector_load %arg10[%parallel_loop3A_671, %parallel_loop3A_672] {strides = array<i32>} : memref<200x256xf32, #tpu.memory_space<vmem>>, vector<1x16xf32>,
          %parallel_loop3A_674 = vector.shape_cast %parallel_loop3A_673 : vector<1x16xf32> to vector<16xf32>
          %parallel_loop3A_675 = arith.mulf %parallel_loop3A_674, %parallel_loop3A_209 : vector<16xf32>
          %parallel_loop3A_676 = arith.addf %parallel_loop3A_668, %parallel_loop3A_675 : vector<16xf32>
          %parallel_loop3A_677 = arith.constant 2 : i32
          %parallel_loop3A_678 = arith.addi %parallel_loop3A_157, %parallel_loop3A_677 : i32
          %parallel_loop3A_679 = arith.index_cast %parallel_loop3A_678 : i32 to index
          %parallel_loop3A_680 = arith.constant 208 : index
          %parallel_loop3A_681 = tpu.vector_load %arg10[%parallel_loop3A_679, %parallel_loop3A_680] {strides = array<i32>} : memref<200x256xf32, #tpu.memory_space<vmem>>, vector<1x16xf32>,
          %parallel_loop3A_682 = vector.shape_cast %parallel_loop3A_681 : vector<1x16xf32> to vector<16xf32>
          %parallel_loop3A_683 = arith.mulf %parallel_loop3A_682, %parallel_loop3A_215 : vector<16xf32>
          %parallel_loop3A_684 = arith.addf %parallel_loop3A_676, %parallel_loop3A_683 : vector<16xf32>
          %parallel_loop3A_685 = arith.constant 3 : i32
          %parallel_loop3A_686 = arith.addi %parallel_loop3A_157, %parallel_loop3A_685 : i32
          %parallel_loop3A_687 = arith.index_cast %parallel_loop3A_686 : i32 to index
          %parallel_loop3A_688 = arith.constant 208 : index
          %parallel_loop3A_689 = tpu.vector_load %arg10[%parallel_loop3A_687, %parallel_loop3A_688] {strides = array<i32>} : memref<200x256xf32, #tpu.memory_space<vmem>>, vector<1x16xf32>,
          %parallel_loop3A_690 = vector.shape_cast %parallel_loop3A_689 : vector<1x16xf32> to vector<16xf32>
          %parallel_loop3A_691 = arith.mulf %parallel_loop3A_690, %parallel_loop3A_221 : vector<16xf32>
          %parallel_loop3A_692 = arith.addf %parallel_loop3A_684, %parallel_loop3A_691 : vector<16xf32>
          %parallel_loop3A_693 = arith.index_cast %parallel_loop3A_155 : i32 to index
          %parallel_loop3A_694 = arith.constant 208 : index
          %parallel_loop3A_695 = tpu.vector_load %arg12[%parallel_loop3A_693, %parallel_loop3A_694] {strides = array<i32>} : memref<56x256xf32, #tpu.memory_space<vmem>>, vector<1x16xf32>,
          %parallel_loop3A_696 = vector.shape_cast %parallel_loop3A_695 : vector<1x16xf32> to vector<16xf32>
          %parallel_loop3A_697 = vector.shape_cast %parallel_loop3A_692 : vector<16xf32> to vector<1x16xf32>
          tpu.vector_store %arg12[%parallel_loop3A_693, %parallel_loop3A_694], %parallel_loop3A_697 {strides = array<i32>} : memref<56x256xf32, #tpu.memory_space<vmem>>, vector<1x16xf32>,
          %parallel_loop3A_698 = arith.index_cast %parallel_loop3A_157 : i32 to index
          %parallel_loop3A_699 = arith.constant 224 : index
          %parallel_loop3A_700 = tpu.vector_load %arg10[%parallel_loop3A_698, %parallel_loop3A_699] {strides = array<i32>} : memref<200x256xf32, #tpu.memory_space<vmem>>, vector<1x16xf32>,
          %parallel_loop3A_701 = vector.shape_cast %parallel_loop3A_700 : vector<1x16xf32> to vector<16xf32>
          %parallel_loop3A_702 = arith.mulf %parallel_loop3A_701, %parallel_loop3A_203 : vector<16xf32>
          %parallel_loop3A_703 = arith.constant 1 : i32
          %parallel_loop3A_704 = arith.addi %parallel_loop3A_157, %parallel_loop3A_703 : i32
          %parallel_loop3A_705 = arith.index_cast %parallel_loop3A_704 : i32 to index
          %parallel_loop3A_706 = arith.constant 224 : index
          %parallel_loop3A_707 = tpu.vector_load %arg10[%parallel_loop3A_705, %parallel_loop3A_706] {strides = array<i32>} : memref<200x256xf32, #tpu.memory_space<vmem>>, vector<1x16xf32>,
          %parallel_loop3A_708 = vector.shape_cast %parallel_loop3A_707 : vector<1x16xf32> to vector<16xf32>
          %parallel_loop3A_709 = arith.mulf %parallel_loop3A_708, %parallel_loop3A_209 : vector<16xf32>
          %parallel_loop3A_710 = arith.addf %parallel_loop3A_702, %parallel_loop3A_709 : vector<16xf32>
          %parallel_loop3A_711 = arith.constant 2 : i32
          %parallel_loop3A_712 = arith.addi %parallel_loop3A_157, %parallel_loop3A_711 : i32
          %parallel_loop3A_713 = arith.index_cast %parallel_loop3A_712 : i32 to index
          %parallel_loop3A_714 = arith.constant 224 : index
          %parallel_loop3A_715 = tpu.vector_load %arg10[%parallel_loop3A_713, %parallel_loop3A_714] {strides = array<i32>} : memref<200x256xf32, #tpu.memory_space<vmem>>, vector<1x16xf32>,
          %parallel_loop3A_716 = vector.shape_cast %parallel_loop3A_715 : vector<1x16xf32> to vector<16xf32>
          %parallel_loop3A_717 = arith.mulf %parallel_loop3A_716, %parallel_loop3A_215 : vector<16xf32>
          %parallel_loop3A_718 = arith.addf %parallel_loop3A_710, %parallel_loop3A_717 : vector<16xf32>
          %parallel_loop3A_719 = arith.constant 3 : i32
          %parallel_loop3A_720 = arith.addi %parallel_loop3A_157, %parallel_loop3A_719 : i32
          %parallel_loop3A_721 = arith.index_cast %parallel_loop3A_720 : i32 to index
          %parallel_loop3A_722 = arith.constant 224 : index
          %parallel_loop3A_723 = tpu.vector_load %arg10[%parallel_loop3A_721, %parallel_loop3A_722] {strides = array<i32>} : memref<200x256xf32, #tpu.memory_space<vmem>>, vector<1x16xf32>,
          %parallel_loop3A_724 = vector.shape_cast %parallel_loop3A_723 : vector<1x16xf32> to vector<16xf32>
          %parallel_loop3A_725 = arith.mulf %parallel_loop3A_724, %parallel_loop3A_221 : vector<16xf32>
          %parallel_loop3A_726 = arith.addf %parallel_loop3A_718, %parallel_loop3A_725 : vector<16xf32>
          %parallel_loop3A_727 = arith.index_cast %parallel_loop3A_155 : i32 to index
          %parallel_loop3A_728 = arith.constant 224 : index
          %parallel_loop3A_729 = tpu.vector_load %arg12[%parallel_loop3A_727, %parallel_loop3A_728] {strides = array<i32>} : memref<56x256xf32, #tpu.memory_space<vmem>>, vector<1x16xf32>,
          %parallel_loop3A_730 = vector.shape_cast %parallel_loop3A_729 : vector<1x16xf32> to vector<16xf32>
          %parallel_loop3A_731 = vector.shape_cast %parallel_loop3A_726 : vector<16xf32> to vector<1x16xf32>
          tpu.vector_store %arg12[%parallel_loop3A_727, %parallel_loop3A_728], %parallel_loop3A_731 {strides = array<i32>} : memref<56x256xf32, #tpu.memory_space<vmem>>, vector<1x16xf32>,
          %parallel_loop3A_732 = arith.index_cast %parallel_loop3A_157 : i32 to index
          %parallel_loop3A_733 = arith.constant 240 : index
          %parallel_loop3A_734 = tpu.vector_load %arg10[%parallel_loop3A_732, %parallel_loop3A_733] {strides = array<i32>} : memref<200x256xf32, #tpu.memory_space<vmem>>, vector<1x16xf32>,
          %parallel_loop3A_735 = vector.shape_cast %parallel_loop3A_734 : vector<1x16xf32> to vector<16xf32>
          %parallel_loop3A_736 = arith.mulf %parallel_loop3A_735, %parallel_loop3A_203 : vector<16xf32>
          %parallel_loop3A_737 = arith.constant 1 : i32
          %parallel_loop3A_738 = arith.addi %parallel_loop3A_157, %parallel_loop3A_737 : i32
          %parallel_loop3A_739 = arith.index_cast %parallel_loop3A_738 : i32 to index
          %parallel_loop3A_740 = arith.constant 240 : index
          %parallel_loop3A_741 = tpu.vector_load %arg10[%parallel_loop3A_739, %parallel_loop3A_740] {strides = array<i32>} : memref<200x256xf32, #tpu.memory_space<vmem>>, vector<1x16xf32>,
          %parallel_loop3A_742 = vector.shape_cast %parallel_loop3A_741 : vector<1x16xf32> to vector<16xf32>
          %parallel_loop3A_743 = arith.mulf %parallel_loop3A_742, %parallel_loop3A_209 : vector<16xf32>
          %parallel_loop3A_744 = arith.addf %parallel_loop3A_736, %parallel_loop3A_743 : vector<16xf32>
          %parallel_loop3A_745 = arith.constant 2 : i32
          %parallel_loop3A_746 = arith.addi %parallel_loop3A_157, %parallel_loop3A_745 : i32
          %parallel_loop3A_747 = arith.index_cast %parallel_loop3A_746 : i32 to index
          %parallel_loop3A_748 = arith.constant 240 : index
          %parallel_loop3A_749 = tpu.vector_load %arg10[%parallel_loop3A_747, %parallel_loop3A_748] {strides = array<i32>} : memref<200x256xf32, #tpu.memory_space<vmem>>, vector<1x16xf32>,
          %parallel_loop3A_750 = vector.shape_cast %parallel_loop3A_749 : vector<1x16xf32> to vector<16xf32>
          %parallel_loop3A_751 = arith.mulf %parallel_loop3A_750, %parallel_loop3A_215 : vector<16xf32>
          %parallel_loop3A_752 = arith.addf %parallel_loop3A_744, %parallel_loop3A_751 : vector<16xf32>
          %parallel_loop3A_753 = arith.constant 3 : i32
          %parallel_loop3A_754 = arith.addi %parallel_loop3A_157, %parallel_loop3A_753 : i32
          %parallel_loop3A_755 = arith.index_cast %parallel_loop3A_754 : i32 to index
          %parallel_loop3A_756 = arith.constant 240 : index
          %parallel_loop3A_757 = tpu.vector_load %arg10[%parallel_loop3A_755, %parallel_loop3A_756] {strides = array<i32>} : memref<200x256xf32, #tpu.memory_space<vmem>>, vector<1x16xf32>,
          %parallel_loop3A_758 = vector.shape_cast %parallel_loop3A_757 : vector<1x16xf32> to vector<16xf32>
          %parallel_loop3A_759 = arith.mulf %parallel_loop3A_758, %parallel_loop3A_221 : vector<16xf32>
          %parallel_loop3A_760 = arith.addf %parallel_loop3A_752, %parallel_loop3A_759 : vector<16xf32>
          %parallel_loop3A_761 = arith.index_cast %parallel_loop3A_155 : i32 to index
          %parallel_loop3A_762 = arith.constant 240 : index
          %parallel_loop3A_763 = tpu.vector_load %arg12[%parallel_loop3A_761, %parallel_loop3A_762] {strides = array<i32>} : memref<56x256xf32, #tpu.memory_space<vmem>>, vector<1x16xf32>,
          %parallel_loop3A_764 = vector.shape_cast %parallel_loop3A_763 : vector<1x16xf32> to vector<16xf32>
          %parallel_loop3A_765 = vector.shape_cast %parallel_loop3A_760 : vector<16xf32> to vector<1x16xf32>
          tpu.vector_store %arg12[%parallel_loop3A_761, %parallel_loop3A_762], %parallel_loop3A_765 {strides = array<i32>} : memref<56x256xf32, #tpu.memory_space<vmem>>, vector<1x16xf32>,
        } {sc.loop_unroll_factor = 4 : i64, sc.parallel_access}
        %lt3A_145 = arith.constant 2000 : i32
        %lt3A_146 = arith.cmpi slt, %add3A_72, %lt3A_145 : i32
        %convert_element_type3A_147 = arith.extui %lt3A_146 : i1 to i32
        %cond3A_148 = arith.constant 0 : i32
        %cond3A_149 = arith.cmpi ne, %convert_element_type3A_147, %cond3A_148 : i32
        scf.if %cond3A_149 {
          %dma_start3A_155 = arith.constant 0 : i32
          %dma_start3A_156 = arith.constant 0 : i32
          %dma_start3A_157 = tpu.memref_slice %arg5[%add3A_72, %dma_start3A_155, %dma_start3A_156] : memref<2000x56x256xf32, #tpu.memory_space<hbm>> -> memref<1x56x256xf32, #tpu.memory_space<hbm>>
          %dma_start3A_158 = tpu.memref_squeeze %dma_start3A_157 : memref<1x56x256xf32, #tpu.memory_space<hbm>> -> memref<56x256xf32, #tpu.memory_space<hbm>>
          %dma_start3A_159 = arith.constant 0 : i32
          %dma_start3A_160 = arith.constant 0 : i32
          %dma_start3A_161 = tpu.memref_slice %arg5[%add3A_72, %dma_start3A_159, %dma_start3A_160] : memref<2000x56x256xf32, #tpu.memory_space<hbm>> -> memref<1x56x256xf32, #tpu.memory_space<hbm>>
          %dma_start3A_162 = tpu.memref_squeeze %dma_start3A_161 : memref<1x56x256xf32, #tpu.memory_space<hbm>> -> memref<56x256xf32, #tpu.memory_space<hbm>>
          tpu.enqueue_dma source(%arg12 : memref<56x256xf32, #tpu.memory_space<vmem>>) target(%dma_start3A_162 : memref<56x256xf32, #tpu.memory_space<hbm>>) target_semaphore(%arg17 : memref<!tpu.dma_semaphore, #tpu.memory_space<semaphore_mem>>)
        } else {
        }
        %lt3A_150 = arith.constant 62 : i32
        %lt3A_151 = arith.cmpi slt, %scan3A_71, %lt3A_150 : i32
        %convert_element_type3A_152 = arith.extui %lt3A_151 : i1 to i32
        %cond3A_153 = arith.constant 0 : i32
        %cond3A_154 = arith.cmpi ne, %convert_element_type3A_152, %cond3A_153 : i32
        scf.if %cond3A_154 {
          %add3A_155 = arith.constant 2 : i32
          %add3A_156 = arith.addi %scan3A_71, %add3A_155 : i32
          %add3A_157 = arith.addi %mul3A_2, %add3A_156 : i32
          %mul3A_158 = arith.constant 8 : i32
          %mul3A_159 = arith.muli %add3A_157, %mul3A_158 : i32
          %dma_start3A_160 = arith.constant 0 : i32
          %dma_start3A_161 = tpu.memref_slice %arg2[%mul3A_159, %dma_start3A_160] : memref<16384x128xi32, #tpu.memory_space<hbm>> -> memref<8x128xi32, #tpu.memory_space<hbm>>
          %dma_start3A_162 = arith.constant 0 : i32
          %dma_start3A_163 = tpu.memref_slice %arg2[%mul3A_159, %dma_start3A_162] : memref<16384x128xi32, #tpu.memory_space<hbm>> -> memref<8x128xi32, #tpu.memory_space<hbm>>
          tpu.enqueue_dma source(%dma_start3A_163 : memref<8x128xi32, #tpu.memory_space<hbm>>) target(%arg6 : memref<8x128xi32, #tpu.memory_space<vmem>>) target_semaphore(%arg13 : memref<!tpu.dma_semaphore, #tpu.memory_space<semaphore_mem>>)
          %mul3A_164 = arith.constant 32 : i32
          %mul3A_165 = arith.muli %add3A_157, %mul3A_164 : i32
          %dma_start3A_166 = arith.constant 0 : i32
          %dma_start3A_167 = tpu.memref_slice %arg3[%mul3A_165, %dma_start3A_166] : memref<65536x128xf32, #tpu.memory_space<hbm>> -> memref<32x128xf32, #tpu.memory_space<hbm>>
          %dma_start3A_168 = arith.constant 0 : i32
          %dma_start3A_169 = tpu.memref_slice %arg3[%mul3A_165, %dma_start3A_168] : memref<65536x128xf32, #tpu.memory_space<hbm>> -> memref<32x128xf32, #tpu.memory_space<hbm>>
          tpu.enqueue_dma source(%dma_start3A_169 : memref<32x128xf32, #tpu.memory_space<hbm>>) target(%arg8 : memref<32x128xf32, #tpu.memory_space<vmem>>) target_semaphore(%arg13 : memref<!tpu.dma_semaphore, #tpu.memory_space<semaphore_mem>>)
        } else {
        }
      } else {
      }
      %jit3A_88 = arith.constant 2 : i32
      %eq3A_89 = arith.constant 0 : i32
      %eq3A_90 = arith.cmpi eq, %jit3A_88, %eq3A_89 : i32
      %jit3A_91 = arith.constant 1 : i32
      %select_n3A_92 = arith.select %eq3A_90, %jit3A_91, %jit3A_88 : i32
      %rem3A_93 = arith.remsi %scan3A_71, %select_n3A_92 : i32
      %ne3A_94 = arith.constant 0 : i32
      %ne3A_95 = arith.cmpi ne, %rem3A_93, %ne3A_94 : i32
      %lt3A_96 = arith.constant 0 : i32
      %lt3A_97 = arith.cmpi slt, %rem3A_93, %lt3A_96 : i32
      %lt3A_98 = arith.constant 0 : i32
      %lt3A_99 = arith.cmpi slt, %select_n3A_92, %lt3A_98 : i32
      %ne3A_100 = arith.xori %lt3A_97, %lt3A_99 : i1
      %and3A_101 = arith.andi %ne3A_100, %ne3A_95 : i1
      %add3A_102 = arith.addi %rem3A_93, %select_n3A_92 : i32
      %select_n3A_103 = arith.select %and3A_101, %add3A_102, %rem3A_93 : i32
      %eq3A_104 = arith.constant 1 : i32
      %eq3A_105 = arith.cmpi eq, %select_n3A_103, %eq3A_104 : i32
      %convert_element_type3A_106 = arith.extui %eq3A_105 : i1 to i32
      %cond3A_107 = arith.constant 0 : i32
      %cond3A_108 = arith.cmpi ne, %convert_element_type3A_106, %cond3A_107 : i32
      scf.if %cond3A_108 {
        %lt3A_109 = arith.constant 63 : i32
        %lt3A_110 = arith.cmpi slt, %scan3A_71, %lt3A_109 : i32
        %convert_element_type3A_111 = arith.extui %lt3A_110 : i1 to i32
        %cond3A_112 = arith.constant 0 : i32
        %cond3A_113 = arith.cmpi ne, %convert_element_type3A_111, %cond3A_112 : i32
        scf.if %cond3A_113 {
          %dma_wait3A_155 = arith.constant 0 : i32
          %dma_wait3A_156 = arith.constant 0 : i32
          %dma_wait3A_157 = tpu.memref_slice %arg2[%dma_wait3A_155, %dma_wait3A_156] : memref<16384x128xi32, #tpu.memory_space<hbm>> -> memref<8x128xi32, #tpu.memory_space<hbm>>
          %dma_wait3A_158 = arith.constant 0 : i32
          %dma_wait3A_159 = arith.constant 0 : i32
          %dma_wait3A_160 = tpu.memref_slice %arg2[%dma_wait3A_158, %dma_wait3A_159] : memref<16384x128xi32, #tpu.memory_space<hbm>> -> memref<8x128xi32, #tpu.memory_space<hbm>>
          tpu.wait_dma2 semaphore(%arg13 : memref<!tpu.dma_semaphore, #tpu.memory_space<semaphore_mem>>) src(%dma_wait3A_160 : memref<8x128xi32, #tpu.memory_space<hbm>>) dst(%arg6 : memref<8x128xi32, #tpu.memory_space<vmem>>)
          %dma_wait3A_161 = arith.constant 0 : i32
          %dma_wait3A_162 = arith.constant 0 : i32
          %dma_wait3A_163 = tpu.memref_slice %arg3[%dma_wait3A_161, %dma_wait3A_162] : memref<65536x128xf32, #tpu.memory_space<hbm>> -> memref<32x128xf32, #tpu.memory_space<hbm>>
          %dma_wait3A_164 = arith.constant 0 : i32
          %dma_wait3A_165 = arith.constant 0 : i32
          %dma_wait3A_166 = tpu.memref_slice %arg3[%dma_wait3A_164, %dma_wait3A_165] : memref<65536x128xf32, #tpu.memory_space<hbm>> -> memref<32x128xf32, #tpu.memory_space<hbm>>
          tpu.wait_dma2 semaphore(%arg13 : memref<!tpu.dma_semaphore, #tpu.memory_space<semaphore_mem>>) src(%dma_wait3A_166 : memref<32x128xf32, #tpu.memory_space<hbm>>) dst(%arg8 : memref<32x128xf32, #tpu.memory_space<vmem>>)
          %dma_start3A_167 = arith.constant 0 : i32
          %dma_start3A_168 = arith.constant 0 : i32
          %dma_start3A_169 = arith.constant 0 : i32
          %dma_start3A_170 = tpu.memref_slice %arg10[%dma_start3A_168, %dma_start3A_169] : memref<200x256xf32, #tpu.memory_space<vmem>> -> memref<128x256xf32, #tpu.memory_space<vmem>>
          %dma_start3A_171 = arith.constant 0 : i32
          %dma_start3A_172 = tpu.memref_slice %arg6[%dma_start3A_167, %dma_start3A_171] : memref<8x128xi32, #tpu.memory_space<vmem>> -> memref<1x128xi32, #tpu.memory_space<vmem>>
          %dma_start3A_173 = tpu.memref_squeeze %dma_start3A_172 : memref<1x128xi32, #tpu.memory_space<vmem>> -> memref<128xi32, #tpu.memory_space<vmem>>
          %dma_start3A_174 = arith.constant 0 : i32
          %dma_start3A_175 = arith.constant 0 : i32
          %dma_start3A_176 = tpu.memref_slice %arg4[%dma_start3A_174, %dma_start3A_175] : memref<200704x256xf32, #tpu.memory_space<hbm>> -> memref<200704x256xf32, #tpu.memory_space<hbm>>
          tpu.enqueue_indirect_dma source(%dma_start3A_176 : memref<200704x256xf32, #tpu.memory_space<hbm>>) target(%dma_start3A_170 : memref<128x256xf32, #tpu.memory_space<vmem>>) offsets(%dma_start3A_173 : memref<128xi32, #tpu.memory_space<vmem>>) semaphore(%arg15 : memref<!tpu.dma_semaphore, #tpu.memory_space<semaphore_mem>>)
          %dma_start3A_177 = arith.constant 1 : i32
          %dma_start3A_178 = arith.constant 128 : i32
          %dma_start3A_179 = arith.constant 0 : i32
          %dma_start3A_180 = tpu.memref_slice %arg10[%dma_start3A_178, %dma_start3A_179] : memref<200x256xf32, #tpu.memory_space<vmem>> -> memref<72x256xf32, #tpu.memory_space<vmem>>
          %dma_start3A_181 = arith.constant 0 : i32
          %dma_start3A_182 = tpu.memref_slice %arg6[%dma_start3A_177, %dma_start3A_181] : memref<8x128xi32, #tpu.memory_space<vmem>> -> memref<1x72xi32, #tpu.memory_space<vmem>>
          %dma_start3A_183 = tpu.memref_squeeze %dma_start3A_182 : memref<1x72xi32, #tpu.memory_space<vmem>> -> memref<72xi32, #tpu.memory_space<vmem>>
          %dma_start3A_184 = arith.constant 0 : i32
          %dma_start3A_185 = arith.constant 0 : i32
          %dma_start3A_186 = tpu.memref_slice %arg4[%dma_start3A_184, %dma_start3A_185] : memref<200704x256xf32, #tpu.memory_space<hbm>> -> memref<200704x256xf32, #tpu.memory_space<hbm>>
          tpu.enqueue_indirect_dma source(%dma_start3A_186 : memref<200704x256xf32, #tpu.memory_space<hbm>>) target(%dma_start3A_180 : memref<72x256xf32, #tpu.memory_space<vmem>>) offsets(%dma_start3A_183 : memref<72xi32, #tpu.memory_space<vmem>>) semaphore(%arg15 : memref<!tpu.dma_semaphore, #tpu.memory_space<semaphore_mem>>)
        } else {
        }
        %dma_wait3A_114 = arith.constant 0 : i32
        %dma_wait3A_115 = arith.constant 0 : i32
        %dma_wait3A_116 = arith.constant 0 : i32
        %dma_wait3A_117 = tpu.memref_slice %arg11[%dma_wait3A_115, %dma_wait3A_116] : memref<200x256xf32, #tpu.memory_space<vmem>> -> memref<128x256xf32, #tpu.memory_space<vmem>>
        %dma_wait3A_118 = arith.constant 0 : i32
        %dma_wait3A_119 = tpu.memref_slice %arg7[%dma_wait3A_114, %dma_wait3A_118] : memref<8x128xi32, #tpu.memory_space<vmem>> -> memref<1x128xi32, #tpu.memory_space<vmem>>
        %dma_wait3A_120 = tpu.memref_squeeze %dma_wait3A_119 : memref<1x128xi32, #tpu.memory_space<vmem>> -> memref<128xi32, #tpu.memory_space<vmem>>
        %dma_wait3A_121 = arith.constant 0 : i32
        %dma_wait3A_122 = arith.constant 0 : i32
        %dma_wait3A_123 = tpu.memref_slice %arg4[%dma_wait3A_121, %dma_wait3A_122] : memref<200704x256xf32, #tpu.memory_space<hbm>> -> memref<200704x256xf32, #tpu.memory_space<hbm>>
        tpu.wait_indirect_dma semaphore(%arg16 : memref<!tpu.dma_semaphore, #tpu.memory_space<semaphore_mem>>) src(%dma_wait3A_123 : memref<200704x256xf32, #tpu.memory_space<hbm>>) dst(%dma_wait3A_117 : memref<128x256xf32, #tpu.memory_space<vmem>>)
        %dma_wait3A_124 = arith.constant 1 : i32
        %dma_wait3A_125 = arith.constant 128 : i32
        %dma_wait3A_126 = arith.constant 0 : i32
        %dma_wait3A_127 = tpu.memref_slice %arg11[%dma_wait3A_125, %dma_wait3A_126] : memref<200x256xf32, #tpu.memory_space<vmem>> -> memref<72x256xf32, #tpu.memory_space<vmem>>
        %dma_wait3A_128 = arith.constant 0 : i32
        %dma_wait3A_129 = tpu.memref_slice %arg7[%dma_wait3A_124, %dma_wait3A_128] : memref<8x128xi32, #tpu.memory_space<vmem>> -> memref<1x72xi32, #tpu.memory_space<vmem>>
        %dma_wait3A_130 = tpu.memref_squeeze %dma_wait3A_129 : memref<1x72xi32, #tpu.memory_space<vmem>> -> memref<72xi32, #tpu.memory_space<vmem>>
        %dma_wait3A_131 = arith.constant 0 : i32
        %dma_wait3A_132 = arith.constant 0 : i32
        %dma_wait3A_133 = tpu.memref_slice %arg4[%dma_wait3A_131, %dma_wait3A_132] : memref<200704x256xf32, #tpu.memory_space<hbm>> -> memref<200704x256xf32, #tpu.memory_space<hbm>>
        tpu.wait_indirect_dma semaphore(%arg16 : memref<!tpu.dma_semaphore, #tpu.memory_space<semaphore_mem>>) src(%dma_wait3A_133 : memref<200704x256xf32, #tpu.memory_space<hbm>>) dst(%dma_wait3A_127 : memref<72x256xf32, #tpu.memory_space<vmem>>)
        %ge3A = arith.constant 1 : i32
        %ge3A_134 = arith.cmpi sge, %scan3A_71, %ge3A : i32
        %sub3A_135 = arith.constant 1 : i32
        %sub3A_136 = arith.subi %add3A_72, %sub3A_135 : i32
        %lt3A_137 = arith.constant 2000 : i32
        %lt3A_138 = arith.cmpi slt, %sub3A_136, %lt3A_137 : i32
        %and3A_139 = arith.andi %ge3A_134, %lt3A_138 : i1
        %convert_element_type3A_140 = arith.extui %and3A_139 : i1 to i32
        %cond3A_141 = arith.constant 0 : i32
        %cond3A_142 = arith.cmpi ne, %convert_element_type3A_140, %cond3A_141 : i32
        scf.if %cond3A_142 {
          %dma_wait3A_155 = arith.constant 0 : i32
          %dma_wait3A_156 = arith.constant 0 : i32
          %dma_wait3A_157 = arith.constant 0 : i32
          %dma_wait3A_158 = tpu.memref_slice %arg5[%dma_wait3A_155, %dma_wait3A_156, %dma_wait3A_157] : memref<2000x56x256xf32, #tpu.memory_space<hbm>> -> memref<1x56x256xf32, #tpu.memory_space<hbm>>
          %dma_wait3A_159 = tpu.memref_squeeze %dma_wait3A_158 : memref<1x56x256xf32, #tpu.memory_space<hbm>> -> memref<56x256xf32, #tpu.memory_space<hbm>>
          %dma_wait3A_160 = arith.constant 0 : i32
          %dma_wait3A_161 = arith.constant 0 : i32
          %dma_wait3A_162 = tpu.memref_slice %arg5[%dma_wait3A_155, %dma_wait3A_160, %dma_wait3A_161] : memref<2000x56x256xf32, #tpu.memory_space<hbm>> -> memref<1x56x256xf32, #tpu.memory_space<hbm>>
          %dma_wait3A_163 = tpu.memref_squeeze %dma_wait3A_162 : memref<1x56x256xf32, #tpu.memory_space<hbm>> -> memref<56x256xf32, #tpu.memory_space<hbm>>
          tpu.wait_dma2 semaphore(%arg17 : memref<!tpu.dma_semaphore, #tpu.memory_space<semaphore_mem>>) src(%arg12 : memref<56x256xf32, #tpu.memory_space<vmem>>) dst(%dma_wait3A_163 : memref<56x256xf32, #tpu.memory_space<hbm>>)
        } else {
        }
        %parallel_loop3A = arith.constant 0 : i32
        %parallel_loop3A_143 = arith.constant 49 : i32
        %parallel_loop3A_144 = arith.constant 1 : i32
        scf.for %parallel_loop3A_155 = %parallel_loop3A to %parallel_loop3A_143 step %parallel_loop3A_144  : i32 {
          %parallel_loop3A_156 = arith.constant 4 : i32
          %parallel_loop3A_157 = arith.muli %parallel_loop3A_156, %parallel_loop3A_155 : i32
          %parallel_loop3A_158 = arith.constant 2 : i32
          %parallel_loop3A_159 = arith.divsi %parallel_loop3A_155, %parallel_loop3A_158 : i32
          %parallel_loop3A_160 = arith.constant 0 : i32
          %parallel_loop3A_161 = arith.cmpi sgt, %parallel_loop3A_155, %parallel_loop3A_160 : i32
          %parallel_loop3A_162 = arith.extui %parallel_loop3A_161 : i1 to i32
          %parallel_loop3A_163 = arith.constant 0 : i32
          %parallel_loop3A_164 = arith.cmpi slt, %parallel_loop3A_155, %parallel_loop3A_163 : i32
          %parallel_loop3A_165 = arith.extui %parallel_loop3A_164 : i1 to i32
          %parallel_loop3A_166 = arith.subi %parallel_loop3A_162, %parallel_loop3A_165 : i32
          %parallel_loop3A_167 = arith.constant 0 : i32
          %parallel_loop3A_168 = arith.cmpi sgt, %parallel_loop3A_158, %parallel_loop3A_167 : i32
          %parallel_loop3A_169 = arith.extui %parallel_loop3A_168 : i1 to i32
          %parallel_loop3A_170 = arith.constant 0 : i32
          %parallel_loop3A_171 = arith.cmpi slt, %parallel_loop3A_158, %parallel_loop3A_170 : i32
          %parallel_loop3A_172 = arith.extui %parallel_loop3A_171 : i1 to i32
          %parallel_loop3A_173 = arith.subi %parallel_loop3A_169, %parallel_loop3A_172 : i32
          %parallel_loop3A_174 = arith.cmpi ne, %parallel_loop3A_166, %parallel_loop3A_173 : i32
          %parallel_loop3A_175 = arith.remsi %parallel_loop3A_155, %parallel_loop3A_158 : i32
          %parallel_loop3A_176 = arith.constant 0 : i32
          %parallel_loop3A_177 = arith.cmpi ne, %parallel_loop3A_175, %parallel_loop3A_176 : i32
          %parallel_loop3A_178 = arith.andi %parallel_loop3A_174, %parallel_loop3A_177 : i1
          %parallel_loop3A_179 = arith.constant 1 : i32
          %parallel_loop3A_180 = arith.subi %parallel_loop3A_159, %parallel_loop3A_179 : i32
          %parallel_loop3A_181 = arith.select %parallel_loop3A_178, %parallel_loop3A_180, %parallel_loop3A_159 : i32
          %parallel_loop3A_182 = arith.constant 2 : i32
          %parallel_loop3A_183 = arith.constant 0 : i32
          %parallel_loop3A_184 = arith.cmpi eq, %parallel_loop3A_182, %parallel_loop3A_183 : i32
          %parallel_loop3A_185 = arith.constant 1 : i32
          %parallel_loop3A_186 = arith.select %parallel_loop3A_184, %parallel_loop3A_185, %parallel_loop3A_182 : i32
          %parallel_loop3A_187 = arith.remsi %parallel_loop3A_155, %parallel_loop3A_186 : i32
          %parallel_loop3A_188 = arith.constant 0 : i32
          %parallel_loop3A_189 = arith.cmpi ne, %parallel_loop3A_187, %parallel_loop3A_188 : i32
          %parallel_loop3A_190 = arith.constant 0 : i32
          %parallel_loop3A_191 = arith.cmpi slt, %parallel_loop3A_187, %parallel_loop3A_190 : i32
          %parallel_loop3A_192 = arith.constant 0 : i32
          %parallel_loop3A_193 = arith.cmpi slt, %parallel_loop3A_186, %parallel_loop3A_192 : i32
          %parallel_loop3A_194 = arith.xori %parallel_loop3A_191, %parallel_loop3A_193 : i1
          %parallel_loop3A_195 = arith.andi %parallel_loop3A_194, %parallel_loop3A_189 : i1
          %parallel_loop3A_196 = arith.addi %parallel_loop3A_187, %parallel_loop3A_186 : i32
          %parallel_loop3A_197 = arith.select %parallel_loop3A_195, %parallel_loop3A_196, %parallel_loop3A_187 : i32
          %parallel_loop3A_198 = arith.constant 64 : i32
          %parallel_loop3A_199 = arith.muli %parallel_loop3A_197, %parallel_loop3A_198 : i32
          %parallel_loop3A_200 = arith.index_cast %parallel_loop3A_181 : i32 to index
          %parallel_loop3A_201 = arith.index_cast %parallel_loop3A_199 : i32 to index
          %parallel_loop3A_202 = tpu.vector_load %arg9[%parallel_loop3A_200, %parallel_loop3A_201] {strides = array<i32>} : memref<32x128xf32, #tpu.memory_space<vmem>>, vector<1x16xf32>,
          %parallel_loop3A_203 = vector.shape_cast %parallel_loop3A_202 : vector<1x16xf32> to vector<16xf32>
          %parallel_loop3A_204 = arith.constant 16 : i32
          %parallel_loop3A_205 = arith.addi %parallel_loop3A_199, %parallel_loop3A_204 : i32
          %parallel_loop3A_206 = arith.index_cast %parallel_loop3A_181 : i32 to index
          %parallel_loop3A_207 = arith.index_cast %parallel_loop3A_205 : i32 to index
          %parallel_loop3A_208 = tpu.vector_load %arg9[%parallel_loop3A_206, %parallel_loop3A_207] {strides = array<i32>} : memref<32x128xf32, #tpu.memory_space<vmem>>, vector<1x16xf32>,
          %parallel_loop3A_209 = vector.shape_cast %parallel_loop3A_208 : vector<1x16xf32> to vector<16xf32>
          %parallel_loop3A_210 = arith.constant 32 : i32
          %parallel_loop3A_211 = arith.addi %parallel_loop3A_199, %parallel_loop3A_210 : i32
          %parallel_loop3A_212 = arith.index_cast %parallel_loop3A_181 : i32 to index
          %parallel_loop3A_213 = arith.index_cast %parallel_loop3A_211 : i32 to index
          %parallel_loop3A_214 = tpu.vector_load %arg9[%parallel_loop3A_212, %parallel_loop3A_213] {strides = array<i32>} : memref<32x128xf32, #tpu.memory_space<vmem>>, vector<1x16xf32>,
          %parallel_loop3A_215 = vector.shape_cast %parallel_loop3A_214 : vector<1x16xf32> to vector<16xf32>
          %parallel_loop3A_216 = arith.constant 48 : i32
          %parallel_loop3A_217 = arith.addi %parallel_loop3A_199, %parallel_loop3A_216 : i32
          %parallel_loop3A_218 = arith.index_cast %parallel_loop3A_181 : i32 to index
          %parallel_loop3A_219 = arith.index_cast %parallel_loop3A_217 : i32 to index
          %parallel_loop3A_220 = tpu.vector_load %arg9[%parallel_loop3A_218, %parallel_loop3A_219] {strides = array<i32>} : memref<32x128xf32, #tpu.memory_space<vmem>>, vector<1x16xf32>,
          %parallel_loop3A_221 = vector.shape_cast %parallel_loop3A_220 : vector<1x16xf32> to vector<16xf32>
          %parallel_loop3A_222 = arith.index_cast %parallel_loop3A_157 : i32 to index
          %parallel_loop3A_223 = arith.constant 0 : index
          %parallel_loop3A_224 = tpu.vector_load %arg11[%parallel_loop3A_222, %parallel_loop3A_223] {strides = array<i32>} : memref<200x256xf32, #tpu.memory_space<vmem>>, vector<1x16xf32>,
          %parallel_loop3A_225 = vector.shape_cast %parallel_loop3A_224 : vector<1x16xf32> to vector<16xf32>
          %parallel_loop3A_226 = arith.mulf %parallel_loop3A_225, %parallel_loop3A_203 : vector<16xf32>
          %parallel_loop3A_227 = arith.constant 1 : i32
          %parallel_loop3A_228 = arith.addi %parallel_loop3A_157, %parallel_loop3A_227 : i32
          %parallel_loop3A_229 = arith.index_cast %parallel_loop3A_228 : i32 to index
          %parallel_loop3A_230 = arith.constant 0 : index
          %parallel_loop3A_231 = tpu.vector_load %arg11[%parallel_loop3A_229, %parallel_loop3A_230] {strides = array<i32>} : memref<200x256xf32, #tpu.memory_space<vmem>>, vector<1x16xf32>,
          %parallel_loop3A_232 = vector.shape_cast %parallel_loop3A_231 : vector<1x16xf32> to vector<16xf32>
          %parallel_loop3A_233 = arith.mulf %parallel_loop3A_232, %parallel_loop3A_209 : vector<16xf32>
          %parallel_loop3A_234 = arith.addf %parallel_loop3A_226, %parallel_loop3A_233 : vector<16xf32>
          %parallel_loop3A_235 = arith.constant 2 : i32
          %parallel_loop3A_236 = arith.addi %parallel_loop3A_157, %parallel_loop3A_235 : i32
          %parallel_loop3A_237 = arith.index_cast %parallel_loop3A_236 : i32 to index
          %parallel_loop3A_238 = arith.constant 0 : index
          %parallel_loop3A_239 = tpu.vector_load %arg11[%parallel_loop3A_237, %parallel_loop3A_238] {strides = array<i32>} : memref<200x256xf32, #tpu.memory_space<vmem>>, vector<1x16xf32>,
          %parallel_loop3A_240 = vector.shape_cast %parallel_loop3A_239 : vector<1x16xf32> to vector<16xf32>
          %parallel_loop3A_241 = arith.mulf %parallel_loop3A_240, %parallel_loop3A_215 : vector<16xf32>
          %parallel_loop3A_242 = arith.addf %parallel_loop3A_234, %parallel_loop3A_241 : vector<16xf32>
          %parallel_loop3A_243 = arith.constant 3 : i32
          %parallel_loop3A_244 = arith.addi %parallel_loop3A_157, %parallel_loop3A_243 : i32
          %parallel_loop3A_245 = arith.index_cast %parallel_loop3A_244 : i32 to index
          %parallel_loop3A_246 = arith.constant 0 : index
          %parallel_loop3A_247 = tpu.vector_load %arg11[%parallel_loop3A_245, %parallel_loop3A_246] {strides = array<i32>} : memref<200x256xf32, #tpu.memory_space<vmem>>, vector<1x16xf32>,
          %parallel_loop3A_248 = vector.shape_cast %parallel_loop3A_247 : vector<1x16xf32> to vector<16xf32>
          %parallel_loop3A_249 = arith.mulf %parallel_loop3A_248, %parallel_loop3A_221 : vector<16xf32>
          %parallel_loop3A_250 = arith.addf %parallel_loop3A_242, %parallel_loop3A_249 : vector<16xf32>
          %parallel_loop3A_251 = arith.index_cast %parallel_loop3A_155 : i32 to index
          %parallel_loop3A_252 = arith.constant 0 : index
          %parallel_loop3A_253 = tpu.vector_load %arg12[%parallel_loop3A_251, %parallel_loop3A_252] {strides = array<i32>} : memref<56x256xf32, #tpu.memory_space<vmem>>, vector<1x16xf32>,
          %parallel_loop3A_254 = vector.shape_cast %parallel_loop3A_253 : vector<1x16xf32> to vector<16xf32>
          %parallel_loop3A_255 = vector.shape_cast %parallel_loop3A_250 : vector<16xf32> to vector<1x16xf32>
          tpu.vector_store %arg12[%parallel_loop3A_251, %parallel_loop3A_252], %parallel_loop3A_255 {strides = array<i32>} : memref<56x256xf32, #tpu.memory_space<vmem>>, vector<1x16xf32>,
          %parallel_loop3A_256 = arith.index_cast %parallel_loop3A_157 : i32 to index
          %parallel_loop3A_257 = arith.constant 16 : index
          %parallel_loop3A_258 = tpu.vector_load %arg11[%parallel_loop3A_256, %parallel_loop3A_257] {strides = array<i32>} : memref<200x256xf32, #tpu.memory_space<vmem>>, vector<1x16xf32>,
          %parallel_loop3A_259 = vector.shape_cast %parallel_loop3A_258 : vector<1x16xf32> to vector<16xf32>
          %parallel_loop3A_260 = arith.mulf %parallel_loop3A_259, %parallel_loop3A_203 : vector<16xf32>
          %parallel_loop3A_261 = arith.constant 1 : i32
          %parallel_loop3A_262 = arith.addi %parallel_loop3A_157, %parallel_loop3A_261 : i32
          %parallel_loop3A_263 = arith.index_cast %parallel_loop3A_262 : i32 to index
          %parallel_loop3A_264 = arith.constant 16 : index
          %parallel_loop3A_265 = tpu.vector_load %arg11[%parallel_loop3A_263, %parallel_loop3A_264] {strides = array<i32>} : memref<200x256xf32, #tpu.memory_space<vmem>>, vector<1x16xf32>,
          %parallel_loop3A_266 = vector.shape_cast %parallel_loop3A_265 : vector<1x16xf32> to vector<16xf32>
          %parallel_loop3A_267 = arith.mulf %parallel_loop3A_266, %parallel_loop3A_209 : vector<16xf32>
          %parallel_loop3A_268 = arith.addf %parallel_loop3A_260, %parallel_loop3A_267 : vector<16xf32>
          %parallel_loop3A_269 = arith.constant 2 : i32
          %parallel_loop3A_270 = arith.addi %parallel_loop3A_157, %parallel_loop3A_269 : i32
          %parallel_loop3A_271 = arith.index_cast %parallel_loop3A_270 : i32 to index
          %parallel_loop3A_272 = arith.constant 16 : index
          %parallel_loop3A_273 = tpu.vector_load %arg11[%parallel_loop3A_271, %parallel_loop3A_272] {strides = array<i32>} : memref<200x256xf32, #tpu.memory_space<vmem>>, vector<1x16xf32>,
          %parallel_loop3A_274 = vector.shape_cast %parallel_loop3A_273 : vector<1x16xf32> to vector<16xf32>
          %parallel_loop3A_275 = arith.mulf %parallel_loop3A_274, %parallel_loop3A_215 : vector<16xf32>
          %parallel_loop3A_276 = arith.addf %parallel_loop3A_268, %parallel_loop3A_275 : vector<16xf32>
          %parallel_loop3A_277 = arith.constant 3 : i32
          %parallel_loop3A_278 = arith.addi %parallel_loop3A_157, %parallel_loop3A_277 : i32
          %parallel_loop3A_279 = arith.index_cast %parallel_loop3A_278 : i32 to index
          %parallel_loop3A_280 = arith.constant 16 : index
          %parallel_loop3A_281 = tpu.vector_load %arg11[%parallel_loop3A_279, %parallel_loop3A_280] {strides = array<i32>} : memref<200x256xf32, #tpu.memory_space<vmem>>, vector<1x16xf32>,
          %parallel_loop3A_282 = vector.shape_cast %parallel_loop3A_281 : vector<1x16xf32> to vector<16xf32>
          %parallel_loop3A_283 = arith.mulf %parallel_loop3A_282, %parallel_loop3A_221 : vector<16xf32>
          %parallel_loop3A_284 = arith.addf %parallel_loop3A_276, %parallel_loop3A_283 : vector<16xf32>
          %parallel_loop3A_285 = arith.index_cast %parallel_loop3A_155 : i32 to index
          %parallel_loop3A_286 = arith.constant 16 : index
          %parallel_loop3A_287 = tpu.vector_load %arg12[%parallel_loop3A_285, %parallel_loop3A_286] {strides = array<i32>} : memref<56x256xf32, #tpu.memory_space<vmem>>, vector<1x16xf32>,
          %parallel_loop3A_288 = vector.shape_cast %parallel_loop3A_287 : vector<1x16xf32> to vector<16xf32>
          %parallel_loop3A_289 = vector.shape_cast %parallel_loop3A_284 : vector<16xf32> to vector<1x16xf32>
          tpu.vector_store %arg12[%parallel_loop3A_285, %parallel_loop3A_286], %parallel_loop3A_289 {strides = array<i32>} : memref<56x256xf32, #tpu.memory_space<vmem>>, vector<1x16xf32>,
          %parallel_loop3A_290 = arith.index_cast %parallel_loop3A_157 : i32 to index
          %parallel_loop3A_291 = arith.constant 32 : index
          %parallel_loop3A_292 = tpu.vector_load %arg11[%parallel_loop3A_290, %parallel_loop3A_291] {strides = array<i32>} : memref<200x256xf32, #tpu.memory_space<vmem>>, vector<1x16xf32>,
          %parallel_loop3A_293 = vector.shape_cast %parallel_loop3A_292 : vector<1x16xf32> to vector<16xf32>
          %parallel_loop3A_294 = arith.mulf %parallel_loop3A_293, %parallel_loop3A_203 : vector<16xf32>
          %parallel_loop3A_295 = arith.constant 1 : i32
          %parallel_loop3A_296 = arith.addi %parallel_loop3A_157, %parallel_loop3A_295 : i32
          %parallel_loop3A_297 = arith.index_cast %parallel_loop3A_296 : i32 to index
          %parallel_loop3A_298 = arith.constant 32 : index
          %parallel_loop3A_299 = tpu.vector_load %arg11[%parallel_loop3A_297, %parallel_loop3A_298] {strides = array<i32>} : memref<200x256xf32, #tpu.memory_space<vmem>>, vector<1x16xf32>,
          %parallel_loop3A_300 = vector.shape_cast %parallel_loop3A_299 : vector<1x16xf32> to vector<16xf32>
          %parallel_loop3A_301 = arith.mulf %parallel_loop3A_300, %parallel_loop3A_209 : vector<16xf32>
          %parallel_loop3A_302 = arith.addf %parallel_loop3A_294, %parallel_loop3A_301 : vector<16xf32>
          %parallel_loop3A_303 = arith.constant 2 : i32
          %parallel_loop3A_304 = arith.addi %parallel_loop3A_157, %parallel_loop3A_303 : i32
          %parallel_loop3A_305 = arith.index_cast %parallel_loop3A_304 : i32 to index
          %parallel_loop3A_306 = arith.constant 32 : index
          %parallel_loop3A_307 = tpu.vector_load %arg11[%parallel_loop3A_305, %parallel_loop3A_306] {strides = array<i32>} : memref<200x256xf32, #tpu.memory_space<vmem>>, vector<1x16xf32>,
          %parallel_loop3A_308 = vector.shape_cast %parallel_loop3A_307 : vector<1x16xf32> to vector<16xf32>
          %parallel_loop3A_309 = arith.mulf %parallel_loop3A_308, %parallel_loop3A_215 : vector<16xf32>
          %parallel_loop3A_310 = arith.addf %parallel_loop3A_302, %parallel_loop3A_309 : vector<16xf32>
          %parallel_loop3A_311 = arith.constant 3 : i32
          %parallel_loop3A_312 = arith.addi %parallel_loop3A_157, %parallel_loop3A_311 : i32
          %parallel_loop3A_313 = arith.index_cast %parallel_loop3A_312 : i32 to index
          %parallel_loop3A_314 = arith.constant 32 : index
          %parallel_loop3A_315 = tpu.vector_load %arg11[%parallel_loop3A_313, %parallel_loop3A_314] {strides = array<i32>} : memref<200x256xf32, #tpu.memory_space<vmem>>, vector<1x16xf32>,
          %parallel_loop3A_316 = vector.shape_cast %parallel_loop3A_315 : vector<1x16xf32> to vector<16xf32>
          %parallel_loop3A_317 = arith.mulf %parallel_loop3A_316, %parallel_loop3A_221 : vector<16xf32>
          %parallel_loop3A_318 = arith.addf %parallel_loop3A_310, %parallel_loop3A_317 : vector<16xf32>
          %parallel_loop3A_319 = arith.index_cast %parallel_loop3A_155 : i32 to index
          %parallel_loop3A_320 = arith.constant 32 : index
          %parallel_loop3A_321 = tpu.vector_load %arg12[%parallel_loop3A_319, %parallel_loop3A_320] {strides = array<i32>} : memref<56x256xf32, #tpu.memory_space<vmem>>, vector<1x16xf32>,
          %parallel_loop3A_322 = vector.shape_cast %parallel_loop3A_321 : vector<1x16xf32> to vector<16xf32>
          %parallel_loop3A_323 = vector.shape_cast %parallel_loop3A_318 : vector<16xf32> to vector<1x16xf32>
          tpu.vector_store %arg12[%parallel_loop3A_319, %parallel_loop3A_320], %parallel_loop3A_323 {strides = array<i32>} : memref<56x256xf32, #tpu.memory_space<vmem>>, vector<1x16xf32>,
          %parallel_loop3A_324 = arith.index_cast %parallel_loop3A_157 : i32 to index
          %parallel_loop3A_325 = arith.constant 48 : index
          %parallel_loop3A_326 = tpu.vector_load %arg11[%parallel_loop3A_324, %parallel_loop3A_325] {strides = array<i32>} : memref<200x256xf32, #tpu.memory_space<vmem>>, vector<1x16xf32>,
          %parallel_loop3A_327 = vector.shape_cast %parallel_loop3A_326 : vector<1x16xf32> to vector<16xf32>
          %parallel_loop3A_328 = arith.mulf %parallel_loop3A_327, %parallel_loop3A_203 : vector<16xf32>
          %parallel_loop3A_329 = arith.constant 1 : i32
          %parallel_loop3A_330 = arith.addi %parallel_loop3A_157, %parallel_loop3A_329 : i32
          %parallel_loop3A_331 = arith.index_cast %parallel_loop3A_330 : i32 to index
          %parallel_loop3A_332 = arith.constant 48 : index
          %parallel_loop3A_333 = tpu.vector_load %arg11[%parallel_loop3A_331, %parallel_loop3A_332] {strides = array<i32>} : memref<200x256xf32, #tpu.memory_space<vmem>>, vector<1x16xf32>,
          %parallel_loop3A_334 = vector.shape_cast %parallel_loop3A_333 : vector<1x16xf32> to vector<16xf32>
          %parallel_loop3A_335 = arith.mulf %parallel_loop3A_334, %parallel_loop3A_209 : vector<16xf32>
          %parallel_loop3A_336 = arith.addf %parallel_loop3A_328, %parallel_loop3A_335 : vector<16xf32>
          %parallel_loop3A_337 = arith.constant 2 : i32
          %parallel_loop3A_338 = arith.addi %parallel_loop3A_157, %parallel_loop3A_337 : i32
          %parallel_loop3A_339 = arith.index_cast %parallel_loop3A_338 : i32 to index
          %parallel_loop3A_340 = arith.constant 48 : index
          %parallel_loop3A_341 = tpu.vector_load %arg11[%parallel_loop3A_339, %parallel_loop3A_340] {strides = array<i32>} : memref<200x256xf32, #tpu.memory_space<vmem>>, vector<1x16xf32>,
          %parallel_loop3A_342 = vector.shape_cast %parallel_loop3A_341 : vector<1x16xf32> to vector<16xf32>
          %parallel_loop3A_343 = arith.mulf %parallel_loop3A_342, %parallel_loop3A_215 : vector<16xf32>
          %parallel_loop3A_344 = arith.addf %parallel_loop3A_336, %parallel_loop3A_343 : vector<16xf32>
          %parallel_loop3A_345 = arith.constant 3 : i32
          %parallel_loop3A_346 = arith.addi %parallel_loop3A_157, %parallel_loop3A_345 : i32
          %parallel_loop3A_347 = arith.index_cast %parallel_loop3A_346 : i32 to index
          %parallel_loop3A_348 = arith.constant 48 : index
          %parallel_loop3A_349 = tpu.vector_load %arg11[%parallel_loop3A_347, %parallel_loop3A_348] {strides = array<i32>} : memref<200x256xf32, #tpu.memory_space<vmem>>, vector<1x16xf32>,
          %parallel_loop3A_350 = vector.shape_cast %parallel_loop3A_349 : vector<1x16xf32> to vector<16xf32>
          %parallel_loop3A_351 = arith.mulf %parallel_loop3A_350, %parallel_loop3A_221 : vector<16xf32>
          %parallel_loop3A_352 = arith.addf %parallel_loop3A_344, %parallel_loop3A_351 : vector<16xf32>
          %parallel_loop3A_353 = arith.index_cast %parallel_loop3A_155 : i32 to index
          %parallel_loop3A_354 = arith.constant 48 : index
          %parallel_loop3A_355 = tpu.vector_load %arg12[%parallel_loop3A_353, %parallel_loop3A_354] {strides = array<i32>} : memref<56x256xf32, #tpu.memory_space<vmem>>, vector<1x16xf32>,
          %parallel_loop3A_356 = vector.shape_cast %parallel_loop3A_355 : vector<1x16xf32> to vector<16xf32>
          %parallel_loop3A_357 = vector.shape_cast %parallel_loop3A_352 : vector<16xf32> to vector<1x16xf32>
          tpu.vector_store %arg12[%parallel_loop3A_353, %parallel_loop3A_354], %parallel_loop3A_357 {strides = array<i32>} : memref<56x256xf32, #tpu.memory_space<vmem>>, vector<1x16xf32>,
          %parallel_loop3A_358 = arith.index_cast %parallel_loop3A_157 : i32 to index
          %parallel_loop3A_359 = arith.constant 64 : index
          %parallel_loop3A_360 = tpu.vector_load %arg11[%parallel_loop3A_358, %parallel_loop3A_359] {strides = array<i32>} : memref<200x256xf32, #tpu.memory_space<vmem>>, vector<1x16xf32>,
          %parallel_loop3A_361 = vector.shape_cast %parallel_loop3A_360 : vector<1x16xf32> to vector<16xf32>
          %parallel_loop3A_362 = arith.mulf %parallel_loop3A_361, %parallel_loop3A_203 : vector<16xf32>
          %parallel_loop3A_363 = arith.constant 1 : i32
          %parallel_loop3A_364 = arith.addi %parallel_loop3A_157, %parallel_loop3A_363 : i32
          %parallel_loop3A_365 = arith.index_cast %parallel_loop3A_364 : i32 to index
          %parallel_loop3A_366 = arith.constant 64 : index
          %parallel_loop3A_367 = tpu.vector_load %arg11[%parallel_loop3A_365, %parallel_loop3A_366] {strides = array<i32>} : memref<200x256xf32, #tpu.memory_space<vmem>>, vector<1x16xf32>,
          %parallel_loop3A_368 = vector.shape_cast %parallel_loop3A_367 : vector<1x16xf32> to vector<16xf32>
          %parallel_loop3A_369 = arith.mulf %parallel_loop3A_368, %parallel_loop3A_209 : vector<16xf32>
          %parallel_loop3A_370 = arith.addf %parallel_loop3A_362, %parallel_loop3A_369 : vector<16xf32>
          %parallel_loop3A_371 = arith.constant 2 : i32
          %parallel_loop3A_372 = arith.addi %parallel_loop3A_157, %parallel_loop3A_371 : i32
          %parallel_loop3A_373 = arith.index_cast %parallel_loop3A_372 : i32 to index
          %parallel_loop3A_374 = arith.constant 64 : index
          %parallel_loop3A_375 = tpu.vector_load %arg11[%parallel_loop3A_373, %parallel_loop3A_374] {strides = array<i32>} : memref<200x256xf32, #tpu.memory_space<vmem>>, vector<1x16xf32>,
          %parallel_loop3A_376 = vector.shape_cast %parallel_loop3A_375 : vector<1x16xf32> to vector<16xf32>
          %parallel_loop3A_377 = arith.mulf %parallel_loop3A_376, %parallel_loop3A_215 : vector<16xf32>
          %parallel_loop3A_378 = arith.addf %parallel_loop3A_370, %parallel_loop3A_377 : vector<16xf32>
          %parallel_loop3A_379 = arith.constant 3 : i32
          %parallel_loop3A_380 = arith.addi %parallel_loop3A_157, %parallel_loop3A_379 : i32
          %parallel_loop3A_381 = arith.index_cast %parallel_loop3A_380 : i32 to index
          %parallel_loop3A_382 = arith.constant 64 : index
          %parallel_loop3A_383 = tpu.vector_load %arg11[%parallel_loop3A_381, %parallel_loop3A_382] {strides = array<i32>} : memref<200x256xf32, #tpu.memory_space<vmem>>, vector<1x16xf32>,
          %parallel_loop3A_384 = vector.shape_cast %parallel_loop3A_383 : vector<1x16xf32> to vector<16xf32>
          %parallel_loop3A_385 = arith.mulf %parallel_loop3A_384, %parallel_loop3A_221 : vector<16xf32>
          %parallel_loop3A_386 = arith.addf %parallel_loop3A_378, %parallel_loop3A_385 : vector<16xf32>
          %parallel_loop3A_387 = arith.index_cast %parallel_loop3A_155 : i32 to index
          %parallel_loop3A_388 = arith.constant 64 : index
          %parallel_loop3A_389 = tpu.vector_load %arg12[%parallel_loop3A_387, %parallel_loop3A_388] {strides = array<i32>} : memref<56x256xf32, #tpu.memory_space<vmem>>, vector<1x16xf32>,
          %parallel_loop3A_390 = vector.shape_cast %parallel_loop3A_389 : vector<1x16xf32> to vector<16xf32>
          %parallel_loop3A_391 = vector.shape_cast %parallel_loop3A_386 : vector<16xf32> to vector<1x16xf32>
          tpu.vector_store %arg12[%parallel_loop3A_387, %parallel_loop3A_388], %parallel_loop3A_391 {strides = array<i32>} : memref<56x256xf32, #tpu.memory_space<vmem>>, vector<1x16xf32>,
          %parallel_loop3A_392 = arith.index_cast %parallel_loop3A_157 : i32 to index
          %parallel_loop3A_393 = arith.constant 80 : index
          %parallel_loop3A_394 = tpu.vector_load %arg11[%parallel_loop3A_392, %parallel_loop3A_393] {strides = array<i32>} : memref<200x256xf32, #tpu.memory_space<vmem>>, vector<1x16xf32>,
          %parallel_loop3A_395 = vector.shape_cast %parallel_loop3A_394 : vector<1x16xf32> to vector<16xf32>
          %parallel_loop3A_396 = arith.mulf %parallel_loop3A_395, %parallel_loop3A_203 : vector<16xf32>
          %parallel_loop3A_397 = arith.constant 1 : i32
          %parallel_loop3A_398 = arith.addi %parallel_loop3A_157, %parallel_loop3A_397 : i32
          %parallel_loop3A_399 = arith.index_cast %parallel_loop3A_398 : i32 to index
          %parallel_loop3A_400 = arith.constant 80 : index
          %parallel_loop3A_401 = tpu.vector_load %arg11[%parallel_loop3A_399, %parallel_loop3A_400] {strides = array<i32>} : memref<200x256xf32, #tpu.memory_space<vmem>>, vector<1x16xf32>,
          %parallel_loop3A_402 = vector.shape_cast %parallel_loop3A_401 : vector<1x16xf32> to vector<16xf32>
          %parallel_loop3A_403 = arith.mulf %parallel_loop3A_402, %parallel_loop3A_209 : vector<16xf32>
          %parallel_loop3A_404 = arith.addf %parallel_loop3A_396, %parallel_loop3A_403 : vector<16xf32>
          %parallel_loop3A_405 = arith.constant 2 : i32
          %parallel_loop3A_406 = arith.addi %parallel_loop3A_157, %parallel_loop3A_405 : i32
          %parallel_loop3A_407 = arith.index_cast %parallel_loop3A_406 : i32 to index
          %parallel_loop3A_408 = arith.constant 80 : index
          %parallel_loop3A_409 = tpu.vector_load %arg11[%parallel_loop3A_407, %parallel_loop3A_408] {strides = array<i32>} : memref<200x256xf32, #tpu.memory_space<vmem>>, vector<1x16xf32>,
          %parallel_loop3A_410 = vector.shape_cast %parallel_loop3A_409 : vector<1x16xf32> to vector<16xf32>
          %parallel_loop3A_411 = arith.mulf %parallel_loop3A_410, %parallel_loop3A_215 : vector<16xf32>
          %parallel_loop3A_412 = arith.addf %parallel_loop3A_404, %parallel_loop3A_411 : vector<16xf32>
          %parallel_loop3A_413 = arith.constant 3 : i32
          %parallel_loop3A_414 = arith.addi %parallel_loop3A_157, %parallel_loop3A_413 : i32
          %parallel_loop3A_415 = arith.index_cast %parallel_loop3A_414 : i32 to index
          %parallel_loop3A_416 = arith.constant 80 : index
          %parallel_loop3A_417 = tpu.vector_load %arg11[%parallel_loop3A_415, %parallel_loop3A_416] {strides = array<i32>} : memref<200x256xf32, #tpu.memory_space<vmem>>, vector<1x16xf32>,
          %parallel_loop3A_418 = vector.shape_cast %parallel_loop3A_417 : vector<1x16xf32> to vector<16xf32>
          %parallel_loop3A_419 = arith.mulf %parallel_loop3A_418, %parallel_loop3A_221 : vector<16xf32>
          %parallel_loop3A_420 = arith.addf %parallel_loop3A_412, %parallel_loop3A_419 : vector<16xf32>
          %parallel_loop3A_421 = arith.index_cast %parallel_loop3A_155 : i32 to index
          %parallel_loop3A_422 = arith.constant 80 : index
          %parallel_loop3A_423 = tpu.vector_load %arg12[%parallel_loop3A_421, %parallel_loop3A_422] {strides = array<i32>} : memref<56x256xf32, #tpu.memory_space<vmem>>, vector<1x16xf32>,
          %parallel_loop3A_424 = vector.shape_cast %parallel_loop3A_423 : vector<1x16xf32> to vector<16xf32>
          %parallel_loop3A_425 = vector.shape_cast %parallel_loop3A_420 : vector<16xf32> to vector<1x16xf32>
          tpu.vector_store %arg12[%parallel_loop3A_421, %parallel_loop3A_422], %parallel_loop3A_425 {strides = array<i32>} : memref<56x256xf32, #tpu.memory_space<vmem>>, vector<1x16xf32>,
          %parallel_loop3A_426 = arith.index_cast %parallel_loop3A_157 : i32 to index
          %parallel_loop3A_427 = arith.constant 96 : index
          %parallel_loop3A_428 = tpu.vector_load %arg11[%parallel_loop3A_426, %parallel_loop3A_427] {strides = array<i32>} : memref<200x256xf32, #tpu.memory_space<vmem>>, vector<1x16xf32>,
          %parallel_loop3A_429 = vector.shape_cast %parallel_loop3A_428 : vector<1x16xf32> to vector<16xf32>
          %parallel_loop3A_430 = arith.mulf %parallel_loop3A_429, %parallel_loop3A_203 : vector<16xf32>
          %parallel_loop3A_431 = arith.constant 1 : i32
          %parallel_loop3A_432 = arith.addi %parallel_loop3A_157, %parallel_loop3A_431 : i32
          %parallel_loop3A_433 = arith.index_cast %parallel_loop3A_432 : i32 to index
          %parallel_loop3A_434 = arith.constant 96 : index
          %parallel_loop3A_435 = tpu.vector_load %arg11[%parallel_loop3A_433, %parallel_loop3A_434] {strides = array<i32>} : memref<200x256xf32, #tpu.memory_space<vmem>>, vector<1x16xf32>,
          %parallel_loop3A_436 = vector.shape_cast %parallel_loop3A_435 : vector<1x16xf32> to vector<16xf32>
          %parallel_loop3A_437 = arith.mulf %parallel_loop3A_436, %parallel_loop3A_209 : vector<16xf32>
          %parallel_loop3A_438 = arith.addf %parallel_loop3A_430, %parallel_loop3A_437 : vector<16xf32>
          %parallel_loop3A_439 = arith.constant 2 : i32
          %parallel_loop3A_440 = arith.addi %parallel_loop3A_157, %parallel_loop3A_439 : i32
          %parallel_loop3A_441 = arith.index_cast %parallel_loop3A_440 : i32 to index
          %parallel_loop3A_442 = arith.constant 96 : index
          %parallel_loop3A_443 = tpu.vector_load %arg11[%parallel_loop3A_441, %parallel_loop3A_442] {strides = array<i32>} : memref<200x256xf32, #tpu.memory_space<vmem>>, vector<1x16xf32>,
          %parallel_loop3A_444 = vector.shape_cast %parallel_loop3A_443 : vector<1x16xf32> to vector<16xf32>
          %parallel_loop3A_445 = arith.mulf %parallel_loop3A_444, %parallel_loop3A_215 : vector<16xf32>
          %parallel_loop3A_446 = arith.addf %parallel_loop3A_438, %parallel_loop3A_445 : vector<16xf32>
          %parallel_loop3A_447 = arith.constant 3 : i32
          %parallel_loop3A_448 = arith.addi %parallel_loop3A_157, %parallel_loop3A_447 : i32
          %parallel_loop3A_449 = arith.index_cast %parallel_loop3A_448 : i32 to index
          %parallel_loop3A_450 = arith.constant 96 : index
          %parallel_loop3A_451 = tpu.vector_load %arg11[%parallel_loop3A_449, %parallel_loop3A_450] {strides = array<i32>} : memref<200x256xf32, #tpu.memory_space<vmem>>, vector<1x16xf32>,
          %parallel_loop3A_452 = vector.shape_cast %parallel_loop3A_451 : vector<1x16xf32> to vector<16xf32>
          %parallel_loop3A_453 = arith.mulf %parallel_loop3A_452, %parallel_loop3A_221 : vector<16xf32>
          %parallel_loop3A_454 = arith.addf %parallel_loop3A_446, %parallel_loop3A_453 : vector<16xf32>
          %parallel_loop3A_455 = arith.index_cast %parallel_loop3A_155 : i32 to index
          %parallel_loop3A_456 = arith.constant 96 : index
          %parallel_loop3A_457 = tpu.vector_load %arg12[%parallel_loop3A_455, %parallel_loop3A_456] {strides = array<i32>} : memref<56x256xf32, #tpu.memory_space<vmem>>, vector<1x16xf32>,
          %parallel_loop3A_458 = vector.shape_cast %parallel_loop3A_457 : vector<1x16xf32> to vector<16xf32>
          %parallel_loop3A_459 = vector.shape_cast %parallel_loop3A_454 : vector<16xf32> to vector<1x16xf32>
          tpu.vector_store %arg12[%parallel_loop3A_455, %parallel_loop3A_456], %parallel_loop3A_459 {strides = array<i32>} : memref<56x256xf32, #tpu.memory_space<vmem>>, vector<1x16xf32>,
          %parallel_loop3A_460 = arith.index_cast %parallel_loop3A_157 : i32 to index
          %parallel_loop3A_461 = arith.constant 112 : index
          %parallel_loop3A_462 = tpu.vector_load %arg11[%parallel_loop3A_460, %parallel_loop3A_461] {strides = array<i32>} : memref<200x256xf32, #tpu.memory_space<vmem>>, vector<1x16xf32>,
          %parallel_loop3A_463 = vector.shape_cast %parallel_loop3A_462 : vector<1x16xf32> to vector<16xf32>
          %parallel_loop3A_464 = arith.mulf %parallel_loop3A_463, %parallel_loop3A_203 : vector<16xf32>
          %parallel_loop3A_465 = arith.constant 1 : i32
          %parallel_loop3A_466 = arith.addi %parallel_loop3A_157, %parallel_loop3A_465 : i32
          %parallel_loop3A_467 = arith.index_cast %parallel_loop3A_466 : i32 to index
          %parallel_loop3A_468 = arith.constant 112 : index
          %parallel_loop3A_469 = tpu.vector_load %arg11[%parallel_loop3A_467, %parallel_loop3A_468] {strides = array<i32>} : memref<200x256xf32, #tpu.memory_space<vmem>>, vector<1x16xf32>,
          %parallel_loop3A_470 = vector.shape_cast %parallel_loop3A_469 : vector<1x16xf32> to vector<16xf32>
          %parallel_loop3A_471 = arith.mulf %parallel_loop3A_470, %parallel_loop3A_209 : vector<16xf32>
          %parallel_loop3A_472 = arith.addf %parallel_loop3A_464, %parallel_loop3A_471 : vector<16xf32>
          %parallel_loop3A_473 = arith.constant 2 : i32
          %parallel_loop3A_474 = arith.addi %parallel_loop3A_157, %parallel_loop3A_473 : i32
          %parallel_loop3A_475 = arith.index_cast %parallel_loop3A_474 : i32 to index
          %parallel_loop3A_476 = arith.constant 112 : index
          %parallel_loop3A_477 = tpu.vector_load %arg11[%parallel_loop3A_475, %parallel_loop3A_476] {strides = array<i32>} : memref<200x256xf32, #tpu.memory_space<vmem>>, vector<1x16xf32>,
          %parallel_loop3A_478 = vector.shape_cast %parallel_loop3A_477 : vector<1x16xf32> to vector<16xf32>
          %parallel_loop3A_479 = arith.mulf %parallel_loop3A_478, %parallel_loop3A_215 : vector<16xf32>
          %parallel_loop3A_480 = arith.addf %parallel_loop3A_472, %parallel_loop3A_479 : vector<16xf32>
          %parallel_loop3A_481 = arith.constant 3 : i32
          %parallel_loop3A_482 = arith.addi %parallel_loop3A_157, %parallel_loop3A_481 : i32
          %parallel_loop3A_483 = arith.index_cast %parallel_loop3A_482 : i32 to index
          %parallel_loop3A_484 = arith.constant 112 : index
          %parallel_loop3A_485 = tpu.vector_load %arg11[%parallel_loop3A_483, %parallel_loop3A_484] {strides = array<i32>} : memref<200x256xf32, #tpu.memory_space<vmem>>, vector<1x16xf32>,
          %parallel_loop3A_486 = vector.shape_cast %parallel_loop3A_485 : vector<1x16xf32> to vector<16xf32>
          %parallel_loop3A_487 = arith.mulf %parallel_loop3A_486, %parallel_loop3A_221 : vector<16xf32>
          %parallel_loop3A_488 = arith.addf %parallel_loop3A_480, %parallel_loop3A_487 : vector<16xf32>
          %parallel_loop3A_489 = arith.index_cast %parallel_loop3A_155 : i32 to index
          %parallel_loop3A_490 = arith.constant 112 : index
          %parallel_loop3A_491 = tpu.vector_load %arg12[%parallel_loop3A_489, %parallel_loop3A_490] {strides = array<i32>} : memref<56x256xf32, #tpu.memory_space<vmem>>, vector<1x16xf32>,
          %parallel_loop3A_492 = vector.shape_cast %parallel_loop3A_491 : vector<1x16xf32> to vector<16xf32>
          %parallel_loop3A_493 = vector.shape_cast %parallel_loop3A_488 : vector<16xf32> to vector<1x16xf32>
          tpu.vector_store %arg12[%parallel_loop3A_489, %parallel_loop3A_490], %parallel_loop3A_493 {strides = array<i32>} : memref<56x256xf32, #tpu.memory_space<vmem>>, vector<1x16xf32>,
          %parallel_loop3A_494 = arith.index_cast %parallel_loop3A_157 : i32 to index
          %parallel_loop3A_495 = arith.constant 128 : index
          %parallel_loop3A_496 = tpu.vector_load %arg11[%parallel_loop3A_494, %parallel_loop3A_495] {strides = array<i32>} : memref<200x256xf32, #tpu.memory_space<vmem>>, vector<1x16xf32>,
          %parallel_loop3A_497 = vector.shape_cast %parallel_loop3A_496 : vector<1x16xf32> to vector<16xf32>
          %parallel_loop3A_498 = arith.mulf %parallel_loop3A_497, %parallel_loop3A_203 : vector<16xf32>
          %parallel_loop3A_499 = arith.constant 1 : i32
          %parallel_loop3A_500 = arith.addi %parallel_loop3A_157, %parallel_loop3A_499 : i32
          %parallel_loop3A_501 = arith.index_cast %parallel_loop3A_500 : i32 to index
          %parallel_loop3A_502 = arith.constant 128 : index
          %parallel_loop3A_503 = tpu.vector_load %arg11[%parallel_loop3A_501, %parallel_loop3A_502] {strides = array<i32>} : memref<200x256xf32, #tpu.memory_space<vmem>>, vector<1x16xf32>,
          %parallel_loop3A_504 = vector.shape_cast %parallel_loop3A_503 : vector<1x16xf32> to vector<16xf32>
          %parallel_loop3A_505 = arith.mulf %parallel_loop3A_504, %parallel_loop3A_209 : vector<16xf32>
          %parallel_loop3A_506 = arith.addf %parallel_loop3A_498, %parallel_loop3A_505 : vector<16xf32>
          %parallel_loop3A_507 = arith.constant 2 : i32
          %parallel_loop3A_508 = arith.addi %parallel_loop3A_157, %parallel_loop3A_507 : i32
          %parallel_loop3A_509 = arith.index_cast %parallel_loop3A_508 : i32 to index
          %parallel_loop3A_510 = arith.constant 128 : index
          %parallel_loop3A_511 = tpu.vector_load %arg11[%parallel_loop3A_509, %parallel_loop3A_510] {strides = array<i32>} : memref<200x256xf32, #tpu.memory_space<vmem>>, vector<1x16xf32>,
          %parallel_loop3A_512 = vector.shape_cast %parallel_loop3A_511 : vector<1x16xf32> to vector<16xf32>
          %parallel_loop3A_513 = arith.mulf %parallel_loop3A_512, %parallel_loop3A_215 : vector<16xf32>
          %parallel_loop3A_514 = arith.addf %parallel_loop3A_506, %parallel_loop3A_513 : vector<16xf32>
          %parallel_loop3A_515 = arith.constant 3 : i32
          %parallel_loop3A_516 = arith.addi %parallel_loop3A_157, %parallel_loop3A_515 : i32
          %parallel_loop3A_517 = arith.index_cast %parallel_loop3A_516 : i32 to index
          %parallel_loop3A_518 = arith.constant 128 : index
          %parallel_loop3A_519 = tpu.vector_load %arg11[%parallel_loop3A_517, %parallel_loop3A_518] {strides = array<i32>} : memref<200x256xf32, #tpu.memory_space<vmem>>, vector<1x16xf32>,
          %parallel_loop3A_520 = vector.shape_cast %parallel_loop3A_519 : vector<1x16xf32> to vector<16xf32>
          %parallel_loop3A_521 = arith.mulf %parallel_loop3A_520, %parallel_loop3A_221 : vector<16xf32>
          %parallel_loop3A_522 = arith.addf %parallel_loop3A_514, %parallel_loop3A_521 : vector<16xf32>
          %parallel_loop3A_523 = arith.index_cast %parallel_loop3A_155 : i32 to index
          %parallel_loop3A_524 = arith.constant 128 : index
          %parallel_loop3A_525 = tpu.vector_load %arg12[%parallel_loop3A_523, %parallel_loop3A_524] {strides = array<i32>} : memref<56x256xf32, #tpu.memory_space<vmem>>, vector<1x16xf32>,
          %parallel_loop3A_526 = vector.shape_cast %parallel_loop3A_525 : vector<1x16xf32> to vector<16xf32>
          %parallel_loop3A_527 = vector.shape_cast %parallel_loop3A_522 : vector<16xf32> to vector<1x16xf32>
          tpu.vector_store %arg12[%parallel_loop3A_523, %parallel_loop3A_524], %parallel_loop3A_527 {strides = array<i32>} : memref<56x256xf32, #tpu.memory_space<vmem>>, vector<1x16xf32>,
          %parallel_loop3A_528 = arith.index_cast %parallel_loop3A_157 : i32 to index
          %parallel_loop3A_529 = arith.constant 144 : index
          %parallel_loop3A_530 = tpu.vector_load %arg11[%parallel_loop3A_528, %parallel_loop3A_529] {strides = array<i32>} : memref<200x256xf32, #tpu.memory_space<vmem>>, vector<1x16xf32>,
          %parallel_loop3A_531 = vector.shape_cast %parallel_loop3A_530 : vector<1x16xf32> to vector<16xf32>
          %parallel_loop3A_532 = arith.mulf %parallel_loop3A_531, %parallel_loop3A_203 : vector<16xf32>
          %parallel_loop3A_533 = arith.constant 1 : i32
          %parallel_loop3A_534 = arith.addi %parallel_loop3A_157, %parallel_loop3A_533 : i32
          %parallel_loop3A_535 = arith.index_cast %parallel_loop3A_534 : i32 to index
          %parallel_loop3A_536 = arith.constant 144 : index
          %parallel_loop3A_537 = tpu.vector_load %arg11[%parallel_loop3A_535, %parallel_loop3A_536] {strides = array<i32>} : memref<200x256xf32, #tpu.memory_space<vmem>>, vector<1x16xf32>,
          %parallel_loop3A_538 = vector.shape_cast %parallel_loop3A_537 : vector<1x16xf32> to vector<16xf32>
          %parallel_loop3A_539 = arith.mulf %parallel_loop3A_538, %parallel_loop3A_209 : vector<16xf32>
          %parallel_loop3A_540 = arith.addf %parallel_loop3A_532, %parallel_loop3A_539 : vector<16xf32>
          %parallel_loop3A_541 = arith.constant 2 : i32
          %parallel_loop3A_542 = arith.addi %parallel_loop3A_157, %parallel_loop3A_541 : i32
          %parallel_loop3A_543 = arith.index_cast %parallel_loop3A_542 : i32 to index
          %parallel_loop3A_544 = arith.constant 144 : index
          %parallel_loop3A_545 = tpu.vector_load %arg11[%parallel_loop3A_543, %parallel_loop3A_544] {strides = array<i32>} : memref<200x256xf32, #tpu.memory_space<vmem>>, vector<1x16xf32>,
          %parallel_loop3A_546 = vector.shape_cast %parallel_loop3A_545 : vector<1x16xf32> to vector<16xf32>
          %parallel_loop3A_547 = arith.mulf %parallel_loop3A_546, %parallel_loop3A_215 : vector<16xf32>
          %parallel_loop3A_548 = arith.addf %parallel_loop3A_540, %parallel_loop3A_547 : vector<16xf32>
          %parallel_loop3A_549 = arith.constant 3 : i32
          %parallel_loop3A_550 = arith.addi %parallel_loop3A_157, %parallel_loop3A_549 : i32
          %parallel_loop3A_551 = arith.index_cast %parallel_loop3A_550 : i32 to index
          %parallel_loop3A_552 = arith.constant 144 : index
          %parallel_loop3A_553 = tpu.vector_load %arg11[%parallel_loop3A_551, %parallel_loop3A_552] {strides = array<i32>} : memref<200x256xf32, #tpu.memory_space<vmem>>, vector<1x16xf32>,
          %parallel_loop3A_554 = vector.shape_cast %parallel_loop3A_553 : vector<1x16xf32> to vector<16xf32>
          %parallel_loop3A_555 = arith.mulf %parallel_loop3A_554, %parallel_loop3A_221 : vector<16xf32>
          %parallel_loop3A_556 = arith.addf %parallel_loop3A_548, %parallel_loop3A_555 : vector<16xf32>
          %parallel_loop3A_557 = arith.index_cast %parallel_loop3A_155 : i32 to index
          %parallel_loop3A_558 = arith.constant 144 : index
          %parallel_loop3A_559 = tpu.vector_load %arg12[%parallel_loop3A_557, %parallel_loop3A_558] {strides = array<i32>} : memref<56x256xf32, #tpu.memory_space<vmem>>, vector<1x16xf32>,
          %parallel_loop3A_560 = vector.shape_cast %parallel_loop3A_559 : vector<1x16xf32> to vector<16xf32>
          %parallel_loop3A_561 = vector.shape_cast %parallel_loop3A_556 : vector<16xf32> to vector<1x16xf32>
          tpu.vector_store %arg12[%parallel_loop3A_557, %parallel_loop3A_558], %parallel_loop3A_561 {strides = array<i32>} : memref<56x256xf32, #tpu.memory_space<vmem>>, vector<1x16xf32>,
          %parallel_loop3A_562 = arith.index_cast %parallel_loop3A_157 : i32 to index
          %parallel_loop3A_563 = arith.constant 160 : index
          %parallel_loop3A_564 = tpu.vector_load %arg11[%parallel_loop3A_562, %parallel_loop3A_563] {strides = array<i32>} : memref<200x256xf32, #tpu.memory_space<vmem>>, vector<1x16xf32>,
          %parallel_loop3A_565 = vector.shape_cast %parallel_loop3A_564 : vector<1x16xf32> to vector<16xf32>
          %parallel_loop3A_566 = arith.mulf %parallel_loop3A_565, %parallel_loop3A_203 : vector<16xf32>
          %parallel_loop3A_567 = arith.constant 1 : i32
          %parallel_loop3A_568 = arith.addi %parallel_loop3A_157, %parallel_loop3A_567 : i32
          %parallel_loop3A_569 = arith.index_cast %parallel_loop3A_568 : i32 to index
          %parallel_loop3A_570 = arith.constant 160 : index
          %parallel_loop3A_571 = tpu.vector_load %arg11[%parallel_loop3A_569, %parallel_loop3A_570] {strides = array<i32>} : memref<200x256xf32, #tpu.memory_space<vmem>>, vector<1x16xf32>,
          %parallel_loop3A_572 = vector.shape_cast %parallel_loop3A_571 : vector<1x16xf32> to vector<16xf32>
          %parallel_loop3A_573 = arith.mulf %parallel_loop3A_572, %parallel_loop3A_209 : vector<16xf32>
          %parallel_loop3A_574 = arith.addf %parallel_loop3A_566, %parallel_loop3A_573 : vector<16xf32>
          %parallel_loop3A_575 = arith.constant 2 : i32
          %parallel_loop3A_576 = arith.addi %parallel_loop3A_157, %parallel_loop3A_575 : i32
          %parallel_loop3A_577 = arith.index_cast %parallel_loop3A_576 : i32 to index
          %parallel_loop3A_578 = arith.constant 160 : index
          %parallel_loop3A_579 = tpu.vector_load %arg11[%parallel_loop3A_577, %parallel_loop3A_578] {strides = array<i32>} : memref<200x256xf32, #tpu.memory_space<vmem>>, vector<1x16xf32>,
          %parallel_loop3A_580 = vector.shape_cast %parallel_loop3A_579 : vector<1x16xf32> to vector<16xf32>
          %parallel_loop3A_581 = arith.mulf %parallel_loop3A_580, %parallel_loop3A_215 : vector<16xf32>
          %parallel_loop3A_582 = arith.addf %parallel_loop3A_574, %parallel_loop3A_581 : vector<16xf32>
          %parallel_loop3A_583 = arith.constant 3 : i32
          %parallel_loop3A_584 = arith.addi %parallel_loop3A_157, %parallel_loop3A_583 : i32
          %parallel_loop3A_585 = arith.index_cast %parallel_loop3A_584 : i32 to index
          %parallel_loop3A_586 = arith.constant 160 : index
          %parallel_loop3A_587 = tpu.vector_load %arg11[%parallel_loop3A_585, %parallel_loop3A_586] {strides = array<i32>} : memref<200x256xf32, #tpu.memory_space<vmem>>, vector<1x16xf32>,
          %parallel_loop3A_588 = vector.shape_cast %parallel_loop3A_587 : vector<1x16xf32> to vector<16xf32>
          %parallel_loop3A_589 = arith.mulf %parallel_loop3A_588, %parallel_loop3A_221 : vector<16xf32>
          %parallel_loop3A_590 = arith.addf %parallel_loop3A_582, %parallel_loop3A_589 : vector<16xf32>
          %parallel_loop3A_591 = arith.index_cast %parallel_loop3A_155 : i32 to index
          %parallel_loop3A_592 = arith.constant 160 : index
          %parallel_loop3A_593 = tpu.vector_load %arg12[%parallel_loop3A_591, %parallel_loop3A_592] {strides = array<i32>} : memref<56x256xf32, #tpu.memory_space<vmem>>, vector<1x16xf32>,
          %parallel_loop3A_594 = vector.shape_cast %parallel_loop3A_593 : vector<1x16xf32> to vector<16xf32>
          %parallel_loop3A_595 = vector.shape_cast %parallel_loop3A_590 : vector<16xf32> to vector<1x16xf32>
          tpu.vector_store %arg12[%parallel_loop3A_591, %parallel_loop3A_592], %parallel_loop3A_595 {strides = array<i32>} : memref<56x256xf32, #tpu.memory_space<vmem>>, vector<1x16xf32>,
          %parallel_loop3A_596 = arith.index_cast %parallel_loop3A_157 : i32 to index
          %parallel_loop3A_597 = arith.constant 176 : index
          %parallel_loop3A_598 = tpu.vector_load %arg11[%parallel_loop3A_596, %parallel_loop3A_597] {strides = array<i32>} : memref<200x256xf32, #tpu.memory_space<vmem>>, vector<1x16xf32>,
          %parallel_loop3A_599 = vector.shape_cast %parallel_loop3A_598 : vector<1x16xf32> to vector<16xf32>
          %parallel_loop3A_600 = arith.mulf %parallel_loop3A_599, %parallel_loop3A_203 : vector<16xf32>
          %parallel_loop3A_601 = arith.constant 1 : i32
          %parallel_loop3A_602 = arith.addi %parallel_loop3A_157, %parallel_loop3A_601 : i32
          %parallel_loop3A_603 = arith.index_cast %parallel_loop3A_602 : i32 to index
          %parallel_loop3A_604 = arith.constant 176 : index
          %parallel_loop3A_605 = tpu.vector_load %arg11[%parallel_loop3A_603, %parallel_loop3A_604] {strides = array<i32>} : memref<200x256xf32, #tpu.memory_space<vmem>>, vector<1x16xf32>,
          %parallel_loop3A_606 = vector.shape_cast %parallel_loop3A_605 : vector<1x16xf32> to vector<16xf32>
          %parallel_loop3A_607 = arith.mulf %parallel_loop3A_606, %parallel_loop3A_209 : vector<16xf32>
          %parallel_loop3A_608 = arith.addf %parallel_loop3A_600, %parallel_loop3A_607 : vector<16xf32>
          %parallel_loop3A_609 = arith.constant 2 : i32
          %parallel_loop3A_610 = arith.addi %parallel_loop3A_157, %parallel_loop3A_609 : i32
          %parallel_loop3A_611 = arith.index_cast %parallel_loop3A_610 : i32 to index
          %parallel_loop3A_612 = arith.constant 176 : index
          %parallel_loop3A_613 = tpu.vector_load %arg11[%parallel_loop3A_611, %parallel_loop3A_612] {strides = array<i32>} : memref<200x256xf32, #tpu.memory_space<vmem>>, vector<1x16xf32>,
          %parallel_loop3A_614 = vector.shape_cast %parallel_loop3A_613 : vector<1x16xf32> to vector<16xf32>
          %parallel_loop3A_615 = arith.mulf %parallel_loop3A_614, %parallel_loop3A_215 : vector<16xf32>
          %parallel_loop3A_616 = arith.addf %parallel_loop3A_608, %parallel_loop3A_615 : vector<16xf32>
          %parallel_loop3A_617 = arith.constant 3 : i32
          %parallel_loop3A_618 = arith.addi %parallel_loop3A_157, %parallel_loop3A_617 : i32
          %parallel_loop3A_619 = arith.index_cast %parallel_loop3A_618 : i32 to index
          %parallel_loop3A_620 = arith.constant 176 : index
          %parallel_loop3A_621 = tpu.vector_load %arg11[%parallel_loop3A_619, %parallel_loop3A_620] {strides = array<i32>} : memref<200x256xf32, #tpu.memory_space<vmem>>, vector<1x16xf32>,
          %parallel_loop3A_622 = vector.shape_cast %parallel_loop3A_621 : vector<1x16xf32> to vector<16xf32>
          %parallel_loop3A_623 = arith.mulf %parallel_loop3A_622, %parallel_loop3A_221 : vector<16xf32>
          %parallel_loop3A_624 = arith.addf %parallel_loop3A_616, %parallel_loop3A_623 : vector<16xf32>
          %parallel_loop3A_625 = arith.index_cast %parallel_loop3A_155 : i32 to index
          %parallel_loop3A_626 = arith.constant 176 : index
          %parallel_loop3A_627 = tpu.vector_load %arg12[%parallel_loop3A_625, %parallel_loop3A_626] {strides = array<i32>} : memref<56x256xf32, #tpu.memory_space<vmem>>, vector<1x16xf32>,
          %parallel_loop3A_628 = vector.shape_cast %parallel_loop3A_627 : vector<1x16xf32> to vector<16xf32>
          %parallel_loop3A_629 = vector.shape_cast %parallel_loop3A_624 : vector<16xf32> to vector<1x16xf32>
          tpu.vector_store %arg12[%parallel_loop3A_625, %parallel_loop3A_626], %parallel_loop3A_629 {strides = array<i32>} : memref<56x256xf32, #tpu.memory_space<vmem>>, vector<1x16xf32>,
          %parallel_loop3A_630 = arith.index_cast %parallel_loop3A_157 : i32 to index
          %parallel_loop3A_631 = arith.constant 192 : index
          %parallel_loop3A_632 = tpu.vector_load %arg11[%parallel_loop3A_630, %parallel_loop3A_631] {strides = array<i32>} : memref<200x256xf32, #tpu.memory_space<vmem>>, vector<1x16xf32>,
          %parallel_loop3A_633 = vector.shape_cast %parallel_loop3A_632 : vector<1x16xf32> to vector<16xf32>
          %parallel_loop3A_634 = arith.mulf %parallel_loop3A_633, %parallel_loop3A_203 : vector<16xf32>
          %parallel_loop3A_635 = arith.constant 1 : i32
          %parallel_loop3A_636 = arith.addi %parallel_loop3A_157, %parallel_loop3A_635 : i32
          %parallel_loop3A_637 = arith.index_cast %parallel_loop3A_636 : i32 to index
          %parallel_loop3A_638 = arith.constant 192 : index
          %parallel_loop3A_639 = tpu.vector_load %arg11[%parallel_loop3A_637, %parallel_loop3A_638] {strides = array<i32>} : memref<200x256xf32, #tpu.memory_space<vmem>>, vector<1x16xf32>,
          %parallel_loop3A_640 = vector.shape_cast %parallel_loop3A_639 : vector<1x16xf32> to vector<16xf32>
          %parallel_loop3A_641 = arith.mulf %parallel_loop3A_640, %parallel_loop3A_209 : vector<16xf32>
          %parallel_loop3A_642 = arith.addf %parallel_loop3A_634, %parallel_loop3A_641 : vector<16xf32>
          %parallel_loop3A_643 = arith.constant 2 : i32
          %parallel_loop3A_644 = arith.addi %parallel_loop3A_157, %parallel_loop3A_643 : i32
          %parallel_loop3A_645 = arith.index_cast %parallel_loop3A_644 : i32 to index
          %parallel_loop3A_646 = arith.constant 192 : index
          %parallel_loop3A_647 = tpu.vector_load %arg11[%parallel_loop3A_645, %parallel_loop3A_646] {strides = array<i32>} : memref<200x256xf32, #tpu.memory_space<vmem>>, vector<1x16xf32>,
          %parallel_loop3A_648 = vector.shape_cast %parallel_loop3A_647 : vector<1x16xf32> to vector<16xf32>
          %parallel_loop3A_649 = arith.mulf %parallel_loop3A_648, %parallel_loop3A_215 : vector<16xf32>
          %parallel_loop3A_650 = arith.addf %parallel_loop3A_642, %parallel_loop3A_649 : vector<16xf32>
          %parallel_loop3A_651 = arith.constant 3 : i32
          %parallel_loop3A_652 = arith.addi %parallel_loop3A_157, %parallel_loop3A_651 : i32
          %parallel_loop3A_653 = arith.index_cast %parallel_loop3A_652 : i32 to index
          %parallel_loop3A_654 = arith.constant 192 : index
          %parallel_loop3A_655 = tpu.vector_load %arg11[%parallel_loop3A_653, %parallel_loop3A_654] {strides = array<i32>} : memref<200x256xf32, #tpu.memory_space<vmem>>, vector<1x16xf32>,
          %parallel_loop3A_656 = vector.shape_cast %parallel_loop3A_655 : vector<1x16xf32> to vector<16xf32>
          %parallel_loop3A_657 = arith.mulf %parallel_loop3A_656, %parallel_loop3A_221 : vector<16xf32>
          %parallel_loop3A_658 = arith.addf %parallel_loop3A_650, %parallel_loop3A_657 : vector<16xf32>
          %parallel_loop3A_659 = arith.index_cast %parallel_loop3A_155 : i32 to index
          %parallel_loop3A_660 = arith.constant 192 : index
          %parallel_loop3A_661 = tpu.vector_load %arg12[%parallel_loop3A_659, %parallel_loop3A_660] {strides = array<i32>} : memref<56x256xf32, #tpu.memory_space<vmem>>, vector<1x16xf32>,
          %parallel_loop3A_662 = vector.shape_cast %parallel_loop3A_661 : vector<1x16xf32> to vector<16xf32>
          %parallel_loop3A_663 = vector.shape_cast %parallel_loop3A_658 : vector<16xf32> to vector<1x16xf32>
          tpu.vector_store %arg12[%parallel_loop3A_659, %parallel_loop3A_660], %parallel_loop3A_663 {strides = array<i32>} : memref<56x256xf32, #tpu.memory_space<vmem>>, vector<1x16xf32>,
          %parallel_loop3A_664 = arith.index_cast %parallel_loop3A_157 : i32 to index
          %parallel_loop3A_665 = arith.constant 208 : index
          %parallel_loop3A_666 = tpu.vector_load %arg11[%parallel_loop3A_664, %parallel_loop3A_665] {strides = array<i32>} : memref<200x256xf32, #tpu.memory_space<vmem>>, vector<1x16xf32>,
          %parallel_loop3A_667 = vector.shape_cast %parallel_loop3A_666 : vector<1x16xf32> to vector<16xf32>
          %parallel_loop3A_668 = arith.mulf %parallel_loop3A_667, %parallel_loop3A_203 : vector<16xf32>
          %parallel_loop3A_669 = arith.constant 1 : i32
          %parallel_loop3A_670 = arith.addi %parallel_loop3A_157, %parallel_loop3A_669 : i32
          %parallel_loop3A_671 = arith.index_cast %parallel_loop3A_670 : i32 to index
          %parallel_loop3A_672 = arith.constant 208 : index
          %parallel_loop3A_673 = tpu.vector_load %arg11[%parallel_loop3A_671, %parallel_loop3A_672] {strides = array<i32>} : memref<200x256xf32, #tpu.memory_space<vmem>>, vector<1x16xf32>,
          %parallel_loop3A_674 = vector.shape_cast %parallel_loop3A_673 : vector<1x16xf32> to vector<16xf32>
          %parallel_loop3A_675 = arith.mulf %parallel_loop3A_674, %parallel_loop3A_209 : vector<16xf32>
          %parallel_loop3A_676 = arith.addf %parallel_loop3A_668, %parallel_loop3A_675 : vector<16xf32>
          %parallel_loop3A_677 = arith.constant 2 : i32
          %parallel_loop3A_678 = arith.addi %parallel_loop3A_157, %parallel_loop3A_677 : i32
          %parallel_loop3A_679 = arith.index_cast %parallel_loop3A_678 : i32 to index
          %parallel_loop3A_680 = arith.constant 208 : index
          %parallel_loop3A_681 = tpu.vector_load %arg11[%parallel_loop3A_679, %parallel_loop3A_680] {strides = array<i32>} : memref<200x256xf32, #tpu.memory_space<vmem>>, vector<1x16xf32>,
          %parallel_loop3A_682 = vector.shape_cast %parallel_loop3A_681 : vector<1x16xf32> to vector<16xf32>
          %parallel_loop3A_683 = arith.mulf %parallel_loop3A_682, %parallel_loop3A_215 : vector<16xf32>
          %parallel_loop3A_684 = arith.addf %parallel_loop3A_676, %parallel_loop3A_683 : vector<16xf32>
          %parallel_loop3A_685 = arith.constant 3 : i32
          %parallel_loop3A_686 = arith.addi %parallel_loop3A_157, %parallel_loop3A_685 : i32
          %parallel_loop3A_687 = arith.index_cast %parallel_loop3A_686 : i32 to index
          %parallel_loop3A_688 = arith.constant 208 : index
          %parallel_loop3A_689 = tpu.vector_load %arg11[%parallel_loop3A_687, %parallel_loop3A_688] {strides = array<i32>} : memref<200x256xf32, #tpu.memory_space<vmem>>, vector<1x16xf32>,
          %parallel_loop3A_690 = vector.shape_cast %parallel_loop3A_689 : vector<1x16xf32> to vector<16xf32>
          %parallel_loop3A_691 = arith.mulf %parallel_loop3A_690, %parallel_loop3A_221 : vector<16xf32>
          %parallel_loop3A_692 = arith.addf %parallel_loop3A_684, %parallel_loop3A_691 : vector<16xf32>
          %parallel_loop3A_693 = arith.index_cast %parallel_loop3A_155 : i32 to index
          %parallel_loop3A_694 = arith.constant 208 : index
          %parallel_loop3A_695 = tpu.vector_load %arg12[%parallel_loop3A_693, %parallel_loop3A_694] {strides = array<i32>} : memref<56x256xf32, #tpu.memory_space<vmem>>, vector<1x16xf32>,
          %parallel_loop3A_696 = vector.shape_cast %parallel_loop3A_695 : vector<1x16xf32> to vector<16xf32>
          %parallel_loop3A_697 = vector.shape_cast %parallel_loop3A_692 : vector<16xf32> to vector<1x16xf32>
          tpu.vector_store %arg12[%parallel_loop3A_693, %parallel_loop3A_694], %parallel_loop3A_697 {strides = array<i32>} : memref<56x256xf32, #tpu.memory_space<vmem>>, vector<1x16xf32>,
          %parallel_loop3A_698 = arith.index_cast %parallel_loop3A_157 : i32 to index
          %parallel_loop3A_699 = arith.constant 224 : index
          %parallel_loop3A_700 = tpu.vector_load %arg11[%parallel_loop3A_698, %parallel_loop3A_699] {strides = array<i32>} : memref<200x256xf32, #tpu.memory_space<vmem>>, vector<1x16xf32>,
          %parallel_loop3A_701 = vector.shape_cast %parallel_loop3A_700 : vector<1x16xf32> to vector<16xf32>
          %parallel_loop3A_702 = arith.mulf %parallel_loop3A_701, %parallel_loop3A_203 : vector<16xf32>
          %parallel_loop3A_703 = arith.constant 1 : i32
          %parallel_loop3A_704 = arith.addi %parallel_loop3A_157, %parallel_loop3A_703 : i32
          %parallel_loop3A_705 = arith.index_cast %parallel_loop3A_704 : i32 to index
          %parallel_loop3A_706 = arith.constant 224 : index
          %parallel_loop3A_707 = tpu.vector_load %arg11[%parallel_loop3A_705, %parallel_loop3A_706] {strides = array<i32>} : memref<200x256xf32, #tpu.memory_space<vmem>>, vector<1x16xf32>,
          %parallel_loop3A_708 = vector.shape_cast %parallel_loop3A_707 : vector<1x16xf32> to vector<16xf32>
          %parallel_loop3A_709 = arith.mulf %parallel_loop3A_708, %parallel_loop3A_209 : vector<16xf32>
          %parallel_loop3A_710 = arith.addf %parallel_loop3A_702, %parallel_loop3A_709 : vector<16xf32>
          %parallel_loop3A_711 = arith.constant 2 : i32
          %parallel_loop3A_712 = arith.addi %parallel_loop3A_157, %parallel_loop3A_711 : i32
          %parallel_loop3A_713 = arith.index_cast %parallel_loop3A_712 : i32 to index
          %parallel_loop3A_714 = arith.constant 224 : index
          %parallel_loop3A_715 = tpu.vector_load %arg11[%parallel_loop3A_713, %parallel_loop3A_714] {strides = array<i32>} : memref<200x256xf32, #tpu.memory_space<vmem>>, vector<1x16xf32>,
          %parallel_loop3A_716 = vector.shape_cast %parallel_loop3A_715 : vector<1x16xf32> to vector<16xf32>
          %parallel_loop3A_717 = arith.mulf %parallel_loop3A_716, %parallel_loop3A_215 : vector<16xf32>
          %parallel_loop3A_718 = arith.addf %parallel_loop3A_710, %parallel_loop3A_717 : vector<16xf32>
          %parallel_loop3A_719 = arith.constant 3 : i32
          %parallel_loop3A_720 = arith.addi %parallel_loop3A_157, %parallel_loop3A_719 : i32
          %parallel_loop3A_721 = arith.index_cast %parallel_loop3A_720 : i32 to index
          %parallel_loop3A_722 = arith.constant 224 : index
          %parallel_loop3A_723 = tpu.vector_load %arg11[%parallel_loop3A_721, %parallel_loop3A_722] {strides = array<i32>} : memref<200x256xf32, #tpu.memory_space<vmem>>, vector<1x16xf32>,
          %parallel_loop3A_724 = vector.shape_cast %parallel_loop3A_723 : vector<1x16xf32> to vector<16xf32>
          %parallel_loop3A_725 = arith.mulf %parallel_loop3A_724, %parallel_loop3A_221 : vector<16xf32>
          %parallel_loop3A_726 = arith.addf %parallel_loop3A_718, %parallel_loop3A_725 : vector<16xf32>
          %parallel_loop3A_727 = arith.index_cast %parallel_loop3A_155 : i32 to index
          %parallel_loop3A_728 = arith.constant 224 : index
          %parallel_loop3A_729 = tpu.vector_load %arg12[%parallel_loop3A_727, %parallel_loop3A_728] {strides = array<i32>} : memref<56x256xf32, #tpu.memory_space<vmem>>, vector<1x16xf32>,
          %parallel_loop3A_730 = vector.shape_cast %parallel_loop3A_729 : vector<1x16xf32> to vector<16xf32>
          %parallel_loop3A_731 = vector.shape_cast %parallel_loop3A_726 : vector<16xf32> to vector<1x16xf32>
          tpu.vector_store %arg12[%parallel_loop3A_727, %parallel_loop3A_728], %parallel_loop3A_731 {strides = array<i32>} : memref<56x256xf32, #tpu.memory_space<vmem>>, vector<1x16xf32>,
          %parallel_loop3A_732 = arith.index_cast %parallel_loop3A_157 : i32 to index
          %parallel_loop3A_733 = arith.constant 240 : index
          %parallel_loop3A_734 = tpu.vector_load %arg11[%parallel_loop3A_732, %parallel_loop3A_733] {strides = array<i32>} : memref<200x256xf32, #tpu.memory_space<vmem>>, vector<1x16xf32>,
          %parallel_loop3A_735 = vector.shape_cast %parallel_loop3A_734 : vector<1x16xf32> to vector<16xf32>
          %parallel_loop3A_736 = arith.mulf %parallel_loop3A_735, %parallel_loop3A_203 : vector<16xf32>
          %parallel_loop3A_737 = arith.constant 1 : i32
          %parallel_loop3A_738 = arith.addi %parallel_loop3A_157, %parallel_loop3A_737 : i32
          %parallel_loop3A_739 = arith.index_cast %parallel_loop3A_738 : i32 to index
          %parallel_loop3A_740 = arith.constant 240 : index
          %parallel_loop3A_741 = tpu.vector_load %arg11[%parallel_loop3A_739, %parallel_loop3A_740] {strides = array<i32>} : memref<200x256xf32, #tpu.memory_space<vmem>>, vector<1x16xf32>,
          %parallel_loop3A_742 = vector.shape_cast %parallel_loop3A_741 : vector<1x16xf32> to vector<16xf32>
          %parallel_loop3A_743 = arith.mulf %parallel_loop3A_742, %parallel_loop3A_209 : vector<16xf32>
          %parallel_loop3A_744 = arith.addf %parallel_loop3A_736, %parallel_loop3A_743 : vector<16xf32>
          %parallel_loop3A_745 = arith.constant 2 : i32
          %parallel_loop3A_746 = arith.addi %parallel_loop3A_157, %parallel_loop3A_745 : i32
          %parallel_loop3A_747 = arith.index_cast %parallel_loop3A_746 : i32 to index
          %parallel_loop3A_748 = arith.constant 240 : index
          %parallel_loop3A_749 = tpu.vector_load %arg11[%parallel_loop3A_747, %parallel_loop3A_748] {strides = array<i32>} : memref<200x256xf32, #tpu.memory_space<vmem>>, vector<1x16xf32>,
          %parallel_loop3A_750 = vector.shape_cast %parallel_loop3A_749 : vector<1x16xf32> to vector<16xf32>
          %parallel_loop3A_751 = arith.mulf %parallel_loop3A_750, %parallel_loop3A_215 : vector<16xf32>
          %parallel_loop3A_752 = arith.addf %parallel_loop3A_744, %parallel_loop3A_751 : vector<16xf32>
          %parallel_loop3A_753 = arith.constant 3 : i32
          %parallel_loop3A_754 = arith.addi %parallel_loop3A_157, %parallel_loop3A_753 : i32
          %parallel_loop3A_755 = arith.index_cast %parallel_loop3A_754 : i32 to index
          %parallel_loop3A_756 = arith.constant 240 : index
          %parallel_loop3A_757 = tpu.vector_load %arg11[%parallel_loop3A_755, %parallel_loop3A_756] {strides = array<i32>} : memref<200x256xf32, #tpu.memory_space<vmem>>, vector<1x16xf32>,
          %parallel_loop3A_758 = vector.shape_cast %parallel_loop3A_757 : vector<1x16xf32> to vector<16xf32>
          %parallel_loop3A_759 = arith.mulf %parallel_loop3A_758, %parallel_loop3A_221 : vector<16xf32>
          %parallel_loop3A_760 = arith.addf %parallel_loop3A_752, %parallel_loop3A_759 : vector<16xf32>
          %parallel_loop3A_761 = arith.index_cast %parallel_loop3A_155 : i32 to index
          %parallel_loop3A_762 = arith.constant 240 : index
          %parallel_loop3A_763 = tpu.vector_load %arg12[%parallel_loop3A_761, %parallel_loop3A_762] {strides = array<i32>} : memref<56x256xf32, #tpu.memory_space<vmem>>, vector<1x16xf32>,
          %parallel_loop3A_764 = vector.shape_cast %parallel_loop3A_763 : vector<1x16xf32> to vector<16xf32>
          %parallel_loop3A_765 = vector.shape_cast %parallel_loop3A_760 : vector<16xf32> to vector<1x16xf32>
          tpu.vector_store %arg12[%parallel_loop3A_761, %parallel_loop3A_762], %parallel_loop3A_765 {strides = array<i32>} : memref<56x256xf32, #tpu.memory_space<vmem>>, vector<1x16xf32>,
        } {sc.loop_unroll_factor = 4 : i64, sc.parallel_access}
        %lt3A_145 = arith.constant 2000 : i32
        %lt3A_146 = arith.cmpi slt, %add3A_72, %lt3A_145 : i32
        %convert_element_type3A_147 = arith.extui %lt3A_146 : i1 to i32
        %cond3A_148 = arith.constant 0 : i32
        %cond3A_149 = arith.cmpi ne, %convert_element_type3A_147, %cond3A_148 : i32
        scf.if %cond3A_149 {
          %dma_start3A_155 = arith.constant 0 : i32
          %dma_start3A_156 = arith.constant 0 : i32
          %dma_start3A_157 = tpu.memref_slice %arg5[%add3A_72, %dma_start3A_155, %dma_start3A_156] : memref<2000x56x256xf32, #tpu.memory_space<hbm>> -> memref<1x56x256xf32, #tpu.memory_space<hbm>>
          %dma_start3A_158 = tpu.memref_squeeze %dma_start3A_157 : memref<1x56x256xf32, #tpu.memory_space<hbm>> -> memref<56x256xf32, #tpu.memory_space<hbm>>
          %dma_start3A_159 = arith.constant 0 : i32
          %dma_start3A_160 = arith.constant 0 : i32
          %dma_start3A_161 = tpu.memref_slice %arg5[%add3A_72, %dma_start3A_159, %dma_start3A_160] : memref<2000x56x256xf32, #tpu.memory_space<hbm>> -> memref<1x56x256xf32, #tpu.memory_space<hbm>>
          %dma_start3A_162 = tpu.memref_squeeze %dma_start3A_161 : memref<1x56x256xf32, #tpu.memory_space<hbm>> -> memref<56x256xf32, #tpu.memory_space<hbm>>
          tpu.enqueue_dma source(%arg12 : memref<56x256xf32, #tpu.memory_space<vmem>>) target(%dma_start3A_162 : memref<56x256xf32, #tpu.memory_space<hbm>>) target_semaphore(%arg17 : memref<!tpu.dma_semaphore, #tpu.memory_space<semaphore_mem>>)
        } else {
        }
        %lt3A_150 = arith.constant 62 : i32
        %lt3A_151 = arith.cmpi slt, %scan3A_71, %lt3A_150 : i32
        %convert_element_type3A_152 = arith.extui %lt3A_151 : i1 to i32
        %cond3A_153 = arith.constant 0 : i32
        %cond3A_154 = arith.cmpi ne, %convert_element_type3A_152, %cond3A_153 : i32
        scf.if %cond3A_154 {
          %add3A_155 = arith.constant 2 : i32
          %add3A_156 = arith.addi %scan3A_71, %add3A_155 : i32
          %add3A_157 = arith.addi %mul3A_2, %add3A_156 : i32
          %mul3A_158 = arith.constant 8 : i32
          %mul3A_159 = arith.muli %add3A_157, %mul3A_158 : i32
          %dma_start3A_160 = arith.constant 0 : i32
          %dma_start3A_161 = tpu.memref_slice %arg2[%mul3A_159, %dma_start3A_160] : memref<16384x128xi32, #tpu.memory_space<hbm>> -> memref<8x128xi32, #tpu.memory_space<hbm>>
          %dma_start3A_162 = arith.constant 0 : i32
          %dma_start3A_163 = tpu.memref_slice %arg2[%mul3A_159, %dma_start3A_162] : memref<16384x128xi32, #tpu.memory_space<hbm>> -> memref<8x128xi32, #tpu.memory_space<hbm>>
          tpu.enqueue_dma source(%dma_start3A_163 : memref<8x128xi32, #tpu.memory_space<hbm>>) target(%arg7 : memref<8x128xi32, #tpu.memory_space<vmem>>) target_semaphore(%arg14 : memref<!tpu.dma_semaphore, #tpu.memory_space<semaphore_mem>>)
          %mul3A_164 = arith.constant 32 : i32
          %mul3A_165 = arith.muli %add3A_157, %mul3A_164 : i32
          %dma_start3A_166 = arith.constant 0 : i32
          %dma_start3A_167 = tpu.memref_slice %arg3[%mul3A_165, %dma_start3A_166] : memref<65536x128xf32, #tpu.memory_space<hbm>> -> memref<32x128xf32, #tpu.memory_space<hbm>>
          %dma_start3A_168 = arith.constant 0 : i32
          %dma_start3A_169 = tpu.memref_slice %arg3[%mul3A_165, %dma_start3A_168] : memref<65536x128xf32, #tpu.memory_space<hbm>> -> memref<32x128xf32, #tpu.memory_space<hbm>>
          tpu.enqueue_dma source(%dma_start3A_169 : memref<32x128xf32, #tpu.memory_space<hbm>>) target(%arg9 : memref<32x128xf32, #tpu.memory_space<vmem>>) target_semaphore(%arg14 : memref<!tpu.dma_semaphore, #tpu.memory_space<semaphore_mem>>)
        } else {
        }
      } else {
      }
    }
    %scan3A_65 = arith.constant 64 : i32
    %add3A_66 = arith.constant 64 : i32
    %add3A_67 = arith.addi %mul3A_2, %add3A_66 : i32
    %sub3A = arith.constant 1 : i32
    %sub3A_68 = arith.subi %add3A_67, %sub3A : i32
    %lt3A = arith.constant 2000 : i32
    %lt3A_69 = arith.cmpi slt, %sub3A_68, %lt3A : i32
    %convert_element_type3A = arith.extui %lt3A_69 : i1 to i32
    %cond3A = arith.constant 0 : i32
    %cond3A_70 = arith.cmpi ne, %convert_element_type3A, %cond3A : i32
    scf.if %cond3A_70 {
      %dma_wait3A_71 = arith.constant 0 : i32
      %dma_wait3A_72 = arith.constant 0 : i32
      %dma_wait3A_73 = arith.constant 0 : i32
      %dma_wait3A_74 = tpu.memref_slice %arg5[%dma_wait3A_71, %dma_wait3A_72, %dma_wait3A_73] : memref<2000x56x256xf32, #tpu.memory_space<hbm>> -> memref<1x56x256xf32, #tpu.memory_space<hbm>>
      %dma_wait3A_75 = tpu.memref_squeeze %dma_wait3A_74 : memref<1x56x256xf32, #tpu.memory_space<hbm>> -> memref<56x256xf32, #tpu.memory_space<hbm>>
      %dma_wait3A_76 = arith.constant 0 : i32
      %dma_wait3A_77 = arith.constant 0 : i32
      %dma_wait3A_78 = tpu.memref_slice %arg5[%dma_wait3A_71, %dma_wait3A_76, %dma_wait3A_77] : memref<2000x56x256xf32, #tpu.memory_space<hbm>> -> memref<1x56x256xf32, #tpu.memory_space<hbm>>
      %dma_wait3A_79 = tpu.memref_squeeze %dma_wait3A_78 : memref<1x56x256xf32, #tpu.memory_space<hbm>> -> memref<56x256xf32, #tpu.memory_space<hbm>>
      tpu.wait_dma2 semaphore(%arg17 : memref<!tpu.dma_semaphore, #tpu.memory_space<semaphore_mem>>) src(%arg12 : memref<56x256xf32, #tpu.memory_space<vmem>>) dst(%dma_wait3A_79 : memref<56x256xf32, #tpu.memory_space<hbm>>)
    } else {
    }
    return
  }
}

module attributes {stable_mosaic.version = 14 : i64} {
  func.func @_coords_w_body(%arg0: i32, %arg1: memref<4096x4xf32, #tpu.memory_space<vmem>>, %arg2: memref<4096x128xf32, #tpu.memory_space<vmem>>) attributes {dimension_semantics = [#tpu.dimension_semantics<arbitrary>], iteration_bounds = array<i64: 16>, scalar_prefetch = 0 : i64, scratch_operands = 0 : i64, tpu.core_type = #tpu.core_type<tc>, window_params = [{transform_indices = @transform_0, window_bounds = array<i64: 4096, 4>}, {transform_indices = @transform_1, window_bounds = array<i64: 4096, 128>}]} {
    %get3A = arith.constant 0 : index
    %get3A_0 = arith.constant 0 : index
    %get3A_1 = vector.load %arg1[%get3A, %get3A_0] : memref<4096x4xf32, #tpu.memory_space<vmem>>, vector<4096x4xf32>
    %iota3A = tpu.iota {dimensions = array<i32: 0>} : vector<4096x128xi32>
    %iota3A_2 = tpu.iota {dimensions = array<i32: 1>} : vector<4096x128xi32>
    %jit3A = arith.constant 32 : i32
    %eq3A = arith.constant 0 : i32
    %eq3A_3 = arith.cmpi eq, %jit3A, %eq3A : i32
    %jit3A_4 = arith.constant 1 : i32
    %select_n3A = arith.select %eq3A_3, %jit3A_4, %jit3A : i32
    %rem3A = vector.broadcast %select_n3A : i32 to vector<4096x128xi32>
    %rem3A_5 = arith.remsi %iota3A, %rem3A : vector<4096x128xi32>
    %ne3A = arith.constant 0 : i32
    %ne3A_6 = vector.broadcast %ne3A : i32 to vector<4096x128xi32>
    %ne3A_7 = arith.cmpi ne, %rem3A_5, %ne3A_6 : vector<4096x128xi32>
    %lt3A = arith.constant 0 : i32
    %lt3A_8 = vector.broadcast %lt3A : i32 to vector<4096x128xi32>
    %lt3A_9 = arith.cmpi slt, %rem3A_5, %lt3A_8 : vector<4096x128xi32>
    %lt3A_10 = arith.constant 0 : i32
    %lt3A_11 = arith.cmpi slt, %select_n3A, %lt3A_10 : i32
    %ne3A_12 = vector.broadcast %lt3A_11 : i1 to vector<4096x128xi1>
    %ne3A_13 = vector.broadcast %ne3A_12 : vector<4096x128xi1> to vector<4096x128xi1>
    %ne3A_14 = arith.xori %lt3A_9, %ne3A_13 : vector<4096x128xi1>
    %and3A = arith.andi %ne3A_14, %ne3A_7 : vector<4096x128xi1>
    %add3A = vector.broadcast %select_n3A : i32 to vector<4096x128xi32>
    %add3A_15 = arith.addi %rem3A_5, %add3A : vector<4096x128xi32>
    %select_n3A_16 = arith.select %and3A, %add3A_15, %rem3A_5 : vector<4096x128xi1>, vector<4096x128xi32>
    %mul3A = arith.constant 128 : i32
    %mul3A_17 = vector.broadcast %mul3A : i32 to vector<4096x128xi32>
    %mul3A_18 = arith.muli %select_n3A_16, %mul3A_17 : vector<4096x128xi32>
    %add3A_19 = arith.addi %mul3A_18, %iota3A_2 : vector<4096x128xi32>
    %jit3A_20 = arith.constant 64 : i32
    %div3A = vector.broadcast %jit3A_20 : i32 to vector<4096x128xi32>
    %div3A_21 = arith.divsi %add3A_19, %div3A : vector<4096x128xi32>
    %sign3A = arith.constant 0 : i32
    %sign3A_22 = vector.broadcast %sign3A : i32 to vector<4096x128xi32>
    %sign3A_23 = arith.cmpi sgt, %add3A_19, %sign3A_22 : vector<4096x128xi32>
    %sign3A_24 = arith.extui %sign3A_23 : vector<4096x128xi1> to vector<4096x128xi32>
    %sign3A_25 = arith.constant 0 : i32
    %sign3A_26 = vector.broadcast %sign3A_25 : i32 to vector<4096x128xi32>
    %sign3A_27 = arith.cmpi slt, %add3A_19, %sign3A_26 : vector<4096x128xi32>
    %sign3A_28 = arith.extui %sign3A_27 : vector<4096x128xi1> to vector<4096x128xi32>
    %sign3A_29 = arith.subi %sign3A_24, %sign3A_28 : vector<4096x128xi32>
    %sign3A_30 = arith.constant 0 : i32
    %sign3A_31 = arith.cmpi sgt, %jit3A_20, %sign3A_30 : i32
    %sign3A_32 = arith.extui %sign3A_31 : i1 to i32
    %sign3A_33 = arith.constant 0 : i32
    %sign3A_34 = arith.cmpi slt, %jit3A_20, %sign3A_33 : i32
    %sign3A_35 = arith.extui %sign3A_34 : i1 to i32
    %sign3A_36 = arith.subi %sign3A_32, %sign3A_35 : i32
    %ne3A_37 = vector.broadcast %sign3A_36 : i32 to vector<4096x128xi32>
    %ne3A_38 = arith.cmpi ne, %sign3A_29, %ne3A_37 : vector<4096x128xi32>
    %rem3A_39 = vector.broadcast %jit3A_20 : i32 to vector<4096x128xi32>
    %rem3A_40 = arith.remsi %add3A_19, %rem3A_39 : vector<4096x128xi32>
    %ne3A_41 = arith.constant 0 : i32
    %ne3A_42 = vector.broadcast %ne3A_41 : i32 to vector<4096x128xi32>
    %ne3A_43 = arith.cmpi ne, %rem3A_40, %ne3A_42 : vector<4096x128xi32>
    %and3A_44 = arith.andi %ne3A_38, %ne3A_43 : vector<4096x128xi1>
    %sub3A = arith.constant 1 : i32
    %sub3A_45 = vector.broadcast %sub3A : i32 to vector<4096x128xi32>
    %sub3A_46 = arith.subi %div3A_21, %sub3A_45 : vector<4096x128xi32>
    %select_n3A_47 = arith.select %and3A_44, %sub3A_46, %div3A_21 : vector<4096x128xi1>, vector<4096x128xi32>
    %jit3A_48 = arith.constant 64 : i32
    %eq3A_49 = arith.constant 0 : i32
    %eq3A_50 = arith.cmpi eq, %jit3A_48, %eq3A_49 : i32
    %jit3A_51 = arith.constant 1 : i32
    %select_n3A_52 = arith.select %eq3A_50, %jit3A_51, %jit3A_48 : i32
    %rem3A_53 = vector.broadcast %select_n3A_52 : i32 to vector<4096x128xi32>
    %rem3A_54 = arith.remsi %add3A_19, %rem3A_53 : vector<4096x128xi32>
    %ne3A_55 = arith.constant 0 : i32
    %ne3A_56 = vector.broadcast %ne3A_55 : i32 to vector<4096x128xi32>
    %ne3A_57 = arith.cmpi ne, %rem3A_54, %ne3A_56 : vector<4096x128xi32>
    %lt3A_58 = arith.constant 0 : i32
    %lt3A_59 = vector.broadcast %lt3A_58 : i32 to vector<4096x128xi32>
    %lt3A_60 = arith.cmpi slt, %rem3A_54, %lt3A_59 : vector<4096x128xi32>
    %lt3A_61 = arith.constant 0 : i32
    %lt3A_62 = arith.cmpi slt, %select_n3A_52, %lt3A_61 : i32
    %ne3A_63 = vector.broadcast %lt3A_62 : i1 to vector<4096x128xi1>
    %ne3A_64 = vector.broadcast %ne3A_63 : vector<4096x128xi1> to vector<4096x128xi1>
    %ne3A_65 = arith.xori %lt3A_60, %ne3A_64 : vector<4096x128xi1>
    %and3A_66 = arith.andi %ne3A_65, %ne3A_57 : vector<4096x128xi1>
    %add3A_67 = vector.broadcast %select_n3A_52 : i32 to vector<4096x128xi32>
    %add3A_68 = arith.addi %rem3A_54, %add3A_67 : vector<4096x128xi32>
    %select_n3A_69 = arith.select %and3A_66, %add3A_68, %rem3A_54 : vector<4096x128xi1>, vector<4096x128xi32>
    %jit3A_70 = arith.constant 16 : i32
    %div3A_71 = vector.broadcast %jit3A_70 : i32 to vector<4096x128xi32>
    %div3A_72 = arith.divsi %select_n3A_69, %div3A_71 : vector<4096x128xi32>
    %sign3A_73 = arith.constant 0 : i32
    %sign3A_74 = vector.broadcast %sign3A_73 : i32 to vector<4096x128xi32>
    %sign3A_75 = arith.cmpi sgt, %select_n3A_69, %sign3A_74 : vector<4096x128xi32>
    %sign3A_76 = arith.extui %sign3A_75 : vector<4096x128xi1> to vector<4096x128xi32>
    %sign3A_77 = arith.constant 0 : i32
    %sign3A_78 = vector.broadcast %sign3A_77 : i32 to vector<4096x128xi32>
    %sign3A_79 = arith.cmpi slt, %select_n3A_69, %sign3A_78 : vector<4096x128xi32>
    %sign3A_80 = arith.extui %sign3A_79 : vector<4096x128xi1> to vector<4096x128xi32>
    %sign3A_81 = arith.subi %sign3A_76, %sign3A_80 : vector<4096x128xi32>
    %sign3A_82 = arith.constant 0 : i32
    %sign3A_83 = arith.cmpi sgt, %jit3A_70, %sign3A_82 : i32
    %sign3A_84 = arith.extui %sign3A_83 : i1 to i32
    %sign3A_85 = arith.constant 0 : i32
    %sign3A_86 = arith.cmpi slt, %jit3A_70, %sign3A_85 : i32
    %sign3A_87 = arith.extui %sign3A_86 : i1 to i32
    %sign3A_88 = arith.subi %sign3A_84, %sign3A_87 : i32
    %ne3A_89 = vector.broadcast %sign3A_88 : i32 to vector<4096x128xi32>
    %ne3A_90 = arith.cmpi ne, %sign3A_81, %ne3A_89 : vector<4096x128xi32>
    %rem3A_91 = vector.broadcast %jit3A_70 : i32 to vector<4096x128xi32>
    %rem3A_92 = arith.remsi %select_n3A_69, %rem3A_91 : vector<4096x128xi32>
    %ne3A_93 = arith.constant 0 : i32
    %ne3A_94 = vector.broadcast %ne3A_93 : i32 to vector<4096x128xi32>
    %ne3A_95 = arith.cmpi ne, %rem3A_92, %ne3A_94 : vector<4096x128xi32>
    %and3A_96 = arith.andi %ne3A_90, %ne3A_95 : vector<4096x128xi1>
    %sub3A_97 = arith.constant 1 : i32
    %sub3A_98 = vector.broadcast %sub3A_97 : i32 to vector<4096x128xi32>
    %sub3A_99 = arith.subi %div3A_72, %sub3A_98 : vector<4096x128xi32>
    %select_n3A_100 = arith.select %and3A_96, %sub3A_99, %div3A_72 : vector<4096x128xi1>, vector<4096x128xi32>
    %slice3A = vector.extract_strided_slice %get3A_1 {offsets = [0, 0], sizes = [4096, 1], strides = [1, 1]} : vector<4096x4xf32> to vector<4096x1xf32>
    %slice3A_101 = vector.extract_strided_slice %get3A_1 {offsets = [0, 1], sizes = [4096, 1], strides = [1, 1]} : vector<4096x4xf32> to vector<4096x1xf32>
    %slice3A_102 = vector.extract_strided_slice %get3A_1 {offsets = [0, 2], sizes = [4096, 1], strides = [1, 1]} : vector<4096x4xf32> to vector<4096x1xf32>
    %slice3A_103 = vector.extract_strided_slice %get3A_1 {offsets = [0, 3], sizes = [4096, 1], strides = [1, 1]} : vector<4096x4xf32> to vector<4096x1xf32>
    %jit3A_104 = arith.constant 7 : i32
    %div3A_105 = vector.broadcast %jit3A_104 : i32 to vector<4096x128xi32>
    %div3A_106 = arith.divsi %select_n3A_47, %div3A_105 : vector<4096x128xi32>
    %sign3A_107 = arith.constant 0 : i32
    %sign3A_108 = vector.broadcast %sign3A_107 : i32 to vector<4096x128xi32>
    %sign3A_109 = arith.cmpi sgt, %select_n3A_47, %sign3A_108 : vector<4096x128xi32>
    %sign3A_110 = arith.extui %sign3A_109 : vector<4096x128xi1> to vector<4096x128xi32>
    %sign3A_111 = arith.constant 0 : i32
    %sign3A_112 = vector.broadcast %sign3A_111 : i32 to vector<4096x128xi32>
    %sign3A_113 = arith.cmpi slt, %select_n3A_47, %sign3A_112 : vector<4096x128xi32>
    %sign3A_114 = arith.extui %sign3A_113 : vector<4096x128xi1> to vector<4096x128xi32>
    %sign3A_115 = arith.subi %sign3A_110, %sign3A_114 : vector<4096x128xi32>
    %sign3A_116 = arith.constant 0 : i32
    %sign3A_117 = arith.cmpi sgt, %jit3A_104, %sign3A_116 : i32
    %sign3A_118 = arith.extui %sign3A_117 : i1 to i32
    %sign3A_119 = arith.constant 0 : i32
    %sign3A_120 = arith.cmpi slt, %jit3A_104, %sign3A_119 : i32
    %sign3A_121 = arith.extui %sign3A_120 : i1 to i32
    %sign3A_122 = arith.subi %sign3A_118, %sign3A_121 : i32
    %ne3A_123 = vector.broadcast %sign3A_122 : i32 to vector<4096x128xi32>
    %ne3A_124 = arith.cmpi ne, %sign3A_115, %ne3A_123 : vector<4096x128xi32>
    %rem3A_125 = vector.broadcast %jit3A_104 : i32 to vector<4096x128xi32>
    %rem3A_126 = arith.remsi %select_n3A_47, %rem3A_125 : vector<4096x128xi32>
    %ne3A_127 = arith.constant 0 : i32
    %ne3A_128 = vector.broadcast %ne3A_127 : i32 to vector<4096x128xi32>
    %ne3A_129 = arith.cmpi ne, %rem3A_126, %ne3A_128 : vector<4096x128xi32>
    %and3A_130 = arith.andi %ne3A_124, %ne3A_129 : vector<4096x128xi1>
    %sub3A_131 = arith.constant 1 : i32
    %sub3A_132 = vector.broadcast %sub3A_131 : i32 to vector<4096x128xi32>
    %sub3A_133 = arith.subi %div3A_106, %sub3A_132 : vector<4096x128xi32>
    %select_n3A_134 = arith.select %and3A_130, %sub3A_133, %div3A_106 : vector<4096x128xi1>, vector<4096x128xi32>
    %convert_element_type3A = arith.sitofp %select_n3A_134 : vector<4096x128xi32> to vector<4096x128xf32>
    %jit3A_135 = arith.constant 7 : i32
    %eq3A_136 = arith.constant 0 : i32
    %eq3A_137 = arith.cmpi eq, %jit3A_135, %eq3A_136 : i32
    %jit3A_138 = arith.constant 1 : i32
    %select_n3A_139 = arith.select %eq3A_137, %jit3A_138, %jit3A_135 : i32
    %rem3A_140 = vector.broadcast %select_n3A_139 : i32 to vector<4096x128xi32>
    %rem3A_141 = arith.remsi %select_n3A_47, %rem3A_140 : vector<4096x128xi32>
    %ne3A_142 = arith.constant 0 : i32
    %ne3A_143 = vector.broadcast %ne3A_142 : i32 to vector<4096x128xi32>
    %ne3A_144 = arith.cmpi ne, %rem3A_141, %ne3A_143 : vector<4096x128xi32>
    %lt3A_145 = arith.constant 0 : i32
    %lt3A_146 = vector.broadcast %lt3A_145 : i32 to vector<4096x128xi32>
    %lt3A_147 = arith.cmpi slt, %rem3A_141, %lt3A_146 : vector<4096x128xi32>
    %lt3A_148 = arith.constant 0 : i32
    %lt3A_149 = arith.cmpi slt, %select_n3A_139, %lt3A_148 : i32
    %ne3A_150 = vector.broadcast %lt3A_149 : i1 to vector<4096x128xi1>
    %ne3A_151 = vector.broadcast %ne3A_150 : vector<4096x128xi1> to vector<4096x128xi1>
    %ne3A_152 = arith.xori %lt3A_147, %ne3A_151 : vector<4096x128xi1>
    %and3A_153 = arith.andi %ne3A_152, %ne3A_144 : vector<4096x128xi1>
    %add3A_154 = vector.broadcast %select_n3A_139 : i32 to vector<4096x128xi32>
    %add3A_155 = arith.addi %rem3A_141, %add3A_154 : vector<4096x128xi32>
    %select_n3A_156 = arith.select %and3A_153, %add3A_155, %rem3A_141 : vector<4096x128xi1>, vector<4096x128xi32>
    %convert_element_type3A_157 = arith.sitofp %select_n3A_156 : vector<4096x128xi32> to vector<4096x128xf32>
    %mul3A_158 = arith.constant 2.230000e+02 : f32
    %mul3A_159 = vector.broadcast %mul3A_158 : f32 to vector<4096x1xf32>
    %mul3A_160 = arith.mulf %slice3A, %mul3A_159 : vector<4096x1xf32>
    %sub3A_161 = arith.subf %slice3A_102, %slice3A : vector<4096x1xf32>
    %mul3A_162 = arith.constant 2.230000e+02 : f32
    %mul3A_163 = vector.broadcast %mul3A_162 : f32 to vector<4096x1xf32>
    %mul3A_164 = arith.mulf %sub3A_161, %mul3A_163 : vector<4096x1xf32>
    %div3A_165 = arith.constant 6.000000e+00 : f32
    %div3A_166 = vector.broadcast %div3A_165 : f32 to vector<4096x1xf32>
    %div3A_167 = arith.divf %mul3A_164, %div3A_166 : vector<4096x1xf32>
    %mul3A_168 = vector.broadcast %div3A_167 : vector<4096x1xf32> to vector<4096x128xf32>
    %mul3A_169 = arith.mulf %convert_element_type3A, %mul3A_168 : vector<4096x128xf32>
    %add3A_170 = vector.broadcast %mul3A_160 : vector<4096x1xf32> to vector<4096x128xf32>
    %add3A_171 = arith.addf %add3A_170, %mul3A_169 : vector<4096x128xf32>
    %mul3A_172 = arith.constant 2.230000e+02 : f32
    %mul3A_173 = vector.broadcast %mul3A_172 : f32 to vector<4096x1xf32>
    %mul3A_174 = arith.mulf %slice3A_101, %mul3A_173 : vector<4096x1xf32>
    %sub3A_175 = arith.subf %slice3A_103, %slice3A_101 : vector<4096x1xf32>
    %mul3A_176 = arith.constant 2.230000e+02 : f32
    %mul3A_177 = vector.broadcast %mul3A_176 : f32 to vector<4096x1xf32>
    %mul3A_178 = arith.mulf %sub3A_175, %mul3A_177 : vector<4096x1xf32>
    %div3A_179 = arith.constant 6.000000e+00 : f32
    %div3A_180 = vector.broadcast %div3A_179 : f32 to vector<4096x1xf32>
    %div3A_181 = arith.divf %mul3A_178, %div3A_180 : vector<4096x1xf32>
    %mul3A_182 = vector.broadcast %div3A_181 : vector<4096x1xf32> to vector<4096x128xf32>
    %mul3A_183 = arith.mulf %convert_element_type3A_157, %mul3A_182 : vector<4096x128xf32>
    %add3A_184 = vector.broadcast %mul3A_174 : vector<4096x1xf32> to vector<4096x128xf32>
    %add3A_185 = arith.addf %add3A_184, %mul3A_183 : vector<4096x128xf32>
    %lt3A_186 = arith.constant 0.000000e+00 : f32
    %lt3A_187 = vector.broadcast %lt3A_186 : f32 to vector<4096x128xf32>
    %lt3A_188 = arith.cmpf olt, %add3A_171, %lt3A_187 : vector<4096x128xf32>
    %gt3A = arith.constant 2.230000e+02 : f32
    %gt3A_189 = vector.broadcast %gt3A : f32 to vector<4096x128xf32>
    %gt3A_190 = arith.cmpf ogt, %add3A_171, %gt3A_189 : vector<4096x128xf32>
    %or3A = arith.ori %lt3A_188, %gt3A_190 : vector<4096x128xi1>
    %lt3A_191 = arith.constant 0.000000e+00 : f32
    %lt3A_192 = vector.broadcast %lt3A_191 : f32 to vector<4096x128xf32>
    %lt3A_193 = arith.cmpf olt, %add3A_185, %lt3A_192 : vector<4096x128xf32>
    %gt3A_194 = arith.constant 2.230000e+02 : f32
    %gt3A_195 = vector.broadcast %gt3A_194 : f32 to vector<4096x128xf32>
    %gt3A_196 = arith.cmpf ogt, %add3A_185, %gt3A_195 : vector<4096x128xf32>
    %or3A_197 = arith.ori %lt3A_193, %gt3A_196 : vector<4096x128xi1>
    %floor3A = math.floor %add3A_171 : vector<4096x128xf32>
    %floor3A_198 = math.floor %add3A_185 : vector<4096x128xf32>
    %sub3A_199 = arith.subf %add3A_171, %floor3A : vector<4096x128xf32>
    %sub3A_200 = arith.subf %add3A_185, %floor3A_198 : vector<4096x128xf32>
    %not3A = arith.constant dense<true> : vector<4096x128xi1>
    %not3A_201 = arith.xori %or3A, %not3A : vector<4096x128xi1>
    %not3A_202 = arith.constant dense<true> : vector<4096x128xi1>
    %not3A_203 = arith.xori %or3A_197, %not3A_202 : vector<4096x128xi1>
    %and3A_204 = arith.andi %not3A_201, %not3A_203 : vector<4096x128xi1>
    %lt3A_205 = arith.constant 49 : i32
    %lt3A_206 = vector.broadcast %lt3A_205 : i32 to vector<4096x128xi32>
    %lt3A_207 = arith.cmpi slt, %select_n3A_47, %lt3A_206 : vector<4096x128xi32>
    %and3A_208 = arith.andi %and3A_204, %lt3A_207 : vector<4096x128xi1>
    %jit3A_209 = arith.constant 1.000000e+00 : f32
    %jit3A_210 = arith.constant 0.000000e+00 : f32
    %broadcast_in_dim3A = vector.broadcast %jit3A_209 : f32 to vector<4096x128xf32>
    %broadcast_in_dim3A_211 = vector.broadcast %jit3A_210 : f32 to vector<4096x128xf32>
    %select_n3A_212 = arith.select %and3A_208, %broadcast_in_dim3A, %broadcast_in_dim3A_211 : vector<4096x128xi1>, vector<4096x128xf32>
    %ge3A = arith.constant 2 : i32
    %ge3A_213 = vector.broadcast %ge3A : i32 to vector<4096x128xi32>
    %ge3A_214 = arith.cmpi sge, %select_n3A_100, %ge3A_213 : vector<4096x128xi32>
    %sub3A_215 = arith.constant 1.000000e+00 : f32
    %sub3A_216 = vector.broadcast %sub3A_215 : f32 to vector<4096x128xf32>
    %sub3A_217 = arith.subf %sub3A_216, %sub3A_199 : vector<4096x128xf32>
    %select_n3A_218 = arith.select %ge3A_214, %sub3A_199, %sub3A_217 : vector<4096x128xi1>, vector<4096x128xf32>
    %jit3A_219 = arith.constant 2 : i32
    %eq3A_220 = arith.constant 0 : i32
    %eq3A_221 = arith.cmpi eq, %jit3A_219, %eq3A_220 : i32
    %jit3A_222 = arith.constant 1 : i32
    %select_n3A_223 = arith.select %eq3A_221, %jit3A_222, %jit3A_219 : i32
    %rem3A_224 = vector.broadcast %select_n3A_223 : i32 to vector<4096x128xi32>
    %rem3A_225 = arith.remsi %select_n3A_100, %rem3A_224 : vector<4096x128xi32>
    %ne3A_226 = arith.constant 0 : i32
    %ne3A_227 = vector.broadcast %ne3A_226 : i32 to vector<4096x128xi32>
    %ne3A_228 = arith.cmpi ne, %rem3A_225, %ne3A_227 : vector<4096x128xi32>
    %lt3A_229 = arith.constant 0 : i32
    %lt3A_230 = vector.broadcast %lt3A_229 : i32 to vector<4096x128xi32>
    %lt3A_231 = arith.cmpi slt, %rem3A_225, %lt3A_230 : vector<4096x128xi32>
    %lt3A_232 = arith.constant 0 : i32
    %lt3A_233 = arith.cmpi slt, %select_n3A_223, %lt3A_232 : i32
    %ne3A_234 = vector.broadcast %lt3A_233 : i1 to vector<4096x128xi1>
    %ne3A_235 = vector.broadcast %ne3A_234 : vector<4096x128xi1> to vector<4096x128xi1>
    %ne3A_236 = arith.xori %lt3A_231, %ne3A_235 : vector<4096x128xi1>
    %and3A_237 = arith.andi %ne3A_236, %ne3A_228 : vector<4096x128xi1>
    %add3A_238 = vector.broadcast %select_n3A_223 : i32 to vector<4096x128xi32>
    %add3A_239 = arith.addi %rem3A_225, %add3A_238 : vector<4096x128xi32>
    %select_n3A_240 = arith.select %and3A_237, %add3A_239, %rem3A_225 : vector<4096x128xi1>, vector<4096x128xi32>
    %eq3A_241 = arith.constant 1 : i32
    %eq3A_242 = vector.broadcast %eq3A_241 : i32 to vector<4096x128xi32>
    %eq3A_243 = arith.cmpi eq, %select_n3A_240, %eq3A_242 : vector<4096x128xi32>
    %sub3A_244 = arith.constant 1.000000e+00 : f32
    %sub3A_245 = vector.broadcast %sub3A_244 : f32 to vector<4096x128xf32>
    %sub3A_246 = arith.subf %sub3A_245, %sub3A_200 : vector<4096x128xf32>
    %select_n3A_247 = arith.select %eq3A_243, %sub3A_200, %sub3A_246 : vector<4096x128xi1>, vector<4096x128xf32>
    %mul3A_248 = arith.mulf %select_n3A_218, %select_n3A_247 : vector<4096x128xf32>
    %mul3A_249 = arith.mulf %mul3A_248, %select_n3A_212 : vector<4096x128xf32>
    %swap3A = arith.constant 0 : index
    %swap3A_250 = arith.constant 0 : index
    %swap3A_251 = vector.load %arg2[%swap3A, %swap3A_250] : memref<4096x128xf32, #tpu.memory_space<vmem>>, vector<4096x128xf32>
    tpu.vector_store %arg2[%swap3A, %swap3A_250], %mul3A_249 {strides = array<i32>} : memref<4096x128xf32, #tpu.memory_space<vmem>>, vector<4096x128xf32>,
    return
  }
  func.func @transform_0(%arg0: i32) -> (i32, i32) {
    %c0_i32 = arith.constant 0 : i32
    %c0_i32_0 = arith.constant 0 : i32
    return %arg0, %c0_i32 : i32, i32
  }
  func.func @transform_1(%arg0: i32) -> (i32, i32) {
    %c0_i32 = arith.constant 0 : i32
    %c0_i32_0 = arith.constant 0 : i32
    return %arg0, %c0_i32 : i32, i32
  }
}

module attributes {stable_mosaic.version = 14 : i64} {
  func.func @_transpose_in_body(%arg0: i32, %arg1: i32, %arg2: memref<1x256x3584xf32, #tpu.memory_space<vmem>>, %arg3: memref<1x3584x256xf32, #tpu.memory_space<vmem>>) attributes {dimension_semantics = [#tpu.dimension_semantics<arbitrary>, #tpu.dimension_semantics<arbitrary>], iteration_bounds = array<i64: 4, 14>, scalar_prefetch = 0 : i64, scratch_operands = 0 : i64, tpu.core_type = #tpu.core_type<tc>, window_params = [{transform_indices = @transform_0, window_bounds = array<i64: 1, 256, 3584>}, {transform_indices = @transform_1, window_bounds = array<i64: 1, 3584, 256>}]} {
    %get3A = arith.constant 0 : index
    %get3A_0 = arith.constant 0 : index
    %get3A_1 = arith.constant 0 : index
    %get3A_2 = vector.load %arg2[%get3A, %get3A_0, %get3A_1] : memref<1x256x3584xf32, #tpu.memory_space<vmem>>, vector<1x256x3584xf32>
    %get3A_3 = vector.shape_cast %get3A_2 : vector<1x256x3584xf32> to vector<256x3584xf32>
    %transpose3A = tpu.transpose %get3A_3, [1, 0] : vector<256x3584xf32> -> vector<3584x256xf32>
    %swap3A = arith.constant 0 : index
    %swap3A_4 = arith.constant 0 : index
    %swap3A_5 = arith.constant 0 : index
    %swap3A_6 = vector.load %arg3[%swap3A, %swap3A_4, %swap3A_5] : memref<1x3584x256xf32, #tpu.memory_space<vmem>>, vector<1x3584x256xf32>
    %swap3A_7 = vector.shape_cast %swap3A_6 : vector<1x3584x256xf32> to vector<3584x256xf32>
    %swap3A_8 = vector.shape_cast %transpose3A : vector<3584x256xf32> to vector<1x3584x256xf32>
    tpu.vector_store %arg3[%swap3A, %swap3A_4, %swap3A_5], %swap3A_8 {strides = array<i32>} : memref<1x3584x256xf32, #tpu.memory_space<vmem>>, vector<1x3584x256xf32>,
    return
  }
  func.func @transform_0(%arg0: i32, %arg1: i32) -> (i32, i32, i32) {
    %c0_i32 = arith.constant 0 : i32
    %c0_i32_0 = arith.constant 0 : i32
    return %arg0, %c0_i32, %arg1 : i32, i32, i32
  }
  func.func @transform_1(%arg0: i32, %arg1: i32) -> (i32, i32, i32) {
    %c0_i32 = arith.constant 0 : i32
    %c0_i32_0 = arith.constant 0 : i32
    return %arg0, %arg1, %c0_i32 : i32, i32, i32
  }
}

module attributes {stable_mosaic.version = 14 : i64} {
  func.func @_coords_idx_body(%arg0: i32, %arg1: memref<1024x4xf32, #tpu.memory_space<vmem>>, %arg2: memref<1024x128xi32, #tpu.memory_space<vmem>>, %arg3: memref<1024x128xi32, #tpu.memory_space<vmem>>) attributes {dimension_semantics = [#tpu.dimension_semantics<arbitrary>], iteration_bounds = array<i64: 16>, scalar_prefetch = 0 : i64, scratch_operands = 0 : i64, tpu.core_type = #tpu.core_type<tc>, window_params = [{transform_indices = @transform_0, window_bounds = array<i64: 1024, 4>}, {transform_indices = @transform_1, window_bounds = array<i64: 1024, 128>}, {transform_indices = @transform_2, window_bounds = array<i64: 1024, 128>}]} {
    %get3A = arith.constant 0 : index
    %get3A_0 = arith.constant 0 : index
    %get3A_1 = vector.load %arg1[%get3A, %get3A_0] : memref<1024x4xf32, #tpu.memory_space<vmem>>, vector<1024x4xf32>
    %iota3A = tpu.iota {dimensions = array<i32: 0>} : vector<1024x128xi32>
    %iota3A_2 = tpu.iota {dimensions = array<i32: 1>} : vector<1024x128xi32>
    %jit3A = arith.constant 8 : i32
    %eq3A = arith.constant 0 : i32
    %eq3A_3 = arith.cmpi eq, %jit3A, %eq3A : i32
    %jit3A_4 = arith.constant 1 : i32
    %select_n3A = arith.select %eq3A_3, %jit3A_4, %jit3A : i32
    %rem3A = vector.broadcast %select_n3A : i32 to vector<1024x128xi32>
    %rem3A_5 = arith.remsi %iota3A, %rem3A : vector<1024x128xi32>
    %ne3A = arith.constant 0 : i32
    %ne3A_6 = vector.broadcast %ne3A : i32 to vector<1024x128xi32>
    %ne3A_7 = arith.cmpi ne, %rem3A_5, %ne3A_6 : vector<1024x128xi32>
    %lt3A = arith.constant 0 : i32
    %lt3A_8 = vector.broadcast %lt3A : i32 to vector<1024x128xi32>
    %lt3A_9 = arith.cmpi slt, %rem3A_5, %lt3A_8 : vector<1024x128xi32>
    %lt3A_10 = arith.constant 0 : i32
    %lt3A_11 = arith.cmpi slt, %select_n3A, %lt3A_10 : i32
    %ne3A_12 = vector.broadcast %lt3A_11 : i1 to vector<1024x128xi1>
    %ne3A_13 = vector.broadcast %ne3A_12 : vector<1024x128xi1> to vector<1024x128xi1>
    %ne3A_14 = arith.xori %lt3A_9, %ne3A_13 : vector<1024x128xi1>
    %and3A = arith.andi %ne3A_14, %ne3A_7 : vector<1024x128xi1>
    %add3A = vector.broadcast %select_n3A : i32 to vector<1024x128xi32>
    %add3A_15 = arith.addi %rem3A_5, %add3A : vector<1024x128xi32>
    %select_n3A_16 = arith.select %and3A, %add3A_15, %rem3A_5 : vector<1024x128xi1>, vector<1024x128xi32>
    %mul3A = arith.constant 128 : i32
    %mul3A_17 = vector.broadcast %mul3A : i32 to vector<1024x128xi32>
    %mul3A_18 = arith.muli %select_n3A_16, %mul3A_17 : vector<1024x128xi32>
    %add3A_19 = arith.addi %mul3A_18, %iota3A_2 : vector<1024x128xi32>
    %jit3A_20 = arith.constant 4 : i32
    %div3A = vector.broadcast %jit3A_20 : i32 to vector<1024x128xi32>
    %div3A_21 = arith.divsi %add3A_19, %div3A : vector<1024x128xi32>
    %sign3A = arith.constant 0 : i32
    %sign3A_22 = vector.broadcast %sign3A : i32 to vector<1024x128xi32>
    %sign3A_23 = arith.cmpi sgt, %add3A_19, %sign3A_22 : vector<1024x128xi32>
    %sign3A_24 = arith.extui %sign3A_23 : vector<1024x128xi1> to vector<1024x128xi32>
    %sign3A_25 = arith.constant 0 : i32
    %sign3A_26 = vector.broadcast %sign3A_25 : i32 to vector<1024x128xi32>
    %sign3A_27 = arith.cmpi slt, %add3A_19, %sign3A_26 : vector<1024x128xi32>
    %sign3A_28 = arith.extui %sign3A_27 : vector<1024x128xi1> to vector<1024x128xi32>
    %sign3A_29 = arith.subi %sign3A_24, %sign3A_28 : vector<1024x128xi32>
    %sign3A_30 = arith.constant 0 : i32
    %sign3A_31 = arith.cmpi sgt, %jit3A_20, %sign3A_30 : i32
    %sign3A_32 = arith.extui %sign3A_31 : i1 to i32
    %sign3A_33 = arith.constant 0 : i32
    %sign3A_34 = arith.cmpi slt, %jit3A_20, %sign3A_33 : i32
    %sign3A_35 = arith.extui %sign3A_34 : i1 to i32
    %sign3A_36 = arith.subi %sign3A_32, %sign3A_35 : i32
    %ne3A_37 = vector.broadcast %sign3A_36 : i32 to vector<1024x128xi32>
    %ne3A_38 = arith.cmpi ne, %sign3A_29, %ne3A_37 : vector<1024x128xi32>
    %rem3A_39 = vector.broadcast %jit3A_20 : i32 to vector<1024x128xi32>
    %rem3A_40 = arith.remsi %add3A_19, %rem3A_39 : vector<1024x128xi32>
    %ne3A_41 = arith.constant 0 : i32
    %ne3A_42 = vector.broadcast %ne3A_41 : i32 to vector<1024x128xi32>
    %ne3A_43 = arith.cmpi ne, %rem3A_40, %ne3A_42 : vector<1024x128xi32>
    %and3A_44 = arith.andi %ne3A_38, %ne3A_43 : vector<1024x128xi1>
    %sub3A = arith.constant 1 : i32
    %sub3A_45 = vector.broadcast %sub3A : i32 to vector<1024x128xi32>
    %sub3A_46 = arith.subi %div3A_21, %sub3A_45 : vector<1024x128xi32>
    %select_n3A_47 = arith.select %and3A_44, %sub3A_46, %div3A_21 : vector<1024x128xi1>, vector<1024x128xi32>
    %jit3A_48 = arith.constant 4 : i32
    %eq3A_49 = arith.constant 0 : i32
    %eq3A_50 = arith.cmpi eq, %jit3A_48, %eq3A_49 : i32
    %jit3A_51 = arith.constant 1 : i32
    %select_n3A_52 = arith.select %eq3A_50, %jit3A_51, %jit3A_48 : i32
    %rem3A_53 = vector.broadcast %select_n3A_52 : i32 to vector<1024x128xi32>
    %rem3A_54 = arith.remsi %add3A_19, %rem3A_53 : vector<1024x128xi32>
    %ne3A_55 = arith.constant 0 : i32
    %ne3A_56 = vector.broadcast %ne3A_55 : i32 to vector<1024x128xi32>
    %ne3A_57 = arith.cmpi ne, %rem3A_54, %ne3A_56 : vector<1024x128xi32>
    %lt3A_58 = arith.constant 0 : i32
    %lt3A_59 = vector.broadcast %lt3A_58 : i32 to vector<1024x128xi32>
    %lt3A_60 = arith.cmpi slt, %rem3A_54, %lt3A_59 : vector<1024x128xi32>
    %lt3A_61 = arith.constant 0 : i32
    %lt3A_62 = arith.cmpi slt, %select_n3A_52, %lt3A_61 : i32
    %ne3A_63 = vector.broadcast %lt3A_62 : i1 to vector<1024x128xi1>
    %ne3A_64 = vector.broadcast %ne3A_63 : vector<1024x128xi1> to vector<1024x128xi1>
    %ne3A_65 = arith.xori %lt3A_60, %ne3A_64 : vector<1024x128xi1>
    %and3A_66 = arith.andi %ne3A_65, %ne3A_57 : vector<1024x128xi1>
    %add3A_67 = vector.broadcast %select_n3A_52 : i32 to vector<1024x128xi32>
    %add3A_68 = arith.addi %rem3A_54, %add3A_67 : vector<1024x128xi32>
    %select_n3A_69 = arith.select %and3A_66, %add3A_68, %rem3A_54 : vector<1024x128xi1>, vector<1024x128xi32>
    %slice3A = vector.extract_strided_slice %get3A_1 {offsets = [0, 0], sizes = [1024, 1], strides = [1, 1]} : vector<1024x4xf32> to vector<1024x1xf32>
    %slice3A_70 = vector.extract_strided_slice %get3A_1 {offsets = [0, 1], sizes = [1024, 1], strides = [1, 1]} : vector<1024x4xf32> to vector<1024x1xf32>
    %slice3A_71 = vector.extract_strided_slice %get3A_1 {offsets = [0, 2], sizes = [1024, 1], strides = [1, 1]} : vector<1024x4xf32> to vector<1024x1xf32>
    %slice3A_72 = vector.extract_strided_slice %get3A_1 {offsets = [0, 3], sizes = [1024, 1], strides = [1, 1]} : vector<1024x4xf32> to vector<1024x1xf32>
    %jit3A_73 = arith.constant 7 : i32
    %div3A_74 = vector.broadcast %jit3A_73 : i32 to vector<1024x128xi32>
    %div3A_75 = arith.divsi %select_n3A_47, %div3A_74 : vector<1024x128xi32>
    %sign3A_76 = arith.constant 0 : i32
    %sign3A_77 = vector.broadcast %sign3A_76 : i32 to vector<1024x128xi32>
    %sign3A_78 = arith.cmpi sgt, %select_n3A_47, %sign3A_77 : vector<1024x128xi32>
    %sign3A_79 = arith.extui %sign3A_78 : vector<1024x128xi1> to vector<1024x128xi32>
    %sign3A_80 = arith.constant 0 : i32
    %sign3A_81 = vector.broadcast %sign3A_80 : i32 to vector<1024x128xi32>
    %sign3A_82 = arith.cmpi slt, %select_n3A_47, %sign3A_81 : vector<1024x128xi32>
    %sign3A_83 = arith.extui %sign3A_82 : vector<1024x128xi1> to vector<1024x128xi32>
    %sign3A_84 = arith.subi %sign3A_79, %sign3A_83 : vector<1024x128xi32>
    %sign3A_85 = arith.constant 0 : i32
    %sign3A_86 = arith.cmpi sgt, %jit3A_73, %sign3A_85 : i32
    %sign3A_87 = arith.extui %sign3A_86 : i1 to i32
    %sign3A_88 = arith.constant 0 : i32
    %sign3A_89 = arith.cmpi slt, %jit3A_73, %sign3A_88 : i32
    %sign3A_90 = arith.extui %sign3A_89 : i1 to i32
    %sign3A_91 = arith.subi %sign3A_87, %sign3A_90 : i32
    %ne3A_92 = vector.broadcast %sign3A_91 : i32 to vector<1024x128xi32>
    %ne3A_93 = arith.cmpi ne, %sign3A_84, %ne3A_92 : vector<1024x128xi32>
    %rem3A_94 = vector.broadcast %jit3A_73 : i32 to vector<1024x128xi32>
    %rem3A_95 = arith.remsi %select_n3A_47, %rem3A_94 : vector<1024x128xi32>
    %ne3A_96 = arith.constant 0 : i32
    %ne3A_97 = vector.broadcast %ne3A_96 : i32 to vector<1024x128xi32>
    %ne3A_98 = arith.cmpi ne, %rem3A_95, %ne3A_97 : vector<1024x128xi32>
    %and3A_99 = arith.andi %ne3A_93, %ne3A_98 : vector<1024x128xi1>
    %sub3A_100 = arith.constant 1 : i32
    %sub3A_101 = vector.broadcast %sub3A_100 : i32 to vector<1024x128xi32>
    %sub3A_102 = arith.subi %div3A_75, %sub3A_101 : vector<1024x128xi32>
    %select_n3A_103 = arith.select %and3A_99, %sub3A_102, %div3A_75 : vector<1024x128xi1>, vector<1024x128xi32>
    %convert_element_type3A = arith.sitofp %select_n3A_103 : vector<1024x128xi32> to vector<1024x128xf32>
    %jit3A_104 = arith.constant 7 : i32
    %eq3A_105 = arith.constant 0 : i32
    %eq3A_106 = arith.cmpi eq, %jit3A_104, %eq3A_105 : i32
    %jit3A_107 = arith.constant 1 : i32
    %select_n3A_108 = arith.select %eq3A_106, %jit3A_107, %jit3A_104 : i32
    %rem3A_109 = vector.broadcast %select_n3A_108 : i32 to vector<1024x128xi32>
    %rem3A_110 = arith.remsi %select_n3A_47, %rem3A_109 : vector<1024x128xi32>
    %ne3A_111 = arith.constant 0 : i32
    %ne3A_112 = vector.broadcast %ne3A_111 : i32 to vector<1024x128xi32>
    %ne3A_113 = arith.cmpi ne, %rem3A_110, %ne3A_112 : vector<1024x128xi32>
    %lt3A_114 = arith.constant 0 : i32
    %lt3A_115 = vector.broadcast %lt3A_114 : i32 to vector<1024x128xi32>
    %lt3A_116 = arith.cmpi slt, %rem3A_110, %lt3A_115 : vector<1024x128xi32>
    %lt3A_117 = arith.constant 0 : i32
    %lt3A_118 = arith.cmpi slt, %select_n3A_108, %lt3A_117 : i32
    %ne3A_119 = vector.broadcast %lt3A_118 : i1 to vector<1024x128xi1>
    %ne3A_120 = vector.broadcast %ne3A_119 : vector<1024x128xi1> to vector<1024x128xi1>
    %ne3A_121 = arith.xori %lt3A_116, %ne3A_120 : vector<1024x128xi1>
    %and3A_122 = arith.andi %ne3A_121, %ne3A_113 : vector<1024x128xi1>
    %add3A_123 = vector.broadcast %select_n3A_108 : i32 to vector<1024x128xi32>
    %add3A_124 = arith.addi %rem3A_110, %add3A_123 : vector<1024x128xi32>
    %select_n3A_125 = arith.select %and3A_122, %add3A_124, %rem3A_110 : vector<1024x128xi1>, vector<1024x128xi32>
    %convert_element_type3A_126 = arith.sitofp %select_n3A_125 : vector<1024x128xi32> to vector<1024x128xf32>
    %mul3A_127 = arith.constant 2.230000e+02 : f32
    %mul3A_128 = vector.broadcast %mul3A_127 : f32 to vector<1024x1xf32>
    %mul3A_129 = arith.mulf %slice3A, %mul3A_128 : vector<1024x1xf32>
    %sub3A_130 = arith.subf %slice3A_71, %slice3A : vector<1024x1xf32>
    %mul3A_131 = arith.constant 2.230000e+02 : f32
    %mul3A_132 = vector.broadcast %mul3A_131 : f32 to vector<1024x1xf32>
    %mul3A_133 = arith.mulf %sub3A_130, %mul3A_132 : vector<1024x1xf32>
    %div3A_134 = arith.constant 6.000000e+00 : f32
    %div3A_135 = vector.broadcast %div3A_134 : f32 to vector<1024x1xf32>
    %div3A_136 = arith.divf %mul3A_133, %div3A_135 : vector<1024x1xf32>
    %mul3A_137 = vector.broadcast %div3A_136 : vector<1024x1xf32> to vector<1024x128xf32>
    %mul3A_138 = arith.mulf %convert_element_type3A, %mul3A_137 : vector<1024x128xf32>
    %add3A_139 = vector.broadcast %mul3A_129 : vector<1024x1xf32> to vector<1024x128xf32>
    %add3A_140 = arith.addf %add3A_139, %mul3A_138 : vector<1024x128xf32>
    %mul3A_141 = arith.constant 2.230000e+02 : f32
    %mul3A_142 = vector.broadcast %mul3A_141 : f32 to vector<1024x1xf32>
    %mul3A_143 = arith.mulf %slice3A_70, %mul3A_142 : vector<1024x1xf32>
    %sub3A_144 = arith.subf %slice3A_72, %slice3A_70 : vector<1024x1xf32>
    %mul3A_145 = arith.constant 2.230000e+02 : f32
    %mul3A_146 = vector.broadcast %mul3A_145 : f32 to vector<1024x1xf32>
    %mul3A_147 = arith.mulf %sub3A_144, %mul3A_146 : vector<1024x1xf32>
    %div3A_148 = arith.constant 6.000000e+00 : f32
    %div3A_149 = vector.broadcast %div3A_148 : f32 to vector<1024x1xf32>
    %div3A_150 = arith.divf %mul3A_147, %div3A_149 : vector<1024x1xf32>
    %mul3A_151 = vector.broadcast %div3A_150 : vector<1024x1xf32> to vector<1024x128xf32>
    %mul3A_152 = arith.mulf %convert_element_type3A_126, %mul3A_151 : vector<1024x128xf32>
    %add3A_153 = vector.broadcast %mul3A_143 : vector<1024x1xf32> to vector<1024x128xf32>
    %add3A_154 = arith.addf %add3A_153, %mul3A_152 : vector<1024x128xf32>
    %floor3A = math.floor %add3A_140 : vector<1024x128xf32>
    %floor3A_155 = math.floor %add3A_154 : vector<1024x128xf32>
    %jit3A_156 = arith.constant 0 : i32
    %jit3A_157 = arith.constant 223 : i32
    %convert_element_type3A_158 = arith.sitofp %jit3A_156 : i32 to f32
    %max3A = vector.broadcast %convert_element_type3A_158 : f32 to vector<1024x128xf32>
    %max3A_159 = arith.maximumf %max3A, %floor3A : vector<1024x128xf32>
    %convert_element_type3A_160 = arith.sitofp %jit3A_157 : i32 to f32
    %min3A = vector.broadcast %convert_element_type3A_160 : f32 to vector<1024x128xf32>
    %min3A_161 = arith.minimumf %min3A, %max3A_159 : vector<1024x128xf32>
    %convert_element_type3A_162 = arith.fptosi %min3A_161 : vector<1024x128xf32> to vector<1024x128xi32>
    %add3A_163 = arith.constant 1.000000e+00 : f32
    %add3A_164 = vector.broadcast %add3A_163 : f32 to vector<1024x128xf32>
    %add3A_165 = arith.addf %floor3A, %add3A_164 : vector<1024x128xf32>
    %jit3A_166 = arith.constant 0 : i32
    %jit3A_167 = arith.constant 223 : i32
    %convert_element_type3A_168 = arith.sitofp %jit3A_166 : i32 to f32
    %max3A_169 = vector.broadcast %convert_element_type3A_168 : f32 to vector<1024x128xf32>
    %max3A_170 = arith.maximumf %max3A_169, %add3A_165 : vector<1024x128xf32>
    %convert_element_type3A_171 = arith.sitofp %jit3A_167 : i32 to f32
    %min3A_172 = vector.broadcast %convert_element_type3A_171 : f32 to vector<1024x128xf32>
    %min3A_173 = arith.minimumf %min3A_172, %max3A_170 : vector<1024x128xf32>
    %convert_element_type3A_174 = arith.fptosi %min3A_173 : vector<1024x128xf32> to vector<1024x128xi32>
    %jit3A_175 = arith.constant 0 : i32
    %jit3A_176 = arith.constant 223 : i32
    %convert_element_type3A_177 = arith.sitofp %jit3A_175 : i32 to f32
    %max3A_178 = vector.broadcast %convert_element_type3A_177 : f32 to vector<1024x128xf32>
    %max3A_179 = arith.maximumf %max3A_178, %floor3A_155 : vector<1024x128xf32>
    %convert_element_type3A_180 = arith.sitofp %jit3A_176 : i32 to f32
    %min3A_181 = vector.broadcast %convert_element_type3A_180 : f32 to vector<1024x128xf32>
    %min3A_182 = arith.minimumf %min3A_181, %max3A_179 : vector<1024x128xf32>
    %convert_element_type3A_183 = arith.fptosi %min3A_182 : vector<1024x128xf32> to vector<1024x128xi32>
    %add3A_184 = arith.constant 1.000000e+00 : f32
    %add3A_185 = vector.broadcast %add3A_184 : f32 to vector<1024x128xf32>
    %add3A_186 = arith.addf %floor3A_155, %add3A_185 : vector<1024x128xf32>
    %jit3A_187 = arith.constant 0 : i32
    %jit3A_188 = arith.constant 223 : i32
    %convert_element_type3A_189 = arith.sitofp %jit3A_187 : i32 to f32
    %max3A_190 = vector.broadcast %convert_element_type3A_189 : f32 to vector<1024x128xf32>
    %max3A_191 = arith.maximumf %max3A_190, %add3A_186 : vector<1024x128xf32>
    %convert_element_type3A_192 = arith.sitofp %jit3A_188 : i32 to f32
    %min3A_193 = vector.broadcast %convert_element_type3A_192 : f32 to vector<1024x128xf32>
    %min3A_194 = arith.minimumf %min3A_193, %max3A_191 : vector<1024x128xf32>
    %convert_element_type3A_195 = arith.fptosi %min3A_194 : vector<1024x128xf32> to vector<1024x128xi32>
    %ge3A = arith.constant 2 : i32
    %ge3A_196 = vector.broadcast %ge3A : i32 to vector<1024x128xi32>
    %ge3A_197 = arith.cmpi sge, %select_n3A_69, %ge3A_196 : vector<1024x128xi32>
    %select_n3A_198 = arith.select %ge3A_197, %convert_element_type3A_174, %convert_element_type3A_162 : vector<1024x128xi1>, vector<1024x128xi32>
    %jit3A_199 = arith.constant 2 : i32
    %eq3A_200 = arith.constant 0 : i32
    %eq3A_201 = arith.cmpi eq, %jit3A_199, %eq3A_200 : i32
    %jit3A_202 = arith.constant 1 : i32
    %select_n3A_203 = arith.select %eq3A_201, %jit3A_202, %jit3A_199 : i32
    %rem3A_204 = vector.broadcast %select_n3A_203 : i32 to vector<1024x128xi32>
    %rem3A_205 = arith.remsi %select_n3A_69, %rem3A_204 : vector<1024x128xi32>
    %ne3A_206 = arith.constant 0 : i32
    %ne3A_207 = vector.broadcast %ne3A_206 : i32 to vector<1024x128xi32>
    %ne3A_208 = arith.cmpi ne, %rem3A_205, %ne3A_207 : vector<1024x128xi32>
    %lt3A_209 = arith.constant 0 : i32
    %lt3A_210 = vector.broadcast %lt3A_209 : i32 to vector<1024x128xi32>
    %lt3A_211 = arith.cmpi slt, %rem3A_205, %lt3A_210 : vector<1024x128xi32>
    %lt3A_212 = arith.constant 0 : i32
    %lt3A_213 = arith.cmpi slt, %select_n3A_203, %lt3A_212 : i32
    %ne3A_214 = vector.broadcast %lt3A_213 : i1 to vector<1024x128xi1>
    %ne3A_215 = vector.broadcast %ne3A_214 : vector<1024x128xi1> to vector<1024x128xi1>
    %ne3A_216 = arith.xori %lt3A_211, %ne3A_215 : vector<1024x128xi1>
    %and3A_217 = arith.andi %ne3A_216, %ne3A_208 : vector<1024x128xi1>
    %add3A_218 = vector.broadcast %select_n3A_203 : i32 to vector<1024x128xi32>
    %add3A_219 = arith.addi %rem3A_205, %add3A_218 : vector<1024x128xi32>
    %select_n3A_220 = arith.select %and3A_217, %add3A_219, %rem3A_205 : vector<1024x128xi1>, vector<1024x128xi32>
    %eq3A_221 = arith.constant 1 : i32
    %eq3A_222 = vector.broadcast %eq3A_221 : i32 to vector<1024x128xi32>
    %eq3A_223 = arith.cmpi eq, %select_n3A_220, %eq3A_222 : vector<1024x128xi32>
    %select_n3A_224 = arith.select %eq3A_223, %convert_element_type3A_195, %convert_element_type3A_183 : vector<1024x128xi1>, vector<1024x128xi32>
    %get3A_225 = arith.constant 0 : index
    %get3A_226 = arith.constant 0 : index
    %get3A_227 = vector.load %arg2[%get3A_225, %get3A_226] : memref<1024x128xi32, #tpu.memory_space<vmem>>, vector<1024x1xi32>
    %mul3A_228 = arith.constant 50176 : i32
    %mul3A_229 = vector.broadcast %mul3A_228 : i32 to vector<1024x1xi32>
    %mul3A_230 = arith.muli %get3A_227, %mul3A_229 : vector<1024x1xi32>
    %mul3A_231 = arith.constant 224 : i32
    %mul3A_232 = vector.broadcast %mul3A_231 : i32 to vector<1024x128xi32>
    %mul3A_233 = arith.muli %select_n3A_198, %mul3A_232 : vector<1024x128xi32>
    %add3A_234 = vector.broadcast %mul3A_230 : vector<1024x1xi32> to vector<1024x128xi32>
    %add3A_235 = arith.addi %add3A_234, %mul3A_233 : vector<1024x128xi32>
    %add3A_236 = arith.addi %add3A_235, %select_n3A_224 : vector<1024x128xi32>
    %swap3A = arith.constant 0 : index
    %swap3A_237 = arith.constant 0 : index
    %swap3A_238 = vector.load %arg3[%swap3A, %swap3A_237] : memref<1024x128xi32, #tpu.memory_space<vmem>>, vector<1024x128xi32>
    tpu.vector_store %arg3[%swap3A, %swap3A_237], %add3A_236 {strides = array<i32>} : memref<1024x128xi32, #tpu.memory_space<vmem>>, vector<1024x128xi32>,
    return
  }
  func.func @transform_0(%arg0: i32) -> (i32, i32) {
    %c0_i32 = arith.constant 0 : i32
    %c0_i32_0 = arith.constant 0 : i32
    return %arg0, %c0_i32 : i32, i32
  }
  func.func @transform_1(%arg0: i32) -> (i32, i32) {
    %c0_i32 = arith.constant 0 : i32
    %c0_i32_0 = arith.constant 0 : i32
    return %arg0, %c0_i32 : i32, i32
  }
  func.func @transform_2(%arg0: i32) -> (i32, i32) {
    %c0_i32 = arith.constant 0 : i32
    %c0_i32_0 = arith.constant 0 : i32
    return %arg0, %c0_i32 : i32, i32
  }
}

</mosaic_0001>

<sc_bundles>
// kernel: kernel.6.cloned.1.call-start
scs
__scs_entry_jumppad:
0x0: {  	(pc) =	sbr.rel $0x88, $3  }
0x1: {  	(tag) =	ssettag $0x0;
	lr =	simm.s32 $0x1  }
0x2: {  	[smem:$0x3F9E] =	sst lr;
	_ =	strace $0xD0000000  }
0x3: {  	_ = 	snop  }
0x4: {  	_ = 	snop  }
0x5: {  	_ = 	snop  }
0x6: {  	_ = 	snop  }
0x7: {  	_ = 	snop  }
__scs_overlays_trampoline_lowered:
0x8: {  	[smem:$0x3FAD] =	sst s0  }
0x9: {  	[smem:$0x3FAE] =	sst s1  }
0xa: {  	[smem:$0x3FAF] =	sst s2  }
0xb: {  	[smem:$0x3FB0] =	sst s3  }
0xc: {  	[smem:$0x3FB1] =	sst s4  }
0xd: {  	[smem:$0x3FB2] =	sst s5  }
0xe: {  	[smem:$0x3FB3] =	sst s6  }
0xf: {  	[smem:$0x3FB4] =	sst s7  }
0x10: {  	[smem:$0x3FB5] =	sst s8  }
0x11: {  	[smem:$0x3FB6] =	sst s9;
	s0 =	simm.s32 @!p0 $0x0  }
0x12: {  	s1 =	sld [smem:$0x3F9C];
	s0 =	simm.s32 @p0 $0x1  }
0x13: {  	[smem:$0x3FB7] =	sst s0;
	s0 =	simm.s32 @!p1 $0x0  }
0x14: {  	s2 =	sld [smem:$0x3F9B];
	s0 =	simm.s32 @p1 $0x1  }
0x15: {  	[smem:$0x3FB8] =	sst s0;
	s0 =	simm.s32 @!p2 $0x0  }
0x16: {  	s3 =	sld [smem:$0x3FDB];
	s0 =	simm.s32 @p2 $0x1  }
0x17: {  	s4 =	simm.s32 $0x1BF5;
	[smem:$0x3FBA] =	sst s0  }
0x18: {  	s0 =	sld [smem:$0x3F9D];
	_ =	swait.ge [sflag:s4], $0x0  }
0x19: {  	s7 =	sld [smem:$0x3F9E]  }
0x1a: {  	s8 =	sadd.s32 $0xFFFFE003, lr  }
0x1b: {  	s9 =	sadd.s32 $0xFFFFFEF7, lr;
	s5 =	simm.s32 $0xFFFFFFFF;
	p2 =	slt.u32 s8, $0xFFFFF086  }
0x1c: {  	p1 =	slt.u32 s9, $0xF7A;
	s5 =	simm.s32 @!p2 $0x0  }
0x1d: {  	s5 =	simm.s32 @p1 $0x1;
	p0 =	seq.s32 s7, s2  }
0x1e: {  	s7 =	smul.u32 @!p0 $0xF7A, s2;
	p2 =	seq.s32 @!p0 s5, $0x0  }
0x1f: {  	s9 =	smul.u32 $0xF7A, s1;
	s8 =	simm.s32 @!p0 $0x1BF5;
	p2 =	por !p2, p0  }
0x20: {  	[sflag:s8] =	ssyncset.s32 @!p0 $0xFFFFF086;
	s6 =	sadd.s32 @!p0 s3, s7;
	s7 =	simm.s32 @!p0 $0x108  }
0x21: {  	s3 =	sadd.s32 s3, s9;
	s6 =	sadd.s32 @!p0 $0x88, s6;
	s7 =	simm.s32 @p2 $0x1082  }
0x22: {  	[simem:s7], [sflag:s8] =	dma.local @!p0 [hbm:s6], $0xF7A  }
0x23: {  	s9 =	sor.u32 $0xD0000000, s2;
	s6 =	simm.s32 $0x108;
	_ =	swait.ge @!p0 [sflag:s8], $0x0  }
0x24: {  	s3 =	sadd.s32 $0x88, s3;
	s6 =	simm.s32 @!p1 $0x1082;
	[sflag:s4] =	ssyncset.s32 $0xFFFFF086  }
0x25: {  	[simem:s6], [sflag:s4] =	dma.local [hbm:s3], $0xF7A  }
0x26: {  	[smem:$0x3F9E] =	sst s1;
	(tag) =	ssettag s2;
	_ =	strace s9  }
0x27: {  	s1 =	sld [smem:$0x3FAE]  }
0x28: {  	s2 =	sld [smem:$0x3FAF]  }
0x29: {  	s4 =	sld [smem:$0x3FB1]  }
0x2a: {  	p0 =	seq.s32 s5, $0x0;
	s5 =	sld [smem:$0x3FB2]  }
0x2b: {  	s6 =	sld [smem:$0x3FB3]  }
0x2c: {  	s7 =	sld [smem:$0x3FB4]  }
0x2d: {  	s3 =	simm.s32 $0x108;
	s8 =	sld [smem:$0x3FB5]  }
0x2e: {  	s3 =	simm.s32 @!p0 $0x1082;
	s9 =	sld [smem:$0x3FB6]  }
0x2f: {  	lr =	sadd.s32 s0, s3;
	s0 =	sld [smem:$0x3FAD]  }
0x30: {  	s3 =	sld [smem:$0x3FB0]  }
0x31: {  	[smem:$0x3FB9] =	sst s10  }
0x32: {  	s10 =	sld [smem:$0x3FB7];
	_ =	sdelay $0x3  }
0x33: {  	p0 =	seq.s32 s10, $0x1;
	s10 =	sld [smem:$0x3FB9];
	_ =	sdelay $0x3  }
0x34: {  	[smem:$0x3FB9] =	sst s10  }
0x35: {  	s10 =	sld [smem:$0x3FB8];
	_ =	sdelay $0x3  }
0x36: {  	p1 =	seq.s32 s10, $0x1;
	s10 =	sld [smem:$0x3FB9];
	_ =	sdelay $0x3  }
0x37: {  	[smem:$0x3FB9] =	sst s10  }
0x38: {  	s10 =	sld [smem:$0x3FBA]  }
0x39: {  	_ = 	snop;
	(pc) =	sbr.ind lr, $3  }
0x3a: {  	_ = 	snop  }
0x3b: {  	_ = 	snop  }
0x3c: {  	p2 =	seq.s32 s10, $0x1;
	s10 =	sld [smem:$0x3FB9]  }
0x3d: {  	_ =	shalt  }
0x3e: {  	_ =	shalt  }
0x3f: {  	_ =	shalt  }
0x40: {  	_ =	shalt  }
0x41: {  	_ =	shalt  }
0x42: {  	_ =	shalt  }
0x43: {  	_ =	shalt  }
0x44: {  	_ =	shalt  }
0x45: {  	_ =	shalt  }
0x46: {  	_ =	shalt  }
0x47: {  	_ =	shalt  }
0x48: {  	_ =	shalt  }
0x49: {  	_ =	shalt  }
0x4a: {  	_ =	shalt  }
0x4b: {  	_ =	shalt  }
0x4c: {  	_ =	shalt  }
0x4d: {  	_ =	shalt  }
0x4e: {  	_ =	shalt  }
0x4f: {  	_ =	shalt  }
0x50: {  	_ =	shalt  }
0x51: {  	_ =	shalt  }
0x52: {  	_ =	shalt  }
0x53: {  	_ =	shalt  }
0x54: {  	_ =	shalt  }
0x55: {  	_ =	shalt  }
0x56: {  	_ =	shalt  }
0x57: {  	_ =	shalt  }
0x58: {  	_ =	shalt  }
0x59: {  	_ =	shalt  }
0x5a: {  	_ =	shalt  }
0x5b: {  	_ =	shalt  }
0x5c: {  	_ =	shalt  }
0x5d: {  	_ =	shalt  }
0x5e: {  	_ =	shalt  }
0x5f: {  	_ =	shalt  }
0x60: {  	_ =	shalt  }
0x61: {  	_ =	shalt  }
0x62: {  	_ =	shalt  }
0x63: {  	_ =	shalt  }
0x64: {  	_ =	shalt  }
0x65: {  	_ =	shalt  }
0x66: {  	_ =	shalt  }
0x67: {  	_ =	shalt  }
0x68: {  	_ =	shalt  }
0x69: {  	_ =	shalt  }
0x6a: {  	_ =	shalt  }
0x6b: {  	_ =	shalt  }
0x6c: {  	_ =	shalt  }
0x6d: {  	_ =	shalt  }
0x6e: {  	_ =	shalt  }
0x6f: {  	_ =	shalt  }
0x70: {  	_ =	shalt  }
0x71: {  	_ =	shalt  }
0x72: {  	_ =	shalt  }
0x73: {  	_ =	shalt  }
0x74: {  	_ =	shalt  }
0x75: {  	_ =	shalt  }
0x76: {  	_ =	shalt  }
0x77: {  	_ =	shalt  }
0x78: {  	_ =	shalt  }
0x79: {  	_ =	shalt  }
0x7a: {  	_ =	shalt  }
0x7b: {  	_ =	shalt  }
0x7c: {  	_ =	shalt  }
0x7d: {  	_ =	shalt  }
0x7e: {  	_ =	shalt  }
0x7f: {  	_ =	shalt  }
0x80: {  	_ =	shalt  }
0x81: {  	_ =	shalt  }
0x82: {  	_ =	shalt  }
0x83: {  	_ =	shalt  }
0x84: {  	_ =	shalt  }
0x85: {  	_ =	shalt  }
0x86: {  	_ =	shalt  }
0x87: {  	_ =	shalt  }
.Lfunc_end0:
.L_simem_size_0:
called_computation.1_lowered:
.L_overlay_start_0:
0x88: {  	s2 =	sld [smem:$0x3FD9]  }
0x89: {  	s3 =	sld [smem:$0x3FFE];
	_ =	sdelay $0x1  }
0x8a: {  	s1 =	srdreg.scid  }
0x8b: {  	s0 =	sand.u32 $0x1, s1  }
0x8c: {  	s17 =	sshll.u32 s0, $0xA;
	s2 =	sadd.s32 s3, s2  }
0x8d: {  	s2 =	sadd.s32 s2, s17  }
0x8e: {  	[smem:$0x3FC5] =	sst s2  }
0x8f: {  	_ = 	snop  }
0x90: {  	s2 =	sld [smem:$0x3FD0];
	(tm) =	ssettm $0x1  }
0x91: {  	s18 =	sld [smem:$0x3FFB];
	_ =	sdelay $0x3  }
0x92: {  	_ =	strace s18  }
0x93: {  	s3 =	sld [smem:$0x3FFC];
	_ =	sdelay $0x3  }
0x94: {  	_ =	strace s3  }
0x95: {  	s3 =	sld [smem:$0x3FFD];
	_ =	sdelay $0x3  }
0x96: {  	_ =	strace s3  }
0x97: {  	_ =	strace $0x8FFFFFFF  }
0x98: {  	s19 =	sld [smem:$0x3FDB];
	_ =	sdelay $0x1  }
0x99: {  	s4 =	simm.s32 $_scs_section_size  }
0x9a: {  	s5 =	simm.s32 $_size__tile_overlayer_lowered;
	s6 =	simm.s32 $_tile_overlayer_lowered  }
0x9b: {  	s22 =	simm.s32 $0x1BFF;
	s21 =	sshll.u32 s6, $0x1;
	s3 =	sadd.s32 s4, s19  }
0x9c: {  	s7 =	simm.s32 $0x0;
	s20 =	sshll.u32 s5, $0x1;
	s5 =	sadd.s32 s21, s3  }
0x9d: {  	[timem:s7], [sflag:s22] =	dma.local [hbm:s5], s20  }
0x9e: {  	_ =	swait.ge [sflag:s22], s20  }
0x9f: {  	s4 =	ssub.s32 $0x0, s20;
	[sflag:s22] =	ssyncset.done $0x0  }
0xa0: {  	[sflag:s22] =	ssyncadd.s32 s4;
	_ =	sdelay $0x1  }
0xa1: {  	s23 =	simm.s32 $0x1B8B  }
0xa2: {  	_ =	swait.ge [sflag:s23], $0x1  }
0xa3: {  	[sflag:s23] =	ssyncset.done $0x0  }
0xa4: {  	s25 =	simm.s32 $0x1B8E;
	s24 =	sld [smem:$0x3FFE];
	[sflag:s23] =	ssyncadd.s32 $0xFFFFFFFF  }
0xa5: {  	s26 =	simm.s32 $execute0_lowered;
	[smem:$0x3FD2] =	sst s25  }
0xa6: {  	s5 =	sshll.u32 s26, $0x1;
	_ =	strace $0x80000046;
	[dreg:$0x1] =	wrdreg $0xFFFFFFFF  }
0xa7: {  	s28 =	simm.s32 $_size_execute0_lowered;
	s3 =	sadd.s32 s3, s5;
	[dreg:$0x0] =	wrdreg $0x0  }
0xa8: {  	s5 =	sshll.u32 s28, $0x1;
	[dreg:$0x2] =	wrdreg s3  }
0xa9: {  	[dreg:$0x3] =	wrdreg s5  }
0xaa: {  	[dreg:$0x4] =	wrdreg $0xC0  }
0xab: {  	_ =	task [dreg:s7], $0x5FFFF  }
0xac: {  	[dreg:$0x1] =	wrdreg $0xFFFFFFFF  }
0xad: {  	[dreg:$0x0] =	wrdreg $0x60  }
0xae: {  	[dreg:$0x2] =	wrdreg s2  }
0xaf: {  	[dreg:$0x3] =	wrdreg s24  }
0xb0: {  	[dreg:$0x4] =	wrdreg $0x9  }
0xb1: {  	_ =	task.clear_ibuf [dreg:s7], $0x5FFFF;
	_ =	strace $0x90000046  }
0xb2: {  	s29 =	simm.s32 $0x9;
	_ =	strace $0x80000048  }
0xb3: {  	_ =	swait.ge [sflag:s29], $0x1  }
0xb4: {  	[sflag:s29] =	ssyncadd.s32 $0xFFFFFFFF  }
0xb5: {  	_ =	strace $0x90000048  }
0xb6: {  	_ =	sfence  }
0xb7: {  	s30 =	sld [smem:$0x0];
	_ =	sdelay $0x2  }
0xb8: {  	s31 =	sshll.u32 s1, $0xD;
	s1 =	sshrl.u32 s1, $0x2  }
0xb9: {  	s3 =	sand.u32 $0x4000, s31;
	s1 =	sadd.s32 s1, s30  }
0xba: {  	s0 =	sor.u32 s3, s0;
	s1 =	sshll.u32 s1, $0x11  }
0xbb: {  	s0 =	sor.u32 s1, s0  }
0xbc: {  	s0 =	sadd.s32 $0x8F2B, s0  }
0xbd: {  	[sflag:s0] =	ssyncadd.remote.s32 $0x1  }
0xbe: {  	_ =	sfence.sel $0xFFFF  }
0xbf: {  	[dreg:$0x0] =	wrdreg $0xFFFFFFFF;
	(pc) =	sbr.abs _section_cstart, $3  }
0xc0: {  	[dreg:$0x1] =	wrdreg $0xFFFFFFFF  }
0xc1: {  	_ =	task.clear_ibuf [dreg:s7], $0x2FFFF;
	_ =	strace $0x9FFFFFFF  }
0xc2: {  	(tm) =	ssettm $0x7FFFFFFF  }
0xc3: {  	_ =	shalt  }
tec
execute0_lowered:
.L_overlay_start_1:
0x0: {  	(tag) =	ssettag $0x1  }
0x1: {  	s1 =	rddreg [dreg:$0x0]  }
0x2: {  	s0 =	rddreg [dreg:$0x1];
	s2 =	simm.s32 $0x0;
	s3 =	srdreg.scid  }
0x3: {  	s6 =	stileid.u32;
	s15 =	simm.s32 $0x1;
	s18 =	simm.s32 $0x4  }
0x4: {  	s19 =	simm.s32 $0x2;
	s21 =	simm.s32 $0x1A000;
	s22 =	simm.s32 $0x1A800  }
0x5: {  	s23 =	simm.s32 $0x1B000;
	s24 =	simm.s32 $0x3;
	[smem:$0x7FF] =	sst s2  }
0x6: {  	s3 =	sand.u32 $0x1, s3;
	s5 =	sadd.s32 $0x761600, s0;
	s8 =	sshll.u32 s6, $0x1  }
0x7: {  	s6 =	sadd.s32 $0x141600, s0;
	s7 =	ssub.s32 $0x2, s3;
	s3 =	sor.u32 s3, s8  }
0x8: {  	s4 =	sadd.s32 $0x41600, s0;
	_ =	strace $0x80000047;
	s8 =	sshll.u32 s3, $0xD  }
0x9: {  	s28 =	sshrl.u32 s7, $0x1;
	s29 =	sshll.u32 s3, $0xF;
	s8 =	sadd.s32 s1, s8  }
0xa: {  	s0 =	ssub.s32 s7, s28;
	s7 =	sshll.u32 s3, $0x6;
	[dreg:$0x3] =	wrdreg s8  }
.Ltmp0:
0xb: {  	s9 =	sor.u32 $0x1, s7;
	s8 =	sadd.s32 s4, s29;
	(pc) =	sbr.rel .LBB2_1-.Ltmp0, $4  }
0xc: {  	s0 =	smax.u32 s0, $0x1;
	[dreg:$0x4] =	wrdreg s8;
	s30 =	sshll.u32 s9, $0x7  }
0xd: {  	v2 =	vlaneseq.u32;
	s9 =	sshll.u32 s9, $0x9;
	[dreg:$0x7] =	wrdreg s0;
	s8 =	sadd.s32 s1, s30  }
0xe: {  	vm0 =	vmmov $0xffff;
	v1 =	vshrl.u32 v2, $0x3;
	p0 =	seq.s32 s3, $0x1F;
	s31 =	sadd.s32 s4, s9;
	[dreg:$0x5] =	wrdreg s8  }
0xf: {  	v0 =	vand.u32 $0x7, v2;
	v2 =	vor.u32 $0x8, v2;
	v1 =	vmul.u32 $0x8, v1;
	s12 =	sor.u32 $0x2, s7;
	[dreg:$0x6] =	wrdreg s31;
	s8 =	simm.s32 $0x0  }
.LBB2_12:
0x10: {  	s0 =	simm.s32 @!p0 $0x5  }
0x11: {  	_ =	swait.ge @!p0 [sflag:s0], $0x3800  }
0x12: {  	s8 =	rddreg [dreg:$0x8]  }
0x13: {  	s3 =	rddreg [dreg:$0x7];
	s8 =	sadd.s32 $0x1, s8  }
0x14: {  	p1 =	sne.s32 s8, s3  }
.Ltmp1:
0x15: {  	_ = 	snop;
	(pc) =	sbr.rel @!p1 .LBB2_13-.Ltmp1, $3  }
0x16: {  	_ =	sdelay $0x1  }
0x17: {  	[sflag:s0] =	ssyncset.done @!p0 $0x0  }
0x18: {  	[sflag:s0] =	ssyncadd.s32 @!p0 $0xFFFFC800  }
.LBB2_1:
0x19: {  	[dreg:$0x8] =	wrdreg s8  }
0x1a: {  	s0 =	rddreg [dreg:$0x3]  }
0x1b: {  	[tilespmem:s2], [sflag:$0x1] =	stream.linear.gather [hbm4b:s0+s2], $0x400, $0x38;
	[tilespmem:$0x1F000] =	vst v63  }
0x1c: {  	s9 =	rddreg [dreg:$0x4];
	s3 =	simm.s32 $0x800  }
0x1d: {  	[tilespmem:s3], [sflag:$0x1] =	stream.linear.gather [hbm4b:s9+s2], $0x1000, $0x38;
	[tilespmem:$0x1F000] =	vst v63  }
0x1e: {  	_ =	swait.ge [sflag:s15], $0x400  }
0x1f: {  	[sflag:s15] =	ssyncset.done $0x0  }
0x20: {  	[sflag:s15] =	ssyncadd.s32 $0xFFFFFC00  }
0x21: {  	_ =	swait.ge [sflag:s15], $0x1000  }
0x22: {  	[sflag:s15] =	ssyncset.done $0x0  }
0x23: {  	[sflag:s15] =	ssyncadd.s32 $0xFFFFF000  }
0x24: {  	v3 =	vld [tilespmem:$0x0];
	_ =	sdelay $0x4  }
0x25: {  	v4 =	vshll.u32 v3, $0x1  }
0x26: {  	v3 =	vand.u32 $0x7, v3;
	v4 =	vand.u32 $0xFFFFFFF0, v4  }
0x27: {  	v3 =	vor.u32 v3, v4  }
0x28: {  	v4 =	vperm.xlane v3, v0;
	_ =	sdelay $0x1  }
0x29: {  	v3 =	vperm.xlane v3, v2;
	v4 =	vadd.s32 v1, v4;
	_ =	sdelay $0x1  }
0x2a: {  	v3 =	vadd.s32 v1, v3;
	_ =	sdelay $0x1  }
0x2b: {  	s10 =	simm.s32 $0x2800  }
0x2c: {  	[tilespmem:s10], [sflag:$0x3] =	stream.indirect_vreg.gather [hbm4b:s5+s2], $0x80, v4, vm0, $0xb8;
	[tilespmem:$0x1F000] =	vst v63  }
0x2d: {  	s11 =	simm.s32 $0x3000  }
0x2e: {  	[tilespmem:s11], [sflag:$0x3] =	stream.indirect_vreg.gather [hbm4b:s5+s2], $0x80, v3, vm0, $0xb8;
	[tilespmem:$0x1F000] =	vst v63  }
0x2f: {  	v3 =	vld [tilespmem:$0x10];
	_ =	sdelay $0x4  }
0x30: {  	v52 =	vshll.u32 v3, $0x1  }
0x31: {  	v3 =	vand.u32 $0x7, v3;
	v4 =	vand.u32 $0xFFFFFFF0, v52  }
0x32: {  	v3 =	vor.u32 v3, v4  }
0x33: {  	v4 =	vperm.xlane v3, v0;
	_ =	sdelay $0x1  }
0x34: {  	v3 =	vperm.xlane v3, v2;
	v4 =	vadd.s32 v1, v4;
	_ =	sdelay $0x1  }
0x35: {  	v3 =	vadd.s32 v1, v3;
	_ =	sdelay $0x1  }
0x36: {  	s13 =	simm.s32 $0x3800  }
0x37: {  	[tilespmem:s13], [sflag:$0x3] =	stream.indirect_vreg.gather [hbm4b:s5+s2], $0x80, v4, vm0, $0xb8;
	[tilespmem:$0x1F000] =	vst v63  }
0x38: {  	s14 =	simm.s32 $0x4000  }
0x39: {  	[tilespmem:s14], [sflag:$0x3] =	stream.indirect_vreg.gather [hbm4b:s5+s2], $0x80, v3, vm0, $0xb8;
	[tilespmem:$0x1F000] =	vst v63  }
0x3a: {  	v3 =	vld [tilespmem:$0x20];
	_ =	sdelay $0x4  }
0x3b: {  	v53 =	vshll.u32 v3, $0x1  }
0x3c: {  	v3 =	vand.u32 $0x7, v3;
	v4 =	vand.u32 $0xFFFFFFF0, v53  }
0x3d: {  	v3 =	vor.u32 v3, v4  }
0x3e: {  	v4 =	vperm.xlane v3, v0;
	_ =	sdelay $0x1  }
0x3f: {  	v3 =	vperm.xlane v3, v2;
	v4 =	vadd.s32 v1, v4;
	_ =	sdelay $0x1  }
0x40: {  	v3 =	vadd.s32 v1, v3;
	_ =	sdelay $0x1  }
0x41: {  	s16 =	simm.s32 $0x4800  }
0x42: {  	[tilespmem:s16], [sflag:$0x3] =	stream.indirect_vreg.gather [hbm4b:s5+s2], $0x80, v4, vm0, $0xb8;
	[tilespmem:$0x1F000] =	vst v63  }
0x43: {  	s17 =	simm.s32 $0x5000  }
0x44: {  	[tilespmem:s17], [sflag:$0x3] =	stream.indirect_vreg.gather [hbm4b:s5+s2], $0x80, v3, vm0, $0xb8;
	[tilespmem:$0x1F000] =	vst v63  }
0x45: {  	v3 =	vld [tilespmem:$0x30];
	_ =	sdelay $0x4  }
0x46: {  	v54 =	vshll.u32 v3, $0x1  }
0x47: {  	v3 =	vand.u32 $0x7, v3;
	v4 =	vand.u32 $0xFFFFFFF0, v54  }
0x48: {  	v3 =	vor.u32 v3, v4  }
0x49: {  	v4 =	vperm.xlane v3, v0;
	_ =	sdelay $0x1  }
0x4a: {  	v3 =	vperm.xlane v3, v2;
	v4 =	vadd.s32 v1, v4;
	_ =	sdelay $0x1  }
0x4b: {  	v3 =	vadd.s32 v1, v3;
	_ =	sdelay $0x1  }
0x4c: {  	s20 =	simm.s32 $0x5800  }
0x4d: {  	[tilespmem:s20], [sflag:$0x3] =	stream.indirect_vreg.gather [hbm4b:s5+s2], $0x80, v4, vm0, $0xb8;
	[tilespmem:$0x1F000] =	vst v63  }
0x4e: {  	s25 =	simm.s32 $0x6000  }
0x4f: {  	[tilespmem:s25], [sflag:$0x3] =	stream.indirect_vreg.gather [hbm4b:s5+s2], $0x80, v3, vm0, $0xb8;
	[tilespmem:$0x1F000] =	vst v63  }
0x50: {  	v3 =	vld [tilespmem:$0x40];
	_ =	sdelay $0x4  }
0x51: {  	v55 =	vshll.u32 v3, $0x1  }
0x52: {  	v3 =	vand.u32 $0x7, v3;
	v4 =	vand.u32 $0xFFFFFFF0, v55  }
0x53: {  	v3 =	vor.u32 v3, v4  }
0x54: {  	v4 =	vperm.xlane v3, v0;
	_ =	sdelay $0x1  }
0x55: {  	v3 =	vperm.xlane v3, v2;
	v4 =	vadd.s32 v1, v4;
	_ =	sdelay $0x1  }
0x56: {  	v3 =	vadd.s32 v1, v3;
	_ =	sdelay $0x1  }
0x57: {  	s26 =	simm.s32 $0x6800  }
0x58: {  	[tilespmem:s26], [sflag:$0x3] =	stream.indirect_vreg.gather [hbm4b:s5+s2], $0x80, v4, vm0, $0xb8;
	[tilespmem:$0x1F000] =	vst v63  }
0x59: {  	s28 =	simm.s32 $0x7000  }
0x5a: {  	[tilespmem:s28], [sflag:$0x3] =	stream.indirect_vreg.gather [hbm4b:s5+s2], $0x80, v3, vm0, $0xb8;
	[tilespmem:$0x1F000] =	vst v63  }
0x5b: {  	v3 =	vld [tilespmem:$0x50];
	_ =	sdelay $0x4  }
0x5c: {  	v56 =	vshll.u32 v3, $0x1  }
0x5d: {  	v3 =	vand.u32 $0x7, v3;
	v4 =	vand.u32 $0xFFFFFFF0, v56  }
0x5e: {  	v3 =	vor.u32 v3, v4  }
0x5f: {  	v4 =	vperm.xlane v3, v0;
	_ =	sdelay $0x1  }
0x60: {  	v3 =	vperm.xlane v3, v2;
	v4 =	vadd.s32 v1, v4;
	_ =	sdelay $0x1  }
0x61: {  	v3 =	vadd.s32 v1, v3;
	_ =	sdelay $0x1  }
0x62: {  	s29 =	simm.s32 $0x7800  }
0x63: {  	[tilespmem:s29], [sflag:$0x3] =	stream.indirect_vreg.gather [hbm4b:s5+s2], $0x80, v4, vm0, $0xb8;
	[tilespmem:$0x1F000] =	vst v63  }
0x64: {  	s30 =	simm.s32 $0x8000  }
0x65: {  	[tilespmem:s30], [sflag:$0x3] =	stream.indirect_vreg.gather [hbm4b:s5+s2], $0x80, v3, vm0, $0xb8;
	[tilespmem:$0x1F000] =	vst v63  }
0x66: {  	v3 =	vld [tilespmem:$0x60];
	_ =	sdelay $0x4  }
0x67: {  	v57 =	vshll.u32 v3, $0x1  }
0x68: {  	v3 =	vand.u32 $0x7, v3;
	v4 =	vand.u32 $0xFFFFFFF0, v57  }
0x69: {  	v3 =	vor.u32 v3, v4  }
0x6a: {  	v4 =	vperm.xlane v3, v0;
	_ =	sdelay $0x1  }
0x6b: {  	v3 =	vperm.xlane v3, v2;
	v4 =	vadd.s32 v1, v4;
	_ =	sdelay $0x1  }
0x6c: {  	v3 =	vadd.s32 v1, v3;
	_ =	sdelay $0x1  }
0x6d: {  	s31 =	simm.s32 $0x8800  }
0x6e: {  	[tilespmem:s31], [sflag:$0x3] =	stream.indirect_vreg.gather [hbm4b:s5+s2], $0x80, v4, vm0, $0xb8;
	[tilespmem:$0x1F000] =	vst v63  }
0x6f: {  	s3 =	simm.s32 $0x9000  }
0x70: {  	[tilespmem:s3], [sflag:$0x3] =	stream.indirect_vreg.gather [hbm4b:s5+s2], $0x80, v3, vm0, $0xb8;
	[tilespmem:$0x1F000] =	vst v63  }
0x71: {  	v3 =	vld [tilespmem:$0x70];
	_ =	sdelay $0x4  }
0x72: {  	v58 =	vshll.u32 v3, $0x1  }
0x73: {  	v3 =	vand.u32 $0x7, v3;
	v4 =	vand.u32 $0xFFFFFFF0, v58  }
0x74: {  	v3 =	vor.u32 v3, v4  }
0x75: {  	v4 =	vperm.xlane v3, v0;
	_ =	sdelay $0x1  }
0x76: {  	v3 =	vperm.xlane v3, v2;
	v4 =	vadd.s32 v1, v4;
	_ =	sdelay $0x1  }
0x77: {  	v3 =	vadd.s32 v1, v3;
	_ =	sdelay $0x1  }
0x78: {  	s8 =	simm.s32 $0x9800  }
0x79: {  	[tilespmem:s8], [sflag:$0x3] =	stream.indirect_vreg.gather [hbm4b:s5+s2], $0x80, v4, vm0, $0xb8;
	[tilespmem:$0x1F000] =	vst v63  }
0x7a: {  	s9 =	simm.s32 $0xA000  }
0x7b: {  	[tilespmem:s9], [sflag:$0x3] =	stream.indirect_vreg.gather [hbm4b:s5+s2], $0x80, v3, vm0, $0xb8;
	[tilespmem:$0x1F000] =	vst v63  }
0x7c: {  	v3 =	vld [tilespmem:$0x80];
	_ =	sdelay $0x4  }
0x7d: {  	v59 =	vshll.u32 v3, $0x1  }
0x7e: {  	v3 =	vand.u32 $0x7, v3;
	v4 =	vand.u32 $0xFFFFFFF0, v59  }
0x7f: {  	v3 =	vor.u32 v3, v4  }
0x80: {  	v4 =	vperm.xlane v3, v0;
	_ =	sdelay $0x1  }
0x81: {  	v3 =	vperm.xlane v3, v2;
	v4 =	vadd.s32 v1, v4;
	_ =	sdelay $0x1  }
0x82: {  	v3 =	vadd.s32 v1, v3;
	_ =	sdelay $0x1  }
0x83: {  	s10 =	simm.s32 $0xA800  }
0x84: {  	[tilespmem:s10], [sflag:$0x3] =	stream.indirect_vreg.gather [hbm4b:s5+s2], $0x80, v4, vm0, $0xb8;
	[tilespmem:$0x1F000] =	vst v63  }
0x85: {  	s11 =	simm.s32 $0xB000  }
0x86: {  	[tilespmem:s11], [sflag:$0x3] =	stream.indirect_vreg.gather [hbm4b:s5+s2], $0x80, v3, vm0, $0xb8;
	[tilespmem:$0x1F000] =	vst v63  }
0x87: {  	v3 =	vld [tilespmem:$0x90];
	_ =	sdelay $0x4  }
0x88: {  	v60 =	vshll.u32 v3, $0x1  }
0x89: {  	v3 =	vand.u32 $0x7, v3;
	v4 =	vand.u32 $0xFFFFFFF0, v60  }
0x8a: {  	v3 =	vor.u32 v3, v4  }
0x8b: {  	v4 =	vperm.xlane v3, v0;
	_ =	sdelay $0x1  }
0x8c: {  	v3 =	vperm.xlane v3, v2;
	v4 =	vadd.s32 v1, v4;
	_ =	sdelay $0x1  }
0x8d: {  	v3 =	vadd.s32 v1, v3;
	_ =	sdelay $0x1  }
0x8e: {  	s13 =	simm.s32 $0xB800  }
0x8f: {  	[tilespmem:s13], [sflag:$0x3] =	stream.indirect_vreg.gather [hbm4b:s5+s2], $0x80, v4, vm0, $0xb8;
	[tilespmem:$0x1F000] =	vst v63  }
0x90: {  	s14 =	simm.s32 $0xC000  }
0x91: {  	[tilespmem:s14], [sflag:$0x3] =	stream.indirect_vreg.gather [hbm4b:s5+s2], $0x80, v3, vm0, $0xb8;
	[tilespmem:$0x1F000] =	vst v63  }
0x92: {  	v3 =	vld [tilespmem:$0xA0];
	_ =	sdelay $0x4  }
0x93: {  	v61 =	vshll.u32 v3, $0x1  }
0x94: {  	v3 =	vand.u32 $0x7, v3;
	v4 =	vand.u32 $0xFFFFFFF0, v61  }
0x95: {  	v3 =	vor.u32 v3, v4  }
0x96: {  	v4 =	vperm.xlane v3, v0;
	_ =	sdelay $0x1  }
0x97: {  	v3 =	vperm.xlane v3, v2;
	v4 =	vadd.s32 v1, v4;
	_ =	sdelay $0x1  }
0x98: {  	v3 =	vadd.s32 v1, v3;
	_ =	sdelay $0x1  }
0x99: {  	s16 =	simm.s32 $0xC800  }
0x9a: {  	[tilespmem:s16], [sflag:$0x3] =	stream.indirect_vreg.gather [hbm4b:s5+s2], $0x80, v4, vm0, $0xb8;
	[tilespmem:$0x1F000] =	vst v63  }
0x9b: {  	s17 =	simm.s32 $0xD000  }
0x9c: {  	[tilespmem:s17], [sflag:$0x3] =	stream.indirect_vreg.gather [hbm4b:s5+s2], $0x80, v3, vm0, $0xb8;
	[tilespmem:$0x1F000] =	vst v63  }
0x9d: {  	v3 =	vld [tilespmem:$0xB0];
	_ =	sdelay $0x4  }
0x9e: {  	v62 =	vshll.u32 v3, $0x1  }
0x9f: {  	v3 =	vand.u32 $0x7, v3;
	v4 =	vand.u32 $0xFFFFFFF0, v62  }
0xa0: {  	v3 =	vor.u32 v3, v4  }
0xa1: {  	v4 =	vperm.xlane v3, v0;
	_ =	sdelay $0x1  }
0xa2: {  	v3 =	vperm.xlane v3, v2;
	v4 =	vadd.s32 v1, v4;
	_ =	sdelay $0x1  }
0xa3: {  	v3 =	vadd.s32 v1, v3;
	_ =	sdelay $0x1  }
0xa4: {  	s20 =	simm.s32 $0xD800  }
0xa5: {  	[tilespmem:s20], [sflag:$0x3] =	stream.indirect_vreg.gather [hbm4b:s5+s2], $0x80, v4, vm0, $0xb8;
	[tilespmem:$0x1F000] =	vst v63  }
0xa6: {  	s25 =	simm.s32 $0xE000  }
0xa7: {  	[tilespmem:s25], [sflag:$0x3] =	stream.indirect_vreg.gather [hbm4b:s5+s2], $0x80, v3, vm0, $0xb8;
	[tilespmem:$0x1F000] =	vst v63  }
0xa8: {  	v3 =	vld.msk [tilespmem:$0xC0], $0xff;
	_ =	sdelay $0x4  }
0xa9: {  	v63 =	vshll.u32 v3, $0x1  }
0xaa: {  	v3 =	vand.u32 $0x7, v3;
	v4 =	vand.u32 $0xFFFFFFF0, v63  }
0xab: {  	v3 =	vor.u32 v3, v4  }
0xac: {  	v3 =	vperm.xlane v3, v0;
	_ =	sdelay $0x1  }
0xad: {  	v3 =	vadd.s32 v1, v3;
	_ =	sdelay $0x3  }
0xae: {  	s26 =	simm.s32 $0xE800  }
0xaf: {  	[tilespmem:s26], [sflag:$0x3] =	stream.indirect_vreg.gather [hbm4b:s5+s2], $0x80, v3, vm0, $0xb8;
	[tilespmem:$0x1F000] =	vst v63  }
.Ltmp2:
0xb0: {  	_ = 	snop;
	(pc) =	sbr.rel .LBB2_2-.Ltmp2, $4  }
0xb1: {  	s28 =	rddreg [dreg:$0x5];
	s29 =	simm.s32 $0x400  }
0xb2: {  	[tilespmem:s29], [sflag:$0x2] =	stream.linear.gather [hbm4b:s28+s2], $0x400, $0x38;
	[tilespmem:$0x1F000] =	vst v63  }
0xb3: {  	s30 =	rddreg [dreg:$0x6];
	s31 =	simm.s32 $0x1800;
	s25 =	simm.s32 $0x0  }
0xb4: {  	[tilespmem:s31], [sflag:$0x2] =	stream.linear.gather [hbm4b:s30+s2], $0x1000, $0x38;
	[tilespmem:$0x1F000] =	vst v63  }
.LBB2_11:
0xb5: {  	s25 =	sadd.s32 $0x1, s25  }
0xb6: {  	p1 =	sne.s32 s25, $0x40  }
.Ltmp3:
0xb7: {  	_ = 	snop;
	(pc) =	sbr.rel @!p1 .LBB2_12-.Ltmp3, $1  }
0xb8: {  	_ =	sdelay $0x3  }
.LBB2_2:
0xb9: {  	s28 =	sand.u32 $0x1, s25  }
0xba: {  	p1 =	seq.s32 s28, $0x1  }
.Ltmp4:
0xbb: {  	_ = 	snop;
	(pc) =	sbr.rel @p1 .LBB2_6-.Ltmp4, $2  }
0xbc: {  	_ =	sdelay $0x2  }
0xbd: {  	s26 =	sor.u32 s7, s25  }
0xbe: {  	_ =	swait.ge [sflag:s19], $0x400  }
0xbf: {  	[sflag:s19] =	ssyncset.done $0x0  }
0xc0: {  	[sflag:s19] =	ssyncadd.s32 $0xFFFFFC00  }
0xc1: {  	_ =	swait.ge [sflag:s19], $0x1000  }
0xc2: {  	[sflag:s19] =	ssyncset.done $0x0  }
0xc3: {  	[sflag:s19] =	ssyncadd.s32 $0xFFFFF000  }
0xc4: {  	v3 =	vld [tilespmem:$0x400];
	_ =	sdelay $0x4  }
0xc5: {  	v4 =	vshll.u32 v3, $0x1  }
0xc6: {  	v3 =	vand.u32 $0x7, v3;
	v4 =	vand.u32 $0xFFFFFFF0, v4  }
0xc7: {  	v3 =	vor.u32 v3, v4  }
0xc8: {  	v4 =	vperm.xlane v3, v0;
	_ =	sdelay $0x1  }
0xc9: {  	v3 =	vperm.xlane v3, v2;
	v4 =	vadd.s32 v1, v4;
	_ =	sdelay $0x1  }
0xca: {  	v3 =	vadd.s32 v1, v3;
	_ =	sdelay $0x1  }
0xcb: {  	s0 =	simm.s32 $0xF000  }
0xcc: {  	[tilespmem:s0], [sflag:$0x4] =	stream.indirect_vreg.gather [hbm4b:s5+s2], $0x80, v4, vm0, $0xb8;
	[tilespmem:$0x1F000] =	vst v63  }
0xcd: {  	s10 =	simm.s32 $0xF800  }
0xce: {  	[tilespmem:s10], [sflag:$0x4] =	stream.indirect_vreg.gather [hbm4b:s5+s2], $0x80, v3, vm0, $0xb8;
	[tilespmem:$0x1F000] =	vst v63  }
0xcf: {  	v3 =	vld [tilespmem:$0x410];
	_ =	sdelay $0x4  }
0xd0: {  	v52 =	vshll.u32 v3, $0x1  }
0xd1: {  	v3 =	vand.u32 $0x7, v3;
	v4 =	vand.u32 $0xFFFFFFF0, v52  }
0xd2: {  	v3 =	vor.u32 v3, v4  }
0xd3: {  	v4 =	vperm.xlane v3, v0;
	_ =	sdelay $0x1  }
0xd4: {  	v3 =	vperm.xlane v3, v2;
	v4 =	vadd.s32 v1, v4;
	_ =	sdelay $0x1  }
0xd5: {  	v3 =	vadd.s32 v1, v3;
	_ =	sdelay $0x1  }
0xd6: {  	s11 =	simm.s32 $0x10000  }
0xd7: {  	[tilespmem:s11], [sflag:$0x4] =	stream.indirect_vreg.gather [hbm4b:s5+s2], $0x80, v4, vm0, $0xb8;
	[tilespmem:$0x1F000] =	vst v63  }
0xd8: {  	s13 =	simm.s32 $0x10800  }
0xd9: {  	[tilespmem:s13], [sflag:$0x4] =	stream.indirect_vreg.gather [hbm4b:s5+s2], $0x80, v3, vm0, $0xb8;
	[tilespmem:$0x1F000] =	vst v63  }
0xda: {  	v3 =	vld [tilespmem:$0x420];
	_ =	sdelay $0x4  }
0xdb: {  	v53 =	vshll.u32 v3, $0x1  }
0xdc: {  	v3 =	vand.u32 $0x7, v3;
	v4 =	vand.u32 $0xFFFFFFF0, v53  }
0xdd: {  	v3 =	vor.u32 v3, v4  }
0xde: {  	v4 =	vperm.xlane v3, v0;
	_ =	sdelay $0x1  }
0xdf: {  	v3 =	vperm.xlane v3, v2;
	v4 =	vadd.s32 v1, v4;
	_ =	sdelay $0x1  }
0xe0: {  	v3 =	vadd.s32 v1, v3;
	_ =	sdelay $0x1  }
0xe1: {  	s14 =	simm.s32 $0x11000  }
0xe2: {  	[tilespmem:s14], [sflag:$0x4] =	stream.indirect_vreg.gather [hbm4b:s5+s2], $0x80, v4, vm0, $0xb8;
	[tilespmem:$0x1F000] =	vst v63  }
0xe3: {  	s16 =	simm.s32 $0x11800  }
0xe4: {  	[tilespmem:s16], [sflag:$0x4] =	stream.indirect_vreg.gather [hbm4b:s5+s2], $0x80, v3, vm0, $0xb8;
	[tilespmem:$0x1F000] =	vst v63  }
0xe5: {  	v3 =	vld [tilespmem:$0x430];
	_ =	sdelay $0x4  }
0xe6: {  	v54 =	vshll.u32 v3, $0x1  }
0xe7: {  	v3 =	vand.u32 $0x7, v3;
	v4 =	vand.u32 $0xFFFFFFF0, v54  }
0xe8: {  	v3 =	vor.u32 v3, v4  }
0xe9: {  	v4 =	vperm.xlane v3, v0;
	_ =	sdelay $0x1  }
0xea: {  	v3 =	vperm.xlane v3, v2;
	v4 =	vadd.s32 v1, v4;
	_ =	sdelay $0x1  }
0xeb: {  	v3 =	vadd.s32 v1, v3;
	_ =	sdelay $0x1  }
0xec: {  	s17 =	simm.s32 $0x12000  }
0xed: {  	[tilespmem:s17], [sflag:$0x4] =	stream.indirect_vreg.gather [hbm4b:s5+s2], $0x80, v4, vm0, $0xb8;
	[tilespmem:$0x1F000] =	vst v63  }
0xee: {  	s20 =	simm.s32 $0x12800  }
0xef: {  	[tilespmem:s20], [sflag:$0x4] =	stream.indirect_vreg.gather [hbm4b:s5+s2], $0x80, v3, vm0, $0xb8;
	[tilespmem:$0x1F000] =	vst v63  }
0xf0: {  	v3 =	vld [tilespmem:$0x440];
	_ =	sdelay $0x4  }
0xf1: {  	v55 =	vshll.u32 v3, $0x1  }
0xf2: {  	v3 =	vand.u32 $0x7, v3;
	v4 =	vand.u32 $0xFFFFFFF0, v55  }
0xf3: {  	v3 =	vor.u32 v3, v4  }
0xf4: {  	v4 =	vperm.xlane v3, v0;
	_ =	sdelay $0x1  }
0xf5: {  	v3 =	vperm.xlane v3, v2;
	v4 =	vadd.s32 v1, v4;
	_ =	sdelay $0x1  }
0xf6: {  	v3 =	vadd.s32 v1, v3;
	_ =	sdelay $0x1  }
0xf7: {  	s30 =	simm.s32 $0x13000  }
0xf8: {  	[tilespmem:s30], [sflag:$0x4] =	stream.indirect_vreg.gather [hbm4b:s5+s2], $0x80, v4, vm0, $0xb8;
	[tilespmem:$0x1F000] =	vst v63  }
0xf9: {  	s31 =	simm.s32 $0x13800  }
0xfa: {  	[tilespmem:s31], [sflag:$0x4] =	stream.indirect_vreg.gather [hbm4b:s5+s2], $0x80, v3, vm0, $0xb8;
	[tilespmem:$0x1F000] =	vst v63  }
0xfb: {  	v3 =	vld [tilespmem:$0x450];
	_ =	sdelay $0x4  }
0xfc: {  	v56 =	vshll.u32 v3, $0x1  }
0xfd: {  	v3 =	vand.u32 $0x7, v3;
	v4 =	vand.u32 $0xFFFFFFF0, v56  }
0xfe: {  	v3 =	vor.u32 v3, v4  }
0xff: {  	v4 =	vperm.xlane v3, v0;
	_ =	sdelay $0x1  }
0x100: {  	v3 =	vperm.xlane v3, v2;
	v4 =	vadd.s32 v1, v4;
	_ =	sdelay $0x1  }
0x101: {  	v3 =	vadd.s32 v1, v3;
	_ =	sdelay $0x1  }
0x102: {  	s3 =	simm.s32 $0x14000  }
0x103: {  	[tilespmem:s3], [sflag:$0x4] =	stream.indirect_vreg.gather [hbm4b:s5+s2], $0x80, v4, vm0, $0xb8;
	[tilespmem:$0x1F000] =	vst v63  }
0x104: {  	s8 =	simm.s32 $0x14800  }
0x105: {  	[tilespmem:s8], [sflag:$0x4] =	stream.indirect_vreg.gather [hbm4b:s5+s2], $0x80, v3, vm0, $0xb8;
	[tilespmem:$0x1F000] =	vst v63  }
0x106: {  	v3 =	vld [tilespmem:$0x460];
	_ =	sdelay $0x4  }
0x107: {  	v57 =	vshll.u32 v3, $0x1  }
0x108: {  	v3 =	vand.u32 $0x7, v3;
	v4 =	vand.u32 $0xFFFFFFF0, v57  }
0x109: {  	v3 =	vor.u32 v3, v4  }
0x10a: {  	v4 =	vperm.xlane v3, v0;
	_ =	sdelay $0x1  }
0x10b: {  	v3 =	vperm.xlane v3, v2;
	v4 =	vadd.s32 v1, v4;
	_ =	sdelay $0x1  }
0x10c: {  	v3 =	vadd.s32 v1, v3;
	_ =	sdelay $0x1  }
0x10d: {  	s9 =	simm.s32 $0x15000  }
0x10e: {  	[tilespmem:s9], [sflag:$0x4] =	stream.indirect_vreg.gather [hbm4b:s5+s2], $0x80, v4, vm0, $0xb8;
	[tilespmem:$0x1F000] =	vst v63  }
0x10f: {  	s10 =	simm.s32 $0x15800  }
0x110: {  	[tilespmem:s10], [sflag:$0x4] =	stream.indirect_vreg.gather [hbm4b:s5+s2], $0x80, v3, vm0, $0xb8;
	[tilespmem:$0x1F000] =	vst v63  }
0x111: {  	v3 =	vld [tilespmem:$0x470];
	_ =	sdelay $0x4  }
0x112: {  	v58 =	vshll.u32 v3, $0x1  }
0x113: {  	v3 =	vand.u32 $0x7, v3;
	v4 =	vand.u32 $0xFFFFFFF0, v58  }
0x114: {  	v3 =	vor.u32 v3, v4  }
0x115: {  	v4 =	vperm.xlane v3, v0;
	_ =	sdelay $0x1  }
0x116: {  	v3 =	vperm.xlane v3, v2;
	v4 =	vadd.s32 v1, v4;
	_ =	sdelay $0x1  }
0x117: {  	v3 =	vadd.s32 v1, v3;
	_ =	sdelay $0x1  }
0x118: {  	s11 =	simm.s32 $0x16000  }
0x119: {  	[tilespmem:s11], [sflag:$0x4] =	stream.indirect_vreg.gather [hbm4b:s5+s2], $0x80, v4, vm0, $0xb8;
	[tilespmem:$0x1F000] =	vst v63  }
0x11a: {  	s13 =	simm.s32 $0x16800  }
0x11b: {  	[tilespmem:s13], [sflag:$0x4] =	stream.indirect_vreg.gather [hbm4b:s5+s2], $0x80, v3, vm0, $0xb8;
	[tilespmem:$0x1F000] =	vst v63  }
0x11c: {  	v3 =	vld [tilespmem:$0x480];
	_ =	sdelay $0x4  }
0x11d: {  	v59 =	vshll.u32 v3, $0x1  }
0x11e: {  	v3 =	vand.u32 $0x7, v3;
	v4 =	vand.u32 $0xFFFFFFF0, v59  }
0x11f: {  	v3 =	vor.u32 v3, v4  }
0x120: {  	v4 =	vperm.xlane v3, v0;
	_ =	sdelay $0x1  }
0x121: {  	v3 =	vperm.xlane v3, v2;
	v4 =	vadd.s32 v1, v4;
	_ =	sdelay $0x1  }
0x122: {  	v3 =	vadd.s32 v1, v3;
	_ =	sdelay $0x1  }
0x123: {  	s14 =	simm.s32 $0x17000  }
0x124: {  	[tilespmem:s14], [sflag:$0x4] =	stream.indirect_vreg.gather [hbm4b:s5+s2], $0x80, v4, vm0, $0xb8;
	[tilespmem:$0x1F000] =	vst v63  }
0x125: {  	s16 =	simm.s32 $0x17800  }
0x126: {  	[tilespmem:s16], [sflag:$0x4] =	stream.indirect_vreg.gather [hbm4b:s5+s2], $0x80, v3, vm0, $0xb8;
	[tilespmem:$0x1F000] =	vst v63  }
0x127: {  	v3 =	vld [tilespmem:$0x490];
	_ =	sdelay $0x4  }
0x128: {  	v60 =	vshll.u32 v3, $0x1  }
0x129: {  	v3 =	vand.u32 $0x7, v3;
	v4 =	vand.u32 $0xFFFFFFF0, v60  }
0x12a: {  	v3 =	vor.u32 v3, v4  }
0x12b: {  	v4 =	vperm.xlane v3, v0;
	_ =	sdelay $0x1  }
0x12c: {  	v3 =	vperm.xlane v3, v2;
	v4 =	vadd.s32 v1, v4;
	_ =	sdelay $0x1  }
0x12d: {  	v3 =	vadd.s32 v1, v3;
	_ =	sdelay $0x1  }
0x12e: {  	s17 =	simm.s32 $0x18000  }
0x12f: {  	[tilespmem:s17], [sflag:$0x4] =	stream.indirect_vreg.gather [hbm4b:s5+s2], $0x80, v4, vm0, $0xb8;
	[tilespmem:$0x1F000] =	vst v63  }
0x130: {  	s20 =	simm.s32 $0x18800  }
0x131: {  	[tilespmem:s20], [sflag:$0x4] =	stream.indirect_vreg.gather [hbm4b:s5+s2], $0x80, v3, vm0, $0xb8;
	[tilespmem:$0x1F000] =	vst v63  }
0x132: {  	v3 =	vld [tilespmem:$0x4A0];
	_ =	sdelay $0x4  }
0x133: {  	v61 =	vshll.u32 v3, $0x1  }
0x134: {  	v3 =	vand.u32 $0x7, v3;
	v4 =	vand.u32 $0xFFFFFFF0, v61  }
0x135: {  	v3 =	vor.u32 v3, v4  }
0x136: {  	v4 =	vperm.xlane v3, v0;
	_ =	sdelay $0x1  }
0x137: {  	v3 =	vperm.xlane v3, v2;
	v4 =	vadd.s32 v1, v4;
	_ =	sdelay $0x1  }
0x138: {  	v3 =	vadd.s32 v1, v3;
	_ =	sdelay $0x1  }
0x139: {  	s30 =	simm.s32 $0x19000  }
0x13a: {  	[tilespmem:s30], [sflag:$0x4] =	stream.indirect_vreg.gather [hbm4b:s5+s2], $0x80, v4, vm0, $0xb8;
	[tilespmem:$0x1F000] =	vst v63  }
0x13b: {  	s31 =	simm.s32 $0x19800  }
0x13c: {  	[tilespmem:s31], [sflag:$0x4] =	stream.indirect_vreg.gather [hbm4b:s5+s2], $0x80, v3, vm0, $0xb8;
	[tilespmem:$0x1F000] =	vst v63  }
0x13d: {  	v3 =	vld [tilespmem:$0x4B0];
	_ =	sdelay $0x4  }
0x13e: {  	v62 =	vshll.u32 v3, $0x1  }
0x13f: {  	v3 =	vand.u32 $0x7, v3;
	v4 =	vand.u32 $0xFFFFFFF0, v62  }
0x140: {  	v3 =	vor.u32 v3, v4  }
0x141: {  	v4 =	vperm.xlane v3, v0;
	_ =	sdelay $0x1  }
0x142: {  	v3 =	vperm.xlane v3, v2;
	v4 =	vadd.s32 v1, v4;
	_ =	sdelay $0x1  }
0x143: {  	v3 =	vadd.s32 v1, v3;
	_ =	sdelay $0x2  }
0x144: {  	[tilespmem:s21], [sflag:$0x4] =	stream.indirect_vreg.gather [hbm4b:s5+s2], $0x80, v4, vm0, $0xb8;
	[tilespmem:$0x1F000] =	vst v63  }
0x145: {  	_ = 	snop  }
0x146: {  	[tilespmem:s22], [sflag:$0x4] =	stream.indirect_vreg.gather [hbm4b:s5+s2], $0x80, v3, vm0, $0xb8;
	[tilespmem:$0x1F000] =	vst v63  }
0x147: {  	v3 =	vld.msk [tilespmem:$0x4C0], $0xff;
	_ =	sdelay $0x4  }
0x148: {  	v63 =	vshll.u32 v3, $0x1  }
0x149: {  	v3 =	vand.u32 $0x7, v3;
	v4 =	vand.u32 $0xFFFFFFF0, v63  }
0x14a: {  	v3 =	vor.u32 v3, v4  }
0x14b: {  	v3 =	vperm.xlane v3, v0;
	_ =	sdelay $0x1  }
0x14c: {  	v3 =	vadd.s32 v1, v3;
	_ =	sdelay $0x4  }
0x14d: {  	[tilespmem:s23], [sflag:$0x4] =	stream.indirect_vreg.gather [hbm4b:s5+s2], $0x80, v3, vm0, $0xb8;
	[tilespmem:$0x1F000] =	vst v63  }
0x14e: {  	_ =	swait.ge [sflag:s24], $0x8000  }
0x14f: {  	[sflag:s24] =	ssyncset.done $0x0  }
0x150: {  	p1 =	seq.s32 s25, $0x0;
	[sflag:s24] =	ssyncadd.s32 $0xFFFF8000  }
0x151: {  	p2 =	sgt.u32 @!p1 s26, $0x7D0;
	_ =	swait.ge [sflag:s24], $0x4800  }
0x152: {  	p1 =	por p2, p1;
	[sflag:s24] =	ssyncset.done $0x0  }
0x153: {  	s0 =	simm.s32 @!p1 $0x5;
	[sflag:s24] =	ssyncadd.s32 $0xFFFFB800  }
0x154: {  	_ =	swait.ge @!p1 [sflag:s0], $0x3800  }
0x155: {  	[sflag:s0] =	ssyncset.done @!p1 $0x0  }
0x156: {  	s29 =	simm.s32 $0x0;
	[sflag:s0] =	ssyncadd.s32 @!p1 $0xFFFFC800  }
.LBB2_4:
0x157: {  	s14 =	sshll.u32 s29, $0x8  }
0x158: {  	s0 =	sshrl.u32 s14, $0x2  }
0x159: {  	s3 =	sshll.u32 s29, $0xA;
	v4 =	vld [tilespmem:s0+$0x800]  }
0x15a: {  	s30 =	sand.u32 $0x3FFFFC00, s3;
	v5 =	vld [tilespmem:s0+$0x810]  }
0x15b: {  	v7 =	vld [tilespmem:s30+$0x2800]  }
0x15c: {  	v8 =	vld [tilespmem:s30+$0x2880]  }
0x15d: {  	v6 =	vld [tilespmem:s0+$0x820]  }
0x15e: {  	v9 =	vld [tilespmem:s30+$0x2900]  }
0x15f: {  	v3 =	vld [tilespmem:s0+$0x830]  }
0x160: {  	v10 =	vld [tilespmem:s30+$0x2980]  }
0x161: {  	v7 =	vmul.f32 v7, v4;
	v8 =	vmul.f32 v8, v5;
	_ =	sdelay $0x1  }
0x162: {  	v28 =	vmul.f32 v9, v6;
	v7 =	vadd.f32 v8, v7;
	_ =	sdelay $0x1  }
0x163: {  	v29 =	vmul.f32 v10, v3;
	v7 =	vadd.f32 v28, v7  }
0x164: {  	s13 =	sshll.u32 s29, $0x7;
	s8 =	sand.u32 $0x3800, s14  }
0x165: {  	s3 =	sand.u32 $0x200, s13;
	s17 =	sadd.s32 $0x1B800, s8;
	v7 =	vadd.f32 v29, v7  }
0x166: {  	s20 =	sor.u32 s3, s17  }
0x167: {  	[tilespmem:s20+$0x0] =	vst v7  }
0x168: {  	v7 =	vld [tilespmem:s30+$0x2810]  }
0x169: {  	v30 =	vld [tilespmem:s30+$0x2890];
	_ =	sdelay $0x1  }
0x16a: {  	v31 =	vld [tilespmem:s30+$0x2910];
	_ =	sdelay $0x1  }
0x16b: {  	v32 =	vld [tilespmem:s30+$0x2990]  }
0x16c: {  	v7 =	vmul.f32 v7, v4;
	v8 =	vmul.f32 v30, v5;
	_ =	sdelay $0x1  }
0x16d: {  	v33 =	vmul.f32 v31, v6;
	v7 =	vadd.f32 v8, v7;
	_ =	sdelay $0x1  }
0x16e: {  	v34 =	vmul.f32 v32, v3;
	v7 =	vadd.f32 v33, v7;
	_ =	sdelay $0x1  }
0x16f: {  	v7 =	vadd.f32 v34, v7;
	_ =	sdelay $0x1  }
0x170: {  	[tilespmem:s20+$0x10] =	vst v7  }
0x171: {  	v7 =	vld [tilespmem:s30+$0x2820]  }
0x172: {  	v35 =	vld [tilespmem:s30+$0x28A0];
	_ =	sdelay $0x1  }
0x173: {  	v36 =	vld [tilespmem:s30+$0x2920];
	_ =	sdelay $0x1  }
0x174: {  	v37 =	vld [tilespmem:s30+$0x29A0]  }
0x175: {  	v7 =	vmul.f32 v7, v4;
	v8 =	vmul.f32 v35, v5;
	_ =	sdelay $0x1  }
0x176: {  	v38 =	vmul.f32 v36, v6;
	v7 =	vadd.f32 v8, v7;
	_ =	sdelay $0x1  }
0x177: {  	v39 =	vmul.f32 v37, v3;
	v7 =	vadd.f32 v38, v7;
	_ =	sdelay $0x1  }
0x178: {  	v7 =	vadd.f32 v39, v7;
	_ =	sdelay $0x1  }
0x179: {  	[tilespmem:s20+$0x20] =	vst v7  }
0x17a: {  	v7 =	vld [tilespmem:s30+$0x2830]  }
0x17b: {  	v40 =	vld [tilespmem:s30+$0x28B0];
	_ =	sdelay $0x1  }
0x17c: {  	v41 =	vld [tilespmem:s30+$0x2930];
	_ =	sdelay $0x1  }
0x17d: {  	v42 =	vld [tilespmem:s30+$0x29B0]  }
0x17e: {  	v7 =	vmul.f32 v7, v4;
	v8 =	vmul.f32 v40, v5;
	_ =	sdelay $0x1  }
0x17f: {  	v43 =	vmul.f32 v41, v6;
	v7 =	vadd.f32 v8, v7;
	_ =	sdelay $0x1  }
0x180: {  	v44 =	vmul.f32 v42, v3;
	v7 =	vadd.f32 v43, v7;
	_ =	sdelay $0x1  }
0x181: {  	v7 =	vadd.f32 v44, v7;
	_ =	sdelay $0x1  }
0x182: {  	[tilespmem:s20+$0x30] =	vst v7  }
0x183: {  	v7 =	vld [tilespmem:s30+$0x2840]  }
0x184: {  	v45 =	vld [tilespmem:s30+$0x28C0];
	_ =	sdelay $0x1  }
0x185: {  	v46 =	vld [tilespmem:s30+$0x2940];
	_ =	sdelay $0x1  }
0x186: {  	v47 =	vld [tilespmem:s30+$0x29C0]  }
0x187: {  	v7 =	vmul.f32 v7, v4;
	v8 =	vmul.f32 v45, v5;
	_ =	sdelay $0x1  }
0x188: {  	v48 =	vmul.f32 v46, v6;
	v7 =	vadd.f32 v8, v7;
	_ =	sdelay $0x1  }
0x189: {  	v49 =	vmul.f32 v47, v3;
	v7 =	vadd.f32 v48, v7;
	_ =	sdelay $0x1  }
0x18a: {  	v7 =	vadd.f32 v49, v7;
	_ =	sdelay $0x1  }
0x18b: {  	[tilespmem:s20+$0x40] =	vst v7  }
0x18c: {  	v7 =	vld [tilespmem:s30+$0x2850]  }
0x18d: {  	v50 =	vld [tilespmem:s30+$0x28D0];
	_ =	sdelay $0x1  }
0x18e: {  	v51 =	vld [tilespmem:s30+$0x2950];
	_ =	sdelay $0x1  }
0x18f: {  	v52 =	vld [tilespmem:s30+$0x29D0]  }
0x190: {  	v7 =	vmul.f32 v7, v4;
	v8 =	vmul.f32 v50, v5;
	_ =	sdelay $0x1  }
0x191: {  	v53 =	vmul.f32 v51, v6;
	v7 =	vadd.f32 v8, v7;
	_ =	sdelay $0x1  }
0x192: {  	v54 =	vmul.f32 v52, v3;
	v7 =	vadd.f32 v53, v7  }
0x193: {  	v11 =	vld [tilespmem:s0+$0x840]  }
0x194: {  	v12 =	vld [tilespmem:s0+$0x850];
	v7 =	vadd.f32 v54, v7  }
0x195: {  	v15 =	vld [tilespmem:s30+$0x2A00]  }
0x196: {  	v16 =	vld [tilespmem:s30+$0x2A80];
	[tilespmem:s20+$0x50] =	vst v7  }
0x197: {  	v7 =	vld [tilespmem:s30+$0x2860]  }
0x198: {  	v55 =	vld [tilespmem:s30+$0x28E0]  }
0x199: {  	v17 =	vld [tilespmem:s30+$0x2B00]  }
0x19a: {  	v56 =	vld [tilespmem:s30+$0x2960]  }
0x19b: {  	s16 =	sor.u32 $0x2, s29;
	v18 =	vld [tilespmem:s30+$0x2B80]  }
0x19c: {  	s9 =	sshll.u32 s16, $0xA;
	v57 =	vld [tilespmem:s30+$0x29E0]  }
0x19d: {  	s31 =	sand.u32 $0x3FFFFC00, s9;
	v9 =	vld [tilespmem:s0+$0x860];
	v7 =	vmul.f32 v7, v4;
	v8 =	vmul.f32 v55, v5  }
0x19e: {  	v22 =	vld [tilespmem:s31+$0x2800]  }
0x19f: {  	s10 =	sor.u32 $0x3, s29;
	v23 =	vld [tilespmem:s31+$0x2880];
	v58 =	vmul.f32 v56, v6;
	v7 =	vadd.f32 v8, v7  }
0x1a0: {  	s13 =	sshll.u32 s10, $0x6;
	v24 =	vld [tilespmem:s31+$0x2900];
	v26 =	vmul.f32 v15, v11;
	v27 =	vmul.f32 v16, v12  }
0x1a1: {  	s13 =	sand.u32 $0xF80, s13;
	v25 =	vld [tilespmem:s31+$0x2980];
	v59 =	vmul.f32 v57, v3;
	v7 =	vadd.f32 v58, v7  }
0x1a2: {  	v15 =	vld [tilespmem:s13+$0x840];
	v26 =	vadd.f32 v27, v26;
	v17 =	vmul.f32 v17, v9  }
0x1a3: {  	v16 =	vld [tilespmem:s13+$0x850];
	v7 =	vadd.f32 v59, v7  }
0x1a4: {  	v26 =	vadd.f32 v17, v26;
	v17 =	vld [tilespmem:s13+$0x860]  }
0x1a5: {  	s11 =	sshll.u32 s16, $0x6;
	[tilespmem:s20+$0x60] =	vst v7;
	v7 =	vld [tilespmem:s0+$0x870]  }
0x1a6: {  	s0 =	sand.u32 $0x3FFFFFC0, s11;
	v19 =	vld [tilespmem:s30+$0x2870]  }
0x1a7: {  	v13 =	vld [tilespmem:s0+$0x800]  }
0x1a8: {  	v14 =	vld [tilespmem:s0+$0x810]  }
0x1a9: {  	v10 =	vld [tilespmem:s0+$0x820]  }
0x1aa: {  	v8 =	vld [tilespmem:s0+$0x830];
	s0 =	sshll.u32 s10, $0xA  }
0x1ab: {  	v20 =	vld [tilespmem:s30+$0x28F0];
	s11 =	sand.u32 $0xF800, s0  }
0x1ac: {  	v60 =	vld [tilespmem:s11+$0x2A00]  }
0x1ad: {  	v28 =	vld [tilespmem:s11+$0x2A80];
	v18 =	vmul.f32 v18, v7  }
0x1ae: {  	v21 =	vld [tilespmem:s30+$0x2970];
	v22 =	vmul.f32 v22, v13;
	v23 =	vmul.f32 v23, v14  }
0x1af: {  	v29 =	vld [tilespmem:s11+$0x2B00]  }
0x1b0: {  	s9 =	sor.u32 $0x80, s3;
	v63 =	vld [tilespmem:s11+$0x2B80];
	v61 =	vmul.f32 v24, v10;
	v26 =	vadd.f32 v18, v26;
	v22 =	vadd.f32 v23, v22  }
0x1b1: {  	v62 =	vmul.f32 v25, v8;
	v18 =	vld [tilespmem:s13+$0x870];
	s13 =	sor.u32 s9, s17  }
0x1b2: {  	v30 =	vld [tilespmem:s30+$0x29F0];
	v32 =	vmul.f32 v60, v15;
	v33 =	vmul.f32 v28, v16;
	[tilespmem:s13+$0x0] =	vst v26;
	v22 =	vadd.f32 v61, v22  }
0x1b3: {  	s8 =	sshll.u32 s16, $0x7;
	v19 =	vmul.f32 v19, v4;
	v20 =	vmul.f32 v20, v5;
	v34 =	vld [tilespmem:s30+$0x2A10]  }
0x1b4: {  	s8 =	sand.u32 $0x300, s8;
	v36 =	vmul.f32 v29, v17;
	v35 =	vld [tilespmem:s30+$0x2A90];
	v23 =	vadd.f32 v33, v32;
	v22 =	vadd.f32 v62, v22  }
0x1b5: {  	s16 =	sor.u32 s8, s17;
	v46 =	vmul.f32 v21, v6;
	v37 =	vld [tilespmem:s30+$0x2B10]  }
0x1b6: {  	v19 =	vadd.f32 v20, v19;
	v38 =	vld [tilespmem:s30+$0x2B90];
	v39 =	vadd.f32 v36, v23;
	v40 =	vmul.f32 v63, v18;
	[tilespmem:s16+$0x0] =	vst v22  }
0x1b7: {  	s10 =	sshll.u32 s10, $0x7;
	v41 =	vld [tilespmem:s31+$0x2810]  }
0x1b8: {  	s10 =	sand.u32 $0x380, s10;
	v51 =	vmul.f32 v30, v3;
	v19 =	vadd.f32 v46, v19;
	v22 =	vadd.f32 v40, v39;
	v42 =	vld [tilespmem:s31+$0x2890]  }
0x1b9: {  	s17 =	sor.u32 s10, s17;
	v43 =	vmul.f32 v34, v11;
	v44 =	vmul.f32 v35, v12;
	v45 =	vld [tilespmem:s31+$0x2910]  }
0x1ba: {  	v19 =	vadd.f32 v51, v19;
	v47 =	vld [tilespmem:s31+$0x2990];
	[tilespmem:s17+$0x0] =	vst v22  }
0x1bb: {  	v49 =	vmul.f32 v37, v9;
	v48 =	vadd.f32 v44, v43;
	v50 =	vld [tilespmem:s11+$0x2A10]  }
0x1bc: {  	[tilespmem:s20+$0x70] =	vst v19;
	v53 =	vld [tilespmem:s11+$0x2A90]  }
0x1bd: {  	v52 =	vmul.f32 v38, v7;
	v25 =	vld [tilespmem:s30+$0x2C00];
	v22 =	vadd.f32 v49, v48  }
0x1be: {  	v56 =	vld [tilespmem:s11+$0x2B10];
	v54 =	vmul.f32 v41, v13;
	v55 =	vmul.f32 v42, v14  }
0x1bf: {  	v46 =	vld [tilespmem:s30+$0x2C80];
	v22 =	vadd.f32 v52, v22  }
0x1c0: {  	v59 =	vld [tilespmem:s11+$0x2B90];
	v57 =	vmul.f32 v45, v10;
	v23 =	vadd.f32 v55, v54  }
0x1c1: {  	v61 =	vmul.f32 v50, v15;
	v62 =	vmul.f32 v53, v16;
	v50 =	vld [tilespmem:s30+$0x2D00];
	[tilespmem:s13+$0x10] =	vst v22  }
0x1c2: {  	v58 =	vmul.f32 v47, v8;
	v60 =	vadd.f32 v57, v23;
	v63 =	vld [tilespmem:s30+$0x2A20]  }
0x1c3: {  	v20 =	vmul.f32 v56, v17;
	v30 =	vld [tilespmem:s30+$0x2AA0];
	v31 =	vadd.f32 v62, v61  }
0x1c4: {  	v54 =	vld [tilespmem:s30+$0x2D80];
	v19 =	vadd.f32 v58, v60  }
0x1c5: {  	v35 =	vmul.f32 v59, v18;
	v32 =	vld [tilespmem:s30+$0x2B20];
	v34 =	vadd.f32 v20, v31  }
0x1c6: {  	v33 =	vld [tilespmem:s30+$0x2BA0];
	[tilespmem:s16+$0x10] =	vst v19  }
0x1c7: {  	v19 =	vadd.f32 v35, v34;
	v36 =	vld [tilespmem:s31+$0x2820]  }
0x1c8: {  	v37 =	vld [tilespmem:s31+$0x28A0];
	v38 =	vmul.f32 v63, v11;
	v39 =	vmul.f32 v30, v12  }
0x1c9: {  	v40 =	vld [tilespmem:s31+$0x2920];
	[tilespmem:s17+$0x10] =	vst v19  }
0x1ca: {  	v43 =	vmul.f32 v32, v9;
	v42 =	vadd.f32 v39, v38;
	v44 =	vld [tilespmem:s11+$0x2A20]  }
0x1cb: {  	v25 =	vmul.f32 v25, v4;
	v45 =	vld [tilespmem:s11+$0x2AA0]  }
0x1cc: {  	v34 =	vmul.f32 v46, v5;
	v41 =	vld [tilespmem:s31+$0x29A0];
	v24 =	vmul.f32 v33, v7;
	v19 =	vadd.f32 v43, v42  }
0x1cd: {  	v49 =	vld [tilespmem:s11+$0x2B20];
	v47 =	vmul.f32 v36, v13;
	v48 =	vmul.f32 v37, v14  }
0x1ce: {  	v25 =	vadd.f32 v34, v25;
	v39 =	vmul.f32 v50, v6;
	v19 =	vadd.f32 v24, v19  }
0x1cf: {  	v53 =	vld [tilespmem:s11+$0x2BA0];
	v51 =	vmul.f32 v40, v10;
	v20 =	vadd.f32 v48, v47;
	v56 =	vmul.f32 v44, v15  }
0x1d0: {  	v57 =	vmul.f32 v45, v16;
	v44 =	vadd.f32 v39, v25;
	v45 =	vmul.f32 v54, v3;
	[tilespmem:s13+$0x20] =	vst v19  }
0x1d1: {  	v52 =	vmul.f32 v41, v8;
	v55 =	vadd.f32 v51, v20;
	v58 =	vld [tilespmem:s30+$0x2A30]  }
0x1d2: {  	s3 =	sor.u32 s14, s3;
	v60 =	vmul.f32 v49, v17;
	v59 =	vld [tilespmem:s30+$0x2AB0];
	v20 =	vadd.f32 v57, v56;
	v23 =	vadd.f32 v45, v44  }
0x1d3: {  	s20 =	sor.u32 $0x400, s3;
	v61 =	vld [tilespmem:s30+$0x2B30];
	v19 =	vadd.f32 v52, v55  }
0x1d4: {  	v32 =	vmul.f32 v53, v18;
	v62 =	vld [tilespmem:s30+$0x2BB0];
	v63 =	vadd.f32 v60, v20;
	[tilespmem:s20+$0x1B800] =	vst v23  }
0x1d5: {  	v26 =	vld [tilespmem:s30+$0x2C10];
	[tilespmem:s16+$0x20] =	vst v19  }
0x1d6: {  	v19 =	vadd.f32 v32, v63;
	v33 =	vld [tilespmem:s31+$0x2830]  }
0x1d7: {  	v35 =	vld [tilespmem:s31+$0x28B0];
	v36 =	vmul.f32 v58, v11;
	v37 =	vmul.f32 v59, v12  }
0x1d8: {  	v38 =	vld [tilespmem:s31+$0x2930];
	[tilespmem:s17+$0x20] =	vst v19  }
0x1d9: {  	v42 =	vmul.f32 v61, v9;
	v41 =	vadd.f32 v37, v36;
	v43 =	vld [tilespmem:s11+$0x2A30]  }
0x1da: {  	v46 =	vld [tilespmem:s11+$0x2AB0]  }
0x1db: {  	v40 =	vld [tilespmem:s31+$0x29B0];
	v24 =	vmul.f32 v62, v7;
	v19 =	vadd.f32 v42, v41  }
0x1dc: {  	v49 =	vld [tilespmem:s11+$0x2B30];
	v47 =	vmul.f32 v33, v13;
	v48 =	vmul.f32 v35, v14  }
0x1dd: {  	v52 =	vld [tilespmem:s11+$0x2BB0];
	v19 =	vadd.f32 v24, v19  }
0x1de: {  	v42 =	vld [tilespmem:s30+$0x2C90];
	v50 =	vmul.f32 v38, v10;
	v20 =	vadd.f32 v48, v47  }
0x1df: {  	v54 =	vmul.f32 v43, v15;
	v55 =	vmul.f32 v46, v16;
	v46 =	vld [tilespmem:s30+$0x2D10];
	[tilespmem:s13+$0x30] =	vst v19  }
0x1e0: {  	v51 =	vmul.f32 v40, v8;
	v53 =	vadd.f32 v50, v20;
	v56 =	vld [tilespmem:s30+$0x2A40]  }
0x1e1: {  	v58 =	vmul.f32 v49, v17;
	v57 =	vld [tilespmem:s30+$0x2AC0];
	v20 =	vadd.f32 v55, v54  }
0x1e2: {  	v59 =	vld [tilespmem:s30+$0x2B40];
	v19 =	vadd.f32 v51, v53  }
0x1e3: {  	v62 =	vmul.f32 v52, v18;
	v60 =	vld [tilespmem:s30+$0x2BC0];
	v61 =	vadd.f32 v58, v20  }
0x1e4: {  	v50 =	vld [tilespmem:s30+$0x2D90];
	[tilespmem:s16+$0x30] =	vst v19  }
0x1e5: {  	v19 =	vadd.f32 v62, v61;
	v63 =	vld [tilespmem:s31+$0x2840]  }
0x1e6: {  	v32 =	vld [tilespmem:s31+$0x28C0];
	v33 =	vmul.f32 v56, v11;
	v34 =	vmul.f32 v57, v12  }
0x1e7: {  	v35 =	vld [tilespmem:s31+$0x2940];
	[tilespmem:s17+$0x30] =	vst v19  }
0x1e8: {  	v38 =	vmul.f32 v59, v9;
	v37 =	vadd.f32 v34, v33;
	v39 =	vld [tilespmem:s11+$0x2A40]  }
0x1e9: {  	v26 =	vmul.f32 v26, v4;
	v62 =	vmul.f32 v42, v5;
	v41 =	vld [tilespmem:s11+$0x2AC0]  }
0x1ea: {  	v36 =	vld [tilespmem:s31+$0x29C0];
	v40 =	vmul.f32 v60, v7;
	v19 =	vadd.f32 v38, v37  }
0x1eb: {  	v26 =	vadd.f32 v62, v26;
	v45 =	vld [tilespmem:s11+$0x2B40];
	v43 =	vmul.f32 v63, v13;
	v44 =	vmul.f32 v32, v14  }
0x1ec: {  	v47 =	vmul.f32 v35, v10;
	v35 =	vmul.f32 v46, v6;
	v19 =	vadd.f32 v40, v19  }
0x1ed: {  	v49 =	vld [tilespmem:s11+$0x2BC0];
	v20 =	vadd.f32 v44, v43;
	v52 =	vmul.f32 v39, v15  }
0x1ee: {  	v53 =	vmul.f32 v41, v16;
	v26 =	vadd.f32 v35, v26;
	v39 =	vmul.f32 v50, v3;
	[tilespmem:s13+$0x40] =	vst v19  }
0x1ef: {  	v48 =	vmul.f32 v36, v8;
	v51 =	vadd.f32 v47, v20;
	v54 =	vld [tilespmem:s30+$0x2A50]  }
0x1f0: {  	v56 =	vmul.f32 v45, v17;
	v55 =	vld [tilespmem:s30+$0x2AD0];
	v20 =	vadd.f32 v53, v52;
	v26 =	vadd.f32 v39, v26  }
0x1f1: {  	s20 =	sor.u32 $0x410, s3;
	v57 =	vld [tilespmem:s30+$0x2B50];
	v19 =	vadd.f32 v48, v51  }
0x1f2: {  	v60 =	vmul.f32 v49, v18;
	v58 =	vld [tilespmem:s30+$0x2BD0];
	v59 =	vadd.f32 v56, v20;
	[tilespmem:s20+$0x1B800] =	vst v26  }
0x1f3: {  	v25 =	vld [tilespmem:s30+$0x2C20];
	[tilespmem:s16+$0x40] =	vst v19  }
0x1f4: {  	v19 =	vadd.f32 v60, v59;
	v61 =	vld [tilespmem:s31+$0x2850]  }
0x1f5: {  	v63 =	vld [tilespmem:s31+$0x28D0];
	v32 =	vmul.f32 v54, v11;
	v33 =	vmul.f32 v55, v12  }
0x1f6: {  	v34 =	vld [tilespmem:s31+$0x2950];
	[tilespmem:s17+$0x40] =	vst v19  }
0x1f7: {  	v37 =	vmul.f32 v57, v9;
	v20 =	vadd.f32 v33, v32;
	v38 =	vld [tilespmem:s11+$0x2A50]  }
0x1f8: {  	v40 =	vld [tilespmem:s11+$0x2AD0]  }
0x1f9: {  	v36 =	vld [tilespmem:s31+$0x29D0];
	v24 =	vmul.f32 v58, v7;
	v20 =	vadd.f32 v37, v20  }
0x1fa: {  	v42 =	vld [tilespmem:s11+$0x2B50];
	v21 =	vmul.f32 v61, v13;
	v41 =	vmul.f32 v63, v14  }
0x1fb: {  	v35 =	vld [tilespmem:s30+$0x2CA0];
	v20 =	vadd.f32 v24, v20  }
0x1fc: {  	v44 =	vld [tilespmem:s11+$0x2BD0];
	v43 =	vmul.f32 v34, v10;
	v21 =	vadd.f32 v41, v21  }
0x1fd: {  	v39 =	vld [tilespmem:s30+$0x2D20];
	v46 =	vmul.f32 v38, v15;
	v47 =	vmul.f32 v40, v16;
	[tilespmem:s13+$0x50] =	vst v20  }
0x1fe: {  	v19 =	vmul.f32 v36, v8;
	v45 =	vadd.f32 v43, v21;
	v48 =	vld [tilespmem:s30+$0x2A60]  }
0x1ff: {  	v51 =	vmul.f32 v42, v17;
	v49 =	vld [tilespmem:s30+$0x2AE0];
	v50 =	vadd.f32 v47, v46  }
0x200: {  	v52 =	vld [tilespmem:s30+$0x2B60];
	v19 =	vadd.f32 v19, v45  }
0x201: {  	v55 =	vmul.f32 v44, v18;
	v53 =	vld [tilespmem:s30+$0x2BE0];
	v54 =	vadd.f32 v51, v50  }
0x202: {  	v43 =	vld [tilespmem:s30+$0x2DA0];
	[tilespmem:s16+$0x50] =	vst v19  }
0x203: {  	v19 =	vadd.f32 v55, v54;
	v56 =	vld [tilespmem:s31+$0x2860]  }
0x204: {  	v57 =	vld [tilespmem:s31+$0x28E0];
	v58 =	vmul.f32 v48, v11;
	v59 =	vmul.f32 v49, v12  }
0x205: {  	v60 =	vld [tilespmem:s31+$0x2960];
	[tilespmem:s17+$0x50] =	vst v19  }
0x206: {  	v63 =	vmul.f32 v52, v9;
	v62 =	vadd.f32 v59, v58;
	v32 =	vld [tilespmem:s11+$0x2A60]  }
0x207: {  	v29 =	vmul.f32 v35, v5;
	v34 =	vld [tilespmem:s11+$0x2AE0]  }
0x208: {  	v61 =	vld [tilespmem:s31+$0x29E0];
	v33 =	vmul.f32 v53, v7;
	v49 =	vmul.f32 v25, v4;
	v19 =	vadd.f32 v63, v62  }
0x209: {  	v38 =	vld [tilespmem:s11+$0x2B60];
	v36 =	vmul.f32 v56, v13;
	v37 =	vmul.f32 v57, v14  }
0x20a: {  	v23 =	vmul.f32 v39, v6;
	v24 =	vadd.f32 v29, v49;
	v19 =	vadd.f32 v33, v19  }
0x20b: {  	v42 =	vld [tilespmem:s11+$0x2BE0];
	v40 =	vmul.f32 v60, v10;
	v20 =	vadd.f32 v37, v36;
	v44 =	vmul.f32 v32, v15  }
0x20c: {  	v23 =	vadd.f32 v23, v24;
	v45 =	vmul.f32 v34, v16;
	[tilespmem:s13+$0x60] =	vst v19;
	v19 =	vmul.f32 v43, v3  }
0x20d: {  	v41 =	vmul.f32 v61, v8;
	v20 =	vadd.f32 v40, v20;
	v46 =	vld [tilespmem:s30+$0x2A70]  }
0x20e: {  	v48 =	vmul.f32 v38, v17;
	v47 =	vld [tilespmem:s30+$0x2AF0];
	v21 =	vadd.f32 v45, v44;
	v19 =	vadd.f32 v19, v23  }
0x20f: {  	s20 =	sor.u32 $0x420, s3;
	v50 =	vld [tilespmem:s30+$0x2B70];
	v20 =	vadd.f32 v41, v20  }
0x210: {  	v52 =	vmul.f32 v42, v18;
	v51 =	vld [tilespmem:s30+$0x2BF0];
	v21 =	vadd.f32 v48, v21;
	[tilespmem:s20+$0x1B800] =	vst v19  }
0x211: {  	[tilespmem:s16+$0x60] =	vst v20;
	v33 =	vld [tilespmem:s30+$0x2C30]  }
0x212: {  	v21 =	vadd.f32 v52, v21;
	v53 =	vld [tilespmem:s31+$0x2870]  }
0x213: {  	v54 =	vld [tilespmem:s31+$0x28F0]  }
0x214: {  	v55 =	vld [tilespmem:s31+$0x2970];
	v56 =	vmul.f32 v46, v11;
	v26 =	vmul.f32 v47, v12;
	[tilespmem:s17+$0x60] =	vst v21  }
0x215: {  	v21 =	vld [tilespmem:s11+$0x2A70]  }
0x216: {  	v59 =	vmul.f32 v50, v9;
	v58 =	vadd.f32 v26, v56;
	v60 =	vld [tilespmem:s11+$0x2AF0]  }
0x217: {  	v57 =	vld [tilespmem:s31+$0x29F0];
	v20 =	vmul.f32 v51, v7  }
0x218: {  	v61 =	vld [tilespmem:s11+$0x2B70];
	v23 =	vadd.f32 v59, v58;
	v63 =	vmul.f32 v53, v13;
	v32 =	vmul.f32 v54, v14  }
0x219: {  	v34 =	vld [tilespmem:s30+$0x2CB0]  }
0x21a: {  	v62 =	vld [tilespmem:s11+$0x2BF0];
	v22 =	vmul.f32 v55, v10;
	v20 =	vadd.f32 v20, v23;
	v24 =	vadd.f32 v32, v63  }
0x21b: {  	v35 =	vld [tilespmem:s30+$0x2D30];
	v21 =	vmul.f32 v21, v15;
	v25 =	vmul.f32 v60, v16  }
0x21c: {  	v36 =	vld [tilespmem:s30+$0x2DB0];
	v37 =	vmul.f32 v57, v8;
	[tilespmem:s13+$0x70] =	vst v20;
	v22 =	vadd.f32 v22, v24  }
0x21d: {  	v39 =	vmul.f32 v61, v17;
	v38 =	vld [tilespmem:s30+$0x2E00];
	v21 =	vadd.f32 v25, v21  }
0x21e: {  	v40 =	vld [tilespmem:s30+$0x2E80];
	v22 =	vadd.f32 v37, v22  }
0x21f: {  	v19 =	vmul.f32 v62, v18;
	v41 =	vld [tilespmem:s30+$0x2F00];
	v21 =	vadd.f32 v39, v21  }
0x220: {  	v42 =	vld [tilespmem:s30+$0x2F80];
	[tilespmem:s16+$0x70] =	vst v22  }
0x221: {  	v19 =	vadd.f32 v19, v21;
	v43 =	vld [tilespmem:s31+$0x2C00]  }
0x222: {  	v44 =	vmul.f32 v33, v4;
	v23 =	vmul.f32 v34, v5;
	v45 =	vld [tilespmem:s31+$0x2C80]  }
0x223: {  	v27 =	vmul.f32 v38, v11;
	v26 =	vmul.f32 v40, v12;
	v46 =	vld [tilespmem:s31+$0x2D00];
	[tilespmem:s17+$0x70] =	vst v19  }
0x224: {  	v47 =	vmul.f32 v35, v6;
	v21 =	vadd.f32 v23, v44;
	v48 =	vld [tilespmem:s0+$0x2A00]  }
0x225: {  	v24 =	vmul.f32 v41, v9;
	v26 =	vadd.f32 v26, v27;
	v49 =	vld [tilespmem:s0+$0x2A80]  }
0x226: {  	v20 =	vmul.f32 v36, v3;
	v22 =	vmul.f32 v42, v7;
	v50 =	vld [tilespmem:s31+$0x2D80];
	v21 =	vadd.f32 v47, v21  }
0x227: {  	v52 =	vld [tilespmem:s0+$0x2B00];
	v24 =	vadd.f32 v24, v26;
	v25 =	vmul.f32 v43, v13;
	v51 =	vmul.f32 v45, v14  }
0x228: {  	v20 =	vadd.f32 v20, v21  }
0x229: {  	s9 =	sor.u32 s14, s9;
	s16 =	sor.u32 $0x430, s3;
	v55 =	vld [tilespmem:s0+$0x2B80];
	v19 =	vmul.f32 v46, v10;
	v53 =	vadd.f32 v22, v24;
	v54 =	vadd.f32 v51, v25  }
0x22a: {  	s17 =	sor.u32 $0x400, s9;
	[tilespmem:s16+$0x1B800] =	vst v20;
	v56 =	vmul.f32 v48, v15;
	v57 =	vmul.f32 v49, v16  }
0x22b: {  	v59 =	vmul.f32 v50, v8;
	v58 =	vld [tilespmem:s30+$0x2C40];
	[tilespmem:s17+$0x1B800] =	vst v53;
	v19 =	vadd.f32 v19, v54  }
0x22c: {  	v61 =	vmul.f32 v52, v17;
	v60 =	vld [tilespmem:s30+$0x2E10];
	v20 =	vadd.f32 v57, v56  }
0x22d: {  	s8 =	sor.u32 s14, s8;
	v62 =	vld [tilespmem:s30+$0x2E90];
	v19 =	vadd.f32 v59, v19  }
0x22e: {  	s20 =	sor.u32 $0x400, s8;
	v30 =	vmul.f32 v55, v18;
	v63 =	vld [tilespmem:s30+$0x2F10];
	v20 =	vadd.f32 v61, v20  }
0x22f: {  	v31 =	vld [tilespmem:s30+$0x2F90];
	[tilespmem:s20+$0x1B800] =	vst v19  }
0x230: {  	s10 =	sor.u32 s14, s10;
	v20 =	vadd.f32 v30, v20;
	v32 =	vld [tilespmem:s31+$0x2C10]  }
0x231: {  	s13 =	sor.u32 $0x400, s10;
	v33 =	vld [tilespmem:s31+$0x2C90]  }
0x232: {  	v22 =	vmul.f32 v60, v11;
	v25 =	vmul.f32 v62, v12;
	v34 =	vld [tilespmem:s31+$0x2D10];
	[tilespmem:s13+$0x1B800] =	vst v20  }
0x233: {  	v20 =	vld [tilespmem:s0+$0x2A10]  }
0x234: {  	v21 =	vmul.f32 v63, v9;
	v22 =	vadd.f32 v25, v22;
	v35 =	vld [tilespmem:s0+$0x2A90]  }
0x235: {  	v19 =	vmul.f32 v31, v7;
	v36 =	vld [tilespmem:s31+$0x2D90]  }
0x236: {  	v38 =	vld [tilespmem:s0+$0x2B10];
	v21 =	vadd.f32 v21, v22;
	v37 =	vmul.f32 v32, v13;
	v23 =	vmul.f32 v33, v14  }
0x237: {  	v39 =	vld [tilespmem:s30+$0x2CC0]  }
0x238: {  	v42 =	vld [tilespmem:s0+$0x2B90];
	v41 =	vmul.f32 v34, v10;
	v19 =	vadd.f32 v19, v21;
	v40 =	vadd.f32 v23, v37  }
0x239: {  	s14 =	sor.u32 $0x410, s9;
	v43 =	vld [tilespmem:s30+$0x2D40];
	v20 =	vmul.f32 v20, v15;
	v25 =	vmul.f32 v35, v16  }
0x23a: {  	v44 =	vld [tilespmem:s30+$0x2DC0];
	v45 =	vmul.f32 v36, v8;
	[tilespmem:s14+$0x1B800] =	vst v19;
	v21 =	vadd.f32 v41, v40  }
0x23b: {  	v24 =	vmul.f32 v38, v17;
	v46 =	vld [tilespmem:s30+$0x2E20];
	v20 =	vadd.f32 v25, v20  }
0x23c: {  	v47 =	vld [tilespmem:s30+$0x2EA0];
	v21 =	vadd.f32 v45, v21  }
0x23d: {  	s16 =	sor.u32 $0x410, s8;
	v23 =	vmul.f32 v42, v18;
	v48 =	vld [tilespmem:s30+$0x2F20];
	v20 =	vadd.f32 v24, v20  }
0x23e: {  	v49 =	vld [tilespmem:s30+$0x2FA0];
	[tilespmem:s16+$0x1B800] =	vst v21  }
0x23f: {  	v20 =	vadd.f32 v23, v20;
	v21 =	vld [tilespmem:s31+$0x2C20]  }
0x240: {  	s17 =	sor.u32 $0x410, s10;
	v50 =	vmul.f32 v58, v4;
	v51 =	vmul.f32 v39, v5;
	v52 =	vld [tilespmem:s31+$0x2CA0]  }
0x241: {  	v28 =	vmul.f32 v46, v11;
	v25 =	vmul.f32 v47, v12;
	v53 =	vld [tilespmem:s31+$0x2D20];
	[tilespmem:s17+$0x1B800] =	vst v20  }
0x242: {  	v54 =	vmul.f32 v43, v6;
	v23 =	vadd.f32 v51, v50;
	v55 =	vld [tilespmem:s0+$0x2A20]  }
0x243: {  	v22 =	vmul.f32 v48, v9;
	v25 =	vadd.f32 v25, v28;
	v56 =	vld [tilespmem:s0+$0x2AA0]  }
0x244: {  	v19 =	vmul.f32 v44, v3;
	v24 =	vmul.f32 v49, v7;
	v57 =	vld [tilespmem:s31+$0x2DA0];
	v23 =	vadd.f32 v54, v23  }
0x245: {  	v59 =	vld [tilespmem:s0+$0x2B20];
	v22 =	vadd.f32 v22, v25;
	v21 =	vmul.f32 v21, v13;
	v58 =	vmul.f32 v52, v14  }
0x246: {  	v19 =	vadd.f32 v19, v23  }
0x247: {  	s20 =	sor.u32 $0x440, s3;
	v60 =	vld [tilespmem:s0+$0x2BA0];
	v20 =	vmul.f32 v53, v10;
	v22 =	vadd.f32 v24, v22;
	v21 =	vadd.f32 v58, v21  }
0x248: {  	s13 =	sor.u32 $0x420, s9;
	[tilespmem:s20+$0x1B800] =	vst v19;
	v61 =	vmul.f32 v55, v15;
	v62 =	vmul.f32 v56, v16  }
0x249: {  	v28 =	vmul.f32 v57, v8;
	v63 =	vld [tilespmem:s30+$0x2C50];
	[tilespmem:s13+$0x1B800] =	vst v22;
	v20 =	vadd.f32 v20, v21  }
0x24a: {  	v29 =	vmul.f32 v59, v17;
	v22 =	vld [tilespmem:s30+$0x2E30];
	v19 =	vadd.f32 v62, v61  }
0x24b: {  	v30 =	vld [tilespmem:s30+$0x2EB0];
	v20 =	vadd.f32 v28, v20  }
0x24c: {  	s14 =	sor.u32 $0x420, s8;
	v23 =	vmul.f32 v60, v18;
	v31 =	vld [tilespmem:s30+$0x2F30];
	v19 =	vadd.f32 v29, v19  }
0x24d: {  	v32 =	vld [tilespmem:s30+$0x2FB0];
	[tilespmem:s14+$0x1B800] =	vst v20  }
0x24e: {  	v19 =	vadd.f32 v23, v19;
	v20 =	vld [tilespmem:s31+$0x2C30]  }
0x24f: {  	s16 =	sor.u32 $0x420, s10;
	v33 =	vld [tilespmem:s31+$0x2CB0]  }
0x250: {  	v22 =	vmul.f32 v22, v11;
	v26 =	vmul.f32 v30, v12;
	v34 =	vld [tilespmem:s31+$0x2D30];
	[tilespmem:s16+$0x1B800] =	vst v19  }
0x251: {  	v19 =	vld [tilespmem:s0+$0x2A30]  }
0x252: {  	v21 =	vmul.f32 v31, v9;
	v22 =	vadd.f32 v26, v22;
	v35 =	vld [tilespmem:s0+$0x2AB0]  }
0x253: {  	v24 =	vmul.f32 v32, v7;
	v36 =	vld [tilespmem:s31+$0x2DB0]  }
0x254: {  	v38 =	vld [tilespmem:s0+$0x2B30];
	v21 =	vadd.f32 v21, v22;
	v20 =	vmul.f32 v20, v13;
	v37 =	vmul.f32 v33, v14  }
0x255: {  	v39 =	vld [tilespmem:s30+$0x2CD0]  }
0x256: {  	v41 =	vld [tilespmem:s0+$0x2BB0];
	v40 =	vmul.f32 v34, v10;
	v21 =	vadd.f32 v24, v21;
	v20 =	vadd.f32 v37, v20  }
0x257: {  	s17 =	sor.u32 $0x430, s9;
	v42 =	vld [tilespmem:s30+$0x2D50];
	v19 =	vmul.f32 v19, v15;
	v26 =	vmul.f32 v35, v16  }
0x258: {  	v43 =	vld [tilespmem:s30+$0x2DD0];
	v44 =	vmul.f32 v36, v8;
	[tilespmem:s17+$0x1B800] =	vst v21;
	v20 =	vadd.f32 v40, v20  }
0x259: {  	v23 =	vmul.f32 v38, v17;
	v45 =	vld [tilespmem:s30+$0x2E40];
	v19 =	vadd.f32 v26, v19  }
0x25a: {  	v46 =	vld [tilespmem:s30+$0x2EC0];
	v20 =	vadd.f32 v44, v20  }
0x25b: {  	s20 =	sor.u32 $0x430, s8;
	v48 =	vmul.f32 v41, v18;
	v47 =	vld [tilespmem:s30+$0x2F40];
	v19 =	vadd.f32 v23, v19  }
0x25c: {  	v49 =	vld [tilespmem:s30+$0x2FC0];
	[tilespmem:s20+$0x1B800] =	vst v20  }
0x25d: {  	v19 =	vadd.f32 v48, v19;
	v20 =	vld [tilespmem:s31+$0x2C40]  }
0x25e: {  	s13 =	sor.u32 $0x430, s10;
	v50 =	vmul.f32 v63, v4;
	v51 =	vmul.f32 v39, v5;
	v52 =	vld [tilespmem:s31+$0x2CC0]  }
0x25f: {  	v28 =	vmul.f32 v45, v11;
	v26 =	vmul.f32 v46, v12;
	v53 =	vld [tilespmem:s31+$0x2D40];
	[tilespmem:s13+$0x1B800] =	vst v19  }
0x260: {  	v54 =	vmul.f32 v42, v6;
	v23 =	vadd.f32 v51, v50;
	v55 =	vld [tilespmem:s0+$0x2A40]  }
0x261: {  	v22 =	vmul.f32 v47, v9;
	v26 =	vadd.f32 v26, v28;
	v56 =	vld [tilespmem:s0+$0x2AC0]  }
0x262: {  	v21 =	vmul.f32 v43, v3;
	v23 =	vadd.f32 v54, v23;
	v24 =	vmul.f32 v49, v7;
	v57 =	vld [tilespmem:s31+$0x2DC0]  }
0x263: {  	v59 =	vld [tilespmem:s0+$0x2B40];
	v22 =	vadd.f32 v22, v26;
	v20 =	vmul.f32 v20, v13;
	v58 =	vmul.f32 v52, v14  }
0x264: {  	v21 =	vadd.f32 v21, v23  }
0x265: {  	s14 =	sor.u32 $0x450, s3;
	v60 =	vld [tilespmem:s0+$0x2BC0];
	v19 =	vmul.f32 v53, v10;
	v22 =	vadd.f32 v24, v22;
	v20 =	vadd.f32 v58, v20  }
0x266: {  	s16 =	sor.u32 $0x440, s9;
	[tilespmem:s14+$0x1B800] =	vst v21;
	v61 =	vmul.f32 v55, v15;
	v62 =	vmul.f32 v56, v16  }
0x267: {  	v63 =	vld [tilespmem:s30+$0x2C60];
	v28 =	vmul.f32 v57, v8;
	[tilespmem:s16+$0x1B800] =	vst v22;
	v19 =	vadd.f32 v19, v20  }
0x268: {  	v30 =	vmul.f32 v59, v17;
	v22 =	vld [tilespmem:s30+$0x2E50];
	v21 =	vadd.f32 v62, v61  }
0x269: {  	v31 =	vld [tilespmem:s30+$0x2ED0];
	v19 =	vadd.f32 v28, v19  }
0x26a: {  	s17 =	sor.u32 $0x440, s8;
	v23 =	vmul.f32 v60, v18;
	v32 =	vld [tilespmem:s30+$0x2F50];
	v21 =	vadd.f32 v30, v21  }
0x26b: {  	v33 =	vld [tilespmem:s30+$0x2FD0];
	[tilespmem:s17+$0x1B800] =	vst v19  }
0x26c: {  	v21 =	vadd.f32 v23, v21;
	v19 =	vld [tilespmem:s31+$0x2C50]  }
0x26d: {  	s20 =	sor.u32 $0x440, s10;
	v34 =	vld [tilespmem:s31+$0x2CD0]  }
0x26e: {  	v22 =	vmul.f32 v22, v11;
	v25 =	vmul.f32 v31, v12;
	v35 =	vld [tilespmem:s31+$0x2D50];
	[tilespmem:s20+$0x1B800] =	vst v21  }
0x26f: {  	v21 =	vld [tilespmem:s0+$0x2A50]  }
0x270: {  	v20 =	vmul.f32 v32, v9;
	v22 =	vadd.f32 v25, v22;
	v36 =	vld [tilespmem:s0+$0x2AD0]  }
0x271: {  	v24 =	vmul.f32 v33, v7;
	v37 =	vld [tilespmem:s31+$0x2DD0]  }
0x272: {  	v39 =	vld [tilespmem:s0+$0x2B50];
	v20 =	vadd.f32 v20, v22;
	v19 =	vmul.f32 v19, v13;
	v38 =	vmul.f32 v34, v14  }
0x273: {  	v40 =	vld [tilespmem:s30+$0x2CE0]  }
0x274: {  	v42 =	vld [tilespmem:s0+$0x2BD0];
	v41 =	vmul.f32 v35, v10;
	v20 =	vadd.f32 v24, v20;
	v19 =	vadd.f32 v38, v19  }
0x275: {  	s13 =	sor.u32 $0x450, s9;
	v43 =	vld [tilespmem:s30+$0x2D60];
	v21 =	vmul.f32 v21, v15;
	v25 =	vmul.f32 v36, v16  }
0x276: {  	v44 =	vld [tilespmem:s30+$0x2DE0];
	v45 =	vmul.f32 v37, v8;
	[tilespmem:s13+$0x1B800] =	vst v20;
	v19 =	vadd.f32 v41, v19  }
0x277: {  	v23 =	vmul.f32 v39, v17;
	v46 =	vld [tilespmem:s30+$0x2E60];
	v21 =	vadd.f32 v25, v21  }
0x278: {  	v48 =	vld [tilespmem:s30+$0x2EE0];
	v19 =	vadd.f32 v45, v19  }
0x279: {  	s14 =	sor.u32 $0x450, s8;
	v51 =	vmul.f32 v42, v18;
	v50 =	vld [tilespmem:s30+$0x2F60];
	v21 =	vadd.f32 v23, v21  }
0x27a: {  	v47 =	vmul.f32 v63, v4;
	v49 =	vmul.f32 v40, v5;
	v52 =	vld [tilespmem:s30+$0x2FE0];
	[tilespmem:s14+$0x1B800] =	vst v19  }
0x27b: {  	v21 =	vadd.f32 v51, v21;
	v55 =	vld [tilespmem:s31+$0x2C60]  }
0x27c: {  	s16 =	sor.u32 $0x450, s10;
	v54 =	vmul.f32 v43, v6;
	v53 =	vadd.f32 v49, v47;
	v56 =	vld [tilespmem:s31+$0x2CE0]  }
0x27d: {  	v57 =	vld [tilespmem:s31+$0x2D60];
	v58 =	vmul.f32 v46, v11;
	v26 =	vmul.f32 v48, v12;
	[tilespmem:s16+$0x1B800] =	vst v21  }
0x27e: {  	v20 =	vmul.f32 v44, v3;
	v19 =	vadd.f32 v54, v53;
	v59 =	vld [tilespmem:s0+$0x2A60]  }
0x27f: {  	v61 =	vmul.f32 v50, v9;
	v60 =	vld [tilespmem:s0+$0x2AE0];
	v21 =	vadd.f32 v26, v58  }
0x280: {  	v62 =	vld [tilespmem:s31+$0x2DE0];
	v19 =	vadd.f32 v20, v19  }
0x281: {  	s17 =	sor.u32 $0x460, s3;
	v24 =	vmul.f32 v52, v7;
	v32 =	vld [tilespmem:s0+$0x2B60];
	v21 =	vadd.f32 v61, v21  }
0x282: {  	v34 =	vld [tilespmem:s0+$0x2BE0];
	[tilespmem:s17+$0x1B800] =	vst v19;
	v63 =	vmul.f32 v55, v13;
	v23 =	vmul.f32 v56, v14  }
0x283: {  	v33 =	vld [tilespmem:s30+$0x2C70];
	v22 =	vmul.f32 v57, v10;
	v21 =	vadd.f32 v24, v21  }
0x284: {  	v35 =	vld [tilespmem:s30+$0x2CF0];
	v19 =	vadd.f32 v23, v63;
	v36 =	vmul.f32 v59, v15;
	v20 =	vmul.f32 v60, v16  }
0x285: {  	s20 =	sor.u32 $0x460, s9;
	v37 =	vld [tilespmem:s30+$0x2D70];
	v39 =	vmul.f32 v62, v8  }
0x286: {  	v38 =	vld [tilespmem:s30+$0x2DF0];
	v40 =	vmul.f32 v32, v17;
	[tilespmem:s20+$0x1B800] =	vst v21;
	v19 =	vadd.f32 v22, v19;
	v20 =	vadd.f32 v20, v36  }
0x287: {  	v41 =	vld [tilespmem:s30+$0x2E70]  }
0x288: {  	v43 =	vmul.f32 v34, v18;
	v42 =	vld [tilespmem:s30+$0x2EF0];
	v19 =	vadd.f32 v39, v19;
	v20 =	vadd.f32 v40, v20  }
0x289: {  	s13 =	sor.u32 $0x460, s8;
	v44 =	vld [tilespmem:s30+$0x2F70]  }
0x28a: {  	v45 =	vld [tilespmem:s30+$0x2FF0];
	[tilespmem:s13+$0x1B800] =	vst v19;
	v46 =	vadd.f32 v43, v20  }
0x28b: {  	s14 =	sor.u32 $0x460, s10;
	v47 =	vld [tilespmem:s31+$0x2C70]  }
0x28c: {  	v48 =	vld [tilespmem:s31+$0x2CF0];
	[tilespmem:s14+$0x1B800] =	vst v46  }
0x28d: {  	v19 =	vld [tilespmem:s0+$0x2A70]  }
0x28e: {  	v4 =	vmul.f32 v33, v4;
	v5 =	vmul.f32 v35, v5;
	v49 =	vld [tilespmem:s0+$0x2AF0]  }
0x28f: {  	v6 =	vmul.f32 v37, v6;
	v50 =	vld [tilespmem:s31+$0x2D70]  }
0x290: {  	v3 =	vmul.f32 v38, v3;
	v4 =	vadd.f32 v5, v4;
	v11 =	vmul.f32 v41, v11;
	v51 =	vld [tilespmem:s0+$0x2B70]  }
0x291: {  	v12 =	vmul.f32 v42, v12;
	v52 =	vmul.f32 v44, v9;
	v53 =	vld [tilespmem:s31+$0x2DF0]  }
0x292: {  	v4 =	vadd.f32 v6, v4;
	v56 =	vld [tilespmem:s0+$0x2BF0];
	v54 =	vmul.f32 v47, v13;
	v55 =	vmul.f32 v48, v14  }
0x293: {  	v11 =	vadd.f32 v12, v11;
	v57 =	vmul.f32 v19, v15;
	v58 =	vmul.f32 v49, v16  }
0x294: {  	v7 =	vmul.f32 v45, v7;
	v10 =	vmul.f32 v50, v10;
	v59 =	vadd.f32 v55, v54  }
0x295: {  	v5 =	vadd.f32 v52, v11;
	v60 =	vmul.f32 v51, v17;
	v6 =	vadd.f32 v58, v57  }
0x296: {  	p1 =	slt.u32 s29, $0x2C;
	v3 =	vadd.f32 v3, v4;
	v8 =	vmul.f32 v53, v8;
	v61 =	vadd.f32 v10, v59  }
.Ltmp5:
0x297: {  	s16 =	sor.u32 $0x470, s3;
	v5 =	vadd.f32 v7, v5;
	v62 =	vmul.f32 v56, v18;
	v6 =	vadd.f32 v60, v6;
	(pc) =	sbr.rel @p1 .LBB2_4-.Ltmp5, $4  }
0x298: {  	s17 =	sor.u32 $0x470, s9;
	[tilespmem:s16+$0x1B800] =	vst v3;
	v3 =	vadd.f32 v8, v61  }
0x299: {  	s20 =	sor.u32 $0x470, s8;
	[tilespmem:s17+$0x1B800] =	vst v5;
	v63 =	vadd.f32 v62, v6  }
0x29a: {  	s30 =	sor.u32 $0x470, s10;
	s31 =	sadd.s32 $0x4, s29;
	[tilespmem:s20+$0x1B800] =	vst v3  }
0x29b: {  	s29 =	smov.u32 s31;
	[tilespmem:s30+$0x1B800] =	vst v63  }
0x29c: {  	v5 =	vld [tilespmem:$0x1400]  }
0x29d: {  	v6 =	vld [tilespmem:$0x1410]  }
0x29e: {  	v4 =	vld [tilespmem:$0x1420]  }
0x29f: {  	v3 =	vld [tilespmem:$0x1430]  }
0x2a0: {  	v7 =	vld [tilespmem:$0xE800]  }
0x2a1: {  	v8 =	vld [tilespmem:$0xE880]  }
0x2a2: {  	v9 =	vld [tilespmem:$0xE900]  }
0x2a3: {  	v10 =	vld [tilespmem:$0xE980]  }
0x2a4: {  	v11 =	vld [tilespmem:$0xE810]  }
0x2a5: {  	v12 =	vld [tilespmem:$0xE890]  }
0x2a6: {  	v13 =	vld [tilespmem:$0xE910]  }
0x2a7: {  	v14 =	vld [tilespmem:$0xE990]  }
0x2a8: {  	v15 =	vld [tilespmem:$0xE820]  }
0x2a9: {  	v16 =	vld [tilespmem:$0xE8A0]  }
0x2aa: {  	v17 =	vld [tilespmem:$0xE920]  }
0x2ab: {  	v18 =	vld [tilespmem:$0xE9A0]  }
0x2ac: {  	v19 =	vld [tilespmem:$0xE830]  }
0x2ad: {  	v20 =	vld [tilespmem:$0xE8B0]  }
0x2ae: {  	v21 =	vld [tilespmem:$0xE930]  }
0x2af: {  	v22 =	vld [tilespmem:$0xE9B0]  }
0x2b0: {  	v23 =	vld [tilespmem:$0xE840]  }
0x2b1: {  	v24 =	vld [tilespmem:$0xE8C0]  }
0x2b2: {  	v25 =	vld [tilespmem:$0xE940]  }
0x2b3: {  	v26 =	vld [tilespmem:$0xE9C0]  }
0x2b4: {  	v27 =	vld [tilespmem:$0xE850]  }
0x2b5: {  	v28 =	vld [tilespmem:$0xE8D0]  }
0x2b6: {  	v29 =	vld [tilespmem:$0xE950]  }
0x2b7: {  	v30 =	vld [tilespmem:$0xE9D0]  }
0x2b8: {  	v31 =	vld [tilespmem:$0xE860]  }
0x2b9: {  	v32 =	vld [tilespmem:$0xE8E0]  }
0x2ba: {  	v33 =	vld [tilespmem:$0xE960]  }
0x2bb: {  	v34 =	vld [tilespmem:$0xE9E0]  }
0x2bc: {  	v35 =	vld [tilespmem:$0xE870];
	v7 =	vmul.f32 v7, v5  }
0x2bd: {  	v36 =	vld [tilespmem:$0xE8F0];
	v8 =	vmul.f32 v8, v6;
	v11 =	vmul.f32 v11, v5  }
0x2be: {  	v37 =	vld [tilespmem:$0xE970];
	v12 =	vmul.f32 v12, v6;
	v46 =	vmul.f32 v9, v4  }
0x2bf: {  	v38 =	vld [tilespmem:$0xE9F0];
	v47 =	vmul.f32 v13, v4;
	v48 =	vmul.f32 v15, v5  }
0x2c0: {  	v39 =	vld [tilespmem:$0xEC00];
	v49 =	vmul.f32 v16, v6;
	v50 =	vmul.f32 v19, v5  }
0x2c1: {  	v40 =	vld [tilespmem:$0xEC30];
	v51 =	vmul.f32 v20, v6;
	v10 =	vmul.f32 v10, v3  }
0x2c2: {  	v43 =	vld [tilespmem:$0xECB0];
	v52 =	vmul.f32 v17, v4;
	v14 =	vmul.f32 v14, v3  }
0x2c3: {  	v9 =	vld [tilespmem:$0xEC80];
	v53 =	vmul.f32 v21, v4;
	v54 =	vmul.f32 v18, v3  }
0x2c4: {  	v13 =	vld [tilespmem:$0xED00];
	v55 =	vmul.f32 v22, v3;
	v56 =	vmul.f32 v23, v5  }
0x2c5: {  	v16 =	vld [tilespmem:$0xED80];
	v57 =	vmul.f32 v24, v6;
	v58 =	vmul.f32 v27, v5  }
0x2c6: {  	v20 =	vld [tilespmem:$0xEC10];
	v59 =	vmul.f32 v28, v6;
	v60 =	vmul.f32 v25, v4  }
0x2c7: {  	v17 =	vld [tilespmem:$0xEC90];
	v61 =	vmul.f32 v26, v3;
	v62 =	vmul.f32 v29, v4  }
0x2c8: {  	v21 =	vld [tilespmem:$0xED10];
	v63 =	vmul.f32 v30, v3;
	v41 =	vmul.f32 v31, v5  }
0x2c9: {  	v15 =	vld [tilespmem:$0xED90];
	v42 =	vmul.f32 v32, v6;
	v44 =	vmul.f32 v35, v5  }
0x2ca: {  	v18 =	vld [tilespmem:$0xEC20];
	v45 =	vmul.f32 v36, v6;
	v7 =	vadd.f32 v8, v7;
	v11 =	vadd.f32 v12, v11  }
0x2cb: {  	v22 =	vld [tilespmem:$0xECA0];
	v34 =	vmul.f32 v34, v3;
	v8 =	vadd.f32 v49, v48;
	v12 =	vadd.f32 v51, v50  }
0x2cc: {  	v24 =	vld [tilespmem:$0xED20];
	v19 =	vadd.f32 v42, v41;
	v23 =	vadd.f32 v45, v44;
	v49 =	vmul.f32 v37, v4  }
0x2cd: {  	v26 =	vld [tilespmem:$0xEDA0];
	v51 =	vmul.f32 v39, v5;
	v7 =	vadd.f32 v46, v7;
	v11 =	vadd.f32 v47, v11  }
0x2ce: {  	v25 =	vld [tilespmem:$0xEDC0];
	v8 =	vadd.f32 v52, v8;
	v12 =	vadd.f32 v53, v12;
	v47 =	vmul.f32 v33, v4  }
0x2cf: {  	v35 =	vld [tilespmem:$0xEC60];
	v23 =	vadd.f32 v49, v23;
	v9 =	vmul.f32 v9, v6;
	v20 =	vmul.f32 v20, v5  }
0x2d0: {  	v48 =	vld [tilespmem:$0xEDB0];
	v17 =	vmul.f32 v17, v6;
	v13 =	vmul.f32 v13, v4;
	v7 =	vadd.f32 v10, v7  }
0x2d1: {  	v50 =	vld [tilespmem:$0xEC40];
	v15 =	vmul.f32 v15, v3;
	v11 =	vadd.f32 v14, v11;
	v8 =	vadd.f32 v54, v8  }
0x2d2: {  	v39 =	vld [tilespmem:$0xECE0];
	v37 =	vmul.f32 v24, v4;
	v12 =	vadd.f32 v55, v12;
	v10 =	vadd.f32 v57, v56  }
0x2d3: {  	v46 =	vld [tilespmem:$0xED30];
	v14 =	vadd.f32 v59, v58;
	v54 =	vmul.f32 v38, v3;
	v55 =	vmul.f32 v21, v4  }
0x2d4: {  	v52 =	vld [tilespmem:$0xECC0];
	v19 =	vadd.f32 v47, v19;
	v57 =	vmul.f32 v16, v3;
	v38 =	vmul.f32 v26, v3  }
0x2d5: {  	v53 =	vld [tilespmem:$0xED40];
	v9 =	vadd.f32 v9, v51;
	v17 =	vadd.f32 v17, v20;
	v42 =	vmul.f32 v48, v3  }
0x2d6: {  	v56 =	vld [tilespmem:$0xEC50];
	v44 =	vmul.f32 v50, v5;
	v10 =	vadd.f32 v60, v10;
	v14 =	vadd.f32 v62, v14  }
0x2d7: {  	v58 =	vld [tilespmem:$0xECD0];
	v19 =	vadd.f32 v34, v19;
	v23 =	vadd.f32 v54, v23;
	v60 =	vmul.f32 v18, v5  }
0x2d8: {  	v59 =	vld [tilespmem:$0xED50];
	v34 =	vmul.f32 v43, v6;
	v54 =	vmul.f32 v39, v6;
	v9 =	vadd.f32 v13, v9  }
0x2d9: {  	v48 =	vld [tilespmem:$0xED60];
	v17 =	vadd.f32 v55, v17;
	v41 =	vmul.f32 v46, v4;
	v45 =	vmul.f32 v52, v6  }
0x2da: {  	v50 =	vld [tilespmem:$0xED70];
	[tilespmem:$0x1E800] =	vst v7;
	v49 =	vmul.f32 v53, v4;
	v53 =	vmul.f32 v35, v5;
	v10 =	vadd.f32 v61, v10  }
0x2db: {  	[tilespmem:$0x1E810] =	vst v11;
	v43 =	vld [tilespmem:$0xEC70];
	v14 =	vadd.f32 v63, v14;
	v61 =	vmul.f32 v22, v6;
	v63 =	vmul.f32 v40, v5  }
0x2dc: {  	[tilespmem:$0x1E820] =	vst v8;
	v46 =	vld [tilespmem:$0xECF0];
	v9 =	vadd.f32 v57, v9;
	v15 =	vadd.f32 v15, v17;
	v47 =	vmul.f32 v56, v5  }
0x2dd: {  	v62 =	vld [tilespmem:$0xEDD0];
	[tilespmem:$0x1E830] =	vst v12;
	v16 =	vmul.f32 v58, v6;
	v8 =	vadd.f32 v45, v44;
	v51 =	vmul.f32 v59, v4  }
0x2de: {  	v52 =	vld [tilespmem:$0xEDE0];
	[tilespmem:$0x1E860] =	vst v19;
	v56 =	vadd.f32 v54, v53;
	v57 =	vmul.f32 v25, v3;
	v36 =	vadd.f32 v61, v60  }
0x2df: {  	[tilespmem:$0x1E870] =	vst v23;
	v40 =	vadd.f32 v34, v63;
	v58 =	vmul.f32 v48, v4;
	v4 =	vmul.f32 v50, v4  }
0x2e0: {  	v55 =	vld [tilespmem:$0xEDF0];
	[tilespmem:$0x1E840] =	vst v10;
	v12 =	vadd.f32 v16, v47;
	v8 =	vadd.f32 v49, v8;
	v5 =	vmul.f32 v43, v5  }
0x2e1: {  	[tilespmem:$0x1E850] =	vst v14;
	v7 =	vadd.f32 v37, v36;
	v11 =	vadd.f32 v41, v40;
	v6 =	vmul.f32 v46, v6  }
0x2e2: {  	[tilespmem:$0x1EC00] =	vst v9;
	v59 =	vmul.f32 v62, v3;
	v61 =	vadd.f32 v58, v56;
	v60 =	vadd.f32 v57, v8  }
0x2e3: {  	[tilespmem:$0x1EC10] =	vst v15;
	v62 =	vmul.f32 v52, v3;
	v7 =	vadd.f32 v38, v7;
	v5 =	vadd.f32 v6, v5  }
0x2e4: {  	v12 =	vadd.f32 v51, v12;
	v11 =	vadd.f32 v42, v11;
	[tilespmem:$0x1EC40] =	vst v60  }
0x2e5: {  	v3 =	vmul.f32 v55, v3;
	v63 =	vadd.f32 v62, v61;
	[tilespmem:$0x1EC20] =	vst v7;
	v4 =	vadd.f32 v4, v5  }
0x2e6: {  	p1 =	sgt.u32 s26, $0x7CF;
	v6 =	vadd.f32 v59, v12;
	[tilespmem:$0x1EC30] =	vst v11  }
0x2e7: {  	s0 =	smul.u32 @!p1 $0x700, s26;
	[tilespmem:$0x1EC60] =	vst v63;
	v3 =	vadd.f32 v3, v4  }
0x2e8: {  	[tilespmem:$0x1EC50] =	vst v6  }
0x2e9: {  	s3 =	simm.s32 @!p1 $0x0;
	s8 =	simm.s32 @!p1 $0x1B800;
	s0 =	sadd.s32 @!p1 s6, s0;
	[tilespmem:$0x1EC70] =	vst v3  }
0x2ea: {  	[hbm4b:s0+s3] =	stream.linear.scatter @!p1 [tilespmem:s8], [sflag:$0x5], $0x3800, $0x38;
	[tilespmem:$0x1F000] =	vst v63  }
0x2eb: {  	p1 =	sgt.u32 s25, $0x3D  }
0x2ec: {  	s0 =	sadd.s32 @!p1 s25, s12  }
0x2ed: {  	s3 =	sshll.u32 @!p1 s0, $0x7  }
0x2ee: {  	s0 =	sshll.u32 @!p1 s0, $0x9;
	s3 =	sand.u32 @!p1 $0x1FFFFF00, s3  }
0x2ef: {  	s8 =	simm.s32 @!p1 $0x0;
	s0 =	sand.u32 @!p1 $0x1FFFFC00, s0;
	s3 =	sadd.s32 @!p1 s1, s3  }
0x2f0: {  	[tilespmem:s8], [sflag:$0x1] =	stream.linear.gather @!p1 [hbm4b:s3+s8], $0x400, $0x38;
	[tilespmem:$0x1F000] =	vst v63  }
0x2f1: {  	s0 =	sadd.s32 @!p1 s4, s0;
	s3 =	simm.s32 @!p1 $0x800  }
0x2f2: {  	[tilespmem:s3], [sflag:$0x1] =	stream.linear.gather @!p1 [hbm4b:s0+s8], $0x1000, $0x38;
	[tilespmem:$0x1F000] =	vst v63  }
0x2f3: {  	p1 =	seq.s32 s28, $0x0  }
.Ltmp6:
0x2f4: {  	_ = 	snop;
	(pc) =	sbr.rel @p1 .LBB2_11-.Ltmp6, $1  }
0x2f5: {  	_ =	sdelay $0x3  }
.LBB2_6:
0x2f6: {  	p1 =	seq.s32 s25, $0x3F  }
.Ltmp7:
0x2f7: {  	_ = 	snop;
	(pc) =	sbr.rel @p1 .LBB2_8-.Ltmp7, $1  }
0x2f8: {  	_ =	sdelay $0x3  }
0x2f9: {  	_ =	swait.ge [sflag:s15], $0x400  }
0x2fa: {  	[sflag:s15] =	ssyncset.done $0x0  }
0x2fb: {  	[sflag:s15] =	ssyncadd.s32 $0xFFFFFC00  }
0x2fc: {  	_ =	swait.ge [sflag:s15], $0x1000  }
0x2fd: {  	[sflag:s15] =	ssyncset.done $0x0  }
0x2fe: {  	[sflag:s15] =	ssyncadd.s32 $0xFFFFF000  }
0x2ff: {  	v3 =	vld [tilespmem:$0x0];
	_ =	sdelay $0x4  }
0x300: {  	v4 =	vshll.u32 v3, $0x1  }
0x301: {  	v3 =	vand.u32 $0x7, v3;
	v4 =	vand.u32 $0xFFFFFFF0, v4  }
0x302: {  	v3 =	vor.u32 v3, v4  }
0x303: {  	v4 =	vperm.xlane v3, v0;
	_ =	sdelay $0x1  }
0x304: {  	v3 =	vperm.xlane v3, v2;
	v4 =	vadd.s32 v1, v4;
	_ =	sdelay $0x1  }
0x305: {  	v3 =	vadd.s32 v1, v3;
	_ =	sdelay $0x1  }
0x306: {  	s0 =	simm.s32 $0x2800  }
0x307: {  	[tilespmem:s0], [sflag:$0x3] =	stream.indirect_vreg.gather [hbm4b:s5+s2], $0x80, v4, vm0, $0xb8;
	[tilespmem:$0x1F000] =	vst v63  }
0x308: {  	s11 =	simm.s32 $0x3000  }
0x309: {  	[tilespmem:s11], [sflag:$0x3] =	stream.indirect_vreg.gather [hbm4b:s5+s2], $0x80, v3, vm0, $0xb8;
	[tilespmem:$0x1F000] =	vst v63  }
0x30a: {  	v3 =	vld [tilespmem:$0x10];
	_ =	sdelay $0x4  }
0x30b: {  	v52 =	vshll.u32 v3, $0x1  }
0x30c: {  	v3 =	vand.u32 $0x7, v3;
	v4 =	vand.u32 $0xFFFFFFF0, v52  }
0x30d: {  	v3 =	vor.u32 v3, v4  }
0x30e: {  	v4 =	vperm.xlane v3, v0;
	_ =	sdelay $0x1  }
0x30f: {  	v3 =	vperm.xlane v3, v2;
	v4 =	vadd.s32 v1, v4;
	_ =	sdelay $0x1  }
0x310: {  	v3 =	vadd.s32 v1, v3;
	_ =	sdelay $0x1  }
0x311: {  	s13 =	simm.s32 $0x3800  }
0x312: {  	[tilespmem:s13], [sflag:$0x3] =	stream.indirect_vreg.gather [hbm4b:s5+s2], $0x80, v4, vm0, $0xb8;
	[tilespmem:$0x1F000] =	vst v63  }
0x313: {  	s14 =	simm.s32 $0x4000  }
0x314: {  	[tilespmem:s14], [sflag:$0x3] =	stream.indirect_vreg.gather [hbm4b:s5+s2], $0x80, v3, vm0, $0xb8;
	[tilespmem:$0x1F000] =	vst v63  }
0x315: {  	v3 =	vld [tilespmem:$0x20];
	_ =	sdelay $0x4  }
0x316: {  	v53 =	vshll.u32 v3, $0x1  }
0x317: {  	v3 =	vand.u32 $0x7, v3;
	v4 =	vand.u32 $0xFFFFFFF0, v53  }
0x318: {  	v3 =	vor.u32 v3, v4  }
0x319: {  	v4 =	vperm.xlane v3, v0;
	_ =	sdelay $0x1  }
0x31a: {  	v3 =	vperm.xlane v3, v2;
	v4 =	vadd.s32 v1, v4;
	_ =	sdelay $0x1  }
0x31b: {  	v3 =	vadd.s32 v1, v3;
	_ =	sdelay $0x1  }
0x31c: {  	s16 =	simm.s32 $0x4800  }
0x31d: {  	[tilespmem:s16], [sflag:$0x3] =	stream.indirect_vreg.gather [hbm4b:s5+s2], $0x80, v4, vm0, $0xb8;
	[tilespmem:$0x1F000] =	vst v63  }
0x31e: {  	s17 =	simm.s32 $0x5000  }
0x31f: {  	[tilespmem:s17], [sflag:$0x3] =	stream.indirect_vreg.gather [hbm4b:s5+s2], $0x80, v3, vm0, $0xb8;
	[tilespmem:$0x1F000] =	vst v63  }
0x320: {  	v3 =	vld [tilespmem:$0x30];
	_ =	sdelay $0x4  }
0x321: {  	v54 =	vshll.u32 v3, $0x1  }
0x322: {  	v3 =	vand.u32 $0x7, v3;
	v4 =	vand.u32 $0xFFFFFFF0, v54  }
0x323: {  	v3 =	vor.u32 v3, v4  }
0x324: {  	v4 =	vperm.xlane v3, v0;
	_ =	sdelay $0x1  }
0x325: {  	v3 =	vperm.xlane v3, v2;
	v4 =	vadd.s32 v1, v4;
	_ =	sdelay $0x1  }
0x326: {  	v3 =	vadd.s32 v1, v3;
	_ =	sdelay $0x1  }
0x327: {  	s20 =	simm.s32 $0x5800  }
0x328: {  	[tilespmem:s20], [sflag:$0x3] =	stream.indirect_vreg.gather [hbm4b:s5+s2], $0x80, v4, vm0, $0xb8;
	[tilespmem:$0x1F000] =	vst v63  }
0x329: {  	s28 =	simm.s32 $0x6000  }
0x32a: {  	[tilespmem:s28], [sflag:$0x3] =	stream.indirect_vreg.gather [hbm4b:s5+s2], $0x80, v3, vm0, $0xb8;
	[tilespmem:$0x1F000] =	vst v63  }
0x32b: {  	v3 =	vld [tilespmem:$0x40];
	_ =	sdelay $0x4  }
0x32c: {  	v55 =	vshll.u32 v3, $0x1  }
0x32d: {  	v3 =	vand.u32 $0x7, v3;
	v4 =	vand.u32 $0xFFFFFFF0, v55  }
0x32e: {  	v3 =	vor.u32 v3, v4  }
0x32f: {  	v4 =	vperm.xlane v3, v0;
	_ =	sdelay $0x1  }
0x330: {  	v3 =	vperm.xlane v3, v2;
	v4 =	vadd.s32 v1, v4;
	_ =	sdelay $0x1  }
0x331: {  	v3 =	vadd.s32 v1, v3;
	_ =	sdelay $0x1  }
0x332: {  	s29 =	simm.s32 $0x6800  }
0x333: {  	[tilespmem:s29], [sflag:$0x3] =	stream.indirect_vreg.gather [hbm4b:s5+s2], $0x80, v4, vm0, $0xb8;
	[tilespmem:$0x1F000] =	vst v63  }
0x334: {  	s30 =	simm.s32 $0x7000  }
0x335: {  	[tilespmem:s30], [sflag:$0x3] =	stream.indirect_vreg.gather [hbm4b:s5+s2], $0x80, v3, vm0, $0xb8;
	[tilespmem:$0x1F000] =	vst v63  }
0x336: {  	v3 =	vld [tilespmem:$0x50];
	_ =	sdelay $0x4  }
0x337: {  	v56 =	vshll.u32 v3, $0x1  }
0x338: {  	v3 =	vand.u32 $0x7, v3;
	v4 =	vand.u32 $0xFFFFFFF0, v56  }
0x339: {  	v3 =	vor.u32 v3, v4  }
0x33a: {  	v4 =	vperm.xlane v3, v0;
	_ =	sdelay $0x1  }
0x33b: {  	v3 =	vperm.xlane v3, v2;
	v4 =	vadd.s32 v1, v4;
	_ =	sdelay $0x1  }
0x33c: {  	v3 =	vadd.s32 v1, v3;
	_ =	sdelay $0x1  }
0x33d: {  	s31 =	simm.s32 $0x7800  }
0x33e: {  	[tilespmem:s31], [sflag:$0x3] =	stream.indirect_vreg.gather [hbm4b:s5+s2], $0x80, v4, vm0, $0xb8;
	[tilespmem:$0x1F000] =	vst v63  }
0x33f: {  	s3 =	simm.s32 $0x8000  }
0x340: {  	[tilespmem:s3], [sflag:$0x3] =	stream.indirect_vreg.gather [hbm4b:s5+s2], $0x80, v3, vm0, $0xb8;
	[tilespmem:$0x1F000] =	vst v63  }
0x341: {  	v3 =	vld [tilespmem:$0x60];
	_ =	sdelay $0x4  }
0x342: {  	v57 =	vshll.u32 v3, $0x1  }
0x343: {  	v3 =	vand.u32 $0x7, v3;
	v4 =	vand.u32 $0xFFFFFFF0, v57  }
0x344: {  	v3 =	vor.u32 v3, v4  }
0x345: {  	v4 =	vperm.xlane v3, v0;
	_ =	sdelay $0x1  }
0x346: {  	v3 =	vperm.xlane v3, v2;
	v4 =	vadd.s32 v1, v4;
	_ =	sdelay $0x1  }
0x347: {  	v3 =	vadd.s32 v1, v3;
	_ =	sdelay $0x1  }
0x348: {  	s8 =	simm.s32 $0x8800  }
0x349: {  	[tilespmem:s8], [sflag:$0x3] =	stream.indirect_vreg.gather [hbm4b:s5+s2], $0x80, v4, vm0, $0xb8;
	[tilespmem:$0x1F000] =	vst v63  }
0x34a: {  	s9 =	simm.s32 $0x9000  }
0x34b: {  	[tilespmem:s9], [sflag:$0x3] =	stream.indirect_vreg.gather [hbm4b:s5+s2], $0x80, v3, vm0, $0xb8;
	[tilespmem:$0x1F000] =	vst v63  }
0x34c: {  	v3 =	vld [tilespmem:$0x70];
	_ =	sdelay $0x4  }
0x34d: {  	v58 =	vshll.u32 v3, $0x1  }
0x34e: {  	v3 =	vand.u32 $0x7, v3;
	v4 =	vand.u32 $0xFFFFFFF0, v58  }
0x34f: {  	v3 =	vor.u32 v3, v4  }
0x350: {  	v4 =	vperm.xlane v3, v0;
	_ =	sdelay $0x1  }
0x351: {  	v3 =	vperm.xlane v3, v2;
	v4 =	vadd.s32 v1, v4;
	_ =	sdelay $0x1  }
0x352: {  	v3 =	vadd.s32 v1, v3;
	_ =	sdelay $0x1  }
0x353: {  	s10 =	simm.s32 $0x9800  }
0x354: {  	[tilespmem:s10], [sflag:$0x3] =	stream.indirect_vreg.gather [hbm4b:s5+s2], $0x80, v4, vm0, $0xb8;
	[tilespmem:$0x1F000] =	vst v63  }
0x355: {  	s11 =	simm.s32 $0xA000  }
0x356: {  	[tilespmem:s11], [sflag:$0x3] =	stream.indirect_vreg.gather [hbm4b:s5+s2], $0x80, v3, vm0, $0xb8;
	[tilespmem:$0x1F000] =	vst v63  }
0x357: {  	v3 =	vld [tilespmem:$0x80];
	_ =	sdelay $0x4  }
0x358: {  	v59 =	vshll.u32 v3, $0x1  }
0x359: {  	v3 =	vand.u32 $0x7, v3;
	v4 =	vand.u32 $0xFFFFFFF0, v59  }
0x35a: {  	v3 =	vor.u32 v3, v4  }
0x35b: {  	v4 =	vperm.xlane v3, v0;
	_ =	sdelay $0x1  }
0x35c: {  	v3 =	vperm.xlane v3, v2;
	v4 =	vadd.s32 v1, v4;
	_ =	sdelay $0x1  }
0x35d: {  	v3 =	vadd.s32 v1, v3;
	_ =	sdelay $0x1  }
0x35e: {  	s13 =	simm.s32 $0xA800  }
0x35f: {  	[tilespmem:s13], [sflag:$0x3] =	stream.indirect_vreg.gather [hbm4b:s5+s2], $0x80, v4, vm0, $0xb8;
	[tilespmem:$0x1F000] =	vst v63  }
0x360: {  	s14 =	simm.s32 $0xB000  }
0x361: {  	[tilespmem:s14], [sflag:$0x3] =	stream.indirect_vreg.gather [hbm4b:s5+s2], $0x80, v3, vm0, $0xb8;
	[tilespmem:$0x1F000] =	vst v63  }
0x362: {  	v3 =	vld [tilespmem:$0x90];
	_ =	sdelay $0x4  }
0x363: {  	v60 =	vshll.u32 v3, $0x1  }
0x364: {  	v3 =	vand.u32 $0x7, v3;
	v4 =	vand.u32 $0xFFFFFFF0, v60  }
0x365: {  	v3 =	vor.u32 v3, v4  }
0x366: {  	v4 =	vperm.xlane v3, v0;
	_ =	sdelay $0x1  }
0x367: {  	v3 =	vperm.xlane v3, v2;
	v4 =	vadd.s32 v1, v4;
	_ =	sdelay $0x1  }
0x368: {  	v3 =	vadd.s32 v1, v3;
	_ =	sdelay $0x1  }
0x369: {  	s16 =	simm.s32 $0xB800  }
0x36a: {  	[tilespmem:s16], [sflag:$0x3] =	stream.indirect_vreg.gather [hbm4b:s5+s2], $0x80, v4, vm0, $0xb8;
	[tilespmem:$0x1F000] =	vst v63  }
0x36b: {  	s17 =	simm.s32 $0xC000  }
0x36c: {  	[tilespmem:s17], [sflag:$0x3] =	stream.indirect_vreg.gather [hbm4b:s5+s2], $0x80, v3, vm0, $0xb8;
	[tilespmem:$0x1F000] =	vst v63  }
0x36d: {  	v3 =	vld [tilespmem:$0xA0];
	_ =	sdelay $0x4  }
0x36e: {  	v61 =	vshll.u32 v3, $0x1  }
0x36f: {  	v3 =	vand.u32 $0x7, v3;
	v4 =	vand.u32 $0xFFFFFFF0, v61  }
0x370: {  	v3 =	vor.u32 v3, v4  }
0x371: {  	v4 =	vperm.xlane v3, v0;
	_ =	sdelay $0x1  }
0x372: {  	v3 =	vperm.xlane v3, v2;
	v4 =	vadd.s32 v1, v4;
	_ =	sdelay $0x1  }
0x373: {  	v3 =	vadd.s32 v1, v3;
	_ =	sdelay $0x1  }
0x374: {  	s20 =	simm.s32 $0xC800  }
0x375: {  	[tilespmem:s20], [sflag:$0x3] =	stream.indirect_vreg.gather [hbm4b:s5+s2], $0x80, v4, vm0, $0xb8;
	[tilespmem:$0x1F000] =	vst v63  }
0x376: {  	s28 =	simm.s32 $0xD000  }
0x377: {  	[tilespmem:s28], [sflag:$0x3] =	stream.indirect_vreg.gather [hbm4b:s5+s2], $0x80, v3, vm0, $0xb8;
	[tilespmem:$0x1F000] =	vst v63  }
0x378: {  	v3 =	vld [tilespmem:$0xB0];
	_ =	sdelay $0x4  }
0x379: {  	v62 =	vshll.u32 v3, $0x1  }
0x37a: {  	v3 =	vand.u32 $0x7, v3;
	v4 =	vand.u32 $0xFFFFFFF0, v62  }
0x37b: {  	v3 =	vor.u32 v3, v4  }
0x37c: {  	v4 =	vperm.xlane v3, v0;
	_ =	sdelay $0x1  }
0x37d: {  	v3 =	vperm.xlane v3, v2;
	v4 =	vadd.s32 v1, v4;
	_ =	sdelay $0x1  }
0x37e: {  	v3 =	vadd.s32 v1, v3;
	_ =	sdelay $0x1  }
0x37f: {  	s29 =	simm.s32 $0xD800  }
0x380: {  	[tilespmem:s29], [sflag:$0x3] =	stream.indirect_vreg.gather [hbm4b:s5+s2], $0x80, v4, vm0, $0xb8;
	[tilespmem:$0x1F000] =	vst v63  }
0x381: {  	s30 =	simm.s32 $0xE000  }
0x382: {  	[tilespmem:s30], [sflag:$0x3] =	stream.indirect_vreg.gather [hbm4b:s5+s2], $0x80, v3, vm0, $0xb8;
	[tilespmem:$0x1F000] =	vst v63  }
0x383: {  	v3 =	vld.msk [tilespmem:$0xC0], $0xff;
	_ =	sdelay $0x4  }
0x384: {  	v63 =	vshll.u32 v3, $0x1  }
0x385: {  	v3 =	vand.u32 $0x7, v3;
	v4 =	vand.u32 $0xFFFFFFF0, v63  }
0x386: {  	v3 =	vor.u32 v3, v4  }
0x387: {  	v3 =	vperm.xlane v3, v0;
	_ =	sdelay $0x1  }
0x388: {  	v3 =	vadd.s32 v1, v3;
	_ =	sdelay $0x3  }
0x389: {  	s31 =	simm.s32 $0xE800  }
0x38a: {  	[tilespmem:s31], [sflag:$0x3] =	stream.indirect_vreg.gather [hbm4b:s5+s2], $0x80, v3, vm0, $0xb8;
	[tilespmem:$0x1F000] =	vst v63  }
.LBB2_8:
0x38b: {  	_ =	swait.ge [sflag:s18], $0x8000  }
0x38c: {  	[sflag:s18] =	ssyncset.done $0x0  }
0x38d: {  	[sflag:s18] =	ssyncadd.s32 $0xFFFF8000  }
0x38e: {  	_ =	swait.ge [sflag:s18], $0x4800  }
0x38f: {  	p1 =	sgt.u32 s26, $0x7D0;
	[sflag:s18] =	ssyncset.done $0x0  }
0x390: {  	s0 =	simm.s32 @!p1 $0x5;
	[sflag:s18] =	ssyncadd.s32 $0xFFFFB800  }
0x391: {  	_ =	swait.ge @!p1 [sflag:s0], $0x3800  }
0x392: {  	[sflag:s0] =	ssyncset.done @!p1 $0x0  }
0x393: {  	s28 =	simm.s32 $0x0;
	[sflag:s0] =	ssyncadd.s32 @!p1 $0xFFFFC800  }
.LBB2_9:
0x394: {  	s14 =	sshll.u32 s28, $0x8  }
0x395: {  	s0 =	sshrl.u32 s14, $0x2  }
0x396: {  	s3 =	sshll.u32 s28, $0xA;
	v4 =	vld [tilespmem:s0+$0x1800]  }
0x397: {  	s29 =	sand.u32 $0x3FFFFC00, s3;
	v5 =	vld [tilespmem:s0+$0x1810]  }
0x398: {  	v7 =	vld [tilespmem:s29+$0xF000]  }
0x399: {  	v8 =	vld [tilespmem:s29+$0xF080]  }
0x39a: {  	v6 =	vld [tilespmem:s0+$0x1820]  }
0x39b: {  	v9 =	vld [tilespmem:s29+$0xF100]  }
0x39c: {  	v3 =	vld [tilespmem:s0+$0x1830]  }
0x39d: {  	v10 =	vld [tilespmem:s29+$0xF180]  }
0x39e: {  	v7 =	vmul.f32 v7, v4;
	v8 =	vmul.f32 v8, v5;
	_ =	sdelay $0x1  }
0x39f: {  	v28 =	vmul.f32 v9, v6;
	v7 =	vadd.f32 v8, v7;
	_ =	sdelay $0x1  }
0x3a0: {  	v29 =	vmul.f32 v10, v3;
	v7 =	vadd.f32 v28, v7  }
0x3a1: {  	s30 =	sshll.u32 s28, $0x7;
	s8 =	sand.u32 $0x3800, s14  }
0x3a2: {  	s3 =	sand.u32 $0x200, s30;
	s17 =	sadd.s32 $0x1B800, s8;
	v7 =	vadd.f32 v29, v7  }
0x3a3: {  	s20 =	sor.u32 s3, s17  }
0x3a4: {  	[tilespmem:s20+$0x0] =	vst v7  }
0x3a5: {  	v7 =	vld [tilespmem:s29+$0xF010]  }
0x3a6: {  	v30 =	vld [tilespmem:s29+$0xF090];
	_ =	sdelay $0x1  }
0x3a7: {  	v31 =	vld [tilespmem:s29+$0xF110];
	_ =	sdelay $0x1  }
0x3a8: {  	v32 =	vld [tilespmem:s29+$0xF190]  }
0x3a9: {  	v7 =	vmul.f32 v7, v4;
	v8 =	vmul.f32 v30, v5;
	_ =	sdelay $0x1  }
0x3aa: {  	v33 =	vmul.f32 v31, v6;
	v7 =	vadd.f32 v8, v7;
	_ =	sdelay $0x1  }
0x3ab: {  	v34 =	vmul.f32 v32, v3;
	v7 =	vadd.f32 v33, v7;
	_ =	sdelay $0x1  }
0x3ac: {  	v7 =	vadd.f32 v34, v7;
	_ =	sdelay $0x1  }
0x3ad: {  	[tilespmem:s20+$0x10] =	vst v7  }
0x3ae: {  	v7 =	vld [tilespmem:s29+$0xF020]  }
0x3af: {  	v35 =	vld [tilespmem:s29+$0xF0A0];
	_ =	sdelay $0x1  }
0x3b0: {  	v36 =	vld [tilespmem:s29+$0xF120];
	_ =	sdelay $0x1  }
0x3b1: {  	v37 =	vld [tilespmem:s29+$0xF1A0]  }
0x3b2: {  	v7 =	vmul.f32 v7, v4;
	v8 =	vmul.f32 v35, v5;
	_ =	sdelay $0x1  }
0x3b3: {  	v38 =	vmul.f32 v36, v6;
	v7 =	vadd.f32 v8, v7;
	_ =	sdelay $0x1  }
0x3b4: {  	v39 =	vmul.f32 v37, v3;
	v7 =	vadd.f32 v38, v7;
	_ =	sdelay $0x1  }
0x3b5: {  	v7 =	vadd.f32 v39, v7;
	_ =	sdelay $0x1  }
0x3b6: {  	[tilespmem:s20+$0x20] =	vst v7  }
0x3b7: {  	v7 =	vld [tilespmem:s29+$0xF030]  }
0x3b8: {  	v40 =	vld [tilespmem:s29+$0xF0B0];
	_ =	sdelay $0x1  }
0x3b9: {  	v41 =	vld [tilespmem:s29+$0xF130];
	_ =	sdelay $0x1  }
0x3ba: {  	v42 =	vld [tilespmem:s29+$0xF1B0]  }
0x3bb: {  	v7 =	vmul.f32 v7, v4;
	v8 =	vmul.f32 v40, v5;
	_ =	sdelay $0x1  }
0x3bc: {  	v43 =	vmul.f32 v41, v6;
	v7 =	vadd.f32 v8, v7;
	_ =	sdelay $0x1  }
0x3bd: {  	v44 =	vmul.f32 v42, v3;
	v7 =	vadd.f32 v43, v7;
	_ =	sdelay $0x1  }
0x3be: {  	v7 =	vadd.f32 v44, v7;
	_ =	sdelay $0x1  }
0x3bf: {  	[tilespmem:s20+$0x30] =	vst v7  }
0x3c0: {  	v7 =	vld [tilespmem:s29+$0xF040]  }
0x3c1: {  	v45 =	vld [tilespmem:s29+$0xF0C0];
	_ =	sdelay $0x1  }
0x3c2: {  	v46 =	vld [tilespmem:s29+$0xF140];
	_ =	sdelay $0x1  }
0x3c3: {  	v47 =	vld [tilespmem:s29+$0xF1C0]  }
0x3c4: {  	v7 =	vmul.f32 v7, v4;
	v8 =	vmul.f32 v45, v5;
	_ =	sdelay $0x1  }
0x3c5: {  	v48 =	vmul.f32 v46, v6;
	v7 =	vadd.f32 v8, v7;
	_ =	sdelay $0x1  }
0x3c6: {  	v49 =	vmul.f32 v47, v3;
	v7 =	vadd.f32 v48, v7;
	_ =	sdelay $0x1  }
0x3c7: {  	v7 =	vadd.f32 v49, v7;
	_ =	sdelay $0x1  }
0x3c8: {  	[tilespmem:s20+$0x40] =	vst v7  }
0x3c9: {  	v7 =	vld [tilespmem:s29+$0xF050]  }
0x3ca: {  	v50 =	vld [tilespmem:s29+$0xF0D0];
	_ =	sdelay $0x1  }
0x3cb: {  	v51 =	vld [tilespmem:s29+$0xF150];
	_ =	sdelay $0x1  }
0x3cc: {  	v52 =	vld [tilespmem:s29+$0xF1D0]  }
0x3cd: {  	v7 =	vmul.f32 v7, v4;
	v8 =	vmul.f32 v50, v5;
	_ =	sdelay $0x1  }
0x3ce: {  	v53 =	vmul.f32 v51, v6;
	v7 =	vadd.f32 v8, v7;
	_ =	sdelay $0x1  }
0x3cf: {  	v54 =	vmul.f32 v52, v3;
	v7 =	vadd.f32 v53, v7;
	_ =	sdelay $0x1  }
0x3d0: {  	v7 =	vadd.f32 v54, v7;
	_ =	sdelay $0x1  }
0x3d1: {  	v11 =	vld [tilespmem:s0+$0x1840];
	[tilespmem:s20+$0x50] =	vst v7  }
0x3d2: {  	v7 =	vld [tilespmem:s29+$0xF060]  }
0x3d3: {  	v55 =	vld [tilespmem:s29+$0xF0E0]  }
0x3d4: {  	v12 =	vld [tilespmem:s0+$0x1850]  }
0x3d5: {  	v56 =	vld [tilespmem:s29+$0xF160]  }
0x3d6: {  	v15 =	vld [tilespmem:s29+$0xF200]  }
0x3d7: {  	v57 =	vld [tilespmem:s29+$0xF1E0]  }
0x3d8: {  	s31 =	sor.u32 $0x2, s28;
	v16 =	vld [tilespmem:s29+$0xF280];
	v7 =	vmul.f32 v7, v4;
	v8 =	vmul.f32 v55, v5  }
0x3d9: {  	s9 =	sshll.u32 s31, $0xA;
	v17 =	vld [tilespmem:s29+$0xF300]  }
0x3da: {  	v18 =	vld [tilespmem:s29+$0xF380];
	s30 =	sand.u32 $0x3FFFFC00, s9;
	v58 =	vmul.f32 v56, v6;
	v7 =	vadd.f32 v8, v7  }
0x3db: {  	v22 =	vld [tilespmem:s30+$0xF000]  }
0x3dc: {  	v23 =	vld [tilespmem:s30+$0xF080];
	v59 =	vmul.f32 v57, v3;
	v7 =	vadd.f32 v58, v7  }
0x3dd: {  	v24 =	vld [tilespmem:s30+$0xF100]  }
0x3de: {  	v25 =	vld [tilespmem:s30+$0xF180];
	v7 =	vadd.f32 v59, v7  }
0x3df: {  	v9 =	vld [tilespmem:s0+$0x1860]  }
0x3e0: {  	[tilespmem:s20+$0x60] =	vst v7;
	v7 =	vld [tilespmem:s0+$0x1870]  }
0x3e1: {  	v19 =	vld [tilespmem:s29+$0xF070]  }
0x3e2: {  	s13 =	sshll.u32 s31, $0x6;
	v20 =	vld [tilespmem:s29+$0xF0F0]  }
0x3e3: {  	s0 =	sand.u32 $0x3FFFFFC0, s13;
	v21 =	vld [tilespmem:s29+$0xF170]  }
0x3e4: {  	v13 =	vld [tilespmem:s0+$0x1800]  }
0x3e5: {  	s10 =	sor.u32 $0x3, s28;
	v14 =	vld [tilespmem:s0+$0x1810]  }
0x3e6: {  	s16 =	sshll.u32 s10, $0x6;
	v10 =	vld [tilespmem:s0+$0x1820]  }
0x3e7: {  	s13 =	sand.u32 $0xF80, s16;
	v8 =	vld [tilespmem:s0+$0x1830]  }
0x3e8: {  	v26 =	vmul.f32 v15, v11;
	v27 =	vmul.f32 v16, v12;
	v15 =	vld [tilespmem:s13+$0x1840];
	s0 =	sshll.u32 s10, $0xA  }
0x3e9: {  	v16 =	vld [tilespmem:s13+$0x1850];
	s11 =	sand.u32 $0xF800, s0  }
0x3ea: {  	v26 =	vadd.f32 v27, v26;
	v17 =	vmul.f32 v17, v9;
	v60 =	vld [tilespmem:s11+$0xF200]  }
0x3eb: {  	v28 =	vld [tilespmem:s11+$0xF280];
	v18 =	vmul.f32 v18, v7  }
0x3ec: {  	v26 =	vadd.f32 v17, v26;
	v17 =	vld [tilespmem:s13+$0x1860];
	v22 =	vmul.f32 v22, v13;
	v23 =	vmul.f32 v23, v14  }
0x3ed: {  	v29 =	vld [tilespmem:s11+$0xF300]  }
0x3ee: {  	s9 =	sor.u32 $0x80, s3;
	v63 =	vld [tilespmem:s11+$0xF380];
	v61 =	vmul.f32 v24, v10;
	v26 =	vadd.f32 v18, v26;
	v22 =	vadd.f32 v23, v22  }
0x3ef: {  	v62 =	vmul.f32 v25, v8;
	v18 =	vld [tilespmem:s13+$0x1870];
	s13 =	sor.u32 s9, s17  }
0x3f0: {  	v30 =	vld [tilespmem:s29+$0xF1F0];
	v32 =	vmul.f32 v60, v15;
	v33 =	vmul.f32 v28, v16;
	[tilespmem:s13+$0x0] =	vst v26;
	v22 =	vadd.f32 v61, v22  }
0x3f1: {  	s8 =	sshll.u32 s31, $0x7;
	v19 =	vmul.f32 v19, v4;
	v20 =	vmul.f32 v20, v5;
	v34 =	vld [tilespmem:s29+$0xF210]  }
0x3f2: {  	s8 =	sand.u32 $0x300, s8;
	v36 =	vmul.f32 v29, v17;
	v35 =	vld [tilespmem:s29+$0xF290];
	v23 =	vadd.f32 v33, v32;
	v22 =	vadd.f32 v62, v22  }
0x3f3: {  	s16 =	sor.u32 s8, s17;
	v46 =	vmul.f32 v21, v6;
	v37 =	vld [tilespmem:s29+$0xF310]  }
0x3f4: {  	v19 =	vadd.f32 v20, v19;
	v38 =	vld [tilespmem:s29+$0xF390];
	v39 =	vadd.f32 v36, v23;
	v40 =	vmul.f32 v63, v18;
	[tilespmem:s16+$0x0] =	vst v22  }
0x3f5: {  	s10 =	sshll.u32 s10, $0x7;
	v41 =	vld [tilespmem:s30+$0xF010]  }
0x3f6: {  	s10 =	sand.u32 $0x380, s10;
	v51 =	vmul.f32 v30, v3;
	v19 =	vadd.f32 v46, v19;
	v22 =	vadd.f32 v40, v39;
	v42 =	vld [tilespmem:s30+$0xF090]  }
0x3f7: {  	s17 =	sor.u32 s10, s17;
	v43 =	vmul.f32 v34, v11;
	v44 =	vmul.f32 v35, v12;
	v45 =	vld [tilespmem:s30+$0xF110]  }
0x3f8: {  	v19 =	vadd.f32 v51, v19;
	v47 =	vld [tilespmem:s30+$0xF190];
	[tilespmem:s17+$0x0] =	vst v22  }
0x3f9: {  	v49 =	vmul.f32 v37, v9;
	v48 =	vadd.f32 v44, v43;
	v50 =	vld [tilespmem:s11+$0xF210]  }
0x3fa: {  	[tilespmem:s20+$0x70] =	vst v19;
	v53 =	vld [tilespmem:s11+$0xF290]  }
0x3fb: {  	v52 =	vmul.f32 v38, v7;
	v25 =	vld [tilespmem:s29+$0xF400];
	v22 =	vadd.f32 v49, v48  }
0x3fc: {  	v56 =	vld [tilespmem:s11+$0xF310];
	v54 =	vmul.f32 v41, v13;
	v55 =	vmul.f32 v42, v14  }
0x3fd: {  	v46 =	vld [tilespmem:s29+$0xF480];
	v22 =	vadd.f32 v52, v22  }
0x3fe: {  	v59 =	vld [tilespmem:s11+$0xF390];
	v57 =	vmul.f32 v45, v10;
	v23 =	vadd.f32 v55, v54  }
0x3ff: {  	v61 =	vmul.f32 v50, v15;
	v62 =	vmul.f32 v53, v16;
	v50 =	vld [tilespmem:s29+$0xF500];
	[tilespmem:s13+$0x10] =	vst v22  }
0x400: {  	v58 =	vmul.f32 v47, v8;
	v60 =	vadd.f32 v57, v23;
	v63 =	vld [tilespmem:s29+$0xF220]  }
0x401: {  	v20 =	vmul.f32 v56, v17;
	v30 =	vld [tilespmem:s29+$0xF2A0];
	v31 =	vadd.f32 v62, v61  }
0x402: {  	v54 =	vld [tilespmem:s29+$0xF580];
	v19 =	vadd.f32 v58, v60  }
0x403: {  	v35 =	vmul.f32 v59, v18;
	v32 =	vld [tilespmem:s29+$0xF320];
	v34 =	vadd.f32 v20, v31  }
0x404: {  	v33 =	vld [tilespmem:s29+$0xF3A0];
	[tilespmem:s16+$0x10] =	vst v19  }
0x405: {  	v19 =	vadd.f32 v35, v34;
	v36 =	vld [tilespmem:s30+$0xF020]  }
0x406: {  	v37 =	vld [tilespmem:s30+$0xF0A0];
	v38 =	vmul.f32 v63, v11;
	v39 =	vmul.f32 v30, v12  }
0x407: {  	v40 =	vld [tilespmem:s30+$0xF120];
	[tilespmem:s17+$0x10] =	vst v19  }
0x408: {  	v43 =	vmul.f32 v32, v9;
	v42 =	vadd.f32 v39, v38;
	v44 =	vld [tilespmem:s11+$0xF220]  }
0x409: {  	v25 =	vmul.f32 v25, v4;
	v45 =	vld [tilespmem:s11+$0xF2A0]  }
0x40a: {  	v34 =	vmul.f32 v46, v5;
	v41 =	vld [tilespmem:s30+$0xF1A0];
	v24 =	vmul.f32 v33, v7;
	v19 =	vadd.f32 v43, v42  }
0x40b: {  	v49 =	vld [tilespmem:s11+$0xF320];
	v47 =	vmul.f32 v36, v13;
	v48 =	vmul.f32 v37, v14  }
0x40c: {  	v25 =	vadd.f32 v34, v25;
	v39 =	vmul.f32 v50, v6;
	v19 =	vadd.f32 v24, v19  }
0x40d: {  	v53 =	vld [tilespmem:s11+$0xF3A0];
	v51 =	vmul.f32 v40, v10;
	v20 =	vadd.f32 v48, v47;
	v56 =	vmul.f32 v44, v15  }
0x40e: {  	v57 =	vmul.f32 v45, v16;
	v44 =	vadd.f32 v39, v25;
	v45 =	vmul.f32 v54, v3;
	[tilespmem:s13+$0x20] =	vst v19  }
0x40f: {  	v52 =	vmul.f32 v41, v8;
	v55 =	vadd.f32 v51, v20;
	v58 =	vld [tilespmem:s29+$0xF230]  }
0x410: {  	s3 =	sor.u32 s14, s3;
	v60 =	vmul.f32 v49, v17;
	v59 =	vld [tilespmem:s29+$0xF2B0];
	v20 =	vadd.f32 v57, v56;
	v23 =	vadd.f32 v45, v44  }
0x411: {  	s31 =	sor.u32 $0x400, s3;
	v61 =	vld [tilespmem:s29+$0xF330];
	v19 =	vadd.f32 v52, v55  }
0x412: {  	v32 =	vmul.f32 v53, v18;
	v62 =	vld [tilespmem:s29+$0xF3B0];
	v63 =	vadd.f32 v60, v20;
	[tilespmem:s31+$0x1B800] =	vst v23  }
0x413: {  	v26 =	vld [tilespmem:s29+$0xF410];
	[tilespmem:s16+$0x20] =	vst v19  }
0x414: {  	v19 =	vadd.f32 v32, v63;
	v33 =	vld [tilespmem:s30+$0xF030]  }
0x415: {  	v35 =	vld [tilespmem:s30+$0xF0B0];
	v36 =	vmul.f32 v58, v11;
	v37 =	vmul.f32 v59, v12  }
0x416: {  	v38 =	vld [tilespmem:s30+$0xF130];
	[tilespmem:s17+$0x20] =	vst v19  }
0x417: {  	v42 =	vmul.f32 v61, v9;
	v41 =	vadd.f32 v37, v36;
	v43 =	vld [tilespmem:s11+$0xF230]  }
0x418: {  	v46 =	vld [tilespmem:s11+$0xF2B0]  }
0x419: {  	v40 =	vld [tilespmem:s30+$0xF1B0];
	v24 =	vmul.f32 v62, v7;
	v19 =	vadd.f32 v42, v41  }
0x41a: {  	v49 =	vld [tilespmem:s11+$0xF330];
	v47 =	vmul.f32 v33, v13;
	v48 =	vmul.f32 v35, v14  }
0x41b: {  	v52 =	vld [tilespmem:s11+$0xF3B0];
	v19 =	vadd.f32 v24, v19  }
0x41c: {  	v42 =	vld [tilespmem:s29+$0xF490];
	v50 =	vmul.f32 v38, v10;
	v20 =	vadd.f32 v48, v47  }
0x41d: {  	v54 =	vmul.f32 v43, v15;
	v55 =	vmul.f32 v46, v16;
	v46 =	vld [tilespmem:s29+$0xF510];
	[tilespmem:s13+$0x30] =	vst v19  }
0x41e: {  	v51 =	vmul.f32 v40, v8;
	v53 =	vadd.f32 v50, v20;
	v56 =	vld [tilespmem:s29+$0xF240]  }
0x41f: {  	v58 =	vmul.f32 v49, v17;
	v57 =	vld [tilespmem:s29+$0xF2C0];
	v20 =	vadd.f32 v55, v54  }
0x420: {  	v59 =	vld [tilespmem:s29+$0xF340];
	v19 =	vadd.f32 v51, v53  }
0x421: {  	v62 =	vmul.f32 v52, v18;
	v60 =	vld [tilespmem:s29+$0xF3C0];
	v61 =	vadd.f32 v58, v20  }
0x422: {  	v50 =	vld [tilespmem:s29+$0xF590];
	[tilespmem:s16+$0x30] =	vst v19  }
0x423: {  	v19 =	vadd.f32 v62, v61;
	v63 =	vld [tilespmem:s30+$0xF040]  }
0x424: {  	v32 =	vld [tilespmem:s30+$0xF0C0];
	v33 =	vmul.f32 v56, v11;
	v34 =	vmul.f32 v57, v12  }
0x425: {  	v35 =	vld [tilespmem:s30+$0xF140];
	[tilespmem:s17+$0x30] =	vst v19  }
0x426: {  	v38 =	vmul.f32 v59, v9;
	v37 =	vadd.f32 v34, v33;
	v39 =	vld [tilespmem:s11+$0xF240]  }
0x427: {  	v26 =	vmul.f32 v26, v4;
	v62 =	vmul.f32 v42, v5;
	v41 =	vld [tilespmem:s11+$0xF2C0]  }
0x428: {  	v36 =	vld [tilespmem:s30+$0xF1C0];
	v40 =	vmul.f32 v60, v7;
	v19 =	vadd.f32 v38, v37  }
0x429: {  	v26 =	vadd.f32 v62, v26;
	v45 =	vld [tilespmem:s11+$0xF340];
	v43 =	vmul.f32 v63, v13;
	v44 =	vmul.f32 v32, v14  }
0x42a: {  	v47 =	vmul.f32 v35, v10;
	v35 =	vmul.f32 v46, v6;
	v19 =	vadd.f32 v40, v19  }
0x42b: {  	v49 =	vld [tilespmem:s11+$0xF3C0];
	v20 =	vadd.f32 v44, v43;
	v52 =	vmul.f32 v39, v15  }
0x42c: {  	v53 =	vmul.f32 v41, v16;
	v26 =	vadd.f32 v35, v26;
	v39 =	vmul.f32 v50, v3;
	[tilespmem:s13+$0x40] =	vst v19  }
0x42d: {  	v48 =	vmul.f32 v36, v8;
	v51 =	vadd.f32 v47, v20;
	v54 =	vld [tilespmem:s29+$0xF250]  }
0x42e: {  	v56 =	vmul.f32 v45, v17;
	v55 =	vld [tilespmem:s29+$0xF2D0];
	v20 =	vadd.f32 v53, v52;
	v26 =	vadd.f32 v39, v26  }
0x42f: {  	s31 =	sor.u32 $0x410, s3;
	v57 =	vld [tilespmem:s29+$0xF350];
	v19 =	vadd.f32 v48, v51  }
0x430: {  	v60 =	vmul.f32 v49, v18;
	v58 =	vld [tilespmem:s29+$0xF3D0];
	v59 =	vadd.f32 v56, v20;
	[tilespmem:s31+$0x1B800] =	vst v26  }
0x431: {  	v25 =	vld [tilespmem:s29+$0xF420];
	[tilespmem:s16+$0x40] =	vst v19  }
0x432: {  	v19 =	vadd.f32 v60, v59;
	v61 =	vld [tilespmem:s30+$0xF050]  }
0x433: {  	v63 =	vld [tilespmem:s30+$0xF0D0];
	v32 =	vmul.f32 v54, v11;
	v33 =	vmul.f32 v55, v12  }
0x434: {  	v34 =	vld [tilespmem:s30+$0xF150];
	[tilespmem:s17+$0x40] =	vst v19  }
0x435: {  	v37 =	vmul.f32 v57, v9;
	v20 =	vadd.f32 v33, v32;
	v38 =	vld [tilespmem:s11+$0xF250]  }
0x436: {  	v40 =	vld [tilespmem:s11+$0xF2D0]  }
0x437: {  	v36 =	vld [tilespmem:s30+$0xF1D0];
	v24 =	vmul.f32 v58, v7;
	v20 =	vadd.f32 v37, v20  }
0x438: {  	v42 =	vld [tilespmem:s11+$0xF350];
	v21 =	vmul.f32 v61, v13;
	v41 =	vmul.f32 v63, v14  }
0x439: {  	v35 =	vld [tilespmem:s29+$0xF4A0];
	v20 =	vadd.f32 v24, v20  }
0x43a: {  	v44 =	vld [tilespmem:s11+$0xF3D0];
	v43 =	vmul.f32 v34, v10;
	v21 =	vadd.f32 v41, v21  }
0x43b: {  	v39 =	vld [tilespmem:s29+$0xF520];
	v46 =	vmul.f32 v38, v15;
	v47 =	vmul.f32 v40, v16;
	[tilespmem:s13+$0x50] =	vst v20  }
0x43c: {  	v19 =	vmul.f32 v36, v8;
	v45 =	vadd.f32 v43, v21;
	v48 =	vld [tilespmem:s29+$0xF260]  }
0x43d: {  	v51 =	vmul.f32 v42, v17;
	v49 =	vld [tilespmem:s29+$0xF2E0];
	v50 =	vadd.f32 v47, v46  }
0x43e: {  	v52 =	vld [tilespmem:s29+$0xF360];
	v19 =	vadd.f32 v19, v45  }
0x43f: {  	v55 =	vmul.f32 v44, v18;
	v53 =	vld [tilespmem:s29+$0xF3E0];
	v54 =	vadd.f32 v51, v50  }
0x440: {  	v43 =	vld [tilespmem:s29+$0xF5A0];
	[tilespmem:s16+$0x50] =	vst v19  }
0x441: {  	v19 =	vadd.f32 v55, v54;
	v56 =	vld [tilespmem:s30+$0xF060]  }
0x442: {  	v57 =	vld [tilespmem:s30+$0xF0E0];
	v58 =	vmul.f32 v48, v11;
	v59 =	vmul.f32 v49, v12  }
0x443: {  	v60 =	vld [tilespmem:s30+$0xF160];
	[tilespmem:s17+$0x50] =	vst v19  }
0x444: {  	v63 =	vmul.f32 v52, v9;
	v62 =	vadd.f32 v59, v58;
	v32 =	vld [tilespmem:s11+$0xF260]  }
0x445: {  	v29 =	vmul.f32 v35, v5;
	v34 =	vld [tilespmem:s11+$0xF2E0]  }
0x446: {  	v61 =	vld [tilespmem:s30+$0xF1E0];
	v33 =	vmul.f32 v53, v7;
	v49 =	vmul.f32 v25, v4;
	v19 =	vadd.f32 v63, v62  }
0x447: {  	v38 =	vld [tilespmem:s11+$0xF360];
	v36 =	vmul.f32 v56, v13;
	v37 =	vmul.f32 v57, v14  }
0x448: {  	v23 =	vmul.f32 v39, v6;
	v24 =	vadd.f32 v29, v49;
	v19 =	vadd.f32 v33, v19  }
0x449: {  	v42 =	vld [tilespmem:s11+$0xF3E0];
	v40 =	vmul.f32 v60, v10;
	v20 =	vadd.f32 v37, v36;
	v44 =	vmul.f32 v32, v15  }
0x44a: {  	v23 =	vadd.f32 v23, v24;
	v45 =	vmul.f32 v34, v16;
	[tilespmem:s13+$0x60] =	vst v19;
	v19 =	vmul.f32 v43, v3  }
0x44b: {  	v41 =	vmul.f32 v61, v8;
	v20 =	vadd.f32 v40, v20;
	v46 =	vld [tilespmem:s29+$0xF270]  }
0x44c: {  	v48 =	vmul.f32 v38, v17;
	v47 =	vld [tilespmem:s29+$0xF2F0];
	v21 =	vadd.f32 v45, v44;
	v19 =	vadd.f32 v19, v23  }
0x44d: {  	s31 =	sor.u32 $0x420, s3;
	v50 =	vld [tilespmem:s29+$0xF370];
	v20 =	vadd.f32 v41, v20  }
0x44e: {  	v52 =	vmul.f32 v42, v18;
	v51 =	vld [tilespmem:s29+$0xF3F0];
	v21 =	vadd.f32 v48, v21;
	[tilespmem:s31+$0x1B800] =	vst v19  }
0x44f: {  	[tilespmem:s16+$0x60] =	vst v20;
	v33 =	vld [tilespmem:s29+$0xF430]  }
0x450: {  	v21 =	vadd.f32 v52, v21;
	v53 =	vld [tilespmem:s30+$0xF070]  }
0x451: {  	v54 =	vld [tilespmem:s30+$0xF0F0]  }
0x452: {  	v55 =	vld [tilespmem:s30+$0xF170];
	v56 =	vmul.f32 v46, v11;
	v26 =	vmul.f32 v47, v12;
	[tilespmem:s17+$0x60] =	vst v21  }
0x453: {  	v21 =	vld [tilespmem:s11+$0xF270]  }
0x454: {  	v59 =	vmul.f32 v50, v9;
	v58 =	vadd.f32 v26, v56;
	v60 =	vld [tilespmem:s11+$0xF2F0]  }
0x455: {  	v57 =	vld [tilespmem:s30+$0xF1F0];
	v20 =	vmul.f32 v51, v7  }
0x456: {  	v61 =	vld [tilespmem:s11+$0xF370];
	v23 =	vadd.f32 v59, v58;
	v63 =	vmul.f32 v53, v13;
	v32 =	vmul.f32 v54, v14  }
0x457: {  	v34 =	vld [tilespmem:s29+$0xF4B0]  }
0x458: {  	v62 =	vld [tilespmem:s11+$0xF3F0];
	v22 =	vmul.f32 v55, v10;
	v20 =	vadd.f32 v20, v23;
	v24 =	vadd.f32 v32, v63  }
0x459: {  	v35 =	vld [tilespmem:s29+$0xF530];
	v21 =	vmul.f32 v21, v15;
	v25 =	vmul.f32 v60, v16  }
0x45a: {  	v36 =	vld [tilespmem:s29+$0xF5B0];
	v37 =	vmul.f32 v57, v8;
	[tilespmem:s13+$0x70] =	vst v20;
	v22 =	vadd.f32 v22, v24  }
0x45b: {  	v39 =	vmul.f32 v61, v17;
	v38 =	vld [tilespmem:s29+$0xF600];
	v21 =	vadd.f32 v25, v21  }
0x45c: {  	v40 =	vld [tilespmem:s29+$0xF680];
	v22 =	vadd.f32 v37, v22  }
0x45d: {  	v19 =	vmul.f32 v62, v18;
	v41 =	vld [tilespmem:s29+$0xF700];
	v21 =	vadd.f32 v39, v21  }
0x45e: {  	v42 =	vld [tilespmem:s29+$0xF780];
	[tilespmem:s16+$0x70] =	vst v22  }
0x45f: {  	v19 =	vadd.f32 v19, v21;
	v43 =	vld [tilespmem:s30+$0xF400]  }
0x460: {  	v44 =	vmul.f32 v33, v4;
	v23 =	vmul.f32 v34, v5;
	v45 =	vld [tilespmem:s30+$0xF480]  }
0x461: {  	v27 =	vmul.f32 v38, v11;
	v26 =	vmul.f32 v40, v12;
	v46 =	vld [tilespmem:s30+$0xF500];
	[tilespmem:s17+$0x70] =	vst v19  }
0x462: {  	v47 =	vmul.f32 v35, v6;
	v21 =	vadd.f32 v23, v44;
	v48 =	vld [tilespmem:s0+$0xF200]  }
0x463: {  	v24 =	vmul.f32 v41, v9;
	v26 =	vadd.f32 v26, v27;
	v49 =	vld [tilespmem:s0+$0xF280]  }
0x464: {  	v20 =	vmul.f32 v36, v3;
	v22 =	vmul.f32 v42, v7;
	v50 =	vld [tilespmem:s30+$0xF580];
	v21 =	vadd.f32 v47, v21  }
0x465: {  	v52 =	vld [tilespmem:s0+$0xF300];
	v24 =	vadd.f32 v24, v26;
	v25 =	vmul.f32 v43, v13;
	v51 =	vmul.f32 v45, v14  }
0x466: {  	v20 =	vadd.f32 v20, v21  }
0x467: {  	s9 =	sor.u32 s14, s9;
	s16 =	sor.u32 $0x430, s3;
	v55 =	vld [tilespmem:s0+$0xF380];
	v19 =	vmul.f32 v46, v10;
	v53 =	vadd.f32 v22, v24;
	v54 =	vadd.f32 v51, v25  }
0x468: {  	s17 =	sor.u32 $0x400, s9;
	[tilespmem:s16+$0x1B800] =	vst v20;
	v56 =	vmul.f32 v48, v15;
	v57 =	vmul.f32 v49, v16  }
0x469: {  	v59 =	vmul.f32 v50, v8;
	v58 =	vld [tilespmem:s29+$0xF440];
	[tilespmem:s17+$0x1B800] =	vst v53;
	v19 =	vadd.f32 v19, v54  }
0x46a: {  	v61 =	vmul.f32 v52, v17;
	v60 =	vld [tilespmem:s29+$0xF610];
	v20 =	vadd.f32 v57, v56  }
0x46b: {  	s8 =	sor.u32 s14, s8;
	v62 =	vld [tilespmem:s29+$0xF690];
	v19 =	vadd.f32 v59, v19  }
0x46c: {  	s20 =	sor.u32 $0x400, s8;
	v30 =	vmul.f32 v55, v18;
	v63 =	vld [tilespmem:s29+$0xF710];
	v20 =	vadd.f32 v61, v20  }
0x46d: {  	v31 =	vld [tilespmem:s29+$0xF790];
	[tilespmem:s20+$0x1B800] =	vst v19  }
0x46e: {  	s10 =	sor.u32 s14, s10;
	v20 =	vadd.f32 v30, v20;
	v32 =	vld [tilespmem:s30+$0xF410]  }
0x46f: {  	s31 =	sor.u32 $0x400, s10;
	v33 =	vld [tilespmem:s30+$0xF490]  }
0x470: {  	v22 =	vmul.f32 v60, v11;
	v25 =	vmul.f32 v62, v12;
	v34 =	vld [tilespmem:s30+$0xF510];
	[tilespmem:s31+$0x1B800] =	vst v20  }
0x471: {  	v20 =	vld [tilespmem:s0+$0xF210]  }
0x472: {  	v21 =	vmul.f32 v63, v9;
	v22 =	vadd.f32 v25, v22;
	v35 =	vld [tilespmem:s0+$0xF290]  }
0x473: {  	v19 =	vmul.f32 v31, v7;
	v36 =	vld [tilespmem:s30+$0xF590]  }
0x474: {  	v38 =	vld [tilespmem:s0+$0xF310];
	v21 =	vadd.f32 v21, v22;
	v37 =	vmul.f32 v32, v13;
	v23 =	vmul.f32 v33, v14  }
0x475: {  	v39 =	vld [tilespmem:s29+$0xF4C0]  }
0x476: {  	v42 =	vld [tilespmem:s0+$0xF390];
	v41 =	vmul.f32 v34, v10;
	v19 =	vadd.f32 v19, v21;
	v40 =	vadd.f32 v23, v37  }
0x477: {  	s13 =	sor.u32 $0x410, s9;
	v43 =	vld [tilespmem:s29+$0xF540];
	v20 =	vmul.f32 v20, v15;
	v25 =	vmul.f32 v35, v16  }
0x478: {  	v44 =	vld [tilespmem:s29+$0xF5C0];
	v45 =	vmul.f32 v36, v8;
	[tilespmem:s13+$0x1B800] =	vst v19;
	v21 =	vadd.f32 v41, v40  }
0x479: {  	v24 =	vmul.f32 v38, v17;
	v46 =	vld [tilespmem:s29+$0xF620];
	v20 =	vadd.f32 v25, v20  }
0x47a: {  	v47 =	vld [tilespmem:s29+$0xF6A0];
	v21 =	vadd.f32 v45, v21  }
0x47b: {  	s14 =	sor.u32 $0x410, s8;
	v23 =	vmul.f32 v42, v18;
	v48 =	vld [tilespmem:s29+$0xF720];
	v20 =	vadd.f32 v24, v20  }
0x47c: {  	v49 =	vld [tilespmem:s29+$0xF7A0];
	[tilespmem:s14+$0x1B800] =	vst v21  }
0x47d: {  	v20 =	vadd.f32 v23, v20;
	v21 =	vld [tilespmem:s30+$0xF420]  }
0x47e: {  	s16 =	sor.u32 $0x410, s10;
	v50 =	vmul.f32 v58, v4;
	v51 =	vmul.f32 v39, v5;
	v52 =	vld [tilespmem:s30+$0xF4A0]  }
0x47f: {  	v28 =	vmul.f32 v46, v11;
	v25 =	vmul.f32 v47, v12;
	v53 =	vld [tilespmem:s30+$0xF520];
	[tilespmem:s16+$0x1B800] =	vst v20  }
0x480: {  	v54 =	vmul.f32 v43, v6;
	v23 =	vadd.f32 v51, v50;
	v55 =	vld [tilespmem:s0+$0xF220]  }
0x481: {  	v22 =	vmul.f32 v48, v9;
	v25 =	vadd.f32 v25, v28;
	v56 =	vld [tilespmem:s0+$0xF2A0]  }
0x482: {  	v19 =	vmul.f32 v44, v3;
	v24 =	vmul.f32 v49, v7;
	v57 =	vld [tilespmem:s30+$0xF5A0];
	v23 =	vadd.f32 v54, v23  }
0x483: {  	v59 =	vld [tilespmem:s0+$0xF320];
	v22 =	vadd.f32 v22, v25;
	v21 =	vmul.f32 v21, v13;
	v58 =	vmul.f32 v52, v14  }
0x484: {  	v19 =	vadd.f32 v19, v23  }
0x485: {  	s17 =	sor.u32 $0x440, s3;
	v60 =	vld [tilespmem:s0+$0xF3A0];
	v20 =	vmul.f32 v53, v10;
	v22 =	vadd.f32 v24, v22;
	v21 =	vadd.f32 v58, v21  }
0x486: {  	s20 =	sor.u32 $0x420, s9;
	[tilespmem:s17+$0x1B800] =	vst v19;
	v61 =	vmul.f32 v55, v15;
	v62 =	vmul.f32 v56, v16  }
0x487: {  	v28 =	vmul.f32 v57, v8;
	v63 =	vld [tilespmem:s29+$0xF450];
	[tilespmem:s20+$0x1B800] =	vst v22;
	v20 =	vadd.f32 v20, v21  }
0x488: {  	v29 =	vmul.f32 v59, v17;
	v22 =	vld [tilespmem:s29+$0xF630];
	v19 =	vadd.f32 v62, v61  }
0x489: {  	v30 =	vld [tilespmem:s29+$0xF6B0];
	v20 =	vadd.f32 v28, v20  }
0x48a: {  	s31 =	sor.u32 $0x420, s8;
	v23 =	vmul.f32 v60, v18;
	v31 =	vld [tilespmem:s29+$0xF730];
	v19 =	vadd.f32 v29, v19  }
0x48b: {  	v32 =	vld [tilespmem:s29+$0xF7B0];
	[tilespmem:s31+$0x1B800] =	vst v20  }
0x48c: {  	v19 =	vadd.f32 v23, v19;
	v20 =	vld [tilespmem:s30+$0xF430]  }
0x48d: {  	s13 =	sor.u32 $0x420, s10;
	v33 =	vld [tilespmem:s30+$0xF4B0]  }
0x48e: {  	v22 =	vmul.f32 v22, v11;
	v26 =	vmul.f32 v30, v12;
	v34 =	vld [tilespmem:s30+$0xF530];
	[tilespmem:s13+$0x1B800] =	vst v19  }
0x48f: {  	v19 =	vld [tilespmem:s0+$0xF230]  }
0x490: {  	v21 =	vmul.f32 v31, v9;
	v22 =	vadd.f32 v26, v22;
	v35 =	vld [tilespmem:s0+$0xF2B0]  }
0x491: {  	v24 =	vmul.f32 v32, v7;
	v36 =	vld [tilespmem:s30+$0xF5B0]  }
0x492: {  	v38 =	vld [tilespmem:s0+$0xF330];
	v21 =	vadd.f32 v21, v22;
	v20 =	vmul.f32 v20, v13;
	v37 =	vmul.f32 v33, v14  }
0x493: {  	v39 =	vld [tilespmem:s29+$0xF4D0]  }
0x494: {  	v41 =	vld [tilespmem:s0+$0xF3B0];
	v40 =	vmul.f32 v34, v10;
	v21 =	vadd.f32 v24, v21;
	v20 =	vadd.f32 v37, v20  }
0x495: {  	s14 =	sor.u32 $0x430, s9;
	v42 =	vld [tilespmem:s29+$0xF550];
	v19 =	vmul.f32 v19, v15;
	v26 =	vmul.f32 v35, v16  }
0x496: {  	v43 =	vld [tilespmem:s29+$0xF5D0];
	v44 =	vmul.f32 v36, v8;
	[tilespmem:s14+$0x1B800] =	vst v21;
	v20 =	vadd.f32 v40, v20  }
0x497: {  	v23 =	vmul.f32 v38, v17;
	v45 =	vld [tilespmem:s29+$0xF640];
	v19 =	vadd.f32 v26, v19  }
0x498: {  	v46 =	vld [tilespmem:s29+$0xF6C0];
	v20 =	vadd.f32 v44, v20  }
0x499: {  	s16 =	sor.u32 $0x430, s8;
	v48 =	vmul.f32 v41, v18;
	v47 =	vld [tilespmem:s29+$0xF740];
	v19 =	vadd.f32 v23, v19  }
0x49a: {  	v49 =	vld [tilespmem:s29+$0xF7C0];
	[tilespmem:s16+$0x1B800] =	vst v20  }
0x49b: {  	v19 =	vadd.f32 v48, v19;
	v20 =	vld [tilespmem:s30+$0xF440]  }
0x49c: {  	s17 =	sor.u32 $0x430, s10;
	v50 =	vmul.f32 v63, v4;
	v51 =	vmul.f32 v39, v5;
	v52 =	vld [tilespmem:s30+$0xF4C0]  }
0x49d: {  	v28 =	vmul.f32 v45, v11;
	v26 =	vmul.f32 v46, v12;
	v53 =	vld [tilespmem:s30+$0xF540];
	[tilespmem:s17+$0x1B800] =	vst v19  }
0x49e: {  	v54 =	vmul.f32 v42, v6;
	v23 =	vadd.f32 v51, v50;
	v55 =	vld [tilespmem:s0+$0xF240]  }
0x49f: {  	v22 =	vmul.f32 v47, v9;
	v26 =	vadd.f32 v26, v28;
	v56 =	vld [tilespmem:s0+$0xF2C0]  }
0x4a0: {  	v21 =	vmul.f32 v43, v3;
	v23 =	vadd.f32 v54, v23;
	v24 =	vmul.f32 v49, v7;
	v57 =	vld [tilespmem:s30+$0xF5C0]  }
0x4a1: {  	v59 =	vld [tilespmem:s0+$0xF340];
	v22 =	vadd.f32 v22, v26;
	v20 =	vmul.f32 v20, v13;
	v58 =	vmul.f32 v52, v14  }
0x4a2: {  	v21 =	vadd.f32 v21, v23  }
0x4a3: {  	s20 =	sor.u32 $0x450, s3;
	v60 =	vld [tilespmem:s0+$0xF3C0];
	v19 =	vmul.f32 v53, v10;
	v22 =	vadd.f32 v24, v22;
	v20 =	vadd.f32 v58, v20  }
0x4a4: {  	s31 =	sor.u32 $0x440, s9;
	[tilespmem:s20+$0x1B800] =	vst v21;
	v61 =	vmul.f32 v55, v15;
	v62 =	vmul.f32 v56, v16  }
0x4a5: {  	v63 =	vld [tilespmem:s29+$0xF460];
	v28 =	vmul.f32 v57, v8;
	[tilespmem:s31+$0x1B800] =	vst v22;
	v19 =	vadd.f32 v19, v20  }
0x4a6: {  	v30 =	vmul.f32 v59, v17;
	v22 =	vld [tilespmem:s29+$0xF650];
	v21 =	vadd.f32 v62, v61  }
0x4a7: {  	v31 =	vld [tilespmem:s29+$0xF6D0];
	v19 =	vadd.f32 v28, v19  }
0x4a8: {  	s13 =	sor.u32 $0x440, s8;
	v23 =	vmul.f32 v60, v18;
	v32 =	vld [tilespmem:s29+$0xF750];
	v21 =	vadd.f32 v30, v21  }
0x4a9: {  	v33 =	vld [tilespmem:s29+$0xF7D0];
	[tilespmem:s13+$0x1B800] =	vst v19  }
0x4aa: {  	v21 =	vadd.f32 v23, v21;
	v19 =	vld [tilespmem:s30+$0xF450]  }
0x4ab: {  	s14 =	sor.u32 $0x440, s10;
	v34 =	vld [tilespmem:s30+$0xF4D0]  }
0x4ac: {  	v22 =	vmul.f32 v22, v11;
	v25 =	vmul.f32 v31, v12;
	v35 =	vld [tilespmem:s30+$0xF550];
	[tilespmem:s14+$0x1B800] =	vst v21  }
0x4ad: {  	v21 =	vld [tilespmem:s0+$0xF250]  }
0x4ae: {  	v20 =	vmul.f32 v32, v9;
	v22 =	vadd.f32 v25, v22;
	v36 =	vld [tilespmem:s0+$0xF2D0]  }
0x4af: {  	v24 =	vmul.f32 v33, v7;
	v37 =	vld [tilespmem:s30+$0xF5D0]  }
0x4b0: {  	v39 =	vld [tilespmem:s0+$0xF350];
	v20 =	vadd.f32 v20, v22;
	v19 =	vmul.f32 v19, v13;
	v38 =	vmul.f32 v34, v14  }
0x4b1: {  	v40 =	vld [tilespmem:s29+$0xF4E0]  }
0x4b2: {  	v42 =	vld [tilespmem:s0+$0xF3D0];
	v41 =	vmul.f32 v35, v10;
	v20 =	vadd.f32 v24, v20;
	v19 =	vadd.f32 v38, v19  }
0x4b3: {  	s16 =	sor.u32 $0x450, s9;
	v43 =	vld [tilespmem:s29+$0xF560];
	v21 =	vmul.f32 v21, v15;
	v25 =	vmul.f32 v36, v16  }
0x4b4: {  	v44 =	vld [tilespmem:s29+$0xF5E0];
	v45 =	vmul.f32 v37, v8;
	[tilespmem:s16+$0x1B800] =	vst v20;
	v19 =	vadd.f32 v41, v19  }
0x4b5: {  	v23 =	vmul.f32 v39, v17;
	v46 =	vld [tilespmem:s29+$0xF660];
	v21 =	vadd.f32 v25, v21  }
0x4b6: {  	v48 =	vld [tilespmem:s29+$0xF6E0];
	v19 =	vadd.f32 v45, v19  }
0x4b7: {  	s17 =	sor.u32 $0x450, s8;
	v51 =	vmul.f32 v42, v18;
	v50 =	vld [tilespmem:s29+$0xF760];
	v21 =	vadd.f32 v23, v21  }
0x4b8: {  	v47 =	vmul.f32 v63, v4;
	v49 =	vmul.f32 v40, v5;
	v52 =	vld [tilespmem:s29+$0xF7E0];
	[tilespmem:s17+$0x1B800] =	vst v19  }
0x4b9: {  	v21 =	vadd.f32 v51, v21;
	v55 =	vld [tilespmem:s30+$0xF460]  }
0x4ba: {  	s20 =	sor.u32 $0x450, s10;
	v54 =	vmul.f32 v43, v6;
	v53 =	vadd.f32 v49, v47;
	v56 =	vld [tilespmem:s30+$0xF4E0]  }
0x4bb: {  	v57 =	vld [tilespmem:s30+$0xF560];
	v58 =	vmul.f32 v46, v11;
	v26 =	vmul.f32 v48, v12;
	[tilespmem:s20+$0x1B800] =	vst v21  }
0x4bc: {  	v20 =	vmul.f32 v44, v3;
	v19 =	vadd.f32 v54, v53;
	v59 =	vld [tilespmem:s0+$0xF260]  }
0x4bd: {  	v61 =	vmul.f32 v50, v9;
	v60 =	vld [tilespmem:s0+$0xF2E0];
	v21 =	vadd.f32 v26, v58  }
0x4be: {  	v62 =	vld [tilespmem:s30+$0xF5E0];
	v19 =	vadd.f32 v20, v19  }
0x4bf: {  	s31 =	sor.u32 $0x460, s3;
	v24 =	vmul.f32 v52, v7;
	v32 =	vld [tilespmem:s0+$0xF360];
	v21 =	vadd.f32 v61, v21  }
0x4c0: {  	v34 =	vld [tilespmem:s0+$0xF3E0];
	[tilespmem:s31+$0x1B800] =	vst v19;
	v63 =	vmul.f32 v55, v13;
	v23 =	vmul.f32 v56, v14  }
0x4c1: {  	v33 =	vld [tilespmem:s29+$0xF470];
	v22 =	vmul.f32 v57, v10;
	v21 =	vadd.f32 v24, v21  }
0x4c2: {  	v35 =	vld [tilespmem:s29+$0xF4F0];
	v19 =	vadd.f32 v23, v63;
	v36 =	vmul.f32 v59, v15;
	v20 =	vmul.f32 v60, v16  }
0x4c3: {  	s13 =	sor.u32 $0x460, s9;
	v37 =	vld [tilespmem:s29+$0xF570];
	v39 =	vmul.f32 v62, v8  }
0x4c4: {  	v38 =	vld [tilespmem:s29+$0xF5F0];
	v40 =	vmul.f32 v32, v17;
	[tilespmem:s13+$0x1B800] =	vst v21;
	v19 =	vadd.f32 v22, v19;
	v20 =	vadd.f32 v20, v36  }
0x4c5: {  	v41 =	vld [tilespmem:s29+$0xF670]  }
0x4c6: {  	v43 =	vmul.f32 v34, v18;
	v42 =	vld [tilespmem:s29+$0xF6F0];
	v19 =	vadd.f32 v39, v19;
	v20 =	vadd.f32 v40, v20  }
0x4c7: {  	s14 =	sor.u32 $0x460, s8;
	v44 =	vld [tilespmem:s29+$0xF770]  }
0x4c8: {  	v45 =	vld [tilespmem:s29+$0xF7F0];
	[tilespmem:s14+$0x1B800] =	vst v19;
	v46 =	vadd.f32 v43, v20  }
0x4c9: {  	s16 =	sor.u32 $0x460, s10;
	v47 =	vld [tilespmem:s30+$0xF470]  }
0x4ca: {  	v48 =	vld [tilespmem:s30+$0xF4F0];
	[tilespmem:s16+$0x1B800] =	vst v46  }
0x4cb: {  	v19 =	vld [tilespmem:s0+$0xF270]  }
0x4cc: {  	v4 =	vmul.f32 v33, v4;
	v5 =	vmul.f32 v35, v5;
	v49 =	vld [tilespmem:s0+$0xF2F0]  }
0x4cd: {  	v6 =	vmul.f32 v37, v6;
	v50 =	vld [tilespmem:s30+$0xF570]  }
0x4ce: {  	v3 =	vmul.f32 v38, v3;
	v4 =	vadd.f32 v5, v4;
	v11 =	vmul.f32 v41, v11;
	v51 =	vld [tilespmem:s0+$0xF370]  }
0x4cf: {  	v12 =	vmul.f32 v42, v12;
	v52 =	vmul.f32 v44, v9;
	v53 =	vld [tilespmem:s30+$0xF5F0]  }
0x4d0: {  	v4 =	vadd.f32 v6, v4;
	v56 =	vld [tilespmem:s0+$0xF3F0];
	v54 =	vmul.f32 v47, v13;
	v55 =	vmul.f32 v48, v14  }
0x4d1: {  	v11 =	vadd.f32 v12, v11;
	v57 =	vmul.f32 v19, v15;
	v58 =	vmul.f32 v49, v16  }
0x4d2: {  	v7 =	vmul.f32 v45, v7;
	v10 =	vmul.f32 v50, v10;
	v59 =	vadd.f32 v55, v54  }
0x4d3: {  	v5 =	vadd.f32 v52, v11;
	v60 =	vmul.f32 v51, v17;
	v6 =	vadd.f32 v58, v57  }
0x4d4: {  	p1 =	slt.u32 s28, $0x2C;
	v3 =	vadd.f32 v3, v4;
	v8 =	vmul.f32 v53, v8;
	v61 =	vadd.f32 v10, v59  }
.Ltmp8:
0x4d5: {  	s17 =	sor.u32 $0x470, s3;
	v5 =	vadd.f32 v7, v5;
	v62 =	vmul.f32 v56, v18;
	v6 =	vadd.f32 v60, v6;
	(pc) =	sbr.rel @p1 .LBB2_9-.Ltmp8, $4  }
0x4d6: {  	s20 =	sor.u32 $0x470, s9;
	[tilespmem:s17+$0x1B800] =	vst v3;
	v3 =	vadd.f32 v8, v61  }
0x4d7: {  	s29 =	sor.u32 $0x470, s8;
	[tilespmem:s20+$0x1B800] =	vst v5;
	v63 =	vadd.f32 v62, v6  }
0x4d8: {  	s31 =	sadd.s32 $0x4, s28;
	s30 =	sor.u32 $0x470, s10;
	[tilespmem:s29+$0x1B800] =	vst v3  }
0x4d9: {  	s28 =	smov.u32 s31;
	[tilespmem:s30+$0x1B800] =	vst v63  }
0x4da: {  	v5 =	vld [tilespmem:$0x2400]  }
0x4db: {  	v6 =	vld [tilespmem:$0x2410]  }
0x4dc: {  	v4 =	vld [tilespmem:$0x2420]  }
0x4dd: {  	v3 =	vld [tilespmem:$0x2430]  }
0x4de: {  	v7 =	vld [tilespmem:$0x1B000]  }
0x4df: {  	v8 =	vld [tilespmem:$0x1B080]  }
0x4e0: {  	v9 =	vld [tilespmem:$0x1B100]  }
0x4e1: {  	v10 =	vld [tilespmem:$0x1B180]  }
0x4e2: {  	v11 =	vld [tilespmem:$0x1B010]  }
0x4e3: {  	v12 =	vld [tilespmem:$0x1B090]  }
0x4e4: {  	v13 =	vld [tilespmem:$0x1B110]  }
0x4e5: {  	v14 =	vld [tilespmem:$0x1B190]  }
0x4e6: {  	v15 =	vld [tilespmem:$0x1B020]  }
0x4e7: {  	v16 =	vld [tilespmem:$0x1B0A0]  }
0x4e8: {  	v17 =	vld [tilespmem:$0x1B120]  }
0x4e9: {  	v18 =	vld [tilespmem:$0x1B1A0]  }
0x4ea: {  	v19 =	vld [tilespmem:$0x1B030]  }
0x4eb: {  	v20 =	vld [tilespmem:$0x1B0B0]  }
0x4ec: {  	v21 =	vld [tilespmem:$0x1B130]  }
0x4ed: {  	v22 =	vld [tilespmem:$0x1B1B0]  }
0x4ee: {  	v23 =	vld [tilespmem:$0x1B040]  }
0x4ef: {  	v24 =	vld [tilespmem:$0x1B0C0]  }
0x4f0: {  	v25 =	vld [tilespmem:$0x1B140]  }
0x4f1: {  	v26 =	vld [tilespmem:$0x1B1C0]  }
0x4f2: {  	v27 =	vld [tilespmem:$0x1B050]  }
0x4f3: {  	v28 =	vld [tilespmem:$0x1B0D0]  }
0x4f4: {  	v29 =	vld [tilespmem:$0x1B150]  }
0x4f5: {  	v30 =	vld [tilespmem:$0x1B1D0]  }
0x4f6: {  	v31 =	vld [tilespmem:$0x1B060]  }
0x4f7: {  	v32 =	vld [tilespmem:$0x1B0E0]  }
0x4f8: {  	v33 =	vld [tilespmem:$0x1B160]  }
0x4f9: {  	v34 =	vld [tilespmem:$0x1B1E0]  }
0x4fa: {  	v35 =	vld [tilespmem:$0x1B070];
	v7 =	vmul.f32 v7, v5  }
0x4fb: {  	v36 =	vld [tilespmem:$0x1B0F0];
	v8 =	vmul.f32 v8, v6;
	v11 =	vmul.f32 v11, v5  }
0x4fc: {  	v37 =	vld [tilespmem:$0x1B170];
	v12 =	vmul.f32 v12, v6;
	v46 =	vmul.f32 v9, v4  }
0x4fd: {  	v38 =	vld [tilespmem:$0x1B1F0];
	v47 =	vmul.f32 v13, v4;
	v48 =	vmul.f32 v15, v5  }
0x4fe: {  	v39 =	vld [tilespmem:$0x1B400];
	v49 =	vmul.f32 v16, v6;
	v50 =	vmul.f32 v19, v5  }
0x4ff: {  	v40 =	vld [tilespmem:$0x1B430];
	v51 =	vmul.f32 v20, v6;
	v10 =	vmul.f32 v10, v3  }
0x500: {  	v43 =	vld [tilespmem:$0x1B4B0];
	v52 =	vmul.f32 v17, v4;
	v14 =	vmul.f32 v14, v3  }
0x501: {  	v9 =	vld [tilespmem:$0x1B480];
	v53 =	vmul.f32 v21, v4;
	v54 =	vmul.f32 v18, v3  }
0x502: {  	v13 =	vld [tilespmem:$0x1B500];
	v55 =	vmul.f32 v22, v3;
	v56 =	vmul.f32 v23, v5  }
0x503: {  	v16 =	vld [tilespmem:$0x1B580];
	v57 =	vmul.f32 v24, v6;
	v58 =	vmul.f32 v27, v5  }
0x504: {  	v20 =	vld [tilespmem:$0x1B410];
	v59 =	vmul.f32 v28, v6;
	v60 =	vmul.f32 v25, v4  }
0x505: {  	v17 =	vld [tilespmem:$0x1B490];
	v61 =	vmul.f32 v26, v3;
	v62 =	vmul.f32 v29, v4  }
0x506: {  	v21 =	vld [tilespmem:$0x1B510];
	v63 =	vmul.f32 v30, v3;
	v41 =	vmul.f32 v31, v5  }
0x507: {  	v15 =	vld [tilespmem:$0x1B590];
	v42 =	vmul.f32 v32, v6;
	v44 =	vmul.f32 v35, v5  }
0x508: {  	v18 =	vld [tilespmem:$0x1B420];
	v45 =	vmul.f32 v36, v6;
	v7 =	vadd.f32 v8, v7;
	v11 =	vadd.f32 v12, v11  }
0x509: {  	v22 =	vld [tilespmem:$0x1B4A0];
	v34 =	vmul.f32 v34, v3;
	v8 =	vadd.f32 v49, v48;
	v12 =	vadd.f32 v51, v50  }
0x50a: {  	v24 =	vld [tilespmem:$0x1B520];
	v19 =	vadd.f32 v42, v41;
	v23 =	vadd.f32 v45, v44;
	v49 =	vmul.f32 v37, v4  }
0x50b: {  	v26 =	vld [tilespmem:$0x1B5A0];
	v51 =	vmul.f32 v39, v5;
	v7 =	vadd.f32 v46, v7;
	v11 =	vadd.f32 v47, v11  }
0x50c: {  	v25 =	vld [tilespmem:$0x1B5C0];
	v8 =	vadd.f32 v52, v8;
	v12 =	vadd.f32 v53, v12;
	v47 =	vmul.f32 v33, v4  }
0x50d: {  	v35 =	vld [tilespmem:$0x1B460];
	v23 =	vadd.f32 v49, v23;
	v9 =	vmul.f32 v9, v6;
	v20 =	vmul.f32 v20, v5  }
0x50e: {  	v48 =	vld [tilespmem:$0x1B5B0];
	v17 =	vmul.f32 v17, v6;
	v13 =	vmul.f32 v13, v4;
	v7 =	vadd.f32 v10, v7  }
0x50f: {  	v50 =	vld [tilespmem:$0x1B440];
	v15 =	vmul.f32 v15, v3;
	v11 =	vadd.f32 v14, v11;
	v8 =	vadd.f32 v54, v8  }
0x510: {  	v39 =	vld [tilespmem:$0x1B4E0];
	v37 =	vmul.f32 v24, v4;
	v12 =	vadd.f32 v55, v12;
	v10 =	vadd.f32 v57, v56  }
0x511: {  	v46 =	vld [tilespmem:$0x1B530];
	v14 =	vadd.f32 v59, v58;
	v54 =	vmul.f32 v38, v3;
	v55 =	vmul.f32 v21, v4  }
0x512: {  	v52 =	vld [tilespmem:$0x1B4C0];
	v19 =	vadd.f32 v47, v19;
	v57 =	vmul.f32 v16, v3;
	v38 =	vmul.f32 v26, v3  }
0x513: {  	v53 =	vld [tilespmem:$0x1B540];
	v9 =	vadd.f32 v9, v51;
	v17 =	vadd.f32 v17, v20;
	v42 =	vmul.f32 v48, v3  }
0x514: {  	v56 =	vld [tilespmem:$0x1B450];
	v44 =	vmul.f32 v50, v5;
	v10 =	vadd.f32 v60, v10;
	v14 =	vadd.f32 v62, v14  }
0x515: {  	v58 =	vld [tilespmem:$0x1B4D0];
	v19 =	vadd.f32 v34, v19;
	v23 =	vadd.f32 v54, v23;
	v60 =	vmul.f32 v18, v5  }
0x516: {  	v59 =	vld [tilespmem:$0x1B550];
	v34 =	vmul.f32 v43, v6;
	v54 =	vmul.f32 v39, v6;
	v9 =	vadd.f32 v13, v9  }
0x517: {  	v48 =	vld [tilespmem:$0x1B560];
	v17 =	vadd.f32 v55, v17;
	v41 =	vmul.f32 v46, v4;
	v45 =	vmul.f32 v52, v6  }
0x518: {  	v50 =	vld [tilespmem:$0x1B570];
	[tilespmem:$0x1E800] =	vst v7;
	v49 =	vmul.f32 v53, v4;
	v53 =	vmul.f32 v35, v5;
	v10 =	vadd.f32 v61, v10  }
0x519: {  	[tilespmem:$0x1E810] =	vst v11;
	v43 =	vld [tilespmem:$0x1B470];
	v14 =	vadd.f32 v63, v14;
	v61 =	vmul.f32 v22, v6;
	v63 =	vmul.f32 v40, v5  }
0x51a: {  	[tilespmem:$0x1E820] =	vst v8;
	v46 =	vld [tilespmem:$0x1B4F0];
	v9 =	vadd.f32 v57, v9;
	v15 =	vadd.f32 v15, v17;
	v47 =	vmul.f32 v56, v5  }
0x51b: {  	v62 =	vld [tilespmem:$0x1B5D0];
	[tilespmem:$0x1E830] =	vst v12;
	v16 =	vmul.f32 v58, v6;
	v8 =	vadd.f32 v45, v44;
	v51 =	vmul.f32 v59, v4  }
0x51c: {  	v52 =	vld [tilespmem:$0x1B5E0];
	[tilespmem:$0x1E860] =	vst v19;
	v56 =	vadd.f32 v54, v53;
	v57 =	vmul.f32 v25, v3;
	v36 =	vadd.f32 v61, v60  }
0x51d: {  	[tilespmem:$0x1E870] =	vst v23;
	v40 =	vadd.f32 v34, v63;
	v58 =	vmul.f32 v48, v4;
	v4 =	vmul.f32 v50, v4  }
0x51e: {  	v55 =	vld [tilespmem:$0x1B5F0];
	[tilespmem:$0x1E840] =	vst v10;
	v12 =	vadd.f32 v16, v47;
	v8 =	vadd.f32 v49, v8;
	v5 =	vmul.f32 v43, v5  }
0x51f: {  	[tilespmem:$0x1E850] =	vst v14;
	v7 =	vadd.f32 v37, v36;
	v11 =	vadd.f32 v41, v40;
	v6 =	vmul.f32 v46, v6  }
0x520: {  	[tilespmem:$0x1EC00] =	vst v9;
	v59 =	vmul.f32 v62, v3;
	v61 =	vadd.f32 v58, v56;
	v60 =	vadd.f32 v57, v8  }
0x521: {  	[tilespmem:$0x1EC10] =	vst v15;
	v62 =	vmul.f32 v52, v3;
	v7 =	vadd.f32 v38, v7;
	v5 =	vadd.f32 v6, v5  }
0x522: {  	v12 =	vadd.f32 v51, v12;
	v11 =	vadd.f32 v42, v11;
	[tilespmem:$0x1EC40] =	vst v60  }
0x523: {  	v3 =	vmul.f32 v55, v3;
	v63 =	vadd.f32 v62, v61;
	[tilespmem:$0x1EC20] =	vst v7;
	v4 =	vadd.f32 v4, v5  }
0x524: {  	p1 =	sgt.u32 s26, $0x7CF;
	v6 =	vadd.f32 v59, v12;
	[tilespmem:$0x1EC30] =	vst v11  }
0x525: {  	s0 =	smul.u32 @!p1 $0x700, s26;
	[tilespmem:$0x1EC60] =	vst v63;
	v3 =	vadd.f32 v3, v4  }
0x526: {  	[tilespmem:$0x1EC50] =	vst v6  }
0x527: {  	s3 =	simm.s32 @!p1 $0x0;
	s8 =	simm.s32 @!p1 $0x1B800;
	s0 =	sadd.s32 @!p1 s6, s0;
	[tilespmem:$0x1EC70] =	vst v3  }
0x528: {  	[hbm4b:s0+s3] =	stream.linear.scatter @!p1 [tilespmem:s8], [sflag:$0x5], $0x3800, $0x38;
	[tilespmem:$0x1F000] =	vst v63  }
0x529: {  	p1 =	sgt.u32 s25, $0x3D  }
0x52a: {  	s0 =	sadd.s32 @!p1 s25, s12  }
0x52b: {  	s8 =	simm.s32 @!p1 $0x0;
	s3 =	sshll.u32 @!p1 s0, $0x7  }
.Ltmp9:
0x52c: {  	s0 =	sshll.u32 @!p1 s0, $0x9;
	s3 =	sand.u32 @!p1 $0x1FFFFF80, s3;
	(pc) =	sbr.rel .LBB2_11-.Ltmp9, $4  }
0x52d: {  	s9 =	simm.s32 @!p1 $0x400;
	s0 =	sand.u32 @!p1 $0x1FFFFE00, s0;
	s3 =	sadd.s32 @!p1 s1, s3  }
0x52e: {  	[tilespmem:s9], [sflag:$0x2] =	stream.linear.gather @!p1 [hbm4b:s3+s8], $0x400, $0x38;
	[tilespmem:$0x1F000] =	vst v63  }
0x52f: {  	s0 =	sadd.s32 @!p1 s4, s0;
	s3 =	simm.s32 @!p1 $0x1800  }
0x530: {  	[tilespmem:s3], [sflag:$0x2] =	stream.linear.gather @!p1 [hbm4b:s0+s8], $0x1000, $0x38;
	[tilespmem:$0x1F000] =	vst v63  }
.LBB2_13:
0x531: {  	_ =	sfence.sel $0x180000  }
0x532: {  	[bflag:$0x0] =	sbarrier.arrive $0xFFFF  }
0x533: {  	_ =	strace $0x90000047  }
0x534: {  	s0 =	stileid.u32;
	[bflag:$0x2] =	sbarrier.arrive $0xFFFF  }
0x535: {  	p0 =	sne.s32 s0, $0x0;
	s0 =	rddreg [dreg:$0x2]  }
0x536: {  	s0 =	sadd.s32 @!p0 $0x100000, s0  }
0x537: {  	[sflag:s0] =	ssyncadd.tile.s32 @!p0 $0x1;
	_ =	shalt  }
.Lfunc_end2:
_tile_overlayer_lowered:
.L_overlay_start_2:
0x538: {  	(tag) =	ssettag $0x2  }
0x539: {  	s0 =	rddreg [dreg:$0x0];
	s2 =	stileid.u32  }
0x53a: {  	s1 =	rddreg [dreg:$0x1];
	p0 =	sne.s32 s2, $0x0  }
0x53b: {  	s3 =	rddreg [dreg:$0x2];
	[bflag:$0x3] =	sbarrier.arrive $0xFFFF;
	s2 =	simm.s32 @!p0 $0x1C06  }
0x53c: {  	[timem:s3], [sflag:s2] =	dma.local @!p0 [hbm:s0], s1  }
0x53d: {  	s0 =	simm.s32 @!p0 $0x6  }
0x53e: {  	_ =	swait.ge @!p0 [sflag:s0], s1  }
0x53f: {  	s1 =	ssub.s32 @!p0 $0x0, s1;
	[sflag:s0] =	ssyncset.done @!p0 $0x0  }
0x540: {  	[sflag:s0] =	ssyncadd.s32 @!p0 s1  }
0x541: {  	[bflag:$0x3] =	sbarrier.arrive $0xFFFF  }
0x542: {  	_ =	shalt  }

// kernel: sparse-core-data-format-call.cloned.1.call-start
scs
called_computation_lowered:
.L_overlay_start_0:
0x0: {  	s2 =	sld [smem:$0x3FD9]  }
0x1: {  	s3 =	sld [smem:$0x3FFE];
	_ =	sdelay $0x1  }
0x2: {  	s1 =	srdreg.scid  }
0x3: {  	s0 =	sand.u32 $0x1, s1  }
0x4: {  	s18 =	sshll.u32 s0, $0xA;
	s2 =	sadd.s32 s3, s2  }
0x5: {  	s2 =	sadd.s32 s2, s18  }
0x6: {  	[smem:$0x3FC5] =	sst s2  }
0x7: {  	_ = 	snop  }
0x8: {  	s2 =	sld [smem:$0x3FD0];
	(tm) =	ssettm $0x1  }
0x9: {  	s19 =	sld [smem:$0x3FFB];
	_ =	sdelay $0x3  }
0xa: {  	_ =	strace s19  }
0xb: {  	s3 =	sld [smem:$0x3FFC];
	_ =	sdelay $0x3  }
0xc: {  	_ =	strace s3  }
0xd: {  	s3 =	sld [smem:$0x3FFD];
	_ =	sdelay $0x3  }
0xe: {  	_ =	strace s3  }
0xf: {  	_ =	strace $0x8FFFFFFF  }
0x10: {  	s20 =	sld [smem:$0x3FDB];
	_ =	sdelay $0x1  }
0x11: {  	s4 =	simm.s32 $_scs_section_size  }
0x12: {  	s5 =	simm.s32 $_size__tile_overlayer_lowered;
	s6 =	simm.s32 $_tile_overlayer_lowered  }
0x13: {  	s23 =	simm.s32 $0x1BFF;
	s22 =	sshll.u32 s6, $0x1;
	s3 =	sadd.s32 s4, s20  }
0x14: {  	s7 =	simm.s32 $0x0;
	s21 =	sshll.u32 s5, $0x1;
	s5 =	sadd.s32 s22, s3  }
0x15: {  	[timem:s7], [sflag:s23] =	dma.local [hbm:s5], s21  }
0x16: {  	_ =	swait.ge [sflag:s23], s21  }
0x17: {  	s4 =	ssub.s32 $0x0, s21;
	[sflag:s23] =	ssyncset.done $0x0  }
0x18: {  	[sflag:s23] =	ssyncadd.s32 s4;
	_ =	sdelay $0x1  }
0x19: {  	s24 =	simm.s32 $0x1B8B  }
0x1a: {  	_ =	swait.ge [sflag:s24], $0x1  }
0x1b: {  	[sflag:s24] =	ssyncset.done $0x0  }
0x1c: {  	s26 =	simm.s32 $0x1B8E;
	s25 =	sld [smem:$0x3FFE];
	[sflag:s24] =	ssyncadd.s32 $0xFFFFFFFF  }
0x1d: {  	s27 =	simm.s32 $execute0_lowered;
	[smem:$0x3FD2] =	sst s26  }
0x1e: {  	s5 =	sshll.u32 s27, $0x1;
	_ =	strace $0x80000049;
	[dreg:$0x1] =	wrdreg $0xFFFFFFFF  }
0x1f: {  	s28 =	simm.s32 $_size_execute0_lowered;
	s3 =	sadd.s32 s3, s5;
	[dreg:$0x0] =	wrdreg $0x0  }
0x20: {  	s5 =	sshll.u32 s28, $0x1;
	[dreg:$0x2] =	wrdreg s3  }
0x21: {  	[dreg:$0x3] =	wrdreg s5  }
0x22: {  	[dreg:$0x4] =	wrdreg $0xC0  }
0x23: {  	_ =	task [dreg:s7], $0x5FFFF  }
0x24: {  	[dreg:$0x1] =	wrdreg $0xFFFFFFFF  }
0x25: {  	[dreg:$0x0] =	wrdreg $0x60  }
0x26: {  	[dreg:$0x2] =	wrdreg s25  }
0x27: {  	[dreg:$0x3] =	wrdreg s2  }
0x28: {  	[dreg:$0x4] =	wrdreg $0x9  }
0x29: {  	_ =	task.clear_ibuf [dreg:s7], $0x5FFFF;
	_ =	strace $0x90000049  }
0x2a: {  	s29 =	simm.s32 $0x9;
	_ =	strace $0x8000004B  }
0x2b: {  	_ =	swait.ge [sflag:s29], $0x1  }
0x2c: {  	[sflag:s29] =	ssyncadd.s32 $0xFFFFFFFF  }
0x2d: {  	_ =	strace $0x9000004B  }
0x2e: {  	_ =	sfence  }
0x2f: {  	s30 =	sld [smem:$0x0];
	_ =	sdelay $0x2  }
0x30: {  	s31 =	sshll.u32 s1, $0xD;
	s1 =	sshrl.u32 s1, $0x2  }
0x31: {  	s3 =	sand.u32 $0x4000, s31;
	s1 =	sadd.s32 s1, s30  }
0x32: {  	s0 =	sor.u32 s3, s0;
	s1 =	sshll.u32 s1, $0x11  }
0x33: {  	s0 =	sor.u32 s1, s0  }
0x34: {  	s0 =	sadd.s32 $0x8F2B, s0  }
0x35: {  	[sflag:s0] =	ssyncadd.remote.s32 $0x1  }
0x36: {  	_ =	sfence.sel $0xFFFF  }
0x37: {  	[dreg:$0x0] =	wrdreg $0xFFFFFFFF;
	(pc) =	sbr.abs _section_cstart, $3  }
0x38: {  	[dreg:$0x1] =	wrdreg $0xFFFFFFFF  }
0x39: {  	_ =	task.clear_ibuf [dreg:s7], $0x2FFFF;
	_ =	strace $0x9FFFFFFF  }
0x3a: {  	(tm) =	ssettm $0x7FFFFFFF  }
0x3b: {  	_ =	shalt  }
tec
execute0_lowered:
.L_overlay_start_1:
0x0: {  	(tag) =	ssettag $0x1  }
0x1: {  	s0 =	srdreg.scid;
	s1 =	rddreg [dreg:$0x0]  }
0x2: {  	_ =	strace $0x8000004A;
	s7 =	stileid.u32;
	s4 =	simm.s32 $0x1  }
0x3: {  	s31 =	simm.s32 $0x2;
	s19 =	simm.s32 $0x0;
	s0 =	sshll.u32 s0, $0x7  }
0x4: {  	s10 =	simm.s32 $0x400;
	s11 =	simm.s32 $0x800;
	s2 =	sand.u32 $0x80, s0  }
0x5: {  	s12 =	simm.s32 $0x0;
	s18 =	simm.s32 $0x0;
	s0 =	ssub.s32 $0x100, s2  }
0x6: {  	s20 =	simm.s32 $0x0;
	s13 =	simm.s32 $0x0;
	s3 =	sshrl.u32 s0, $0x7  }
.Ltmp0:
0x7: {  	s0 =	sshrl.u32 s0, $0x8;
	s3 =	sand.u32 $0x1, s3;
	(pc) =	sbr.rel .LBB1_1-.Ltmp0, $4  }
0x8: {  	s14 =	simm.s32 $0x0;
	s15 =	simm.s32 $0x0;
	s0 =	sadd.s32 s0, s3  }
0x9: {  	s17 =	simm.s32 $0x0;
	[sflag:s4] =	ssyncpa.u1 $0x0;
	s5 =	smul.u32 $0x31, s0  }
0xa: {  	s6 =	sadd.s32 $0x141600, s1;
	s7 =	sshll.u32 s7, $0x7;
	[sflag:s31] =	ssyncpa.u1 $0x0  }
0xb: {  	s16 =	smov.u32 s7;
	s8 =	sshll.u32 s2, $0x3;
	s9 =	sadd.s32 $0x1, s5  }
.LBB1_9:
0xc: {  	s0 =	sshll.u32 s14, $0x8  }
0xd: {  	s1 =	sshll.u32 s20, $0x3;
	s3 =	sshll.u32 s14, $0x7;
	s0 =	sand.u32 $0xFFFFF800, s0  }
0xe: {  	s24 =	sand.u32 $0x300, s3;
	s0 =	sor.u32 s0, s1  }
0xf: {  	s0 =	sor.u32 s24, s0  }
0x10: {  	p0 =	sgt.s32 s13, $0x30;
	s1 =	smov.u32 s13;
	s0 =	sshrl.u32 s0, $0x8  }
0x11: {  	s1 =	simm.s32 @!p0 $0x30;
	s25 =	smulhi.u32 $0x83126F, s0  }
0x12: {  	s27 =	smul.u32 $0xFA00, s13;
	s28 =	sshll.u32 s14, $0x4;
	s1 =	sadd.s32 s21, s1  }
0x13: {  	s30 =	rddreg [dreg:$0x1];
	s26 =	sadd.s32 $0xFFFFFFD0, s1;
	s3 =	sshrl.u32 s25, $0x2  }
0x14: {  	s1 =	ssub.s32 $0x31, s1;
	p0 =	sgt.s32 s26, $0x0;
	s3 =	smul.u32 $0x7D0, s3  }
0x15: {  	s29 =	sshll.u32 s17, $0xE;
	s20 =	sadd.s32 s30, s27;
	s1 =	simm.s32 @p0 $0x0  }
0x16: {  	s1 =	smul.u32 s1, s22;
	s0 =	ssub.s32 s0, s3;
	s3 =	sand.u32 $0x10, s28  }
0x17: {  	s21 =	sand.u32 $0x4000, s29;
	s0 =	sshll.u32 s0, $0x5;
	s3 =	sadd.s32 s3, s20  }
0x18: {  	s31 =	sor.u32 $0x8000, s21;
	s1 =	sand.u32 $0x3FFFFF80, s1;
	s0 =	sadd.s32 s0, s3  }
0x19: {  	[hbm4b:s0+s10] =	stream.strided.scatter [tilespmem:s31], [sflag:$0x2], s1, s11, s10, $0x38;
	[tilespmem:$0x10000] =	vst v63  }
.LBB1_10:
0x1a: {  	p0 =	slt.u32 s17, $0x2  }
0x1b: {  	p1 =	sgt.s32 @!p0 s19, $0x30  }
0x1c: {  	s0 =	smov.u32 s19;
	s3 =	smov.u32 s18;
	p1 =	por !p1, p0  }
0x1d: {  	s1 =	sshra.s32 @!p0 s19, $0x1F;
	s0 =	simm.s32 @p1 $0x30;
	p1 =	sgt.s32 @!p0 s18, $0x750  }
0x1e: {  	s1 =	sand.u32 @!p0 s1, s19;
	s19 =	sshra.s32 @!p0 s18, $0x1F;
	p1 =	por !p1, p0  }
0x1f: {  	s0 =	ssub.s32 @!p0 s0, s1;
	s1 =	sand.u32 @!p0 s19, s18;
	s3 =	simm.s32 @p1 $0x750  }
0x20: {  	s1 =	ssub.s32 @!p0 s3, s1  }
0x21: {  	s18 =	sadd.s32 @!p0 $0xFFFFFFD0, s0;
	s0 =	ssub.s32 @!p0 $0x31, s0;
	s1 =	sadd.s32 @!p0 $0xFFFFF8B0, s1  }
0x22: {  	p1 =	sgt.s32 @!p0 s18, $0x0;
	p2 =	sgt.s32 @!p0 s1, $0x7F;
	s1 =	sshll.u32 @!p0 s1, $0x7  }
0x23: {  	p1 =	por !p1, p0;
	s1 =	ssub.s32 @!p0 $0x4000, s1;
	p2 =	por !p2, p0  }
0x24: {  	s0 =	simm.s32 @!p1 $0x0;
	s1 =	simm.s32 @!p2 $0x0  }
0x25: {  	s0 =	smul.u32 @!p0 s0, s1;
	s1 =	sadd.s32 $0x1, s15  }
0x26: {  	s21 =	smov.u32 s16;
	s18 =	sadd.s32 $0x800, s16;
	p1 =	sgt.s32 s1, $0x30  }
0x27: {  	s21 =	smov.u32 @p1 s18  }
0x28: {  	s1 =	simm.s32 @p1 $0x0;
	p1 =	sgt.s32 s21, $0x7CF  }
0x29: {  	s12 =	sadd.s32 $0x4000, s12;
	s21 =	smov.u32 @p1 s7;
	p1 =	sne.s32 s17, s9  }
.Ltmp1:
0x2a: {  	s20 =	smov.u32 s2;
	s19 =	smov.u32 s13;
	(pc) =	sbr.rel @!p1 .LBB1_11-.Ltmp1, $4  }
0x2b: {  	s13 =	smov.u32 s15;
	s3 =	simm.s32 @!p0 $0x2;
	s0 =	sand.u32 @!p0 $0x3FFFFF80, s0  }
0x2c: {  	s18 =	smov.u32 s14;
	s14 =	smov.u32 s16;
	_ =	swait.ge @!p0 [sflag:s3], s0  }
0x2d: {  	s0 =	ssub.s32 @!p0 $0x0, s0;
	s15 =	smov.u32 s1;
	[sflag:s3] =	ssyncset.done @!p0 $0x0  }
0x2e: {  	s17 =	sadd.s32 $0x1, s17;
	[sflag:s3] =	ssyncadd.s32 @!p0 s0;
	s16 =	smov.u32 s21  }
.LBB1_1:
0x2f: {  	p0 =	sge.u32 s17, s5;
	s21 =	smov.u32 s16;
	s31 =	sadd.s32 $0xFFFFFFFF, s17  }
0x30: {  	s0 =	sshll.u32 @!p0 s15, $0x8;
	s1 =	sshll.u32 @!p0 s15, $0x7;
	p1 =	sgt.s32 @!p0 s16, $0x750  }
0x31: {  	p2 =	sgt.s32 @!p0 s15, $0x37;
	s3 =	sshra.s32 @!p0 s15, $0x1F;
	s22 =	sshra.s32 @!p0 s16, $0x1F  }
0x32: {  	s0 =	sand.u32 @!p0 $0xFFFFF800, s0;
	s1 =	sand.u32 @!p0 $0x300, s1;
	p1 =	por !p1, p0  }
0x33: {  	p2 =	por !p2, p0;
	s22 =	sand.u32 @!p0 s22, s16;
	s0 =	sor.u32 @!p0 s8, s0  }
0x34: {  	s21 =	simm.s32 @p1 $0x750;
	s0 =	sor.u32 @!p0 s1, s0;
	s1 =	smov.u32 s15  }
0x35: {  	s3 =	sand.u32 @!p0 s3, s15;
	s21 =	ssub.s32 @!p0 s21, s22;
	s1 =	simm.s32 @p2 $0x37  }
0x36: {  	s0 =	sshrl.u32 @!p0 s0, $0x8;
	s21 =	sadd.s32 @!p0 $0xFFFFF8B0, s21;
	s1 =	ssub.s32 @!p0 s1, s3  }
0x37: {  	s3 =	smulhi.u32 @!p0 $0x4924925, s0;
	p2 =	sgt.s32 @!p0 s21, $0x7F;
	s22 =	sadd.s32 @!p0 $0xFFFFFFC9, s1  }
0x38: {  	s21 =	sshll.u32 @!p0 s21, $0x7;
	s1 =	ssub.s32 @!p0 $0x38, s1;
	p1 =	sgt.s32 @!p0 s22, $0x0  }
0x39: {  	s21 =	ssub.s32 @!p0 $0x4000, s21;
	s3 =	smul.u32 @!p0 $0x38, s3;
	p1 =	por !p1, p0  }
0x3a: {  	s22 =	sxor.u32 @!p0 $0xFFFFFFFF, s17;
	s1 =	simm.s32 @!p1 $0x0;
	p1 =	por !p2, p0  }
0x3b: {  	s0 =	ssub.s32 @!p0 s0, s3;
	s3 =	smul.u32 @!p0 $0x700, s16;
	s21 =	simm.s32 @!p1 $0x0  }
0x3c: {  	s22 =	sshll.u32 @!p0 s22, $0xE;
	s1 =	smul.u32 @!p0 s1, s21;
	s21 =	sshll.u32 @!p0 s15, $0x4  }
0x3d: {  	s22 =	sand.u32 @!p0 $0x4000, s22;
	s3 =	sadd.s32 @!p0 s6, s3;
	s21 =	sand.u32 @!p0 $0x10, s21  }
0x3e: {  	s0 =	sshll.u32 @!p0 s0, $0x5;
	s1 =	sand.u32 @!p0 $0x3FFFFF80, s1;
	s3 =	sadd.s32 @!p0 s21, s3  }
0x3f: {  	s21 =	simm.s32 @!p0 $0x3800;
	s0 =	sadd.s32 @!p0 s0, s3;
	s3 =	simm.s32 @!p0 $0x80  }
0x40: {  	[tilespmem:s22], [sflag:$0x1] =	stream.strided.gather @!p0 [hbm4b:s0+s3], s1, s21, s3, $0x38;
	[tilespmem:$0x10000] =	vst v63  }
0x41: {  	p0 =	sge.u32 s31, s5  }
.Ltmp2:
0x42: {  	_ = 	snop;
	(pc) =	sbr.rel @p0 .LBB1_10-.Ltmp2, $1  }
0x43: {  	_ =	sdelay $0x3  }
0x44: {  	p0 =	sgt.s32 s14, $0x750;
	s0 =	smov.u32 s14;
	s1 =	sshra.s32 s14, $0x1F  }
0x45: {  	s3 =	ssub.s32 $0x0, s13;
	s0 =	simm.s32 @!p0 $0x750;
	s1 =	sand.u32 s1, s14  }
0x46: {  	s21 =	sshra.s32 s13, $0x1F;
	s22 =	smov.u32 s13;
	s0 =	ssub.s32 s0, s1  }
0x47: {  	p0 =	sgt.s32 s13, $0x37;
	s21 =	sand.u32 s3, s21;
	s0 =	sadd.s32 $0xFFFFF8B0, s0  }
0x48: {  	s22 =	simm.s32 @!p0 $0x37;
	p0 =	sgt.s32 s0, $0x7F;
	s0 =	sshll.u32 s0, $0x7  }
0x49: {  	s29 =	sadd.s32 s21, s22;
	s22 =	ssub.s32 $0x4000, s0;
	s0 =	sadd.s32 $0x80, s14  }
0x4a: {  	s3 =	sadd.s32 $0x1, s13;
	s22 =	simm.s32 @p0 $0x0;
	p0 =	slt.s32 s0, $0x7D0  }
0x4b: {  	s30 =	sadd.s32 $0xFFFFFFC9, s29;
	s0 =	simm.s32 @!p0 $0x7D0;
	p0 =	slt.s32 s3, $0x31  }
0x4c: {  	s1 =	ssub.s32 $0x38, s29;
	s23 =	ssub.s32 s0, s14;
	s3 =	simm.s32 @!p0 $0x31  }
0x4d: {  	p1 =	sgt.s32 s30, $0x0;
	s24 =	ssub.s32 s3, s13;
	p0 =	slt.s32 s23, $0x1  }
0x4e: {  	s1 =	simm.s32 @p1 $0x0;
	p1 =	slt.s32 @!p0 s24, $0x1  }
0x4f: {  	s1 =	smul.u32 s1, s22;
	p0 =	por p0, p1  }
.Ltmp3:
0x50: {  	_ = 	snop;
	(pc) =	sbr.rel @p0 .LBB1_9-.Ltmp3, $4  }
0x51: {  	s31 =	sand.u32 $0x3FFFFF80, s1  }
0x52: {  	_ =	swait.ge [sflag:s4], s31  }
0x53: {  	s0 =	ssub.s32 $0x0, s31;
	[sflag:s4] =	ssyncset.done $0x0  }
0x54: {  	[sflag:s4] =	ssyncadd.s32 s0  }
0x55: {  	s0 =	sshll.u32 s12, $0x2  }
0x56: {  	s0 =	sand.u32 $0x10000, s0  }
0x57: {  	s25 =	sshrl.u32 s0, $0x2  }
0x58: {  	s27 =	simm.s32 $0x0;
	s28 =	simm.s32 $0x0;
	s26 =	sor.u32 $0x8000, s25  }
.LBB1_4:
0x59: {  	s0 =	sand.u32 $0x3F80, s27  }
0x5a: {  	s30 =	simm.s32 $0x0;
	s31 =	simm.s32 $0x0;
	s3 =	sadd.s32 s0, s26  }
.LBB1_5:
0x5b: {  	s0 =	sand.u32 $0x7, s30  }
0x5c: {  	s0 =	sadd.s32 s0, s28  }
0x5d: {  	s0 =	sshll.u32 s0, $0x9  }
0x5e: {  	s0 =	sshra.s32 s0, $0x2  }
0x5f: {  	s1 =	simm.s32 $0xFFFFFFF0;
	s29 =	smov.u32 s3;
	s0 =	sadd.s32 s0, s25  }
.LBB1_6:
0x60: {  	s1 =	sadd.s32 $0x10, s1  }
0x61: {  	v0 =	vld [tilespmem:s0+$0x0];
	p0 =	slt.u32 s1, $0x70  }
.Ltmp4:
0x62: {  	_ = 	snop;
	(pc) =	sbr.rel @p0 .LBB1_6-.Ltmp4, $2  }
0x63: {  	_ =	sdelay $0x2  }
0x64: {  	s0 =	sadd.s32 $0x10, s0;
	[tilespmem:s29+$0x0] =	vst v0;
	s29 =	sadd.s32 $0x10, s29  }
0x65: {  	s31 =	sadd.s32 $0x1, s31  }
0x66: {  	p0 =	sne.s32 s31, s24  }
.Ltmp5:
0x67: {  	_ = 	snop;
	(pc) =	sbr.rel @p0 .LBB1_5-.Ltmp5, $2  }
0x68: {  	_ =	sdelay $0x2  }
0x69: {  	s3 =	sadd.s32 $0x4000, s3;
	s30 =	sadd.s32 $0x1, s30  }
0x6a: {  	s28 =	sadd.s32 $0x1, s28  }
0x6b: {  	p0 =	sne.s32 s28, s23  }
.Ltmp6:
0x6c: {  	_ = 	snop;
	(pc) =	sbr.rel @p0 .LBB1_4-.Ltmp6, $4  }
.Ltmp7:
0x6d: {  	_ = 	snop;
	(pc) =	sbr.rel @!p0 .LBB1_9-.Ltmp7, $4  }
0x6e: {  	_ = 	snop  }
0x6f: {  	_ = 	snop  }
0x70: {  	s27 =	sadd.s32 $0x80, s27  }
0x71: {  	_ = 	snop  }
.LBB1_11:
0x72: {  	_ =	sfence.sel $0x180000  }
0x73: {  	s0 =	simm.s32 $0x1;
	[bflag:$0x0] =	sbarrier.arrive $0xFFFF  }
0x74: {  	s30 =	simm.s32 $0x2;
	[sflag:s0] =	ssyncpa.u1 $0x1  }
0x75: {  	[sflag:s30] =	ssyncpa.u1 $0x1  }
0x76: {  	_ =	strace $0x9000004A  }
0x77: {  	s31 =	stileid.u32;
	[bflag:$0x2] =	sbarrier.arrive $0xFFFF  }
0x78: {  	p0 =	sne.s32 s31, $0x0;
	s0 =	rddreg [dreg:$0x2]  }
0x79: {  	s0 =	sadd.s32 @!p0 $0x100000, s0  }
0x7a: {  	[sflag:s0] =	ssyncadd.tile.s32 @!p0 $0x1;
	_ =	shalt  }
.Lfunc_end1:
_tile_overlayer_lowered:
.L_overlay_start_2:
0x7b: {  	(tag) =	ssettag $0x2  }
0x7c: {  	s0 =	rddreg [dreg:$0x0];
	s2 =	stileid.u32  }
0x7d: {  	s1 =	rddreg [dreg:$0x1];
	p0 =	sne.s32 s2, $0x0  }
0x7e: {  	s3 =	rddreg [dreg:$0x2];
	[bflag:$0x3] =	sbarrier.arrive $0xFFFF;
	s2 =	simm.s32 @!p0 $0x1C01  }
0x7f: {  	[timem:s3], [sflag:s2] =	dma.local @!p0 [hbm:s0], s1  }
0x80: {  	s0 =	simm.s32 @!p0 $0x1  }
0x81: {  	_ =	swait.ge @!p0 [sflag:s0], s1  }
0x82: {  	s1 =	ssub.s32 @!p0 $0x0, s1;
	[sflag:s0] =	ssyncset.done @!p0 $0x0  }
0x83: {  	[sflag:s0] =	ssyncadd.s32 @!p0 s1  }
0x84: {  	[bflag:$0x3] =	sbarrier.arrive $0xFFFF  }
0x85: {  	_ =	shalt  }

</sc_bundles>
